<compile_context>
chip_gen: v7x
topology: tpu7x:2x2x1
jax: 0.10.2.dev20260603
libtpu: 0.0.44.dev20260713+nightly
codegen_flags: <defaults>
</compile_context>

<pallas_src>
import functools

import jax
import jax.numpy as jnp
from jax import lax
from jax.experimental import pallas as pl
from jax.experimental.pallas import tpu as pltpu
from jax.experimental.pallas import tpu_sc as plsc

_N = 50000
_E = 800000
_NH = 32
_DE = 16

_EH0 = 403200
_EH1 = _E - _EH0

_NC = 2
_NS = 16
_NW = _NC * _NS

_SCH = 128

_NPS = _N // _NS

def _sc_gather(s_tab, v_tab, i_idx, j_idx):
    eh = i_idx.shape[0]
    epw = eh // _NW
    sfull = epw // _SCH
    stail = epw - sfull * _SCH

    def body(s_tab, v_tab, i_hbm, j_hbm, out_si, out_sj, out_vi, out_vj,
             *scr):
        idxi, idxj, si_v, sj_v, vi_v, vj_v = scr[0:6]
        sem1, sem2, sem3, sem4 = scr[-4:]
        c = lax.axis_index("c")
        sc = lax.axis_index("s")
        wid = sc * _NC + c
        e0 = wid * epw

        def step(base, idxi, idxj, si_v, sj_v, vi_v, vj_v, n):
            pltpu.sync_copy(i_hbm.at[pl.ds(base, n)], idxi)
            pltpu.sync_copy(j_hbm.at[pl.ds(base, n)], idxj)
            cp1 = pltpu.async_copy(s_tab.at[idxi], si_v, sem1)
            cp2 = pltpu.async_copy(s_tab.at[idxj], sj_v, sem2)
            cp3 = pltpu.async_copy(v_tab.at[idxi], vi_v, sem3)
            cp4 = pltpu.async_copy(v_tab.at[idxj], vj_v, sem4)
            cp1.wait()
            cp2.wait()
            cp3.wait()
            cp4.wait()
            pltpu.sync_copy(si_v, out_si.at[pl.ds(base, n)])
            pltpu.sync_copy(sj_v, out_sj.at[pl.ds(base, n)])
            pltpu.sync_copy(vi_v, out_vi.at[pl.ds(base, n)])
            pltpu.sync_copy(vj_v, out_vj.at[pl.ds(base, n)])

        def chunk(k, carry):
            step(e0 + _SCH * k, idxi, idxj, si_v, sj_v, vi_v, vj_v, _SCH)
            return carry

        lax.fori_loop(0, sfull, chunk, 0)
        if stail:
            step(e0 + _SCH * sfull, *scr[6:12], stail)

    scratch = [
        pltpu.VMEM((_SCH,), jnp.int32),
        pltpu.VMEM((_SCH,), jnp.int32),
        pltpu.VMEM((_SCH, _NH), jnp.float32),
        pltpu.VMEM((_SCH, _NH), jnp.float32),
        pltpu.VMEM((_SCH, _NH), jnp.float32),
        pltpu.VMEM((_SCH, _NH), jnp.float32),
    ]
    if stail:
        scratch += [
            pltpu.VMEM((stail,), jnp.int32),
            pltpu.VMEM((stail,), jnp.int32),
            pltpu.VMEM((stail, _NH), jnp.float32),
            pltpu.VMEM((stail, _NH), jnp.float32),
            pltpu.VMEM((stail, _NH), jnp.float32),
            pltpu.VMEM((stail, _NH), jnp.float32),
        ]
    scratch += [pltpu.SemaphoreType.DMA] * 4

    mesh = plsc.VectorSubcoreMesh(core_axis_name="c", subcore_axis_name="s")
    f = pl.kernel(
        body,
        out_type=(
            jax.ShapeDtypeStruct((eh, _NH), jnp.float32),
            jax.ShapeDtypeStruct((eh, _NH), jnp.float32),
            jax.ShapeDtypeStruct((eh, _NH), jnp.float32),
            jax.ShapeDtypeStruct((eh, _NH), jnp.float32),
        ),
        mesh=mesh,
        scratch_types=scratch,
        compiler_params=pltpu.CompilerParams(use_tc_tiling_on_sc=False),
    )
    return f(s_tab, v_tab, i_idx, j_idx)


def _sc_scatter(mu, i_idx, zeros, width):
    eh = i_idx.shape[0]
    epw = eh // _NW
    sfull = epw // _SCH
    stail = epw - sfull * _SCH

    def body(mu_hbm, i_hbm, z_hbm, out_hbm, *scr):
        idx_v, rows_v = scr[0:2]
        acc = scr[-1]
        c = lax.axis_index("c")
        sc = lax.axis_index("s")
        wid = sc * _NC + c
        e0 = wid * epw

        pltpu.sync_copy(z_hbm.at[pl.ds(sc * _NPS, _NPS)],
                        acc.at[pl.ds(sc * _NPS, _NPS)])
        plsc.subcore_barrier()

        def step(base, idx, rows, n):
            pltpu.sync_copy(i_hbm.at[pl.ds(base, n)], idx)
            pltpu.sync_copy(mu_hbm.at[pl.ds(base, n)], rows)
            pltpu.sync_copy(rows, acc.at[idx], add=True)

        def chunk(k, carry):
            step(e0 + _SCH * k, idx_v, rows_v, _SCH)
            return carry

        lax.fori_loop(0, sfull, chunk, 0)
        if stail:
            step(e0 + _SCH * sfull, scr[2], scr[3], stail)

        plsc.subcore_barrier()
        pltpu.sync_copy(acc.at[pl.ds(sc * _NPS, _NPS)],
                        out_hbm.at[c].at[pl.ds(sc * _NPS, _NPS)])

    scratch = [
        pltpu.VMEM((_SCH,), jnp.int32),
        pltpu.VMEM((_SCH, width), jnp.float32),
    ]
    if stail:
        scratch += [
            pltpu.VMEM((stail,), jnp.int32),
            pltpu.VMEM((stail, width), jnp.float32),
        ]
    scratch += [pltpu.VMEM_SHARED((_N, width), jnp.float32)]

    mesh = plsc.VectorSubcoreMesh(core_axis_name="c", subcore_axis_name="s")
    f = pl.kernel(
        body,
        out_type=jax.ShapeDtypeStruct((_NC, _N, width), jnp.float32),
        mesh=mesh,
        scratch_types=scratch,
        compiler_params=pltpu.CompilerParams(use_tc_tiling_on_sc=False),
    )
    return f(mu, i_idx, zeros)


def _lnorm(x, g, b):
    mu = jnp.mean(x, axis=-1, keepdims=True)
    var = jnp.mean(x * x, axis=-1, keepdims=True) - mu * mu
    return (x - mu) / jnp.sqrt(var + 1e-5) * g + b


def _lnorm4(x, g, b, mmean):
    dot = functools.partial(jnp.dot, preferred_element_type=jnp.float32)
    mu = dot(x, mmean)
    var = dot(x * x, mmean) - mu * mu
    return (x - mu) * lax.rsqrt(var + 1e-5) * g + b


def _dense_body(si4, sj4, vi4, vj4, e4,
                w0si4, w0sj4, w0e4, w0nd4, b0, g0, be0, w14, b1,
                mw04, mb0, mg0, mbe0, mw14, mb1,
                xw04, xb0, xg0, xbe0, xw14, xb1, xg1, xbe1, xw24, xb2,
                mmean, mn8, md8, bw4, r4, emask,
                eij_o, m_o, u_o):
    f32 = jnp.float32
    dot = functools.partial(jnp.dot, preferred_element_type=f32)

    vi = vi4[...]
    vj = vj4[...]
    vd = vi - vj
    nsq8 = dot(vd * vd, mn8[...]) + 1e-8 * emask[...]
    nd8 = emask[...] * jnp.sqrt(nsq8) + dot(vi * vj, md8[...])

    pre = (dot(si4[...], w0si4[...]) + dot(sj4[...], w0sj4[...])
           + dot(e4[...], w0e4[...]) + dot(nd8, w0nd4[...]) + b0[...])
    h = jnp.maximum(_lnorm4(pre, g0[...], be0[...], mmean[...]), 0.0)
    eij = dot(h, w14[...]) + b1[...]
    eij_o[...] = eij

    h = jnp.maximum(
        _lnorm4(dot(eij, mw04[...]) + mb0[...], mg0[...], mbe0[...], mmean[...]), 0.0)
    m = jax.nn.sigmoid(dot(h, mw14[...]) + mb1[...])
    m_o[...] = m

    h = jnp.maximum(
        _lnorm4(dot(m, xw04[...]) + xb0[...], xg0[...], xbe0[...], mmean[...]), 0.0)
    h = jnp.maximum(
        _lnorm4(dot(h, xw14[...]) + xb1[...], xg1[...], xbe1[...], mmean[...]), 0.0)
    w4 = dot(h, xw24[...]) + xb2[...]
    w128 = dot(w4, bw4[...])
    upd = jnp.clip(vd * w128, -100.0, 100.0)
    u_o[...] = dot(upd, r4[...])


_TILE_E = 3200
_T4 = _TILE_E // 4


def _tc_dense(si4, sj4, vi4, vj4, e4, wlist):
    ne4 = si4.shape[0]
    grid = ne4 // _T4
    full = lambda a: pl.BlockSpec(a.shape, lambda i: (0, 0))
    in_specs = [
        pl.BlockSpec((_T4, 128), lambda i: (i, 0)),
        pl.BlockSpec((_T4, 128), lambda i: (i, 0)),
        pl.BlockSpec((_T4, 128), lambda i: (i, 0)),
        pl.BlockSpec((_T4, 128), lambda i: (i, 0)),
        pl.BlockSpec((_T4, 64), lambda i: (i, 0)),
    ] + [full(w) for w in wlist]
    out_specs = [
        pl.BlockSpec((_T4, 128), lambda i: (i, 0)),
        pl.BlockSpec((_T4, 128), lambda i: (i, 0)),
        pl.BlockSpec((_T4, 32), lambda i: (i, 0)),
    ]
    return pl.pallas_call(
        _dense_body,
        grid=(grid,),
        in_specs=in_specs,
        out_specs=out_specs,
        out_shape=[
            jax.ShapeDtypeStruct((ne4, 128), jnp.float32),
            jax.ShapeDtypeStruct((ne4, 128), jnp.float32),
            jax.ShapeDtypeStruct((ne4, 32), jnp.float32),
        ],
        compiler_params=pltpu.CompilerParams(
            dimension_semantics=("arbitrary",),
        ),
    )(si4, sj4, vi4, vj4, e4, *wlist)


def _node_body(v_r, s_r, pm0_r, pm1_r, pu0_r, pu1_r,
               sw0a, sw0b, sb0, sg0, sbe0, sw1, sb1,
               vt_o, st_o):
    f32 = jnp.float32
    s_agg = pm0_r[0] + pm0_r[1] + pm1_r[0] + pm1_r[1]
    x_agg = (pu0_r[0] + pu0_r[1] + pu1_r[0] + pu1_r[1])[:, 0:3]
    s = s_r[...]
    dotf = functools.partial(jnp.dot, preferred_element_type=f32)
    pre = dotf(s, sw0a[...]) + dotf(s_agg, sw0b[...]) + sb0[...]
    h = jnp.maximum(_lnorm(pre, sg0[...], sbe0[...]), 0.0)
    st_o[...] = s + dotf(h, sw1[...]) + sb1[...]
    vt_o[...] = v_r[...] + x_agg


_TILE_N = 2000


def _tc_node(v, s, pm0, pm1, pu0, pu1, wlist):
    grid = _N // _TILE_N
    full = lambda a: pl.BlockSpec(a.shape, lambda i: (0, 0))
    in_specs = [
        pl.BlockSpec((_TILE_N, 3), lambda i: (i, 0)),
        pl.BlockSpec((_TILE_N, _NH), lambda i: (i, 0)),
        pl.BlockSpec((_NC, _TILE_N, _NH), lambda i: (0, i, 0)),
        pl.BlockSpec((_NC, _TILE_N, _NH), lambda i: (0, i, 0)),
        pl.BlockSpec((_NC, _TILE_N, 8), lambda i: (0, i, 0)),
        pl.BlockSpec((_NC, _TILE_N, 8), lambda i: (0, i, 0)),
    ] + [full(w) for w in wlist]
    out_specs = [
        pl.BlockSpec((_TILE_N, 3), lambda i: (i, 0)),
        pl.BlockSpec((_TILE_N, _NH), lambda i: (i, 0)),
    ]
    return pl.pallas_call(
        _node_body,
        grid=(grid,),
        in_specs=in_specs,
        out_specs=out_specs,
        out_shape=[
            jax.ShapeDtypeStruct((_N, 3), jnp.float32),
            jax.ShapeDtypeStruct((_N, _NH), jnp.float32),
        ],
        compiler_params=pltpu.CompilerParams(
            dimension_semantics=("arbitrary",),
        ),
    )(v, s, pm0, pm1, pu0, pu1, *wlist)


def kernel(v, edge_index, s, e, params):
    p = params
    f32 = jnp.float32

    i_idx = edge_index[0]
    j_idx = edge_index[1]
    v32 = jnp.pad(v, ((0, 0), (0, _NH - v.shape[1])))

    i0, j0 = i_idx[:_EH0], j_idx[:_EH0]
    i1, j1 = i_idx[_EH0:], j_idx[_EH0:]
    si0, sj0, vi0, vj0 = _sc_gather(s, v32, i0, j0)
    si1, sj1, vi1, vj1 = _sc_gather(s, v32, i1, j1)

    I4 = jnp.eye(4, dtype=f32)
    bd = lambda w: jnp.kron(I4, w.astype(f32))
    t4 = lambda a: jnp.tile(a.astype(f32).reshape(1, -1), (1, 4))
    W0 = p['e_W0']
    mmean = jnp.kron(I4, jnp.full((_NH, _NH), 1.0 / _NH, f32))
    cn = jnp.zeros((_NH, 2), f32).at[0:3, 0].set(1.0)
    cd = jnp.zeros((_NH, 2), f32).at[0:3, 1].set(1.0)
    mn8 = jnp.kron(I4, cn)
    md8 = jnp.kron(I4, cd)
    emask = jnp.tile(jnp.array([[1.0, 0.0]], f32), (1, 4))
    bw4 = jnp.kron(I4, jnp.ones((1, _NH), f32))
    rr = jnp.zeros((_NH, 8), f32).at[0, 0].set(1.0).at[1, 1].set(1.0).at[2, 2].set(1.0)
    r4 = jnp.kron(I4, rr)
    wlist = [
        bd(W0[2:2 + _NH]), bd(W0[2 + _NH:2 + 2 * _NH]), bd(W0[2 + 2 * _NH:]),
        bd(W0[0:2]),
        t4(p['e_b0']), t4(p['e_g0']), t4(p['e_be0']),
        bd(p['e_W1']), t4(p['e_b1']),
        bd(p['m_W0']), t4(p['m_b0']), t4(p['m_g0']), t4(p['m_be0']),
        bd(p['m_W1']), t4(p['m_b1']),
        bd(p['x_W0']), t4(p['x_b0']), t4(p['x_g0']), t4(p['x_be0']),
        bd(p['x_W1']), t4(p['x_b1']), t4(p['x_g1']), t4(p['x_be1']),
        bd(p['x_W2']), t4(p['x_b2']),
        mmean, mn8, md8, bw4, r4, emask,
    ]
    p4 = lambda a: a.reshape(-1, 4 * a.shape[1])
    eij0, m0, u0 = _tc_dense(p4(si0), p4(sj0), p4(vi0), p4(vj0),
                             p4(e[:_EH0]), wlist)
    eij1, m1, u1 = _tc_dense(p4(si1), p4(sj1), p4(vi1), p4(vj1),
                             p4(e[_EH0:]), wlist)

    z32 = jnp.zeros((_N, _NH), f32)
    z8 = jnp.zeros((_N, 8), f32)
    pm0 = _sc_scatter(m0.reshape(-1, _NH), i0, z32, _NH)
    pu0 = _sc_scatter(u0.reshape(-1, 8), i0, z8, 8)
    pm1 = _sc_scatter(m1.reshape(-1, _NH), i1, z32, _NH)
    pu1 = _sc_scatter(u1.reshape(-1, 8), i1, z8, 8)

    r1 = lambda a: a.reshape(1, -1).astype(f32)
    sw0 = p['s_W0']
    nlist = [
        sw0[:_NH], sw0[_NH:],
        r1(p['s_b0']), r1(p['s_g0']), r1(p['s_be0']),
        p['s_W1'], r1(p['s_b1']),
    ]
    v_t, s_t = _tc_node(v, s, pm0, pm1, pu0, pu1, nlist)
    eij = jnp.concatenate([eij0.reshape(-1, _NH), eij1.reshape(-1, _NH)],
                          axis=0)
    return (v_t, s_t, eij)

# --- scband reference (transcript-rebuilt; emitter-appended) ---
"""Pipeline reference for scband-eb-936302870589 (READ-ONLY COPY).

The authoritative reference and input builder live on the scoring server;
editing this copy changes nothing except your own understanding.
"""

import jax, jax.numpy as jnp
import numpy as np

N = 50000
E = 800000
D_V = 3
NH = 32
D_E = 16
D_EIN = 1 + 1 + 2 * NH + D_E  # norms + dots + s_cat(2*NH) + e  = 82
C_WEIGHT = 1.0


def _ln(x, g, b):
    mu = jnp.mean(x, axis=-1, keepdims=True)
    var = jnp.var(x, axis=-1, keepdims=True)
    return (x - mu) / jnp.sqrt(var + 1e-5) * g + b


def _glorot(key, shape):
    fan_in, fan_out = shape
    lim = float(np.sqrt(6.0 / (fan_in + fan_out)))
    return jax.random.uniform(key, shape, jnp.float32, -lim, lim)


def _mk_params(key):
    ks = jax.random.split(key, 9)
    z = jnp.zeros
    o = jnp.ones
    return {
        'e_W0': _glorot(ks[0], (D_EIN, NH)), 'e_b0': z((NH,)), 'e_g0': o((NH,)), 'e_be0': z((NH,)),
        'e_W1': _glorot(ks[1], (NH, NH)), 'e_b1': z((NH,)),
        'm_W0': _glorot(ks[2], (NH, NH)), 'm_b0': z((NH,)), 'm_g0': o((NH,)), 'm_be0': z((NH,)),
        'm_W1': _glorot(ks[3], (NH, NH)), 'm_b1': z((NH,)),
        'x_W0': _glorot(ks[4], (NH, NH)), 'x_b0': z((NH,)), 'x_g0': o((NH,)), 'x_be0': z((NH,)),
        'x_W1': _glorot(ks[5], (NH, NH)), 'x_b1': z((NH,)), 'x_g1': o((NH,)), 'x_be1': z((NH,)),
        'x_W2': _glorot(ks[6], (NH, 1)), 'x_b2': z((1,)),
        's_W0': _glorot(ks[7], (2 * NH, NH)), 's_b0': z((NH,)), 's_g0': o((NH,)), 's_be0': z((NH,)),
        's_W1': _glorot(ks[8], (NH, NH)), 's_b1': z((NH,)),
    }


def setup_inputs(seed: int = 0) -> dict:
    key = jax.random.key(seed)
    ks = jax.random.split(key, 5)
    v = jax.random.normal(ks[0], (N, D_V), jnp.float32)
    s = jax.random.normal(ks[1], (N, NH), jnp.float32)
    e = jax.random.normal(ks[2], (E, D_E), jnp.float32)
    edge_index = jax.random.randint(ks[3], (2, E), 0, N, jnp.int32)
    params = _mk_params(ks[4])
    return {'v': v, 'edge_index': edge_index, 's': s, 'e': e, 'params': params}


def _forward(v, s, e, params, edge_index):
    p = params
    i = edge_index[0]
    j = edge_index[1]
    vi = v[i]
    vj = v[j]
    v_diff = vi - vj
    norms = jnp.sqrt(jnp.sum(v_diff * v_diff, axis=1, keepdims=True) + 1e-8)
    dots = jnp.sum(vi * vj, axis=1, keepdims=True)
    s_cat = jnp.concatenate([s[i], s[j]], axis=1)
    # message: phi_e then phi_m
    e_in = jnp.concatenate([norms, dots, s_cat, e], axis=1)
    h = jax.nn.relu(_ln(e_in @ p['e_W0'] + p['e_b0'], p['e_g0'], p['e_be0']))
    e_ij = h @ p['e_W1'] + p['e_b1']
    h = jax.nn.relu(_ln(e_ij @ p['m_W0'] + p['m_b0'], p['m_g0'], p['m_be0']))
    m_ij = jax.nn.sigmoid(h @ p['m_W1'] + p['m_b1'])
    # x_model: phi_x(m) gating v_diff, scatter_add over dst nodes
    h = jax.nn.relu(_ln(m_ij @ p['x_W0'] + p['x_b0'], p['x_g0'], p['x_be0']))
    h = jax.nn.relu(_ln(h @ p['x_W1'] + p['x_b1'], p['x_g1'], p['x_be1']))
    w = h @ p['x_W2'] + p['x_b2']
    update_val = jnp.clip(v_diff * w, -100.0, 100.0)
    x_agg = jax.ops.segment_sum(update_val, i, num_segments=N)
    v_t = v + x_agg * C_WEIGHT
    # s_model: scatter_add of m, concat with s, phi_s
    s_agg = jax.ops.segment_sum(m_ij, i, num_segments=N)
    s_in = jnp.concatenate([s, s_agg], axis=1)
    h = jax.nn.relu(_ln(s_in @ p['s_W0'] + p['s_b0'], p['s_g0'], p['s_be0']))
    s_out = h @ p['s_W1'] + p['s_b1']
    s_t = s + s_out * C_WEIGHT
    return (v_t, s_t, e_ij)


def reference(v, edge_index, s, e, params):
    return _forward(v, s, e, params, edge_index)

if __name__ == "__main__":
    import jax
    _d = setup_inputs()
    print(jax.jit(kernel)(*tuple(_d.values())))

</pallas_src>

<mosaic_0001>
#map = affine_map<(d0, d1) -> (0, 0)>
#map1 = affine_map<(d0, d1) -> (0)>
module attributes {stable_mosaic.version = 14 : i64} {
  func.func @body(%arg0: i32, %arg1: i32, %arg2: memref<50000x32xf32, #tpu.memory_space<hbm>>, %arg3: memref<50000x32xf32, #tpu.memory_space<hbm>>, %arg4: memref<396800xi32, #tpu.memory_space<hbm>>, %arg5: memref<396800xi32, #tpu.memory_space<hbm>>, %arg6: memref<396800x32xf32, #tpu.memory_space<hbm>>, %arg7: memref<396800x32xf32, #tpu.memory_space<hbm>>, %arg8: memref<396800x32xf32, #tpu.memory_space<hbm>>, %arg9: memref<396800x32xf32, #tpu.memory_space<hbm>>, %arg10: memref<128xi32, #tpu.memory_space<vmem>>, %arg11: memref<128xi32, #tpu.memory_space<vmem>>, %arg12: memref<128x32xf32, #tpu.memory_space<vmem>>, %arg13: memref<128x32xf32, #tpu.memory_space<vmem>>, %arg14: memref<128x32xf32, #tpu.memory_space<vmem>>, %arg15: memref<128x32xf32, #tpu.memory_space<vmem>>, %arg16: memref<112xi32, #tpu.memory_space<vmem>>, %arg17: memref<112xi32, #tpu.memory_space<vmem>>, %arg18: memref<112x32xf32, #tpu.memory_space<vmem>>, %arg19: memref<112x32xf32, #tpu.memory_space<vmem>>, %arg20: memref<112x32xf32, #tpu.memory_space<vmem>>, %arg21: memref<112x32xf32, #tpu.memory_space<vmem>>, %arg22: memref<!tpu.dma_semaphore, #tpu.memory_space<semaphore_mem>>, %arg23: memref<!tpu.dma_semaphore, #tpu.memory_space<semaphore_mem>>, %arg24: memref<!tpu.dma_semaphore, #tpu.memory_space<semaphore_mem>>, %arg25: memref<!tpu.dma_semaphore, #tpu.memory_space<semaphore_mem>>) attributes {dimension_semantics = [#tpu.dimension_semantics<core_parallel>, #tpu.dimension_semantics<subcore_parallel>], iteration_bounds = array<i64: 2, 16>, scalar_prefetch = 0 : i64, scratch_operands = 16 : i64, tpu.core_type = #tpu.core_type<sc_vector_subcore>, window_params = [{transform_indices = #map}, {transform_indices = #map}, {transform_indices = #map1}, {transform_indices = #map1}, {transform_indices = #map}, {transform_indices = #map}, {transform_indices = #map}, {transform_indices = #map}]} {
    %mul3A = arith.constant 2 : i32
    %mul3A_0 = arith.muli %arg1, %mul3A : i32
    %add3A = arith.addi %mul3A_0, %arg0 : i32
    %mul3A_1 = arith.constant 12400 : i32
    %mul3A_2 = arith.muli %add3A, %mul3A_1 : i32
    %scan3A = arith.constant 0 : i32
    %scan3A_3 = arith.constant 0 : i32
    %scan3A_4 = arith.constant 96 : i32
    %scan3A_5 = arith.addi %scan3A_3, %scan3A_4 : i32
    %scan3A_6 = arith.constant 1 : i32
    scf.for %scan3A_32 = %scan3A_3 to %scan3A_5 step %scan3A_6  : i32 {
      %mul3A_33 = arith.constant 128 : i32
      %mul3A_34 = arith.muli %mul3A_33, %scan3A_32 : i32
      %add3A_35 = arith.addi %mul3A_2, %mul3A_34 : i32
      "tpu.region"() ({
        %run_scoped3A = tpu.sem_alloc : memref<!tpu.dma_semaphore, #tpu.memory_space<semaphore_mem>>
        %dma_start3A_60 = tpu.memref_slice %arg4[%add3A_35] : memref<396800xi32, #tpu.memory_space<hbm>> -> memref<128xi32, #tpu.memory_space<hbm>>
        %dma_start3A_61 = tpu.memref_slice %arg4[%add3A_35] : memref<396800xi32, #tpu.memory_space<hbm>> -> memref<128xi32, #tpu.memory_space<hbm>>
        tpu.enqueue_dma source(%dma_start3A_61 : memref<128xi32, #tpu.memory_space<hbm>>) target(%arg10 : memref<128xi32, #tpu.memory_space<vmem>>) target_semaphore(%run_scoped3A : memref<!tpu.dma_semaphore, #tpu.memory_space<semaphore_mem>>)
        %dma_wait3A_62 = tpu.memref_slice %arg4[%add3A_35] : memref<396800xi32, #tpu.memory_space<hbm>> -> memref<128xi32, #tpu.memory_space<hbm>>
        %dma_wait3A_63 = tpu.memref_slice %arg4[%add3A_35] : memref<396800xi32, #tpu.memory_space<hbm>> -> memref<128xi32, #tpu.memory_space<hbm>>
        tpu.wait_dma2 semaphore(%run_scoped3A : memref<!tpu.dma_semaphore, #tpu.memory_space<semaphore_mem>>) src(%dma_wait3A_63 : memref<128xi32, #tpu.memory_space<hbm>>) dst(%arg10 : memref<128xi32, #tpu.memory_space<vmem>>)
        tpu.yield
      }) : () -> ()
      "tpu.region"() ({
        %run_scoped3A = tpu.sem_alloc : memref<!tpu.dma_semaphore, #tpu.memory_space<semaphore_mem>>
        %dma_start3A_60 = tpu.memref_slice %arg5[%add3A_35] : memref<396800xi32, #tpu.memory_space<hbm>> -> memref<128xi32, #tpu.memory_space<hbm>>
        %dma_start3A_61 = tpu.memref_slice %arg5[%add3A_35] : memref<396800xi32, #tpu.memory_space<hbm>> -> memref<128xi32, #tpu.memory_space<hbm>>
        tpu.enqueue_dma source(%dma_start3A_61 : memref<128xi32, #tpu.memory_space<hbm>>) target(%arg11 : memref<128xi32, #tpu.memory_space<vmem>>) target_semaphore(%run_scoped3A : memref<!tpu.dma_semaphore, #tpu.memory_space<semaphore_mem>>)
        %dma_wait3A_62 = tpu.memref_slice %arg5[%add3A_35] : memref<396800xi32, #tpu.memory_space<hbm>> -> memref<128xi32, #tpu.memory_space<hbm>>
        %dma_wait3A_63 = tpu.memref_slice %arg5[%add3A_35] : memref<396800xi32, #tpu.memory_space<hbm>> -> memref<128xi32, #tpu.memory_space<hbm>>
        tpu.wait_dma2 semaphore(%run_scoped3A : memref<!tpu.dma_semaphore, #tpu.memory_space<semaphore_mem>>) src(%dma_wait3A_63 : memref<128xi32, #tpu.memory_space<hbm>>) dst(%arg11 : memref<128xi32, #tpu.memory_space<vmem>>)
        tpu.yield
      }) : () -> ()
      %dma_start3A_36 = arith.constant 0 : i32
      %dma_start3A_37 = arith.constant 0 : i32
      %dma_start3A_38 = tpu.memref_slice %arg2[%dma_start3A_36, %dma_start3A_37] : memref<50000x32xf32, #tpu.memory_space<hbm>> -> memref<50000x32xf32, #tpu.memory_space<hbm>>
      tpu.enqueue_indirect_dma source(%dma_start3A_38 : memref<50000x32xf32, #tpu.memory_space<hbm>>) target(%arg12 : memref<128x32xf32, #tpu.memory_space<vmem>>) offsets(%arg10 : memref<128xi32, #tpu.memory_space<vmem>>) semaphore(%arg22 : memref<!tpu.dma_semaphore, #tpu.memory_space<semaphore_mem>>)
      %dma_start3A_39 = arith.constant 0 : i32
      %dma_start3A_40 = arith.constant 0 : i32
      %dma_start3A_41 = tpu.memref_slice %arg2[%dma_start3A_39, %dma_start3A_40] : memref<50000x32xf32, #tpu.memory_space<hbm>> -> memref<50000x32xf32, #tpu.memory_space<hbm>>
      tpu.enqueue_indirect_dma source(%dma_start3A_41 : memref<50000x32xf32, #tpu.memory_space<hbm>>) target(%arg13 : memref<128x32xf32, #tpu.memory_space<vmem>>) offsets(%arg11 : memref<128xi32, #tpu.memory_space<vmem>>) semaphore(%arg23 : memref<!tpu.dma_semaphore, #tpu.memory_space<semaphore_mem>>)
      %dma_start3A_42 = arith.constant 0 : i32
      %dma_start3A_43 = arith.constant 0 : i32
      %dma_start3A_44 = tpu.memref_slice %arg3[%dma_start3A_42, %dma_start3A_43] : memref<50000x32xf32, #tpu.memory_space<hbm>> -> memref<50000x32xf32, #tpu.memory_space<hbm>>
      tpu.enqueue_indirect_dma source(%dma_start3A_44 : memref<50000x32xf32, #tpu.memory_space<hbm>>) target(%arg14 : memref<128x32xf32, #tpu.memory_space<vmem>>) offsets(%arg10 : memref<128xi32, #tpu.memory_space<vmem>>) semaphore(%arg24 : memref<!tpu.dma_semaphore, #tpu.memory_space<semaphore_mem>>)
      %dma_start3A_45 = arith.constant 0 : i32
      %dma_start3A_46 = arith.constant 0 : i32
      %dma_start3A_47 = tpu.memref_slice %arg3[%dma_start3A_45, %dma_start3A_46] : memref<50000x32xf32, #tpu.memory_space<hbm>> -> memref<50000x32xf32, #tpu.memory_space<hbm>>
      tpu.enqueue_indirect_dma source(%dma_start3A_47 : memref<50000x32xf32, #tpu.memory_space<hbm>>) target(%arg15 : memref<128x32xf32, #tpu.memory_space<vmem>>) offsets(%arg11 : memref<128xi32, #tpu.memory_space<vmem>>) semaphore(%arg25 : memref<!tpu.dma_semaphore, #tpu.memory_space<semaphore_mem>>)
      %dma_wait3A_48 = arith.constant 0 : i32
      %dma_wait3A_49 = arith.constant 0 : i32
      %dma_wait3A_50 = tpu.memref_slice %arg2[%dma_wait3A_48, %dma_wait3A_49] : memref<50000x32xf32, #tpu.memory_space<hbm>> -> memref<50000x32xf32, #tpu.memory_space<hbm>>
      tpu.wait_indirect_dma semaphore(%arg22 : memref<!tpu.dma_semaphore, #tpu.memory_space<semaphore_mem>>) src(%dma_wait3A_50 : memref<50000x32xf32, #tpu.memory_space<hbm>>) dst(%arg12 : memref<128x32xf32, #tpu.memory_space<vmem>>)
      %dma_wait3A_51 = arith.constant 0 : i32
      %dma_wait3A_52 = arith.constant 0 : i32
      %dma_wait3A_53 = tpu.memref_slice %arg2[%dma_wait3A_51, %dma_wait3A_52] : memref<50000x32xf32, #tpu.memory_space<hbm>> -> memref<50000x32xf32, #tpu.memory_space<hbm>>
      tpu.wait_indirect_dma semaphore(%arg23 : memref<!tpu.dma_semaphore, #tpu.memory_space<semaphore_mem>>) src(%dma_wait3A_53 : memref<50000x32xf32, #tpu.memory_space<hbm>>) dst(%arg13 : memref<128x32xf32, #tpu.memory_space<vmem>>)
      %dma_wait3A_54 = arith.constant 0 : i32
      %dma_wait3A_55 = arith.constant 0 : i32
      %dma_wait3A_56 = tpu.memref_slice %arg3[%dma_wait3A_54, %dma_wait3A_55] : memref<50000x32xf32, #tpu.memory_space<hbm>> -> memref<50000x32xf32, #tpu.memory_space<hbm>>
      tpu.wait_indirect_dma semaphore(%arg24 : memref<!tpu.dma_semaphore, #tpu.memory_space<semaphore_mem>>) src(%dma_wait3A_56 : memref<50000x32xf32, #tpu.memory_space<hbm>>) dst(%arg14 : memref<128x32xf32, #tpu.memory_space<vmem>>)
      %dma_wait3A_57 = arith.constant 0 : i32
      %dma_wait3A_58 = arith.constant 0 : i32
      %dma_wait3A_59 = tpu.memref_slice %arg3[%dma_wait3A_57, %dma_wait3A_58] : memref<50000x32xf32, #tpu.memory_space<hbm>> -> memref<50000x32xf32, #tpu.memory_space<hbm>>
      tpu.wait_indirect_dma semaphore(%arg25 : memref<!tpu.dma_semaphore, #tpu.memory_space<semaphore_mem>>) src(%dma_wait3A_59 : memref<50000x32xf32, #tpu.memory_space<hbm>>) dst(%arg15 : memref<128x32xf32, #tpu.memory_space<vmem>>)
      "tpu.region"() ({
        %run_scoped3A = tpu.sem_alloc : memref<!tpu.dma_semaphore, #tpu.memory_space<semaphore_mem>>
        %dma_start3A_60 = arith.constant 0 : i32
        %dma_start3A_61 = tpu.memref_slice %arg6[%add3A_35, %dma_start3A_60] : memref<396800x32xf32, #tpu.memory_space<hbm>> -> memref<128x32xf32, #tpu.memory_space<hbm>>
        %dma_start3A_62 = arith.constant 0 : i32
        %dma_start3A_63 = tpu.memref_slice %arg6[%add3A_35, %dma_start3A_62] : memref<396800x32xf32, #tpu.memory_space<hbm>> -> memref<128x32xf32, #tpu.memory_space<hbm>>
        tpu.enqueue_dma source(%arg12 : memref<128x32xf32, #tpu.memory_space<vmem>>) target(%dma_start3A_63 : memref<128x32xf32, #tpu.memory_space<hbm>>) target_semaphore(%run_scoped3A : memref<!tpu.dma_semaphore, #tpu.memory_space<semaphore_mem>>)
        %dma_wait3A_64 = arith.constant 0 : i32
        %dma_wait3A_65 = tpu.memref_slice %arg6[%add3A_35, %dma_wait3A_64] : memref<396800x32xf32, #tpu.memory_space<hbm>> -> memref<128x32xf32, #tpu.memory_space<hbm>>
        %dma_wait3A_66 = arith.constant 0 : i32
        %dma_wait3A_67 = tpu.memref_slice %arg6[%add3A_35, %dma_wait3A_66] : memref<396800x32xf32, #tpu.memory_space<hbm>> -> memref<128x32xf32, #tpu.memory_space<hbm>>
        tpu.wait_dma2 semaphore(%run_scoped3A : memref<!tpu.dma_semaphore, #tpu.memory_space<semaphore_mem>>) src(%arg12 : memref<128x32xf32, #tpu.memory_space<vmem>>) dst(%dma_wait3A_67 : memref<128x32xf32, #tpu.memory_space<hbm>>)
        tpu.yield
      }) : () -> ()
      "tpu.region"() ({
        %run_scoped3A = tpu.sem_alloc : memref<!tpu.dma_semaphore, #tpu.memory_space<semaphore_mem>>
        %dma_start3A_60 = arith.constant 0 : i32
        %dma_start3A_61 = tpu.memref_slice %arg7[%add3A_35, %dma_start3A_60] : memref<396800x32xf32, #tpu.memory_space<hbm>> -> memref<128x32xf32, #tpu.memory_space<hbm>>
        %dma_start3A_62 = arith.constant 0 : i32
        %dma_start3A_63 = tpu.memref_slice %arg7[%add3A_35, %dma_start3A_62] : memref<396800x32xf32, #tpu.memory_space<hbm>> -> memref<128x32xf32, #tpu.memory_space<hbm>>
        tpu.enqueue_dma source(%arg13 : memref<128x32xf32, #tpu.memory_space<vmem>>) target(%dma_start3A_63 : memref<128x32xf32, #tpu.memory_space<hbm>>) target_semaphore(%run_scoped3A : memref<!tpu.dma_semaphore, #tpu.memory_space<semaphore_mem>>)
        %dma_wait3A_64 = arith.constant 0 : i32
        %dma_wait3A_65 = tpu.memref_slice %arg7[%add3A_35, %dma_wait3A_64] : memref<396800x32xf32, #tpu.memory_space<hbm>> -> memref<128x32xf32, #tpu.memory_space<hbm>>
        %dma_wait3A_66 = arith.constant 0 : i32
        %dma_wait3A_67 = tpu.memref_slice %arg7[%add3A_35, %dma_wait3A_66] : memref<396800x32xf32, #tpu.memory_space<hbm>> -> memref<128x32xf32, #tpu.memory_space<hbm>>
        tpu.wait_dma2 semaphore(%run_scoped3A : memref<!tpu.dma_semaphore, #tpu.memory_space<semaphore_mem>>) src(%arg13 : memref<128x32xf32, #tpu.memory_space<vmem>>) dst(%dma_wait3A_67 : memref<128x32xf32, #tpu.memory_space<hbm>>)
        tpu.yield
      }) : () -> ()
      "tpu.region"() ({
        %run_scoped3A = tpu.sem_alloc : memref<!tpu.dma_semaphore, #tpu.memory_space<semaphore_mem>>
        %dma_start3A_60 = arith.constant 0 : i32
        %dma_start3A_61 = tpu.memref_slice %arg8[%add3A_35, %dma_start3A_60] : memref<396800x32xf32, #tpu.memory_space<hbm>> -> memref<128x32xf32, #tpu.memory_space<hbm>>
        %dma_start3A_62 = arith.constant 0 : i32
        %dma_start3A_63 = tpu.memref_slice %arg8[%add3A_35, %dma_start3A_62] : memref<396800x32xf32, #tpu.memory_space<hbm>> -> memref<128x32xf32, #tpu.memory_space<hbm>>
        tpu.enqueue_dma source(%arg14 : memref<128x32xf32, #tpu.memory_space<vmem>>) target(%dma_start3A_63 : memref<128x32xf32, #tpu.memory_space<hbm>>) target_semaphore(%run_scoped3A : memref<!tpu.dma_semaphore, #tpu.memory_space<semaphore_mem>>)
        %dma_wait3A_64 = arith.constant 0 : i32
        %dma_wait3A_65 = tpu.memref_slice %arg8[%add3A_35, %dma_wait3A_64] : memref<396800x32xf32, #tpu.memory_space<hbm>> -> memref<128x32xf32, #tpu.memory_space<hbm>>
        %dma_wait3A_66 = arith.constant 0 : i32
        %dma_wait3A_67 = tpu.memref_slice %arg8[%add3A_35, %dma_wait3A_66] : memref<396800x32xf32, #tpu.memory_space<hbm>> -> memref<128x32xf32, #tpu.memory_space<hbm>>
        tpu.wait_dma2 semaphore(%run_scoped3A : memref<!tpu.dma_semaphore, #tpu.memory_space<semaphore_mem>>) src(%arg14 : memref<128x32xf32, #tpu.memory_space<vmem>>) dst(%dma_wait3A_67 : memref<128x32xf32, #tpu.memory_space<hbm>>)
        tpu.yield
      }) : () -> ()
      "tpu.region"() ({
        %run_scoped3A = tpu.sem_alloc : memref<!tpu.dma_semaphore, #tpu.memory_space<semaphore_mem>>
        %dma_start3A_60 = arith.constant 0 : i32
        %dma_start3A_61 = tpu.memref_slice %arg9[%add3A_35, %dma_start3A_60] : memref<396800x32xf32, #tpu.memory_space<hbm>> -> memref<128x32xf32, #tpu.memory_space<hbm>>
        %dma_start3A_62 = arith.constant 0 : i32
        %dma_start3A_63 = tpu.memref_slice %arg9[%add3A_35, %dma_start3A_62] : memref<396800x32xf32, #tpu.memory_space<hbm>> -> memref<128x32xf32, #tpu.memory_space<hbm>>
        tpu.enqueue_dma source(%arg15 : memref<128x32xf32, #tpu.memory_space<vmem>>) target(%dma_start3A_63 : memref<128x32xf32, #tpu.memory_space<hbm>>) target_semaphore(%run_scoped3A : memref<!tpu.dma_semaphore, #tpu.memory_space<semaphore_mem>>)
        %dma_wait3A_64 = arith.constant 0 : i32
        %dma_wait3A_65 = tpu.memref_slice %arg9[%add3A_35, %dma_wait3A_64] : memref<396800x32xf32, #tpu.memory_space<hbm>> -> memref<128x32xf32, #tpu.memory_space<hbm>>
        %dma_wait3A_66 = arith.constant 0 : i32
        %dma_wait3A_67 = tpu.memref_slice %arg9[%add3A_35, %dma_wait3A_66] : memref<396800x32xf32, #tpu.memory_space<hbm>> -> memref<128x32xf32, #tpu.memory_space<hbm>>
        tpu.wait_dma2 semaphore(%run_scoped3A : memref<!tpu.dma_semaphore, #tpu.memory_space<semaphore_mem>>) src(%arg15 : memref<128x32xf32, #tpu.memory_space<vmem>>) dst(%dma_wait3A_67 : memref<128x32xf32, #tpu.memory_space<hbm>>)
        tpu.yield
      }) : () -> ()
    }
    %scan3A_7 = arith.constant 96 : i32
    %add3A_8 = arith.constant 12288 : i32
    %add3A_9 = arith.addi %mul3A_2, %add3A_8 : i32
    "tpu.region"() ({
      %run_scoped3A = tpu.sem_alloc : memref<!tpu.dma_semaphore, #tpu.memory_space<semaphore_mem>>
      %dma_start3A_32 = tpu.memref_slice %arg4[%add3A_9] : memref<396800xi32, #tpu.memory_space<hbm>> -> memref<112xi32, #tpu.memory_space<hbm>>
      %dma_start3A_33 = tpu.memref_slice %arg4[%add3A_9] : memref<396800xi32, #tpu.memory_space<hbm>> -> memref<112xi32, #tpu.memory_space<hbm>>
      tpu.enqueue_dma source(%dma_start3A_33 : memref<112xi32, #tpu.memory_space<hbm>>) target(%arg16 : memref<112xi32, #tpu.memory_space<vmem>>) target_semaphore(%run_scoped3A : memref<!tpu.dma_semaphore, #tpu.memory_space<semaphore_mem>>)
      %dma_wait3A_34 = tpu.memref_slice %arg4[%add3A_9] : memref<396800xi32, #tpu.memory_space<hbm>> -> memref<112xi32, #tpu.memory_space<hbm>>
      %dma_wait3A_35 = tpu.memref_slice %arg4[%add3A_9] : memref<396800xi32, #tpu.memory_space<hbm>> -> memref<112xi32, #tpu.memory_space<hbm>>
      tpu.wait_dma2 semaphore(%run_scoped3A : memref<!tpu.dma_semaphore, #tpu.memory_space<semaphore_mem>>) src(%dma_wait3A_35 : memref<112xi32, #tpu.memory_space<hbm>>) dst(%arg16 : memref<112xi32, #tpu.memory_space<vmem>>)
      tpu.yield
    }) : () -> ()
    "tpu.region"() ({
      %run_scoped3A = tpu.sem_alloc : memref<!tpu.dma_semaphore, #tpu.memory_space<semaphore_mem>>
      %dma_start3A_32 = tpu.memref_slice %arg5[%add3A_9] : memref<396800xi32, #tpu.memory_space<hbm>> -> memref<112xi32, #tpu.memory_space<hbm>>
      %dma_start3A_33 = tpu.memref_slice %arg5[%add3A_9] : memref<396800xi32, #tpu.memory_space<hbm>> -> memref<112xi32, #tpu.memory_space<hbm>>
      tpu.enqueue_dma source(%dma_start3A_33 : memref<112xi32, #tpu.memory_space<hbm>>) target(%arg17 : memref<112xi32, #tpu.memory_space<vmem>>) target_semaphore(%run_scoped3A : memref<!tpu.dma_semaphore, #tpu.memory_space<semaphore_mem>>)
      %dma_wait3A_34 = tpu.memref_slice %arg5[%add3A_9] : memref<396800xi32, #tpu.memory_space<hbm>> -> memref<112xi32, #tpu.memory_space<hbm>>
      %dma_wait3A_35 = tpu.memref_slice %arg5[%add3A_9] : memref<396800xi32, #tpu.memory_space<hbm>> -> memref<112xi32, #tpu.memory_space<hbm>>
      tpu.wait_dma2 semaphore(%run_scoped3A : memref<!tpu.dma_semaphore, #tpu.memory_space<semaphore_mem>>) src(%dma_wait3A_35 : memref<112xi32, #tpu.memory_space<hbm>>) dst(%arg17 : memref<112xi32, #tpu.memory_space<vmem>>)
      tpu.yield
    }) : () -> ()
    %dma_start3A = arith.constant 0 : i32
    %dma_start3A_10 = arith.constant 0 : i32
    %dma_start3A_11 = tpu.memref_slice %arg2[%dma_start3A, %dma_start3A_10] : memref<50000x32xf32, #tpu.memory_space<hbm>> -> memref<50000x32xf32, #tpu.memory_space<hbm>>
    tpu.enqueue_indirect_dma source(%dma_start3A_11 : memref<50000x32xf32, #tpu.memory_space<hbm>>) target(%arg18 : memref<112x32xf32, #tpu.memory_space<vmem>>) offsets(%arg16 : memref<112xi32, #tpu.memory_space<vmem>>) semaphore(%arg22 : memref<!tpu.dma_semaphore, #tpu.memory_space<semaphore_mem>>)
    %dma_start3A_12 = arith.constant 0 : i32
    %dma_start3A_13 = arith.constant 0 : i32
    %dma_start3A_14 = tpu.memref_slice %arg2[%dma_start3A_12, %dma_start3A_13] : memref<50000x32xf32, #tpu.memory_space<hbm>> -> memref<50000x32xf32, #tpu.memory_space<hbm>>
    tpu.enqueue_indirect_dma source(%dma_start3A_14 : memref<50000x32xf32, #tpu.memory_space<hbm>>) target(%arg19 : memref<112x32xf32, #tpu.memory_space<vmem>>) offsets(%arg17 : memref<112xi32, #tpu.memory_space<vmem>>) semaphore(%arg23 : memref<!tpu.dma_semaphore, #tpu.memory_space<semaphore_mem>>)
    %dma_start3A_15 = arith.constant 0 : i32
    %dma_start3A_16 = arith.constant 0 : i32
    %dma_start3A_17 = tpu.memref_slice %arg3[%dma_start3A_15, %dma_start3A_16] : memref<50000x32xf32, #tpu.memory_space<hbm>> -> memref<50000x32xf32, #tpu.memory_space<hbm>>
    tpu.enqueue_indirect_dma source(%dma_start3A_17 : memref<50000x32xf32, #tpu.memory_space<hbm>>) target(%arg20 : memref<112x32xf32, #tpu.memory_space<vmem>>) offsets(%arg16 : memref<112xi32, #tpu.memory_space<vmem>>) semaphore(%arg24 : memref<!tpu.dma_semaphore, #tpu.memory_space<semaphore_mem>>)
    %dma_start3A_18 = arith.constant 0 : i32
    %dma_start3A_19 = arith.constant 0 : i32
    %dma_start3A_20 = tpu.memref_slice %arg3[%dma_start3A_18, %dma_start3A_19] : memref<50000x32xf32, #tpu.memory_space<hbm>> -> memref<50000x32xf32, #tpu.memory_space<hbm>>
    tpu.enqueue_indirect_dma source(%dma_start3A_20 : memref<50000x32xf32, #tpu.memory_space<hbm>>) target(%arg21 : memref<112x32xf32, #tpu.memory_space<vmem>>) offsets(%arg17 : memref<112xi32, #tpu.memory_space<vmem>>) semaphore(%arg25 : memref<!tpu.dma_semaphore, #tpu.memory_space<semaphore_mem>>)
    %dma_wait3A = arith.constant 0 : i32
    %dma_wait3A_21 = arith.constant 0 : i32
    %dma_wait3A_22 = tpu.memref_slice %arg2[%dma_wait3A, %dma_wait3A_21] : memref<50000x32xf32, #tpu.memory_space<hbm>> -> memref<50000x32xf32, #tpu.memory_space<hbm>>
    tpu.wait_indirect_dma semaphore(%arg22 : memref<!tpu.dma_semaphore, #tpu.memory_space<semaphore_mem>>) src(%dma_wait3A_22 : memref<50000x32xf32, #tpu.memory_space<hbm>>) dst(%arg18 : memref<112x32xf32, #tpu.memory_space<vmem>>)
    %dma_wait3A_23 = arith.constant 0 : i32
    %dma_wait3A_24 = arith.constant 0 : i32
    %dma_wait3A_25 = tpu.memref_slice %arg2[%dma_wait3A_23, %dma_wait3A_24] : memref<50000x32xf32, #tpu.memory_space<hbm>> -> memref<50000x32xf32, #tpu.memory_space<hbm>>
    tpu.wait_indirect_dma semaphore(%arg23 : memref<!tpu.dma_semaphore, #tpu.memory_space<semaphore_mem>>) src(%dma_wait3A_25 : memref<50000x32xf32, #tpu.memory_space<hbm>>) dst(%arg19 : memref<112x32xf32, #tpu.memory_space<vmem>>)
    %dma_wait3A_26 = arith.constant 0 : i32
    %dma_wait3A_27 = arith.constant 0 : i32
    %dma_wait3A_28 = tpu.memref_slice %arg3[%dma_wait3A_26, %dma_wait3A_27] : memref<50000x32xf32, #tpu.memory_space<hbm>> -> memref<50000x32xf32, #tpu.memory_space<hbm>>
    tpu.wait_indirect_dma semaphore(%arg24 : memref<!tpu.dma_semaphore, #tpu.memory_space<semaphore_mem>>) src(%dma_wait3A_28 : memref<50000x32xf32, #tpu.memory_space<hbm>>) dst(%arg20 : memref<112x32xf32, #tpu.memory_space<vmem>>)
    %dma_wait3A_29 = arith.constant 0 : i32
    %dma_wait3A_30 = arith.constant 0 : i32
    %dma_wait3A_31 = tpu.memref_slice %arg3[%dma_wait3A_29, %dma_wait3A_30] : memref<50000x32xf32, #tpu.memory_space<hbm>> -> memref<50000x32xf32, #tpu.memory_space<hbm>>
    tpu.wait_indirect_dma semaphore(%arg25 : memref<!tpu.dma_semaphore, #tpu.memory_space<semaphore_mem>>) src(%dma_wait3A_31 : memref<50000x32xf32, #tpu.memory_space<hbm>>) dst(%arg21 : memref<112x32xf32, #tpu.memory_space<vmem>>)
    "tpu.region"() ({
      %run_scoped3A = tpu.sem_alloc : memref<!tpu.dma_semaphore, #tpu.memory_space<semaphore_mem>>
      %dma_start3A_32 = arith.constant 0 : i32
      %dma_start3A_33 = tpu.memref_slice %arg6[%add3A_9, %dma_start3A_32] : memref<396800x32xf32, #tpu.memory_space<hbm>> -> memref<112x32xf32, #tpu.memory_space<hbm>>
      %dma_start3A_34 = arith.constant 0 : i32
      %dma_start3A_35 = tpu.memref_slice %arg6[%add3A_9, %dma_start3A_34] : memref<396800x32xf32, #tpu.memory_space<hbm>> -> memref<112x32xf32, #tpu.memory_space<hbm>>
      tpu.enqueue_dma source(%arg18 : memref<112x32xf32, #tpu.memory_space<vmem>>) target(%dma_start3A_35 : memref<112x32xf32, #tpu.memory_space<hbm>>) target_semaphore(%run_scoped3A : memref<!tpu.dma_semaphore, #tpu.memory_space<semaphore_mem>>)
      %dma_wait3A_36 = arith.constant 0 : i32
      %dma_wait3A_37 = tpu.memref_slice %arg6[%add3A_9, %dma_wait3A_36] : memref<396800x32xf32, #tpu.memory_space<hbm>> -> memref<112x32xf32, #tpu.memory_space<hbm>>
      %dma_wait3A_38 = arith.constant 0 : i32
      %dma_wait3A_39 = tpu.memref_slice %arg6[%add3A_9, %dma_wait3A_38] : memref<396800x32xf32, #tpu.memory_space<hbm>> -> memref<112x32xf32, #tpu.memory_space<hbm>>
      tpu.wait_dma2 semaphore(%run_scoped3A : memref<!tpu.dma_semaphore, #tpu.memory_space<semaphore_mem>>) src(%arg18 : memref<112x32xf32, #tpu.memory_space<vmem>>) dst(%dma_wait3A_39 : memref<112x32xf32, #tpu.memory_space<hbm>>)
      tpu.yield
    }) : () -> ()
    "tpu.region"() ({
      %run_scoped3A = tpu.sem_alloc : memref<!tpu.dma_semaphore, #tpu.memory_space<semaphore_mem>>
      %dma_start3A_32 = arith.constant 0 : i32
      %dma_start3A_33 = tpu.memref_slice %arg7[%add3A_9, %dma_start3A_32] : memref<396800x32xf32, #tpu.memory_space<hbm>> -> memref<112x32xf32, #tpu.memory_space<hbm>>
      %dma_start3A_34 = arith.constant 0 : i32
      %dma_start3A_35 = tpu.memref_slice %arg7[%add3A_9, %dma_start3A_34] : memref<396800x32xf32, #tpu.memory_space<hbm>> -> memref<112x32xf32, #tpu.memory_space<hbm>>
      tpu.enqueue_dma source(%arg19 : memref<112x32xf32, #tpu.memory_space<vmem>>) target(%dma_start3A_35 : memref<112x32xf32, #tpu.memory_space<hbm>>) target_semaphore(%run_scoped3A : memref<!tpu.dma_semaphore, #tpu.memory_space<semaphore_mem>>)
      %dma_wait3A_36 = arith.constant 0 : i32
      %dma_wait3A_37 = tpu.memref_slice %arg7[%add3A_9, %dma_wait3A_36] : memref<396800x32xf32, #tpu.memory_space<hbm>> -> memref<112x32xf32, #tpu.memory_space<hbm>>
      %dma_wait3A_38 = arith.constant 0 : i32
      %dma_wait3A_39 = tpu.memref_slice %arg7[%add3A_9, %dma_wait3A_38] : memref<396800x32xf32, #tpu.memory_space<hbm>> -> memref<112x32xf32, #tpu.memory_space<hbm>>
      tpu.wait_dma2 semaphore(%run_scoped3A : memref<!tpu.dma_semaphore, #tpu.memory_space<semaphore_mem>>) src(%arg19 : memref<112x32xf32, #tpu.memory_space<vmem>>) dst(%dma_wait3A_39 : memref<112x32xf32, #tpu.memory_space<hbm>>)
      tpu.yield
    }) : () -> ()
    "tpu.region"() ({
      %run_scoped3A = tpu.sem_alloc : memref<!tpu.dma_semaphore, #tpu.memory_space<semaphore_mem>>
      %dma_start3A_32 = arith.constant 0 : i32
      %dma_start3A_33 = tpu.memref_slice %arg8[%add3A_9, %dma_start3A_32] : memref<396800x32xf32, #tpu.memory_space<hbm>> -> memref<112x32xf32, #tpu.memory_space<hbm>>
      %dma_start3A_34 = arith.constant 0 : i32
      %dma_start3A_35 = tpu.memref_slice %arg8[%add3A_9, %dma_start3A_34] : memref<396800x32xf32, #tpu.memory_space<hbm>> -> memref<112x32xf32, #tpu.memory_space<hbm>>
      tpu.enqueue_dma source(%arg20 : memref<112x32xf32, #tpu.memory_space<vmem>>) target(%dma_start3A_35 : memref<112x32xf32, #tpu.memory_space<hbm>>) target_semaphore(%run_scoped3A : memref<!tpu.dma_semaphore, #tpu.memory_space<semaphore_mem>>)
      %dma_wait3A_36 = arith.constant 0 : i32
      %dma_wait3A_37 = tpu.memref_slice %arg8[%add3A_9, %dma_wait3A_36] : memref<396800x32xf32, #tpu.memory_space<hbm>> -> memref<112x32xf32, #tpu.memory_space<hbm>>
      %dma_wait3A_38 = arith.constant 0 : i32
      %dma_wait3A_39 = tpu.memref_slice %arg8[%add3A_9, %dma_wait3A_38] : memref<396800x32xf32, #tpu.memory_space<hbm>> -> memref<112x32xf32, #tpu.memory_space<hbm>>
      tpu.wait_dma2 semaphore(%run_scoped3A : memref<!tpu.dma_semaphore, #tpu.memory_space<semaphore_mem>>) src(%arg20 : memref<112x32xf32, #tpu.memory_space<vmem>>) dst(%dma_wait3A_39 : memref<112x32xf32, #tpu.memory_space<hbm>>)
      tpu.yield
    }) : () -> ()
    "tpu.region"() ({
      %run_scoped3A = tpu.sem_alloc : memref<!tpu.dma_semaphore, #tpu.memory_space<semaphore_mem>>
      %dma_start3A_32 = arith.constant 0 : i32
      %dma_start3A_33 = tpu.memref_slice %arg9[%add3A_9, %dma_start3A_32] : memref<396800x32xf32, #tpu.memory_space<hbm>> -> memref<112x32xf32, #tpu.memory_space<hbm>>
      %dma_start3A_34 = arith.constant 0 : i32
      %dma_start3A_35 = tpu.memref_slice %arg9[%add3A_9, %dma_start3A_34] : memref<396800x32xf32, #tpu.memory_space<hbm>> -> memref<112x32xf32, #tpu.memory_space<hbm>>
      tpu.enqueue_dma source(%arg21 : memref<112x32xf32, #tpu.memory_space<vmem>>) target(%dma_start3A_35 : memref<112x32xf32, #tpu.memory_space<hbm>>) target_semaphore(%run_scoped3A : memref<!tpu.dma_semaphore, #tpu.memory_space<semaphore_mem>>)
      %dma_wait3A_36 = arith.constant 0 : i32
      %dma_wait3A_37 = tpu.memref_slice %arg9[%add3A_9, %dma_wait3A_36] : memref<396800x32xf32, #tpu.memory_space<hbm>> -> memref<112x32xf32, #tpu.memory_space<hbm>>
      %dma_wait3A_38 = arith.constant 0 : i32
      %dma_wait3A_39 = tpu.memref_slice %arg9[%add3A_9, %dma_wait3A_38] : memref<396800x32xf32, #tpu.memory_space<hbm>> -> memref<112x32xf32, #tpu.memory_space<hbm>>
      tpu.wait_dma2 semaphore(%run_scoped3A : memref<!tpu.dma_semaphore, #tpu.memory_space<semaphore_mem>>) src(%arg21 : memref<112x32xf32, #tpu.memory_space<vmem>>) dst(%dma_wait3A_39 : memref<112x32xf32, #tpu.memory_space<hbm>>)
      tpu.yield
    }) : () -> ()
    return
  }
}

#map = affine_map<(d0, d1) -> (0, 0)>
#map1 = affine_map<(d0, d1) -> (0)>
module attributes {stable_mosaic.version = 14 : i64} {
  func.func @body(%arg0: i32, %arg1: i32, %arg2: memref<50000x32xf32, #tpu.memory_space<hbm>>, %arg3: memref<50000x32xf32, #tpu.memory_space<hbm>>, %arg4: memref<403200xi32, #tpu.memory_space<hbm>>, %arg5: memref<403200xi32, #tpu.memory_space<hbm>>, %arg6: memref<403200x32xf32, #tpu.memory_space<hbm>>, %arg7: memref<403200x32xf32, #tpu.memory_space<hbm>>, %arg8: memref<403200x32xf32, #tpu.memory_space<hbm>>, %arg9: memref<403200x32xf32, #tpu.memory_space<hbm>>, %arg10: memref<128xi32, #tpu.memory_space<vmem>>, %arg11: memref<128xi32, #tpu.memory_space<vmem>>, %arg12: memref<128x32xf32, #tpu.memory_space<vmem>>, %arg13: memref<128x32xf32, #tpu.memory_space<vmem>>, %arg14: memref<128x32xf32, #tpu.memory_space<vmem>>, %arg15: memref<128x32xf32, #tpu.memory_space<vmem>>, %arg16: memref<56xi32, #tpu.memory_space<vmem>>, %arg17: memref<56xi32, #tpu.memory_space<vmem>>, %arg18: memref<56x32xf32, #tpu.memory_space<vmem>>, %arg19: memref<56x32xf32, #tpu.memory_space<vmem>>, %arg20: memref<56x32xf32, #tpu.memory_space<vmem>>, %arg21: memref<56x32xf32, #tpu.memory_space<vmem>>, %arg22: memref<!tpu.dma_semaphore, #tpu.memory_space<semaphore_mem>>, %arg23: memref<!tpu.dma_semaphore, #tpu.memory_space<semaphore_mem>>, %arg24: memref<!tpu.dma_semaphore, #tpu.memory_space<semaphore_mem>>, %arg25: memref<!tpu.dma_semaphore, #tpu.memory_space<semaphore_mem>>) attributes {dimension_semantics = [#tpu.dimension_semantics<core_parallel>, #tpu.dimension_semantics<subcore_parallel>], iteration_bounds = array<i64: 2, 16>, scalar_prefetch = 0 : i64, scratch_operands = 16 : i64, tpu.core_type = #tpu.core_type<sc_vector_subcore>, window_params = [{transform_indices = #map}, {transform_indices = #map}, {transform_indices = #map1}, {transform_indices = #map1}, {transform_indices = #map}, {transform_indices = #map}, {transform_indices = #map}, {transform_indices = #map}]} {
    %mul3A = arith.constant 2 : i32
    %mul3A_0 = arith.muli %arg1, %mul3A : i32
    %add3A = arith.addi %mul3A_0, %arg0 : i32
    %mul3A_1 = arith.constant 12600 : i32
    %mul3A_2 = arith.muli %add3A, %mul3A_1 : i32
    %scan3A = arith.constant 0 : i32
    %scan3A_3 = arith.constant 0 : i32
    %scan3A_4 = arith.constant 98 : i32
    %scan3A_5 = arith.addi %scan3A_3, %scan3A_4 : i32
    %scan3A_6 = arith.constant 1 : i32
    scf.for %scan3A_32 = %scan3A_3 to %scan3A_5 step %scan3A_6  : i32 {
      %mul3A_33 = arith.constant 128 : i32
      %mul3A_34 = arith.muli %mul3A_33, %scan3A_32 : i32
      %add3A_35 = arith.addi %mul3A_2, %mul3A_34 : i32
      "tpu.region"() ({
        %run_scoped3A = tpu.sem_alloc : memref<!tpu.dma_semaphore, #tpu.memory_space<semaphore_mem>>
        %dma_start3A_60 = tpu.memref_slice %arg4[%add3A_35] : memref<403200xi32, #tpu.memory_space<hbm>> -> memref<128xi32, #tpu.memory_space<hbm>>
        %dma_start3A_61 = tpu.memref_slice %arg4[%add3A_35] : memref<403200xi32, #tpu.memory_space<hbm>> -> memref<128xi32, #tpu.memory_space<hbm>>
        tpu.enqueue_dma source(%dma_start3A_61 : memref<128xi32, #tpu.memory_space<hbm>>) target(%arg10 : memref<128xi32, #tpu.memory_space<vmem>>) target_semaphore(%run_scoped3A : memref<!tpu.dma_semaphore, #tpu.memory_space<semaphore_mem>>)
        %dma_wait3A_62 = tpu.memref_slice %arg4[%add3A_35] : memref<403200xi32, #tpu.memory_space<hbm>> -> memref<128xi32, #tpu.memory_space<hbm>>
        %dma_wait3A_63 = tpu.memref_slice %arg4[%add3A_35] : memref<403200xi32, #tpu.memory_space<hbm>> -> memref<128xi32, #tpu.memory_space<hbm>>
        tpu.wait_dma2 semaphore(%run_scoped3A : memref<!tpu.dma_semaphore, #tpu.memory_space<semaphore_mem>>) src(%dma_wait3A_63 : memref<128xi32, #tpu.memory_space<hbm>>) dst(%arg10 : memref<128xi32, #tpu.memory_space<vmem>>)
        tpu.yield
      }) : () -> ()
      "tpu.region"() ({
        %run_scoped3A = tpu.sem_alloc : memref<!tpu.dma_semaphore, #tpu.memory_space<semaphore_mem>>
        %dma_start3A_60 = tpu.memref_slice %arg5[%add3A_35] : memref<403200xi32, #tpu.memory_space<hbm>> -> memref<128xi32, #tpu.memory_space<hbm>>
        %dma_start3A_61 = tpu.memref_slice %arg5[%add3A_35] : memref<403200xi32, #tpu.memory_space<hbm>> -> memref<128xi32, #tpu.memory_space<hbm>>
        tpu.enqueue_dma source(%dma_start3A_61 : memref<128xi32, #tpu.memory_space<hbm>>) target(%arg11 : memref<128xi32, #tpu.memory_space<vmem>>) target_semaphore(%run_scoped3A : memref<!tpu.dma_semaphore, #tpu.memory_space<semaphore_mem>>)
        %dma_wait3A_62 = tpu.memref_slice %arg5[%add3A_35] : memref<403200xi32, #tpu.memory_space<hbm>> -> memref<128xi32, #tpu.memory_space<hbm>>
        %dma_wait3A_63 = tpu.memref_slice %arg5[%add3A_35] : memref<403200xi32, #tpu.memory_space<hbm>> -> memref<128xi32, #tpu.memory_space<hbm>>
        tpu.wait_dma2 semaphore(%run_scoped3A : memref<!tpu.dma_semaphore, #tpu.memory_space<semaphore_mem>>) src(%dma_wait3A_63 : memref<128xi32, #tpu.memory_space<hbm>>) dst(%arg11 : memref<128xi32, #tpu.memory_space<vmem>>)
        tpu.yield
      }) : () -> ()
      %dma_start3A_36 = arith.constant 0 : i32
      %dma_start3A_37 = arith.constant 0 : i32
      %dma_start3A_38 = tpu.memref_slice %arg2[%dma_start3A_36, %dma_start3A_37] : memref<50000x32xf32, #tpu.memory_space<hbm>> -> memref<50000x32xf32, #tpu.memory_space<hbm>>
      tpu.enqueue_indirect_dma source(%dma_start3A_38 : memref<50000x32xf32, #tpu.memory_space<hbm>>) target(%arg12 : memref<128x32xf32, #tpu.memory_space<vmem>>) offsets(%arg10 : memref<128xi32, #tpu.memory_space<vmem>>) semaphore(%arg22 : memref<!tpu.dma_semaphore, #tpu.memory_space<semaphore_mem>>)
      %dma_start3A_39 = arith.constant 0 : i32
      %dma_start3A_40 = arith.constant 0 : i32
      %dma_start3A_41 = tpu.memref_slice %arg2[%dma_start3A_39, %dma_start3A_40] : memref<50000x32xf32, #tpu.memory_space<hbm>> -> memref<50000x32xf32, #tpu.memory_space<hbm>>
      tpu.enqueue_indirect_dma source(%dma_start3A_41 : memref<50000x32xf32, #tpu.memory_space<hbm>>) target(%arg13 : memref<128x32xf32, #tpu.memory_space<vmem>>) offsets(%arg11 : memref<128xi32, #tpu.memory_space<vmem>>) semaphore(%arg23 : memref<!tpu.dma_semaphore, #tpu.memory_space<semaphore_mem>>)
      %dma_start3A_42 = arith.constant 0 : i32
      %dma_start3A_43 = arith.constant 0 : i32
      %dma_start3A_44 = tpu.memref_slice %arg3[%dma_start3A_42, %dma_start3A_43] : memref<50000x32xf32, #tpu.memory_space<hbm>> -> memref<50000x32xf32, #tpu.memory_space<hbm>>
      tpu.enqueue_indirect_dma source(%dma_start3A_44 : memref<50000x32xf32, #tpu.memory_space<hbm>>) target(%arg14 : memref<128x32xf32, #tpu.memory_space<vmem>>) offsets(%arg10 : memref<128xi32, #tpu.memory_space<vmem>>) semaphore(%arg24 : memref<!tpu.dma_semaphore, #tpu.memory_space<semaphore_mem>>)
      %dma_start3A_45 = arith.constant 0 : i32
      %dma_start3A_46 = arith.constant 0 : i32
      %dma_start3A_47 = tpu.memref_slice %arg3[%dma_start3A_45, %dma_start3A_46] : memref<50000x32xf32, #tpu.memory_space<hbm>> -> memref<50000x32xf32, #tpu.memory_space<hbm>>
      tpu.enqueue_indirect_dma source(%dma_start3A_47 : memref<50000x32xf32, #tpu.memory_space<hbm>>) target(%arg15 : memref<128x32xf32, #tpu.memory_space<vmem>>) offsets(%arg11 : memref<128xi32, #tpu.memory_space<vmem>>) semaphore(%arg25 : memref<!tpu.dma_semaphore, #tpu.memory_space<semaphore_mem>>)
      %dma_wait3A_48 = arith.constant 0 : i32
      %dma_wait3A_49 = arith.constant 0 : i32
      %dma_wait3A_50 = tpu.memref_slice %arg2[%dma_wait3A_48, %dma_wait3A_49] : memref<50000x32xf32, #tpu.memory_space<hbm>> -> memref<50000x32xf32, #tpu.memory_space<hbm>>
      tpu.wait_indirect_dma semaphore(%arg22 : memref<!tpu.dma_semaphore, #tpu.memory_space<semaphore_mem>>) src(%dma_wait3A_50 : memref<50000x32xf32, #tpu.memory_space<hbm>>) dst(%arg12 : memref<128x32xf32, #tpu.memory_space<vmem>>)
      %dma_wait3A_51 = arith.constant 0 : i32
      %dma_wait3A_52 = arith.constant 0 : i32
      %dma_wait3A_53 = tpu.memref_slice %arg2[%dma_wait3A_51, %dma_wait3A_52] : memref<50000x32xf32, #tpu.memory_space<hbm>> -> memref<50000x32xf32, #tpu.memory_space<hbm>>
      tpu.wait_indirect_dma semaphore(%arg23 : memref<!tpu.dma_semaphore, #tpu.memory_space<semaphore_mem>>) src(%dma_wait3A_53 : memref<50000x32xf32, #tpu.memory_space<hbm>>) dst(%arg13 : memref<128x32xf32, #tpu.memory_space<vmem>>)
      %dma_wait3A_54 = arith.constant 0 : i32
      %dma_wait3A_55 = arith.constant 0 : i32
      %dma_wait3A_56 = tpu.memref_slice %arg3[%dma_wait3A_54, %dma_wait3A_55] : memref<50000x32xf32, #tpu.memory_space<hbm>> -> memref<50000x32xf32, #tpu.memory_space<hbm>>
      tpu.wait_indirect_dma semaphore(%arg24 : memref<!tpu.dma_semaphore, #tpu.memory_space<semaphore_mem>>) src(%dma_wait3A_56 : memref<50000x32xf32, #tpu.memory_space<hbm>>) dst(%arg14 : memref<128x32xf32, #tpu.memory_space<vmem>>)
      %dma_wait3A_57 = arith.constant 0 : i32
      %dma_wait3A_58 = arith.constant 0 : i32
      %dma_wait3A_59 = tpu.memref_slice %arg3[%dma_wait3A_57, %dma_wait3A_58] : memref<50000x32xf32, #tpu.memory_space<hbm>> -> memref<50000x32xf32, #tpu.memory_space<hbm>>
      tpu.wait_indirect_dma semaphore(%arg25 : memref<!tpu.dma_semaphore, #tpu.memory_space<semaphore_mem>>) src(%dma_wait3A_59 : memref<50000x32xf32, #tpu.memory_space<hbm>>) dst(%arg15 : memref<128x32xf32, #tpu.memory_space<vmem>>)
      "tpu.region"() ({
        %run_scoped3A = tpu.sem_alloc : memref<!tpu.dma_semaphore, #tpu.memory_space<semaphore_mem>>
        %dma_start3A_60 = arith.constant 0 : i32
        %dma_start3A_61 = tpu.memref_slice %arg6[%add3A_35, %dma_start3A_60] : memref<403200x32xf32, #tpu.memory_space<hbm>> -> memref<128x32xf32, #tpu.memory_space<hbm>>
        %dma_start3A_62 = arith.constant 0 : i32
        %dma_start3A_63 = tpu.memref_slice %arg6[%add3A_35, %dma_start3A_62] : memref<403200x32xf32, #tpu.memory_space<hbm>> -> memref<128x32xf32, #tpu.memory_space<hbm>>
        tpu.enqueue_dma source(%arg12 : memref<128x32xf32, #tpu.memory_space<vmem>>) target(%dma_start3A_63 : memref<128x32xf32, #tpu.memory_space<hbm>>) target_semaphore(%run_scoped3A : memref<!tpu.dma_semaphore, #tpu.memory_space<semaphore_mem>>)
        %dma_wait3A_64 = arith.constant 0 : i32
        %dma_wait3A_65 = tpu.memref_slice %arg6[%add3A_35, %dma_wait3A_64] : memref<403200x32xf32, #tpu.memory_space<hbm>> -> memref<128x32xf32, #tpu.memory_space<hbm>>
        %dma_wait3A_66 = arith.constant 0 : i32
        %dma_wait3A_67 = tpu.memref_slice %arg6[%add3A_35, %dma_wait3A_66] : memref<403200x32xf32, #tpu.memory_space<hbm>> -> memref<128x32xf32, #tpu.memory_space<hbm>>
        tpu.wait_dma2 semaphore(%run_scoped3A : memref<!tpu.dma_semaphore, #tpu.memory_space<semaphore_mem>>) src(%arg12 : memref<128x32xf32, #tpu.memory_space<vmem>>) dst(%dma_wait3A_67 : memref<128x32xf32, #tpu.memory_space<hbm>>)
        tpu.yield
      }) : () -> ()
      "tpu.region"() ({
        %run_scoped3A = tpu.sem_alloc : memref<!tpu.dma_semaphore, #tpu.memory_space<semaphore_mem>>
        %dma_start3A_60 = arith.constant 0 : i32
        %dma_start3A_61 = tpu.memref_slice %arg7[%add3A_35, %dma_start3A_60] : memref<403200x32xf32, #tpu.memory_space<hbm>> -> memref<128x32xf32, #tpu.memory_space<hbm>>
        %dma_start3A_62 = arith.constant 0 : i32
        %dma_start3A_63 = tpu.memref_slice %arg7[%add3A_35, %dma_start3A_62] : memref<403200x32xf32, #tpu.memory_space<hbm>> -> memref<128x32xf32, #tpu.memory_space<hbm>>
        tpu.enqueue_dma source(%arg13 : memref<128x32xf32, #tpu.memory_space<vmem>>) target(%dma_start3A_63 : memref<128x32xf32, #tpu.memory_space<hbm>>) target_semaphore(%run_scoped3A : memref<!tpu.dma_semaphore, #tpu.memory_space<semaphore_mem>>)
        %dma_wait3A_64 = arith.constant 0 : i32
        %dma_wait3A_65 = tpu.memref_slice %arg7[%add3A_35, %dma_wait3A_64] : memref<403200x32xf32, #tpu.memory_space<hbm>> -> memref<128x32xf32, #tpu.memory_space<hbm>>
        %dma_wait3A_66 = arith.constant 0 : i32
        %dma_wait3A_67 = tpu.memref_slice %arg7[%add3A_35, %dma_wait3A_66] : memref<403200x32xf32, #tpu.memory_space<hbm>> -> memref<128x32xf32, #tpu.memory_space<hbm>>
        tpu.wait_dma2 semaphore(%run_scoped3A : memref<!tpu.dma_semaphore, #tpu.memory_space<semaphore_mem>>) src(%arg13 : memref<128x32xf32, #tpu.memory_space<vmem>>) dst(%dma_wait3A_67 : memref<128x32xf32, #tpu.memory_space<hbm>>)
        tpu.yield
      }) : () -> ()
      "tpu.region"() ({
        %run_scoped3A = tpu.sem_alloc : memref<!tpu.dma_semaphore, #tpu.memory_space<semaphore_mem>>
        %dma_start3A_60 = arith.constant 0 : i32
        %dma_start3A_61 = tpu.memref_slice %arg8[%add3A_35, %dma_start3A_60] : memref<403200x32xf32, #tpu.memory_space<hbm>> -> memref<128x32xf32, #tpu.memory_space<hbm>>
        %dma_start3A_62 = arith.constant 0 : i32
        %dma_start3A_63 = tpu.memref_slice %arg8[%add3A_35, %dma_start3A_62] : memref<403200x32xf32, #tpu.memory_space<hbm>> -> memref<128x32xf32, #tpu.memory_space<hbm>>
        tpu.enqueue_dma source(%arg14 : memref<128x32xf32, #tpu.memory_space<vmem>>) target(%dma_start3A_63 : memref<128x32xf32, #tpu.memory_space<hbm>>) target_semaphore(%run_scoped3A : memref<!tpu.dma_semaphore, #tpu.memory_space<semaphore_mem>>)
        %dma_wait3A_64 = arith.constant 0 : i32
        %dma_wait3A_65 = tpu.memref_slice %arg8[%add3A_35, %dma_wait3A_64] : memref<403200x32xf32, #tpu.memory_space<hbm>> -> memref<128x32xf32, #tpu.memory_space<hbm>>
        %dma_wait3A_66 = arith.constant 0 : i32
        %dma_wait3A_67 = tpu.memref_slice %arg8[%add3A_35, %dma_wait3A_66] : memref<403200x32xf32, #tpu.memory_space<hbm>> -> memref<128x32xf32, #tpu.memory_space<hbm>>
        tpu.wait_dma2 semaphore(%run_scoped3A : memref<!tpu.dma_semaphore, #tpu.memory_space<semaphore_mem>>) src(%arg14 : memref<128x32xf32, #tpu.memory_space<vmem>>) dst(%dma_wait3A_67 : memref<128x32xf32, #tpu.memory_space<hbm>>)
        tpu.yield
      }) : () -> ()
      "tpu.region"() ({
        %run_scoped3A = tpu.sem_alloc : memref<!tpu.dma_semaphore, #tpu.memory_space<semaphore_mem>>
        %dma_start3A_60 = arith.constant 0 : i32
        %dma_start3A_61 = tpu.memref_slice %arg9[%add3A_35, %dma_start3A_60] : memref<403200x32xf32, #tpu.memory_space<hbm>> -> memref<128x32xf32, #tpu.memory_space<hbm>>
        %dma_start3A_62 = arith.constant 0 : i32
        %dma_start3A_63 = tpu.memref_slice %arg9[%add3A_35, %dma_start3A_62] : memref<403200x32xf32, #tpu.memory_space<hbm>> -> memref<128x32xf32, #tpu.memory_space<hbm>>
        tpu.enqueue_dma source(%arg15 : memref<128x32xf32, #tpu.memory_space<vmem>>) target(%dma_start3A_63 : memref<128x32xf32, #tpu.memory_space<hbm>>) target_semaphore(%run_scoped3A : memref<!tpu.dma_semaphore, #tpu.memory_space<semaphore_mem>>)
        %dma_wait3A_64 = arith.constant 0 : i32
        %dma_wait3A_65 = tpu.memref_slice %arg9[%add3A_35, %dma_wait3A_64] : memref<403200x32xf32, #tpu.memory_space<hbm>> -> memref<128x32xf32, #tpu.memory_space<hbm>>
        %dma_wait3A_66 = arith.constant 0 : i32
        %dma_wait3A_67 = tpu.memref_slice %arg9[%add3A_35, %dma_wait3A_66] : memref<403200x32xf32, #tpu.memory_space<hbm>> -> memref<128x32xf32, #tpu.memory_space<hbm>>
        tpu.wait_dma2 semaphore(%run_scoped3A : memref<!tpu.dma_semaphore, #tpu.memory_space<semaphore_mem>>) src(%arg15 : memref<128x32xf32, #tpu.memory_space<vmem>>) dst(%dma_wait3A_67 : memref<128x32xf32, #tpu.memory_space<hbm>>)
        tpu.yield
      }) : () -> ()
    }
    %scan3A_7 = arith.constant 98 : i32
    %add3A_8 = arith.constant 12544 : i32
    %add3A_9 = arith.addi %mul3A_2, %add3A_8 : i32
    "tpu.region"() ({
      %run_scoped3A = tpu.sem_alloc : memref<!tpu.dma_semaphore, #tpu.memory_space<semaphore_mem>>
      %dma_start3A_32 = tpu.memref_slice %arg4[%add3A_9] : memref<403200xi32, #tpu.memory_space<hbm>> -> memref<56xi32, #tpu.memory_space<hbm>>
      %dma_start3A_33 = tpu.memref_slice %arg4[%add3A_9] : memref<403200xi32, #tpu.memory_space<hbm>> -> memref<56xi32, #tpu.memory_space<hbm>>
      tpu.enqueue_dma source(%dma_start3A_33 : memref<56xi32, #tpu.memory_space<hbm>>) target(%arg16 : memref<56xi32, #tpu.memory_space<vmem>>) target_semaphore(%run_scoped3A : memref<!tpu.dma_semaphore, #tpu.memory_space<semaphore_mem>>)
      %dma_wait3A_34 = tpu.memref_slice %arg4[%add3A_9] : memref<403200xi32, #tpu.memory_space<hbm>> -> memref<56xi32, #tpu.memory_space<hbm>>
      %dma_wait3A_35 = tpu.memref_slice %arg4[%add3A_9] : memref<403200xi32, #tpu.memory_space<hbm>> -> memref<56xi32, #tpu.memory_space<hbm>>
      tpu.wait_dma2 semaphore(%run_scoped3A : memref<!tpu.dma_semaphore, #tpu.memory_space<semaphore_mem>>) src(%dma_wait3A_35 : memref<56xi32, #tpu.memory_space<hbm>>) dst(%arg16 : memref<56xi32, #tpu.memory_space<vmem>>)
      tpu.yield
    }) : () -> ()
    "tpu.region"() ({
      %run_scoped3A = tpu.sem_alloc : memref<!tpu.dma_semaphore, #tpu.memory_space<semaphore_mem>>
      %dma_start3A_32 = tpu.memref_slice %arg5[%add3A_9] : memref<403200xi32, #tpu.memory_space<hbm>> -> memref<56xi32, #tpu.memory_space<hbm>>
      %dma_start3A_33 = tpu.memref_slice %arg5[%add3A_9] : memref<403200xi32, #tpu.memory_space<hbm>> -> memref<56xi32, #tpu.memory_space<hbm>>
      tpu.enqueue_dma source(%dma_start3A_33 : memref<56xi32, #tpu.memory_space<hbm>>) target(%arg17 : memref<56xi32, #tpu.memory_space<vmem>>) target_semaphore(%run_scoped3A : memref<!tpu.dma_semaphore, #tpu.memory_space<semaphore_mem>>)
      %dma_wait3A_34 = tpu.memref_slice %arg5[%add3A_9] : memref<403200xi32, #tpu.memory_space<hbm>> -> memref<56xi32, #tpu.memory_space<hbm>>
      %dma_wait3A_35 = tpu.memref_slice %arg5[%add3A_9] : memref<403200xi32, #tpu.memory_space<hbm>> -> memref<56xi32, #tpu.memory_space<hbm>>
      tpu.wait_dma2 semaphore(%run_scoped3A : memref<!tpu.dma_semaphore, #tpu.memory_space<semaphore_mem>>) src(%dma_wait3A_35 : memref<56xi32, #tpu.memory_space<hbm>>) dst(%arg17 : memref<56xi32, #tpu.memory_space<vmem>>)
      tpu.yield
    }) : () -> ()
    %dma_start3A = arith.constant 0 : i32
    %dma_start3A_10 = arith.constant 0 : i32
    %dma_start3A_11 = tpu.memref_slice %arg2[%dma_start3A, %dma_start3A_10] : memref<50000x32xf32, #tpu.memory_space<hbm>> -> memref<50000x32xf32, #tpu.memory_space<hbm>>
    tpu.enqueue_indirect_dma source(%dma_start3A_11 : memref<50000x32xf32, #tpu.memory_space<hbm>>) target(%arg18 : memref<56x32xf32, #tpu.memory_space<vmem>>) offsets(%arg16 : memref<56xi32, #tpu.memory_space<vmem>>) semaphore(%arg22 : memref<!tpu.dma_semaphore, #tpu.memory_space<semaphore_mem>>)
    %dma_start3A_12 = arith.constant 0 : i32
    %dma_start3A_13 = arith.constant 0 : i32
    %dma_start3A_14 = tpu.memref_slice %arg2[%dma_start3A_12, %dma_start3A_13] : memref<50000x32xf32, #tpu.memory_space<hbm>> -> memref<50000x32xf32, #tpu.memory_space<hbm>>
    tpu.enqueue_indirect_dma source(%dma_start3A_14 : memref<50000x32xf32, #tpu.memory_space<hbm>>) target(%arg19 : memref<56x32xf32, #tpu.memory_space<vmem>>) offsets(%arg17 : memref<56xi32, #tpu.memory_space<vmem>>) semaphore(%arg23 : memref<!tpu.dma_semaphore, #tpu.memory_space<semaphore_mem>>)
    %dma_start3A_15 = arith.constant 0 : i32
    %dma_start3A_16 = arith.constant 0 : i32
    %dma_start3A_17 = tpu.memref_slice %arg3[%dma_start3A_15, %dma_start3A_16] : memref<50000x32xf32, #tpu.memory_space<hbm>> -> memref<50000x32xf32, #tpu.memory_space<hbm>>
    tpu.enqueue_indirect_dma source(%dma_start3A_17 : memref<50000x32xf32, #tpu.memory_space<hbm>>) target(%arg20 : memref<56x32xf32, #tpu.memory_space<vmem>>) offsets(%arg16 : memref<56xi32, #tpu.memory_space<vmem>>) semaphore(%arg24 : memref<!tpu.dma_semaphore, #tpu.memory_space<semaphore_mem>>)
    %dma_start3A_18 = arith.constant 0 : i32
    %dma_start3A_19 = arith.constant 0 : i32
    %dma_start3A_20 = tpu.memref_slice %arg3[%dma_start3A_18, %dma_start3A_19] : memref<50000x32xf32, #tpu.memory_space<hbm>> -> memref<50000x32xf32, #tpu.memory_space<hbm>>
    tpu.enqueue_indirect_dma source(%dma_start3A_20 : memref<50000x32xf32, #tpu.memory_space<hbm>>) target(%arg21 : memref<56x32xf32, #tpu.memory_space<vmem>>) offsets(%arg17 : memref<56xi32, #tpu.memory_space<vmem>>) semaphore(%arg25 : memref<!tpu.dma_semaphore, #tpu.memory_space<semaphore_mem>>)
    %dma_wait3A = arith.constant 0 : i32
    %dma_wait3A_21 = arith.constant 0 : i32
    %dma_wait3A_22 = tpu.memref_slice %arg2[%dma_wait3A, %dma_wait3A_21] : memref<50000x32xf32, #tpu.memory_space<hbm>> -> memref<50000x32xf32, #tpu.memory_space<hbm>>
    tpu.wait_indirect_dma semaphore(%arg22 : memref<!tpu.dma_semaphore, #tpu.memory_space<semaphore_mem>>) src(%dma_wait3A_22 : memref<50000x32xf32, #tpu.memory_space<hbm>>) dst(%arg18 : memref<56x32xf32, #tpu.memory_space<vmem>>)
    %dma_wait3A_23 = arith.constant 0 : i32
    %dma_wait3A_24 = arith.constant 0 : i32
    %dma_wait3A_25 = tpu.memref_slice %arg2[%dma_wait3A_23, %dma_wait3A_24] : memref<50000x32xf32, #tpu.memory_space<hbm>> -> memref<50000x32xf32, #tpu.memory_space<hbm>>
    tpu.wait_indirect_dma semaphore(%arg23 : memref<!tpu.dma_semaphore, #tpu.memory_space<semaphore_mem>>) src(%dma_wait3A_25 : memref<50000x32xf32, #tpu.memory_space<hbm>>) dst(%arg19 : memref<56x32xf32, #tpu.memory_space<vmem>>)
    %dma_wait3A_26 = arith.constant 0 : i32
    %dma_wait3A_27 = arith.constant 0 : i32
    %dma_wait3A_28 = tpu.memref_slice %arg3[%dma_wait3A_26, %dma_wait3A_27] : memref<50000x32xf32, #tpu.memory_space<hbm>> -> memref<50000x32xf32, #tpu.memory_space<hbm>>
    tpu.wait_indirect_dma semaphore(%arg24 : memref<!tpu.dma_semaphore, #tpu.memory_space<semaphore_mem>>) src(%dma_wait3A_28 : memref<50000x32xf32, #tpu.memory_space<hbm>>) dst(%arg20 : memref<56x32xf32, #tpu.memory_space<vmem>>)
    %dma_wait3A_29 = arith.constant 0 : i32
    %dma_wait3A_30 = arith.constant 0 : i32
    %dma_wait3A_31 = tpu.memref_slice %arg3[%dma_wait3A_29, %dma_wait3A_30] : memref<50000x32xf32, #tpu.memory_space<hbm>> -> memref<50000x32xf32, #tpu.memory_space<hbm>>
    tpu.wait_indirect_dma semaphore(%arg25 : memref<!tpu.dma_semaphore, #tpu.memory_space<semaphore_mem>>) src(%dma_wait3A_31 : memref<50000x32xf32, #tpu.memory_space<hbm>>) dst(%arg21 : memref<56x32xf32, #tpu.memory_space<vmem>>)
    "tpu.region"() ({
      %run_scoped3A = tpu.sem_alloc : memref<!tpu.dma_semaphore, #tpu.memory_space<semaphore_mem>>
      %dma_start3A_32 = arith.constant 0 : i32
      %dma_start3A_33 = tpu.memref_slice %arg6[%add3A_9, %dma_start3A_32] : memref<403200x32xf32, #tpu.memory_space<hbm>> -> memref<56x32xf32, #tpu.memory_space<hbm>>
      %dma_start3A_34 = arith.constant 0 : i32
      %dma_start3A_35 = tpu.memref_slice %arg6[%add3A_9, %dma_start3A_34] : memref<403200x32xf32, #tpu.memory_space<hbm>> -> memref<56x32xf32, #tpu.memory_space<hbm>>
      tpu.enqueue_dma source(%arg18 : memref<56x32xf32, #tpu.memory_space<vmem>>) target(%dma_start3A_35 : memref<56x32xf32, #tpu.memory_space<hbm>>) target_semaphore(%run_scoped3A : memref<!tpu.dma_semaphore, #tpu.memory_space<semaphore_mem>>)
      %dma_wait3A_36 = arith.constant 0 : i32
      %dma_wait3A_37 = tpu.memref_slice %arg6[%add3A_9, %dma_wait3A_36] : memref<403200x32xf32, #tpu.memory_space<hbm>> -> memref<56x32xf32, #tpu.memory_space<hbm>>
      %dma_wait3A_38 = arith.constant 0 : i32
      %dma_wait3A_39 = tpu.memref_slice %arg6[%add3A_9, %dma_wait3A_38] : memref<403200x32xf32, #tpu.memory_space<hbm>> -> memref<56x32xf32, #tpu.memory_space<hbm>>
      tpu.wait_dma2 semaphore(%run_scoped3A : memref<!tpu.dma_semaphore, #tpu.memory_space<semaphore_mem>>) src(%arg18 : memref<56x32xf32, #tpu.memory_space<vmem>>) dst(%dma_wait3A_39 : memref<56x32xf32, #tpu.memory_space<hbm>>)
      tpu.yield
    }) : () -> ()
    "tpu.region"() ({
      %run_scoped3A = tpu.sem_alloc : memref<!tpu.dma_semaphore, #tpu.memory_space<semaphore_mem>>
      %dma_start3A_32 = arith.constant 0 : i32
      %dma_start3A_33 = tpu.memref_slice %arg7[%add3A_9, %dma_start3A_32] : memref<403200x32xf32, #tpu.memory_space<hbm>> -> memref<56x32xf32, #tpu.memory_space<hbm>>
      %dma_start3A_34 = arith.constant 0 : i32
      %dma_start3A_35 = tpu.memref_slice %arg7[%add3A_9, %dma_start3A_34] : memref<403200x32xf32, #tpu.memory_space<hbm>> -> memref<56x32xf32, #tpu.memory_space<hbm>>
      tpu.enqueue_dma source(%arg19 : memref<56x32xf32, #tpu.memory_space<vmem>>) target(%dma_start3A_35 : memref<56x32xf32, #tpu.memory_space<hbm>>) target_semaphore(%run_scoped3A : memref<!tpu.dma_semaphore, #tpu.memory_space<semaphore_mem>>)
      %dma_wait3A_36 = arith.constant 0 : i32
      %dma_wait3A_37 = tpu.memref_slice %arg7[%add3A_9, %dma_wait3A_36] : memref<403200x32xf32, #tpu.memory_space<hbm>> -> memref<56x32xf32, #tpu.memory_space<hbm>>
      %dma_wait3A_38 = arith.constant 0 : i32
      %dma_wait3A_39 = tpu.memref_slice %arg7[%add3A_9, %dma_wait3A_38] : memref<403200x32xf32, #tpu.memory_space<hbm>> -> memref<56x32xf32, #tpu.memory_space<hbm>>
      tpu.wait_dma2 semaphore(%run_scoped3A : memref<!tpu.dma_semaphore, #tpu.memory_space<semaphore_mem>>) src(%arg19 : memref<56x32xf32, #tpu.memory_space<vmem>>) dst(%dma_wait3A_39 : memref<56x32xf32, #tpu.memory_space<hbm>>)
      tpu.yield
    }) : () -> ()
    "tpu.region"() ({
      %run_scoped3A = tpu.sem_alloc : memref<!tpu.dma_semaphore, #tpu.memory_space<semaphore_mem>>
      %dma_start3A_32 = arith.constant 0 : i32
      %dma_start3A_33 = tpu.memref_slice %arg8[%add3A_9, %dma_start3A_32] : memref<403200x32xf32, #tpu.memory_space<hbm>> -> memref<56x32xf32, #tpu.memory_space<hbm>>
      %dma_start3A_34 = arith.constant 0 : i32
      %dma_start3A_35 = tpu.memref_slice %arg8[%add3A_9, %dma_start3A_34] : memref<403200x32xf32, #tpu.memory_space<hbm>> -> memref<56x32xf32, #tpu.memory_space<hbm>>
      tpu.enqueue_dma source(%arg20 : memref<56x32xf32, #tpu.memory_space<vmem>>) target(%dma_start3A_35 : memref<56x32xf32, #tpu.memory_space<hbm>>) target_semaphore(%run_scoped3A : memref<!tpu.dma_semaphore, #tpu.memory_space<semaphore_mem>>)
      %dma_wait3A_36 = arith.constant 0 : i32
      %dma_wait3A_37 = tpu.memref_slice %arg8[%add3A_9, %dma_wait3A_36] : memref<403200x32xf32, #tpu.memory_space<hbm>> -> memref<56x32xf32, #tpu.memory_space<hbm>>
      %dma_wait3A_38 = arith.constant 0 : i32
      %dma_wait3A_39 = tpu.memref_slice %arg8[%add3A_9, %dma_wait3A_38] : memref<403200x32xf32, #tpu.memory_space<hbm>> -> memref<56x32xf32, #tpu.memory_space<hbm>>
      tpu.wait_dma2 semaphore(%run_scoped3A : memref<!tpu.dma_semaphore, #tpu.memory_space<semaphore_mem>>) src(%arg20 : memref<56x32xf32, #tpu.memory_space<vmem>>) dst(%dma_wait3A_39 : memref<56x32xf32, #tpu.memory_space<hbm>>)
      tpu.yield
    }) : () -> ()
    "tpu.region"() ({
      %run_scoped3A = tpu.sem_alloc : memref<!tpu.dma_semaphore, #tpu.memory_space<semaphore_mem>>
      %dma_start3A_32 = arith.constant 0 : i32
      %dma_start3A_33 = tpu.memref_slice %arg9[%add3A_9, %dma_start3A_32] : memref<403200x32xf32, #tpu.memory_space<hbm>> -> memref<56x32xf32, #tpu.memory_space<hbm>>
      %dma_start3A_34 = arith.constant 0 : i32
      %dma_start3A_35 = tpu.memref_slice %arg9[%add3A_9, %dma_start3A_34] : memref<403200x32xf32, #tpu.memory_space<hbm>> -> memref<56x32xf32, #tpu.memory_space<hbm>>
      tpu.enqueue_dma source(%arg21 : memref<56x32xf32, #tpu.memory_space<vmem>>) target(%dma_start3A_35 : memref<56x32xf32, #tpu.memory_space<hbm>>) target_semaphore(%run_scoped3A : memref<!tpu.dma_semaphore, #tpu.memory_space<semaphore_mem>>)
      %dma_wait3A_36 = arith.constant 0 : i32
      %dma_wait3A_37 = tpu.memref_slice %arg9[%add3A_9, %dma_wait3A_36] : memref<403200x32xf32, #tpu.memory_space<hbm>> -> memref<56x32xf32, #tpu.memory_space<hbm>>
      %dma_wait3A_38 = arith.constant 0 : i32
      %dma_wait3A_39 = tpu.memref_slice %arg9[%add3A_9, %dma_wait3A_38] : memref<403200x32xf32, #tpu.memory_space<hbm>> -> memref<56x32xf32, #tpu.memory_space<hbm>>
      tpu.wait_dma2 semaphore(%run_scoped3A : memref<!tpu.dma_semaphore, #tpu.memory_space<semaphore_mem>>) src(%arg21 : memref<56x32xf32, #tpu.memory_space<vmem>>) dst(%dma_wait3A_39 : memref<56x32xf32, #tpu.memory_space<hbm>>)
      tpu.yield
    }) : () -> ()
    return
  }
}

#map = affine_map<(d0, d1) -> (0, 0)>
#map1 = affine_map<(d0, d1) -> (0)>
#map2 = affine_map<(d0, d1) -> (0, 0, 0)>
module attributes {stable_mosaic.version = 14 : i64} {
  func.func @body(%arg0: i32, %arg1: i32, %arg2: memref<396800x8xf32, #tpu.memory_space<hbm>>, %arg3: memref<396800xi32, #tpu.memory_space<hbm>>, %arg4: memref<50000x8xf32, #tpu.memory_space<hbm>>, %arg5: memref<2x50000x8xf32, #tpu.memory_space<hbm>>, %arg6: memref<128xi32, #tpu.memory_space<vmem>>, %arg7: memref<128x8xf32, #tpu.memory_space<vmem>>, %arg8: memref<112xi32, #tpu.memory_space<vmem>>, %arg9: memref<112x8xf32, #tpu.memory_space<vmem>>, %arg10: memref<50000x8xf32, #tpu.memory_space<vmem_shared>>) attributes {dimension_semantics = [#tpu.dimension_semantics<core_parallel>, #tpu.dimension_semantics<subcore_parallel>], iteration_bounds = array<i64: 2, 16>, scalar_prefetch = 0 : i64, scratch_operands = 5 : i64, tpu.core_type = #tpu.core_type<sc_vector_subcore>, window_params = [{transform_indices = #map}, {transform_indices = #map1}, {transform_indices = #map}, {transform_indices = #map2}]} {
    %mul3A = arith.constant 2 : i32
    %mul3A_0 = arith.muli %arg1, %mul3A : i32
    %add3A = arith.addi %mul3A_0, %arg0 : i32
    %mul3A_1 = arith.constant 12400 : i32
    %mul3A_2 = arith.muli %add3A, %mul3A_1 : i32
    %mul3A_3 = arith.constant 3125 : i32
    %mul3A_4 = arith.muli %arg1, %mul3A_3 : i32
    %mul3A_5 = arith.constant 3125 : i32
    %mul3A_6 = arith.muli %arg1, %mul3A_5 : i32
    "tpu.region"() ({
      %run_scoped3A = tpu.sem_alloc : memref<!tpu.dma_semaphore, #tpu.memory_space<semaphore_mem>>
      %dma_start3A = arith.constant 0 : i32
      %dma_start3A_19 = tpu.memref_slice %arg10[%mul3A_6, %dma_start3A] : memref<50000x8xf32, #tpu.memory_space<vmem_shared>> -> memref<3125x8xf32, #tpu.memory_space<vmem_shared>>
      %dma_start3A_20 = arith.constant 0 : i32
      %dma_start3A_21 = tpu.memref_slice %arg4[%mul3A_4, %dma_start3A_20] : memref<50000x8xf32, #tpu.memory_space<hbm>> -> memref<3125x8xf32, #tpu.memory_space<hbm>>
      tpu.enqueue_dma source(%dma_start3A_21 : memref<3125x8xf32, #tpu.memory_space<hbm>>) target(%dma_start3A_19 : memref<3125x8xf32, #tpu.memory_space<vmem_shared>>) target_semaphore(%run_scoped3A : memref<!tpu.dma_semaphore, #tpu.memory_space<semaphore_mem>>)
      %dma_wait3A = arith.constant 0 : i32
      %dma_wait3A_22 = tpu.memref_slice %arg10[%mul3A_6, %dma_wait3A] : memref<50000x8xf32, #tpu.memory_space<vmem_shared>> -> memref<3125x8xf32, #tpu.memory_space<vmem_shared>>
      %dma_wait3A_23 = arith.constant 0 : i32
      %dma_wait3A_24 = tpu.memref_slice %arg4[%mul3A_4, %dma_wait3A_23] : memref<50000x8xf32, #tpu.memory_space<hbm>> -> memref<3125x8xf32, #tpu.memory_space<hbm>>
      tpu.wait_dma2 semaphore(%run_scoped3A : memref<!tpu.dma_semaphore, #tpu.memory_space<semaphore_mem>>) src(%dma_wait3A_24 : memref<3125x8xf32, #tpu.memory_space<hbm>>) dst(%dma_wait3A_22 : memref<3125x8xf32, #tpu.memory_space<vmem_shared>>)
      tpu.yield
    }) : () -> ()
    %barrier3A = arith.constant 0 : index
    tpu.barrier barrier_id(%barrier3A)
    %scan3A = arith.constant 0 : i32
    %scan3A_7 = arith.constant 0 : i32
    %scan3A_8 = arith.constant 96 : i32
    %scan3A_9 = arith.addi %scan3A_7, %scan3A_8 : i32
    %scan3A_10 = arith.constant 1 : i32
    scf.for %scan3A_19 = %scan3A_7 to %scan3A_9 step %scan3A_10  : i32 {
      %mul3A_20 = arith.constant 128 : i32
      %mul3A_21 = arith.muli %mul3A_20, %scan3A_19 : i32
      %add3A_22 = arith.addi %mul3A_2, %mul3A_21 : i32
      "tpu.region"() ({
        %run_scoped3A = tpu.sem_alloc : memref<!tpu.dma_semaphore, #tpu.memory_space<semaphore_mem>>
        %dma_start3A = tpu.memref_slice %arg3[%add3A_22] : memref<396800xi32, #tpu.memory_space<hbm>> -> memref<128xi32, #tpu.memory_space<hbm>>
        %dma_start3A_23 = tpu.memref_slice %arg3[%add3A_22] : memref<396800xi32, #tpu.memory_space<hbm>> -> memref<128xi32, #tpu.memory_space<hbm>>
        tpu.enqueue_dma source(%dma_start3A_23 : memref<128xi32, #tpu.memory_space<hbm>>) target(%arg6 : memref<128xi32, #tpu.memory_space<vmem>>) target_semaphore(%run_scoped3A : memref<!tpu.dma_semaphore, #tpu.memory_space<semaphore_mem>>)
        %dma_wait3A = tpu.memref_slice %arg3[%add3A_22] : memref<396800xi32, #tpu.memory_space<hbm>> -> memref<128xi32, #tpu.memory_space<hbm>>
        %dma_wait3A_24 = tpu.memref_slice %arg3[%add3A_22] : memref<396800xi32, #tpu.memory_space<hbm>> -> memref<128xi32, #tpu.memory_space<hbm>>
        tpu.wait_dma2 semaphore(%run_scoped3A : memref<!tpu.dma_semaphore, #tpu.memory_space<semaphore_mem>>) src(%dma_wait3A_24 : memref<128xi32, #tpu.memory_space<hbm>>) dst(%arg6 : memref<128xi32, #tpu.memory_space<vmem>>)
        tpu.yield
      }) : () -> ()
      "tpu.region"() ({
        %run_scoped3A = tpu.sem_alloc : memref<!tpu.dma_semaphore, #tpu.memory_space<semaphore_mem>>
        %dma_start3A = arith.constant 0 : i32
        %dma_start3A_23 = tpu.memref_slice %arg2[%add3A_22, %dma_start3A] : memref<396800x8xf32, #tpu.memory_space<hbm>> -> memref<128x8xf32, #tpu.memory_space<hbm>>
        %dma_start3A_24 = arith.constant 0 : i32
        %dma_start3A_25 = tpu.memref_slice %arg2[%add3A_22, %dma_start3A_24] : memref<396800x8xf32, #tpu.memory_space<hbm>> -> memref<128x8xf32, #tpu.memory_space<hbm>>
        tpu.enqueue_dma source(%dma_start3A_25 : memref<128x8xf32, #tpu.memory_space<hbm>>) target(%arg7 : memref<128x8xf32, #tpu.memory_space<vmem>>) target_semaphore(%run_scoped3A : memref<!tpu.dma_semaphore, #tpu.memory_space<semaphore_mem>>)
        %dma_wait3A = arith.constant 0 : i32
        %dma_wait3A_26 = tpu.memref_slice %arg2[%add3A_22, %dma_wait3A] : memref<396800x8xf32, #tpu.memory_space<hbm>> -> memref<128x8xf32, #tpu.memory_space<hbm>>
        %dma_wait3A_27 = arith.constant 0 : i32
        %dma_wait3A_28 = tpu.memref_slice %arg2[%add3A_22, %dma_wait3A_27] : memref<396800x8xf32, #tpu.memory_space<hbm>> -> memref<128x8xf32, #tpu.memory_space<hbm>>
        tpu.wait_dma2 semaphore(%run_scoped3A : memref<!tpu.dma_semaphore, #tpu.memory_space<semaphore_mem>>) src(%dma_wait3A_28 : memref<128x8xf32, #tpu.memory_space<hbm>>) dst(%arg7 : memref<128x8xf32, #tpu.memory_space<vmem>>)
        tpu.yield
      }) : () -> ()
      "tpu.region"() ({
        %run_scoped3A = tpu.sem_alloc : memref<!tpu.dma_semaphore, #tpu.memory_space<semaphore_mem>>
        %dma_start3A = arith.constant 0 : i32
        %dma_start3A_23 = arith.constant 0 : i32
        %dma_start3A_24 = tpu.memref_slice %arg10[%dma_start3A, %dma_start3A_23] : memref<50000x8xf32, #tpu.memory_space<vmem_shared>> -> memref<50000x8xf32, #tpu.memory_space<vmem_shared>>
        tpu.enqueue_indirect_dma source(%arg7 : memref<128x8xf32, #tpu.memory_space<vmem>>) target(%dma_start3A_24 : memref<50000x8xf32, #tpu.memory_space<vmem_shared>>) offsets(%arg6 : memref<128xi32, #tpu.memory_space<vmem>>) semaphore(%run_scoped3A : memref<!tpu.dma_semaphore, #tpu.memory_space<semaphore_mem>>) {add = true}
        %dma_wait3A = arith.constant 0 : i32
        %dma_wait3A_25 = arith.constant 0 : i32
        %dma_wait3A_26 = tpu.memref_slice %arg10[%dma_wait3A, %dma_wait3A_25] : memref<50000x8xf32, #tpu.memory_space<vmem_shared>> -> memref<50000x8xf32, #tpu.memory_space<vmem_shared>>
        tpu.wait_indirect_dma semaphore(%run_scoped3A : memref<!tpu.dma_semaphore, #tpu.memory_space<semaphore_mem>>) src(%arg7 : memref<128x8xf32, #tpu.memory_space<vmem>>) dst(%dma_wait3A_26 : memref<50000x8xf32, #tpu.memory_space<vmem_shared>>)
        tpu.yield
      }) : () -> ()
    }
    %scan3A_11 = arith.constant 96 : i32
    %add3A_12 = arith.constant 12288 : i32
    %add3A_13 = arith.addi %mul3A_2, %add3A_12 : i32
    "tpu.region"() ({
      %run_scoped3A = tpu.sem_alloc : memref<!tpu.dma_semaphore, #tpu.memory_space<semaphore_mem>>
      %dma_start3A = tpu.memref_slice %arg3[%add3A_13] : memref<396800xi32, #tpu.memory_space<hbm>> -> memref<112xi32, #tpu.memory_space<hbm>>
      %dma_start3A_19 = tpu.memref_slice %arg3[%add3A_13] : memref<396800xi32, #tpu.memory_space<hbm>> -> memref<112xi32, #tpu.memory_space<hbm>>
      tpu.enqueue_dma source(%dma_start3A_19 : memref<112xi32, #tpu.memory_space<hbm>>) target(%arg8 : memref<112xi32, #tpu.memory_space<vmem>>) target_semaphore(%run_scoped3A : memref<!tpu.dma_semaphore, #tpu.memory_space<semaphore_mem>>)
      %dma_wait3A = tpu.memref_slice %arg3[%add3A_13] : memref<396800xi32, #tpu.memory_space<hbm>> -> memref<112xi32, #tpu.memory_space<hbm>>
      %dma_wait3A_20 = tpu.memref_slice %arg3[%add3A_13] : memref<396800xi32, #tpu.memory_space<hbm>> -> memref<112xi32, #tpu.memory_space<hbm>>
      tpu.wait_dma2 semaphore(%run_scoped3A : memref<!tpu.dma_semaphore, #tpu.memory_space<semaphore_mem>>) src(%dma_wait3A_20 : memref<112xi32, #tpu.memory_space<hbm>>) dst(%arg8 : memref<112xi32, #tpu.memory_space<vmem>>)
      tpu.yield
    }) : () -> ()
    "tpu.region"() ({
      %run_scoped3A = tpu.sem_alloc : memref<!tpu.dma_semaphore, #tpu.memory_space<semaphore_mem>>
      %dma_start3A = arith.constant 0 : i32
      %dma_start3A_19 = tpu.memref_slice %arg2[%add3A_13, %dma_start3A] : memref<396800x8xf32, #tpu.memory_space<hbm>> -> memref<112x8xf32, #tpu.memory_space<hbm>>
      %dma_start3A_20 = arith.constant 0 : i32
      %dma_start3A_21 = tpu.memref_slice %arg2[%add3A_13, %dma_start3A_20] : memref<396800x8xf32, #tpu.memory_space<hbm>> -> memref<112x8xf32, #tpu.memory_space<hbm>>
      tpu.enqueue_dma source(%dma_start3A_21 : memref<112x8xf32, #tpu.memory_space<hbm>>) target(%arg9 : memref<112x8xf32, #tpu.memory_space<vmem>>) target_semaphore(%run_scoped3A : memref<!tpu.dma_semaphore, #tpu.memory_space<semaphore_mem>>)
      %dma_wait3A = arith.constant 0 : i32
      %dma_wait3A_22 = tpu.memref_slice %arg2[%add3A_13, %dma_wait3A] : memref<396800x8xf32, #tpu.memory_space<hbm>> -> memref<112x8xf32, #tpu.memory_space<hbm>>
      %dma_wait3A_23 = arith.constant 0 : i32
      %dma_wait3A_24 = tpu.memref_slice %arg2[%add3A_13, %dma_wait3A_23] : memref<396800x8xf32, #tpu.memory_space<hbm>> -> memref<112x8xf32, #tpu.memory_space<hbm>>
      tpu.wait_dma2 semaphore(%run_scoped3A : memref<!tpu.dma_semaphore, #tpu.memory_space<semaphore_mem>>) src(%dma_wait3A_24 : memref<112x8xf32, #tpu.memory_space<hbm>>) dst(%arg9 : memref<112x8xf32, #tpu.memory_space<vmem>>)
      tpu.yield
    }) : () -> ()
    "tpu.region"() ({
      %run_scoped3A = tpu.sem_alloc : memref<!tpu.dma_semaphore, #tpu.memory_space<semaphore_mem>>
      %dma_start3A = arith.constant 0 : i32
      %dma_start3A_19 = arith.constant 0 : i32
      %dma_start3A_20 = tpu.memref_slice %arg10[%dma_start3A, %dma_start3A_19] : memref<50000x8xf32, #tpu.memory_space<vmem_shared>> -> memref<50000x8xf32, #tpu.memory_space<vmem_shared>>
      tpu.enqueue_indirect_dma source(%arg9 : memref<112x8xf32, #tpu.memory_space<vmem>>) target(%dma_start3A_20 : memref<50000x8xf32, #tpu.memory_space<vmem_shared>>) offsets(%arg8 : memref<112xi32, #tpu.memory_space<vmem>>) semaphore(%run_scoped3A : memref<!tpu.dma_semaphore, #tpu.memory_space<semaphore_mem>>) {add = true}
      %dma_wait3A = arith.constant 0 : i32
      %dma_wait3A_21 = arith.constant 0 : i32
      %dma_wait3A_22 = tpu.memref_slice %arg10[%dma_wait3A, %dma_wait3A_21] : memref<50000x8xf32, #tpu.memory_space<vmem_shared>> -> memref<50000x8xf32, #tpu.memory_space<vmem_shared>>
      tpu.wait_indirect_dma semaphore(%run_scoped3A : memref<!tpu.dma_semaphore, #tpu.memory_space<semaphore_mem>>) src(%arg9 : memref<112x8xf32, #tpu.memory_space<vmem>>) dst(%dma_wait3A_22 : memref<50000x8xf32, #tpu.memory_space<vmem_shared>>)
      tpu.yield
    }) : () -> ()
    %barrier3A_14 = arith.constant 0 : index
    tpu.barrier barrier_id(%barrier3A_14)
    %mul3A_15 = arith.constant 3125 : i32
    %mul3A_16 = arith.muli %arg1, %mul3A_15 : i32
    %mul3A_17 = arith.constant 3125 : i32
    %mul3A_18 = arith.muli %arg1, %mul3A_17 : i32
    "tpu.region"() ({
      %run_scoped3A = tpu.sem_alloc : memref<!tpu.dma_semaphore, #tpu.memory_space<semaphore_mem>>
      %dma_start3A = arith.constant 0 : i32
      %dma_start3A_19 = arith.constant 0 : i32
      %dma_start3A_20 = tpu.memref_slice %arg5[%arg0, %dma_start3A, %dma_start3A_19] : memref<2x50000x8xf32, #tpu.memory_space<hbm>> -> memref<1x50000x8xf32, #tpu.memory_space<hbm>>
      %dma_start3A_21 = tpu.memref_squeeze %dma_start3A_20 : memref<1x50000x8xf32, #tpu.memory_space<hbm>> -> memref<50000x8xf32, #tpu.memory_space<hbm>>
      %dma_start3A_22 = arith.constant 0 : i32
      %dma_start3A_23 = tpu.memref_slice %dma_start3A_21[%mul3A_18, %dma_start3A_22] : memref<50000x8xf32, #tpu.memory_space<hbm>> -> memref<3125x8xf32, #tpu.memory_space<hbm>>
      %dma_start3A_24 = arith.constant 0 : i32
      %dma_start3A_25 = tpu.memref_slice %arg10[%mul3A_16, %dma_start3A_24] : memref<50000x8xf32, #tpu.memory_space<vmem_shared>> -> memref<3125x8xf32, #tpu.memory_space<vmem_shared>>
      tpu.enqueue_dma source(%dma_start3A_25 : memref<3125x8xf32, #tpu.memory_space<vmem_shared>>) target(%dma_start3A_23 : memref<3125x8xf32, #tpu.memory_space<hbm>>) target_semaphore(%run_scoped3A : memref<!tpu.dma_semaphore, #tpu.memory_space<semaphore_mem>>)
      %dma_wait3A = arith.constant 0 : i32
      %dma_wait3A_26 = arith.constant 0 : i32
      %dma_wait3A_27 = tpu.memref_slice %arg5[%arg0, %dma_wait3A, %dma_wait3A_26] : memref<2x50000x8xf32, #tpu.memory_space<hbm>> -> memref<1x50000x8xf32, #tpu.memory_space<hbm>>
      %dma_wait3A_28 = tpu.memref_squeeze %dma_wait3A_27 : memref<1x50000x8xf32, #tpu.memory_space<hbm>> -> memref<50000x8xf32, #tpu.memory_space<hbm>>
      %dma_wait3A_29 = arith.constant 0 : i32
      %dma_wait3A_30 = tpu.memref_slice %dma_wait3A_28[%mul3A_18, %dma_wait3A_29] : memref<50000x8xf32, #tpu.memory_space<hbm>> -> memref<3125x8xf32, #tpu.memory_space<hbm>>
      %dma_wait3A_31 = arith.constant 0 : i32
      %dma_wait3A_32 = tpu.memref_slice %arg10[%mul3A_16, %dma_wait3A_31] : memref<50000x8xf32, #tpu.memory_space<vmem_shared>> -> memref<3125x8xf32, #tpu.memory_space<vmem_shared>>
      tpu.wait_dma2 semaphore(%run_scoped3A : memref<!tpu.dma_semaphore, #tpu.memory_space<semaphore_mem>>) src(%dma_wait3A_32 : memref<3125x8xf32, #tpu.memory_space<vmem_shared>>) dst(%dma_wait3A_30 : memref<3125x8xf32, #tpu.memory_space<hbm>>)
      tpu.yield
    }) : () -> ()
    return
  }
}

#map = affine_map<(d0, d1) -> (0, 0)>
#map1 = affine_map<(d0, d1) -> (0)>
#map2 = affine_map<(d0, d1) -> (0, 0, 0)>
module attributes {stable_mosaic.version = 14 : i64} {
  func.func @body(%arg0: i32, %arg1: i32, %arg2: memref<396800x32xf32, #tpu.memory_space<hbm>>, %arg3: memref<396800xi32, #tpu.memory_space<hbm>>, %arg4: memref<50000x32xf32, #tpu.memory_space<hbm>>, %arg5: memref<2x50000x32xf32, #tpu.memory_space<hbm>>, %arg6: memref<128xi32, #tpu.memory_space<vmem>>, %arg7: memref<128x32xf32, #tpu.memory_space<vmem>>, %arg8: memref<112xi32, #tpu.memory_space<vmem>>, %arg9: memref<112x32xf32, #tpu.memory_space<vmem>>, %arg10: memref<50000x32xf32, #tpu.memory_space<vmem_shared>>) attributes {dimension_semantics = [#tpu.dimension_semantics<core_parallel>, #tpu.dimension_semantics<subcore_parallel>], iteration_bounds = array<i64: 2, 16>, scalar_prefetch = 0 : i64, scratch_operands = 5 : i64, tpu.core_type = #tpu.core_type<sc_vector_subcore>, window_params = [{transform_indices = #map}, {transform_indices = #map1}, {transform_indices = #map}, {transform_indices = #map2}]} {
    %mul3A = arith.constant 2 : i32
    %mul3A_0 = arith.muli %arg1, %mul3A : i32
    %add3A = arith.addi %mul3A_0, %arg0 : i32
    %mul3A_1 = arith.constant 12400 : i32
    %mul3A_2 = arith.muli %add3A, %mul3A_1 : i32
    %mul3A_3 = arith.constant 3125 : i32
    %mul3A_4 = arith.muli %arg1, %mul3A_3 : i32
    %mul3A_5 = arith.constant 3125 : i32
    %mul3A_6 = arith.muli %arg1, %mul3A_5 : i32
    "tpu.region"() ({
      %run_scoped3A = tpu.sem_alloc : memref<!tpu.dma_semaphore, #tpu.memory_space<semaphore_mem>>
      %dma_start3A = arith.constant 0 : i32
      %dma_start3A_19 = tpu.memref_slice %arg10[%mul3A_6, %dma_start3A] : memref<50000x32xf32, #tpu.memory_space<vmem_shared>> -> memref<3125x32xf32, #tpu.memory_space<vmem_shared>>
      %dma_start3A_20 = arith.constant 0 : i32
      %dma_start3A_21 = tpu.memref_slice %arg4[%mul3A_4, %dma_start3A_20] : memref<50000x32xf32, #tpu.memory_space<hbm>> -> memref<3125x32xf32, #tpu.memory_space<hbm>>
      tpu.enqueue_dma source(%dma_start3A_21 : memref<3125x32xf32, #tpu.memory_space<hbm>>) target(%dma_start3A_19 : memref<3125x32xf32, #tpu.memory_space<vmem_shared>>) target_semaphore(%run_scoped3A : memref<!tpu.dma_semaphore, #tpu.memory_space<semaphore_mem>>)
      %dma_wait3A = arith.constant 0 : i32
      %dma_wait3A_22 = tpu.memref_slice %arg10[%mul3A_6, %dma_wait3A] : memref<50000x32xf32, #tpu.memory_space<vmem_shared>> -> memref<3125x32xf32, #tpu.memory_space<vmem_shared>>
      %dma_wait3A_23 = arith.constant 0 : i32
      %dma_wait3A_24 = tpu.memref_slice %arg4[%mul3A_4, %dma_wait3A_23] : memref<50000x32xf32, #tpu.memory_space<hbm>> -> memref<3125x32xf32, #tpu.memory_space<hbm>>
      tpu.wait_dma2 semaphore(%run_scoped3A : memref<!tpu.dma_semaphore, #tpu.memory_space<semaphore_mem>>) src(%dma_wait3A_24 : memref<3125x32xf32, #tpu.memory_space<hbm>>) dst(%dma_wait3A_22 : memref<3125x32xf32, #tpu.memory_space<vmem_shared>>)
      tpu.yield
    }) : () -> ()
    %barrier3A = arith.constant 0 : index
    tpu.barrier barrier_id(%barrier3A)
    %scan3A = arith.constant 0 : i32
    %scan3A_7 = arith.constant 0 : i32
    %scan3A_8 = arith.constant 96 : i32
    %scan3A_9 = arith.addi %scan3A_7, %scan3A_8 : i32
    %scan3A_10 = arith.constant 1 : i32
    scf.for %scan3A_19 = %scan3A_7 to %scan3A_9 step %scan3A_10  : i32 {
      %mul3A_20 = arith.constant 128 : i32
      %mul3A_21 = arith.muli %mul3A_20, %scan3A_19 : i32
      %add3A_22 = arith.addi %mul3A_2, %mul3A_21 : i32
      "tpu.region"() ({
        %run_scoped3A = tpu.sem_alloc : memref<!tpu.dma_semaphore, #tpu.memory_space<semaphore_mem>>
        %dma_start3A = tpu.memref_slice %arg3[%add3A_22] : memref<396800xi32, #tpu.memory_space<hbm>> -> memref<128xi32, #tpu.memory_space<hbm>>
        %dma_start3A_23 = tpu.memref_slice %arg3[%add3A_22] : memref<396800xi32, #tpu.memory_space<hbm>> -> memref<128xi32, #tpu.memory_space<hbm>>
        tpu.enqueue_dma source(%dma_start3A_23 : memref<128xi32, #tpu.memory_space<hbm>>) target(%arg6 : memref<128xi32, #tpu.memory_space<vmem>>) target_semaphore(%run_scoped3A : memref<!tpu.dma_semaphore, #tpu.memory_space<semaphore_mem>>)
        %dma_wait3A = tpu.memref_slice %arg3[%add3A_22] : memref<396800xi32, #tpu.memory_space<hbm>> -> memref<128xi32, #tpu.memory_space<hbm>>
        %dma_wait3A_24 = tpu.memref_slice %arg3[%add3A_22] : memref<396800xi32, #tpu.memory_space<hbm>> -> memref<128xi32, #tpu.memory_space<hbm>>
        tpu.wait_dma2 semaphore(%run_scoped3A : memref<!tpu.dma_semaphore, #tpu.memory_space<semaphore_mem>>) src(%dma_wait3A_24 : memref<128xi32, #tpu.memory_space<hbm>>) dst(%arg6 : memref<128xi32, #tpu.memory_space<vmem>>)
        tpu.yield
      }) : () -> ()
      "tpu.region"() ({
        %run_scoped3A = tpu.sem_alloc : memref<!tpu.dma_semaphore, #tpu.memory_space<semaphore_mem>>
        %dma_start3A = arith.constant 0 : i32
        %dma_start3A_23 = tpu.memref_slice %arg2[%add3A_22, %dma_start3A] : memref<396800x32xf32, #tpu.memory_space<hbm>> -> memref<128x32xf32, #tpu.memory_space<hbm>>
        %dma_start3A_24 = arith.constant 0 : i32
        %dma_start3A_25 = tpu.memref_slice %arg2[%add3A_22, %dma_start3A_24] : memref<396800x32xf32, #tpu.memory_space<hbm>> -> memref<128x32xf32, #tpu.memory_space<hbm>>
        tpu.enqueue_dma source(%dma_start3A_25 : memref<128x32xf32, #tpu.memory_space<hbm>>) target(%arg7 : memref<128x32xf32, #tpu.memory_space<vmem>>) target_semaphore(%run_scoped3A : memref<!tpu.dma_semaphore, #tpu.memory_space<semaphore_mem>>)
        %dma_wait3A = arith.constant 0 : i32
        %dma_wait3A_26 = tpu.memref_slice %arg2[%add3A_22, %dma_wait3A] : memref<396800x32xf32, #tpu.memory_space<hbm>> -> memref<128x32xf32, #tpu.memory_space<hbm>>
        %dma_wait3A_27 = arith.constant 0 : i32
        %dma_wait3A_28 = tpu.memref_slice %arg2[%add3A_22, %dma_wait3A_27] : memref<396800x32xf32, #tpu.memory_space<hbm>> -> memref<128x32xf32, #tpu.memory_space<hbm>>
        tpu.wait_dma2 semaphore(%run_scoped3A : memref<!tpu.dma_semaphore, #tpu.memory_space<semaphore_mem>>) src(%dma_wait3A_28 : memref<128x32xf32, #tpu.memory_space<hbm>>) dst(%arg7 : memref<128x32xf32, #tpu.memory_space<vmem>>)
        tpu.yield
      }) : () -> ()
      "tpu.region"() ({
        %run_scoped3A = tpu.sem_alloc : memref<!tpu.dma_semaphore, #tpu.memory_space<semaphore_mem>>
        %dma_start3A = arith.constant 0 : i32
        %dma_start3A_23 = arith.constant 0 : i32
        %dma_start3A_24 = tpu.memref_slice %arg10[%dma_start3A, %dma_start3A_23] : memref<50000x32xf32, #tpu.memory_space<vmem_shared>> -> memref<50000x32xf32, #tpu.memory_space<vmem_shared>>
        tpu.enqueue_indirect_dma source(%arg7 : memref<128x32xf32, #tpu.memory_space<vmem>>) target(%dma_start3A_24 : memref<50000x32xf32, #tpu.memory_space<vmem_shared>>) offsets(%arg6 : memref<128xi32, #tpu.memory_space<vmem>>) semaphore(%run_scoped3A : memref<!tpu.dma_semaphore, #tpu.memory_space<semaphore_mem>>) {add = true}
        %dma_wait3A = arith.constant 0 : i32
        %dma_wait3A_25 = arith.constant 0 : i32
        %dma_wait3A_26 = tpu.memref_slice %arg10[%dma_wait3A, %dma_wait3A_25] : memref<50000x32xf32, #tpu.memory_space<vmem_shared>> -> memref<50000x32xf32, #tpu.memory_space<vmem_shared>>
        tpu.wait_indirect_dma semaphore(%run_scoped3A : memref<!tpu.dma_semaphore, #tpu.memory_space<semaphore_mem>>) src(%arg7 : memref<128x32xf32, #tpu.memory_space<vmem>>) dst(%dma_wait3A_26 : memref<50000x32xf32, #tpu.memory_space<vmem_shared>>)
        tpu.yield
      }) : () -> ()
    }
    %scan3A_11 = arith.constant 96 : i32
    %add3A_12 = arith.constant 12288 : i32
    %add3A_13 = arith.addi %mul3A_2, %add3A_12 : i32
    "tpu.region"() ({
      %run_scoped3A = tpu.sem_alloc : memref<!tpu.dma_semaphore, #tpu.memory_space<semaphore_mem>>
      %dma_start3A = tpu.memref_slice %arg3[%add3A_13] : memref<396800xi32, #tpu.memory_space<hbm>> -> memref<112xi32, #tpu.memory_space<hbm>>
      %dma_start3A_19 = tpu.memref_slice %arg3[%add3A_13] : memref<396800xi32, #tpu.memory_space<hbm>> -> memref<112xi32, #tpu.memory_space<hbm>>
      tpu.enqueue_dma source(%dma_start3A_19 : memref<112xi32, #tpu.memory_space<hbm>>) target(%arg8 : memref<112xi32, #tpu.memory_space<vmem>>) target_semaphore(%run_scoped3A : memref<!tpu.dma_semaphore, #tpu.memory_space<semaphore_mem>>)
      %dma_wait3A = tpu.memref_slice %arg3[%add3A_13] : memref<396800xi32, #tpu.memory_space<hbm>> -> memref<112xi32, #tpu.memory_space<hbm>>
      %dma_wait3A_20 = tpu.memref_slice %arg3[%add3A_13] : memref<396800xi32, #tpu.memory_space<hbm>> -> memref<112xi32, #tpu.memory_space<hbm>>
      tpu.wait_dma2 semaphore(%run_scoped3A : memref<!tpu.dma_semaphore, #tpu.memory_space<semaphore_mem>>) src(%dma_wait3A_20 : memref<112xi32, #tpu.memory_space<hbm>>) dst(%arg8 : memref<112xi32, #tpu.memory_space<vmem>>)
      tpu.yield
    }) : () -> ()
    "tpu.region"() ({
      %run_scoped3A = tpu.sem_alloc : memref<!tpu.dma_semaphore, #tpu.memory_space<semaphore_mem>>
      %dma_start3A = arith.constant 0 : i32
      %dma_start3A_19 = tpu.memref_slice %arg2[%add3A_13, %dma_start3A] : memref<396800x32xf32, #tpu.memory_space<hbm>> -> memref<112x32xf32, #tpu.memory_space<hbm>>
      %dma_start3A_20 = arith.constant 0 : i32
      %dma_start3A_21 = tpu.memref_slice %arg2[%add3A_13, %dma_start3A_20] : memref<396800x32xf32, #tpu.memory_space<hbm>> -> memref<112x32xf32, #tpu.memory_space<hbm>>
      tpu.enqueue_dma source(%dma_start3A_21 : memref<112x32xf32, #tpu.memory_space<hbm>>) target(%arg9 : memref<112x32xf32, #tpu.memory_space<vmem>>) target_semaphore(%run_scoped3A : memref<!tpu.dma_semaphore, #tpu.memory_space<semaphore_mem>>)
      %dma_wait3A = arith.constant 0 : i32
      %dma_wait3A_22 = tpu.memref_slice %arg2[%add3A_13, %dma_wait3A] : memref<396800x32xf32, #tpu.memory_space<hbm>> -> memref<112x32xf32, #tpu.memory_space<hbm>>
      %dma_wait3A_23 = arith.constant 0 : i32
      %dma_wait3A_24 = tpu.memref_slice %arg2[%add3A_13, %dma_wait3A_23] : memref<396800x32xf32, #tpu.memory_space<hbm>> -> memref<112x32xf32, #tpu.memory_space<hbm>>
      tpu.wait_dma2 semaphore(%run_scoped3A : memref<!tpu.dma_semaphore, #tpu.memory_space<semaphore_mem>>) src(%dma_wait3A_24 : memref<112x32xf32, #tpu.memory_space<hbm>>) dst(%arg9 : memref<112x32xf32, #tpu.memory_space<vmem>>)
      tpu.yield
    }) : () -> ()
    "tpu.region"() ({
      %run_scoped3A = tpu.sem_alloc : memref<!tpu.dma_semaphore, #tpu.memory_space<semaphore_mem>>
      %dma_start3A = arith.constant 0 : i32
      %dma_start3A_19 = arith.constant 0 : i32
      %dma_start3A_20 = tpu.memref_slice %arg10[%dma_start3A, %dma_start3A_19] : memref<50000x32xf32, #tpu.memory_space<vmem_shared>> -> memref<50000x32xf32, #tpu.memory_space<vmem_shared>>
      tpu.enqueue_indirect_dma source(%arg9 : memref<112x32xf32, #tpu.memory_space<vmem>>) target(%dma_start3A_20 : memref<50000x32xf32, #tpu.memory_space<vmem_shared>>) offsets(%arg8 : memref<112xi32, #tpu.memory_space<vmem>>) semaphore(%run_scoped3A : memref<!tpu.dma_semaphore, #tpu.memory_space<semaphore_mem>>) {add = true}
      %dma_wait3A = arith.constant 0 : i32
      %dma_wait3A_21 = arith.constant 0 : i32
      %dma_wait3A_22 = tpu.memref_slice %arg10[%dma_wait3A, %dma_wait3A_21] : memref<50000x32xf32, #tpu.memory_space<vmem_shared>> -> memref<50000x32xf32, #tpu.memory_space<vmem_shared>>
      tpu.wait_indirect_dma semaphore(%run_scoped3A : memref<!tpu.dma_semaphore, #tpu.memory_space<semaphore_mem>>) src(%arg9 : memref<112x32xf32, #tpu.memory_space<vmem>>) dst(%dma_wait3A_22 : memref<50000x32xf32, #tpu.memory_space<vmem_shared>>)
      tpu.yield
    }) : () -> ()
    %barrier3A_14 = arith.constant 0 : index
    tpu.barrier barrier_id(%barrier3A_14)
    %mul3A_15 = arith.constant 3125 : i32
    %mul3A_16 = arith.muli %arg1, %mul3A_15 : i32
    %mul3A_17 = arith.constant 3125 : i32
    %mul3A_18 = arith.muli %arg1, %mul3A_17 : i32
    "tpu.region"() ({
      %run_scoped3A = tpu.sem_alloc : memref<!tpu.dma_semaphore, #tpu.memory_space<semaphore_mem>>
      %dma_start3A = arith.constant 0 : i32
      %dma_start3A_19 = arith.constant 0 : i32
      %dma_start3A_20 = tpu.memref_slice %arg5[%arg0, %dma_start3A, %dma_start3A_19] : memref<2x50000x32xf32, #tpu.memory_space<hbm>> -> memref<1x50000x32xf32, #tpu.memory_space<hbm>>
      %dma_start3A_21 = tpu.memref_squeeze %dma_start3A_20 : memref<1x50000x32xf32, #tpu.memory_space<hbm>> -> memref<50000x32xf32, #tpu.memory_space<hbm>>
      %dma_start3A_22 = arith.constant 0 : i32
      %dma_start3A_23 = tpu.memref_slice %dma_start3A_21[%mul3A_18, %dma_start3A_22] : memref<50000x32xf32, #tpu.memory_space<hbm>> -> memref<3125x32xf32, #tpu.memory_space<hbm>>
      %dma_start3A_24 = arith.constant 0 : i32
      %dma_start3A_25 = tpu.memref_slice %arg10[%mul3A_16, %dma_start3A_24] : memref<50000x32xf32, #tpu.memory_space<vmem_shared>> -> memref<3125x32xf32, #tpu.memory_space<vmem_shared>>
      tpu.enqueue_dma source(%dma_start3A_25 : memref<3125x32xf32, #tpu.memory_space<vmem_shared>>) target(%dma_start3A_23 : memref<3125x32xf32, #tpu.memory_space<hbm>>) target_semaphore(%run_scoped3A : memref<!tpu.dma_semaphore, #tpu.memory_space<semaphore_mem>>)
      %dma_wait3A = arith.constant 0 : i32
      %dma_wait3A_26 = arith.constant 0 : i32
      %dma_wait3A_27 = tpu.memref_slice %arg5[%arg0, %dma_wait3A, %dma_wait3A_26] : memref<2x50000x32xf32, #tpu.memory_space<hbm>> -> memref<1x50000x32xf32, #tpu.memory_space<hbm>>
      %dma_wait3A_28 = tpu.memref_squeeze %dma_wait3A_27 : memref<1x50000x32xf32, #tpu.memory_space<hbm>> -> memref<50000x32xf32, #tpu.memory_space<hbm>>
      %dma_wait3A_29 = arith.constant 0 : i32
      %dma_wait3A_30 = tpu.memref_slice %dma_wait3A_28[%mul3A_18, %dma_wait3A_29] : memref<50000x32xf32, #tpu.memory_space<hbm>> -> memref<3125x32xf32, #tpu.memory_space<hbm>>
      %dma_wait3A_31 = arith.constant 0 : i32
      %dma_wait3A_32 = tpu.memref_slice %arg10[%mul3A_16, %dma_wait3A_31] : memref<50000x32xf32, #tpu.memory_space<vmem_shared>> -> memref<3125x32xf32, #tpu.memory_space<vmem_shared>>
      tpu.wait_dma2 semaphore(%run_scoped3A : memref<!tpu.dma_semaphore, #tpu.memory_space<semaphore_mem>>) src(%dma_wait3A_32 : memref<3125x32xf32, #tpu.memory_space<vmem_shared>>) dst(%dma_wait3A_30 : memref<3125x32xf32, #tpu.memory_space<hbm>>)
      tpu.yield
    }) : () -> ()
    return
  }
}

#map = affine_map<(d0, d1) -> (0, 0)>
#map1 = affine_map<(d0, d1) -> (0)>
#map2 = affine_map<(d0, d1) -> (0, 0, 0)>
module attributes {stable_mosaic.version = 14 : i64} {
  func.func @body(%arg0: i32, %arg1: i32, %arg2: memref<403200x32xf32, #tpu.memory_space<hbm>>, %arg3: memref<403200xi32, #tpu.memory_space<hbm>>, %arg4: memref<50000x32xf32, #tpu.memory_space<hbm>>, %arg5: memref<2x50000x32xf32, #tpu.memory_space<hbm>>, %arg6: memref<128xi32, #tpu.memory_space<vmem>>, %arg7: memref<128x32xf32, #tpu.memory_space<vmem>>, %arg8: memref<56xi32, #tpu.memory_space<vmem>>, %arg9: memref<56x32xf32, #tpu.memory_space<vmem>>, %arg10: memref<50000x32xf32, #tpu.memory_space<vmem_shared>>) attributes {dimension_semantics = [#tpu.dimension_semantics<core_parallel>, #tpu.dimension_semantics<subcore_parallel>], iteration_bounds = array<i64: 2, 16>, scalar_prefetch = 0 : i64, scratch_operands = 5 : i64, tpu.core_type = #tpu.core_type<sc_vector_subcore>, window_params = [{transform_indices = #map}, {transform_indices = #map1}, {transform_indices = #map}, {transform_indices = #map2}]} {
    %mul3A = arith.constant 2 : i32
    %mul3A_0 = arith.muli %arg1, %mul3A : i32
    %add3A = arith.addi %mul3A_0, %arg0 : i32
    %mul3A_1 = arith.constant 12600 : i32
    %mul3A_2 = arith.muli %add3A, %mul3A_1 : i32
    %mul3A_3 = arith.constant 3125 : i32
    %mul3A_4 = arith.muli %arg1, %mul3A_3 : i32
    %mul3A_5 = arith.constant 3125 : i32
    %mul3A_6 = arith.muli %arg1, %mul3A_5 : i32
    "tpu.region"() ({
      %run_scoped3A = tpu.sem_alloc : memref<!tpu.dma_semaphore, #tpu.memory_space<semaphore_mem>>
      %dma_start3A = arith.constant 0 : i32
      %dma_start3A_19 = tpu.memref_slice %arg10[%mul3A_6, %dma_start3A] : memref<50000x32xf32, #tpu.memory_space<vmem_shared>> -> memref<3125x32xf32, #tpu.memory_space<vmem_shared>>
      %dma_start3A_20 = arith.constant 0 : i32
      %dma_start3A_21 = tpu.memref_slice %arg4[%mul3A_4, %dma_start3A_20] : memref<50000x32xf32, #tpu.memory_space<hbm>> -> memref<3125x32xf32, #tpu.memory_space<hbm>>
      tpu.enqueue_dma source(%dma_start3A_21 : memref<3125x32xf32, #tpu.memory_space<hbm>>) target(%dma_start3A_19 : memref<3125x32xf32, #tpu.memory_space<vmem_shared>>) target_semaphore(%run_scoped3A : memref<!tpu.dma_semaphore, #tpu.memory_space<semaphore_mem>>)
      %dma_wait3A = arith.constant 0 : i32
      %dma_wait3A_22 = tpu.memref_slice %arg10[%mul3A_6, %dma_wait3A] : memref<50000x32xf32, #tpu.memory_space<vmem_shared>> -> memref<3125x32xf32, #tpu.memory_space<vmem_shared>>
      %dma_wait3A_23 = arith.constant 0 : i32
      %dma_wait3A_24 = tpu.memref_slice %arg4[%mul3A_4, %dma_wait3A_23] : memref<50000x32xf32, #tpu.memory_space<hbm>> -> memref<3125x32xf32, #tpu.memory_space<hbm>>
      tpu.wait_dma2 semaphore(%run_scoped3A : memref<!tpu.dma_semaphore, #tpu.memory_space<semaphore_mem>>) src(%dma_wait3A_24 : memref<3125x32xf32, #tpu.memory_space<hbm>>) dst(%dma_wait3A_22 : memref<3125x32xf32, #tpu.memory_space<vmem_shared>>)
      tpu.yield
    }) : () -> ()
    %barrier3A = arith.constant 0 : index
    tpu.barrier barrier_id(%barrier3A)
    %scan3A = arith.constant 0 : i32
    %scan3A_7 = arith.constant 0 : i32
    %scan3A_8 = arith.constant 98 : i32
    %scan3A_9 = arith.addi %scan3A_7, %scan3A_8 : i32
    %scan3A_10 = arith.constant 1 : i32
    scf.for %scan3A_19 = %scan3A_7 to %scan3A_9 step %scan3A_10  : i32 {
      %mul3A_20 = arith.constant 128 : i32
      %mul3A_21 = arith.muli %mul3A_20, %scan3A_19 : i32
      %add3A_22 = arith.addi %mul3A_2, %mul3A_21 : i32
      "tpu.region"() ({
        %run_scoped3A = tpu.sem_alloc : memref<!tpu.dma_semaphore, #tpu.memory_space<semaphore_mem>>
        %dma_start3A = tpu.memref_slice %arg3[%add3A_22] : memref<403200xi32, #tpu.memory_space<hbm>> -> memref<128xi32, #tpu.memory_space<hbm>>
        %dma_start3A_23 = tpu.memref_slice %arg3[%add3A_22] : memref<403200xi32, #tpu.memory_space<hbm>> -> memref<128xi32, #tpu.memory_space<hbm>>
        tpu.enqueue_dma source(%dma_start3A_23 : memref<128xi32, #tpu.memory_space<hbm>>) target(%arg6 : memref<128xi32, #tpu.memory_space<vmem>>) target_semaphore(%run_scoped3A : memref<!tpu.dma_semaphore, #tpu.memory_space<semaphore_mem>>)
        %dma_wait3A = tpu.memref_slice %arg3[%add3A_22] : memref<403200xi32, #tpu.memory_space<hbm>> -> memref<128xi32, #tpu.memory_space<hbm>>
        %dma_wait3A_24 = tpu.memref_slice %arg3[%add3A_22] : memref<403200xi32, #tpu.memory_space<hbm>> -> memref<128xi32, #tpu.memory_space<hbm>>
        tpu.wait_dma2 semaphore(%run_scoped3A : memref<!tpu.dma_semaphore, #tpu.memory_space<semaphore_mem>>) src(%dma_wait3A_24 : memref<128xi32, #tpu.memory_space<hbm>>) dst(%arg6 : memref<128xi32, #tpu.memory_space<vmem>>)
        tpu.yield
      }) : () -> ()
      "tpu.region"() ({
        %run_scoped3A = tpu.sem_alloc : memref<!tpu.dma_semaphore, #tpu.memory_space<semaphore_mem>>
        %dma_start3A = arith.constant 0 : i32
        %dma_start3A_23 = tpu.memref_slice %arg2[%add3A_22, %dma_start3A] : memref<403200x32xf32, #tpu.memory_space<hbm>> -> memref<128x32xf32, #tpu.memory_space<hbm>>
        %dma_start3A_24 = arith.constant 0 : i32
        %dma_start3A_25 = tpu.memref_slice %arg2[%add3A_22, %dma_start3A_24] : memref<403200x32xf32, #tpu.memory_space<hbm>> -> memref<128x32xf32, #tpu.memory_space<hbm>>
        tpu.enqueue_dma source(%dma_start3A_25 : memref<128x32xf32, #tpu.memory_space<hbm>>) target(%arg7 : memref<128x32xf32, #tpu.memory_space<vmem>>) target_semaphore(%run_scoped3A : memref<!tpu.dma_semaphore, #tpu.memory_space<semaphore_mem>>)
        %dma_wait3A = arith.constant 0 : i32
        %dma_wait3A_26 = tpu.memref_slice %arg2[%add3A_22, %dma_wait3A] : memref<403200x32xf32, #tpu.memory_space<hbm>> -> memref<128x32xf32, #tpu.memory_space<hbm>>
        %dma_wait3A_27 = arith.constant 0 : i32
        %dma_wait3A_28 = tpu.memref_slice %arg2[%add3A_22, %dma_wait3A_27] : memref<403200x32xf32, #tpu.memory_space<hbm>> -> memref<128x32xf32, #tpu.memory_space<hbm>>
        tpu.wait_dma2 semaphore(%run_scoped3A : memref<!tpu.dma_semaphore, #tpu.memory_space<semaphore_mem>>) src(%dma_wait3A_28 : memref<128x32xf32, #tpu.memory_space<hbm>>) dst(%arg7 : memref<128x32xf32, #tpu.memory_space<vmem>>)
        tpu.yield
      }) : () -> ()
      "tpu.region"() ({
        %run_scoped3A = tpu.sem_alloc : memref<!tpu.dma_semaphore, #tpu.memory_space<semaphore_mem>>
        %dma_start3A = arith.constant 0 : i32
        %dma_start3A_23 = arith.constant 0 : i32
        %dma_start3A_24 = tpu.memref_slice %arg10[%dma_start3A, %dma_start3A_23] : memref<50000x32xf32, #tpu.memory_space<vmem_shared>> -> memref<50000x32xf32, #tpu.memory_space<vmem_shared>>
        tpu.enqueue_indirect_dma source(%arg7 : memref<128x32xf32, #tpu.memory_space<vmem>>) target(%dma_start3A_24 : memref<50000x32xf32, #tpu.memory_space<vmem_shared>>) offsets(%arg6 : memref<128xi32, #tpu.memory_space<vmem>>) semaphore(%run_scoped3A : memref<!tpu.dma_semaphore, #tpu.memory_space<semaphore_mem>>) {add = true}
        %dma_wait3A = arith.constant 0 : i32
        %dma_wait3A_25 = arith.constant 0 : i32
        %dma_wait3A_26 = tpu.memref_slice %arg10[%dma_wait3A, %dma_wait3A_25] : memref<50000x32xf32, #tpu.memory_space<vmem_shared>> -> memref<50000x32xf32, #tpu.memory_space<vmem_shared>>
        tpu.wait_indirect_dma semaphore(%run_scoped3A : memref<!tpu.dma_semaphore, #tpu.memory_space<semaphore_mem>>) src(%arg7 : memref<128x32xf32, #tpu.memory_space<vmem>>) dst(%dma_wait3A_26 : memref<50000x32xf32, #tpu.memory_space<vmem_shared>>)
        tpu.yield
      }) : () -> ()
    }
    %scan3A_11 = arith.constant 98 : i32
    %add3A_12 = arith.constant 12544 : i32
    %add3A_13 = arith.addi %mul3A_2, %add3A_12 : i32
    "tpu.region"() ({
      %run_scoped3A = tpu.sem_alloc : memref<!tpu.dma_semaphore, #tpu.memory_space<semaphore_mem>>
      %dma_start3A = tpu.memref_slice %arg3[%add3A_13] : memref<403200xi32, #tpu.memory_space<hbm>> -> memref<56xi32, #tpu.memory_space<hbm>>
      %dma_start3A_19 = tpu.memref_slice %arg3[%add3A_13] : memref<403200xi32, #tpu.memory_space<hbm>> -> memref<56xi32, #tpu.memory_space<hbm>>
      tpu.enqueue_dma source(%dma_start3A_19 : memref<56xi32, #tpu.memory_space<hbm>>) target(%arg8 : memref<56xi32, #tpu.memory_space<vmem>>) target_semaphore(%run_scoped3A : memref<!tpu.dma_semaphore, #tpu.memory_space<semaphore_mem>>)
      %dma_wait3A = tpu.memref_slice %arg3[%add3A_13] : memref<403200xi32, #tpu.memory_space<hbm>> -> memref<56xi32, #tpu.memory_space<hbm>>
      %dma_wait3A_20 = tpu.memref_slice %arg3[%add3A_13] : memref<403200xi32, #tpu.memory_space<hbm>> -> memref<56xi32, #tpu.memory_space<hbm>>
      tpu.wait_dma2 semaphore(%run_scoped3A : memref<!tpu.dma_semaphore, #tpu.memory_space<semaphore_mem>>) src(%dma_wait3A_20 : memref<56xi32, #tpu.memory_space<hbm>>) dst(%arg8 : memref<56xi32, #tpu.memory_space<vmem>>)
      tpu.yield
    }) : () -> ()
    "tpu.region"() ({
      %run_scoped3A = tpu.sem_alloc : memref<!tpu.dma_semaphore, #tpu.memory_space<semaphore_mem>>
      %dma_start3A = arith.constant 0 : i32
      %dma_start3A_19 = tpu.memref_slice %arg2[%add3A_13, %dma_start3A] : memref<403200x32xf32, #tpu.memory_space<hbm>> -> memref<56x32xf32, #tpu.memory_space<hbm>>
      %dma_start3A_20 = arith.constant 0 : i32
      %dma_start3A_21 = tpu.memref_slice %arg2[%add3A_13, %dma_start3A_20] : memref<403200x32xf32, #tpu.memory_space<hbm>> -> memref<56x32xf32, #tpu.memory_space<hbm>>
      tpu.enqueue_dma source(%dma_start3A_21 : memref<56x32xf32, #tpu.memory_space<hbm>>) target(%arg9 : memref<56x32xf32, #tpu.memory_space<vmem>>) target_semaphore(%run_scoped3A : memref<!tpu.dma_semaphore, #tpu.memory_space<semaphore_mem>>)
      %dma_wait3A = arith.constant 0 : i32
      %dma_wait3A_22 = tpu.memref_slice %arg2[%add3A_13, %dma_wait3A] : memref<403200x32xf32, #tpu.memory_space<hbm>> -> memref<56x32xf32, #tpu.memory_space<hbm>>
      %dma_wait3A_23 = arith.constant 0 : i32
      %dma_wait3A_24 = tpu.memref_slice %arg2[%add3A_13, %dma_wait3A_23] : memref<403200x32xf32, #tpu.memory_space<hbm>> -> memref<56x32xf32, #tpu.memory_space<hbm>>
      tpu.wait_dma2 semaphore(%run_scoped3A : memref<!tpu.dma_semaphore, #tpu.memory_space<semaphore_mem>>) src(%dma_wait3A_24 : memref<56x32xf32, #tpu.memory_space<hbm>>) dst(%arg9 : memref<56x32xf32, #tpu.memory_space<vmem>>)
      tpu.yield
    }) : () -> ()
    "tpu.region"() ({
      %run_scoped3A = tpu.sem_alloc : memref<!tpu.dma_semaphore, #tpu.memory_space<semaphore_mem>>
      %dma_start3A = arith.constant 0 : i32
      %dma_start3A_19 = arith.constant 0 : i32
      %dma_start3A_20 = tpu.memref_slice %arg10[%dma_start3A, %dma_start3A_19] : memref<50000x32xf32, #tpu.memory_space<vmem_shared>> -> memref<50000x32xf32, #tpu.memory_space<vmem_shared>>
      tpu.enqueue_indirect_dma source(%arg9 : memref<56x32xf32, #tpu.memory_space<vmem>>) target(%dma_start3A_20 : memref<50000x32xf32, #tpu.memory_space<vmem_shared>>) offsets(%arg8 : memref<56xi32, #tpu.memory_space<vmem>>) semaphore(%run_scoped3A : memref<!tpu.dma_semaphore, #tpu.memory_space<semaphore_mem>>) {add = true}
      %dma_wait3A = arith.constant 0 : i32
      %dma_wait3A_21 = arith.constant 0 : i32
      %dma_wait3A_22 = tpu.memref_slice %arg10[%dma_wait3A, %dma_wait3A_21] : memref<50000x32xf32, #tpu.memory_space<vmem_shared>> -> memref<50000x32xf32, #tpu.memory_space<vmem_shared>>
      tpu.wait_indirect_dma semaphore(%run_scoped3A : memref<!tpu.dma_semaphore, #tpu.memory_space<semaphore_mem>>) src(%arg9 : memref<56x32xf32, #tpu.memory_space<vmem>>) dst(%dma_wait3A_22 : memref<50000x32xf32, #tpu.memory_space<vmem_shared>>)
      tpu.yield
    }) : () -> ()
    %barrier3A_14 = arith.constant 0 : index
    tpu.barrier barrier_id(%barrier3A_14)
    %mul3A_15 = arith.constant 3125 : i32
    %mul3A_16 = arith.muli %arg1, %mul3A_15 : i32
    %mul3A_17 = arith.constant 3125 : i32
    %mul3A_18 = arith.muli %arg1, %mul3A_17 : i32
    "tpu.region"() ({
      %run_scoped3A = tpu.sem_alloc : memref<!tpu.dma_semaphore, #tpu.memory_space<semaphore_mem>>
      %dma_start3A = arith.constant 0 : i32
      %dma_start3A_19 = arith.constant 0 : i32
      %dma_start3A_20 = tpu.memref_slice %arg5[%arg0, %dma_start3A, %dma_start3A_19] : memref<2x50000x32xf32, #tpu.memory_space<hbm>> -> memref<1x50000x32xf32, #tpu.memory_space<hbm>>
      %dma_start3A_21 = tpu.memref_squeeze %dma_start3A_20 : memref<1x50000x32xf32, #tpu.memory_space<hbm>> -> memref<50000x32xf32, #tpu.memory_space<hbm>>
      %dma_start3A_22 = arith.constant 0 : i32
      %dma_start3A_23 = tpu.memref_slice %dma_start3A_21[%mul3A_18, %dma_start3A_22] : memref<50000x32xf32, #tpu.memory_space<hbm>> -> memref<3125x32xf32, #tpu.memory_space<hbm>>
      %dma_start3A_24 = arith.constant 0 : i32
      %dma_start3A_25 = tpu.memref_slice %arg10[%mul3A_16, %dma_start3A_24] : memref<50000x32xf32, #tpu.memory_space<vmem_shared>> -> memref<3125x32xf32, #tpu.memory_space<vmem_shared>>
      tpu.enqueue_dma source(%dma_start3A_25 : memref<3125x32xf32, #tpu.memory_space<vmem_shared>>) target(%dma_start3A_23 : memref<3125x32xf32, #tpu.memory_space<hbm>>) target_semaphore(%run_scoped3A : memref<!tpu.dma_semaphore, #tpu.memory_space<semaphore_mem>>)
      %dma_wait3A = arith.constant 0 : i32
      %dma_wait3A_26 = arith.constant 0 : i32
      %dma_wait3A_27 = tpu.memref_slice %arg5[%arg0, %dma_wait3A, %dma_wait3A_26] : memref<2x50000x32xf32, #tpu.memory_space<hbm>> -> memref<1x50000x32xf32, #tpu.memory_space<hbm>>
      %dma_wait3A_28 = tpu.memref_squeeze %dma_wait3A_27 : memref<1x50000x32xf32, #tpu.memory_space<hbm>> -> memref<50000x32xf32, #tpu.memory_space<hbm>>
      %dma_wait3A_29 = arith.constant 0 : i32
      %dma_wait3A_30 = tpu.memref_slice %dma_wait3A_28[%mul3A_18, %dma_wait3A_29] : memref<50000x32xf32, #tpu.memory_space<hbm>> -> memref<3125x32xf32, #tpu.memory_space<hbm>>
      %dma_wait3A_31 = arith.constant 0 : i32
      %dma_wait3A_32 = tpu.memref_slice %arg10[%mul3A_16, %dma_wait3A_31] : memref<50000x32xf32, #tpu.memory_space<vmem_shared>> -> memref<3125x32xf32, #tpu.memory_space<vmem_shared>>
      tpu.wait_dma2 semaphore(%run_scoped3A : memref<!tpu.dma_semaphore, #tpu.memory_space<semaphore_mem>>) src(%dma_wait3A_32 : memref<3125x32xf32, #tpu.memory_space<vmem_shared>>) dst(%dma_wait3A_30 : memref<3125x32xf32, #tpu.memory_space<hbm>>)
      tpu.yield
    }) : () -> ()
    return
  }
}

#map = affine_map<(d0, d1) -> (0, 0)>
#map1 = affine_map<(d0, d1) -> (0)>
#map2 = affine_map<(d0, d1) -> (0, 0, 0)>
module attributes {stable_mosaic.version = 14 : i64} {
  func.func @body(%arg0: i32, %arg1: i32, %arg2: memref<403200x8xf32, #tpu.memory_space<hbm>>, %arg3: memref<403200xi32, #tpu.memory_space<hbm>>, %arg4: memref<50000x8xf32, #tpu.memory_space<hbm>>, %arg5: memref<2x50000x8xf32, #tpu.memory_space<hbm>>, %arg6: memref<128xi32, #tpu.memory_space<vmem>>, %arg7: memref<128x8xf32, #tpu.memory_space<vmem>>, %arg8: memref<56xi32, #tpu.memory_space<vmem>>, %arg9: memref<56x8xf32, #tpu.memory_space<vmem>>, %arg10: memref<50000x8xf32, #tpu.memory_space<vmem_shared>>) attributes {dimension_semantics = [#tpu.dimension_semantics<core_parallel>, #tpu.dimension_semantics<subcore_parallel>], iteration_bounds = array<i64: 2, 16>, scalar_prefetch = 0 : i64, scratch_operands = 5 : i64, tpu.core_type = #tpu.core_type<sc_vector_subcore>, window_params = [{transform_indices = #map}, {transform_indices = #map1}, {transform_indices = #map}, {transform_indices = #map2}]} {
    %mul3A = arith.constant 2 : i32
    %mul3A_0 = arith.muli %arg1, %mul3A : i32
    %add3A = arith.addi %mul3A_0, %arg0 : i32
    %mul3A_1 = arith.constant 12600 : i32
    %mul3A_2 = arith.muli %add3A, %mul3A_1 : i32
    %mul3A_3 = arith.constant 3125 : i32
    %mul3A_4 = arith.muli %arg1, %mul3A_3 : i32
    %mul3A_5 = arith.constant 3125 : i32
    %mul3A_6 = arith.muli %arg1, %mul3A_5 : i32
    "tpu.region"() ({
      %run_scoped3A = tpu.sem_alloc : memref<!tpu.dma_semaphore, #tpu.memory_space<semaphore_mem>>
      %dma_start3A = arith.constant 0 : i32
      %dma_start3A_19 = tpu.memref_slice %arg10[%mul3A_6, %dma_start3A] : memref<50000x8xf32, #tpu.memory_space<vmem_shared>> -> memref<3125x8xf32, #tpu.memory_space<vmem_shared>>
      %dma_start3A_20 = arith.constant 0 : i32
      %dma_start3A_21 = tpu.memref_slice %arg4[%mul3A_4, %dma_start3A_20] : memref<50000x8xf32, #tpu.memory_space<hbm>> -> memref<3125x8xf32, #tpu.memory_space<hbm>>
      tpu.enqueue_dma source(%dma_start3A_21 : memref<3125x8xf32, #tpu.memory_space<hbm>>) target(%dma_start3A_19 : memref<3125x8xf32, #tpu.memory_space<vmem_shared>>) target_semaphore(%run_scoped3A : memref<!tpu.dma_semaphore, #tpu.memory_space<semaphore_mem>>)
      %dma_wait3A = arith.constant 0 : i32
      %dma_wait3A_22 = tpu.memref_slice %arg10[%mul3A_6, %dma_wait3A] : memref<50000x8xf32, #tpu.memory_space<vmem_shared>> -> memref<3125x8xf32, #tpu.memory_space<vmem_shared>>
      %dma_wait3A_23 = arith.constant 0 : i32
      %dma_wait3A_24 = tpu.memref_slice %arg4[%mul3A_4, %dma_wait3A_23] : memref<50000x8xf32, #tpu.memory_space<hbm>> -> memref<3125x8xf32, #tpu.memory_space<hbm>>
      tpu.wait_dma2 semaphore(%run_scoped3A : memref<!tpu.dma_semaphore, #tpu.memory_space<semaphore_mem>>) src(%dma_wait3A_24 : memref<3125x8xf32, #tpu.memory_space<hbm>>) dst(%dma_wait3A_22 : memref<3125x8xf32, #tpu.memory_space<vmem_shared>>)
      tpu.yield
    }) : () -> ()
    %barrier3A = arith.constant 0 : index
    tpu.barrier barrier_id(%barrier3A)
    %scan3A = arith.constant 0 : i32
    %scan3A_7 = arith.constant 0 : i32
    %scan3A_8 = arith.constant 98 : i32
    %scan3A_9 = arith.addi %scan3A_7, %scan3A_8 : i32
    %scan3A_10 = arith.constant 1 : i32
    scf.for %scan3A_19 = %scan3A_7 to %scan3A_9 step %scan3A_10  : i32 {
      %mul3A_20 = arith.constant 128 : i32
      %mul3A_21 = arith.muli %mul3A_20, %scan3A_19 : i32
      %add3A_22 = arith.addi %mul3A_2, %mul3A_21 : i32
      "tpu.region"() ({
        %run_scoped3A = tpu.sem_alloc : memref<!tpu.dma_semaphore, #tpu.memory_space<semaphore_mem>>
        %dma_start3A = tpu.memref_slice %arg3[%add3A_22] : memref<403200xi32, #tpu.memory_space<hbm>> -> memref<128xi32, #tpu.memory_space<hbm>>
        %dma_start3A_23 = tpu.memref_slice %arg3[%add3A_22] : memref<403200xi32, #tpu.memory_space<hbm>> -> memref<128xi32, #tpu.memory_space<hbm>>
        tpu.enqueue_dma source(%dma_start3A_23 : memref<128xi32, #tpu.memory_space<hbm>>) target(%arg6 : memref<128xi32, #tpu.memory_space<vmem>>) target_semaphore(%run_scoped3A : memref<!tpu.dma_semaphore, #tpu.memory_space<semaphore_mem>>)
        %dma_wait3A = tpu.memref_slice %arg3[%add3A_22] : memref<403200xi32, #tpu.memory_space<hbm>> -> memref<128xi32, #tpu.memory_space<hbm>>
        %dma_wait3A_24 = tpu.memref_slice %arg3[%add3A_22] : memref<403200xi32, #tpu.memory_space<hbm>> -> memref<128xi32, #tpu.memory_space<hbm>>
        tpu.wait_dma2 semaphore(%run_scoped3A : memref<!tpu.dma_semaphore, #tpu.memory_space<semaphore_mem>>) src(%dma_wait3A_24 : memref<128xi32, #tpu.memory_space<hbm>>) dst(%arg6 : memref<128xi32, #tpu.memory_space<vmem>>)
        tpu.yield
      }) : () -> ()
      "tpu.region"() ({
        %run_scoped3A = tpu.sem_alloc : memref<!tpu.dma_semaphore, #tpu.memory_space<semaphore_mem>>
        %dma_start3A = arith.constant 0 : i32
        %dma_start3A_23 = tpu.memref_slice %arg2[%add3A_22, %dma_start3A] : memref<403200x8xf32, #tpu.memory_space<hbm>> -> memref<128x8xf32, #tpu.memory_space<hbm>>
        %dma_start3A_24 = arith.constant 0 : i32
        %dma_start3A_25 = tpu.memref_slice %arg2[%add3A_22, %dma_start3A_24] : memref<403200x8xf32, #tpu.memory_space<hbm>> -> memref<128x8xf32, #tpu.memory_space<hbm>>
        tpu.enqueue_dma source(%dma_start3A_25 : memref<128x8xf32, #tpu.memory_space<hbm>>) target(%arg7 : memref<128x8xf32, #tpu.memory_space<vmem>>) target_semaphore(%run_scoped3A : memref<!tpu.dma_semaphore, #tpu.memory_space<semaphore_mem>>)
        %dma_wait3A = arith.constant 0 : i32
        %dma_wait3A_26 = tpu.memref_slice %arg2[%add3A_22, %dma_wait3A] : memref<403200x8xf32, #tpu.memory_space<hbm>> -> memref<128x8xf32, #tpu.memory_space<hbm>>
        %dma_wait3A_27 = arith.constant 0 : i32
        %dma_wait3A_28 = tpu.memref_slice %arg2[%add3A_22, %dma_wait3A_27] : memref<403200x8xf32, #tpu.memory_space<hbm>> -> memref<128x8xf32, #tpu.memory_space<hbm>>
        tpu.wait_dma2 semaphore(%run_scoped3A : memref<!tpu.dma_semaphore, #tpu.memory_space<semaphore_mem>>) src(%dma_wait3A_28 : memref<128x8xf32, #tpu.memory_space<hbm>>) dst(%arg7 : memref<128x8xf32, #tpu.memory_space<vmem>>)
        tpu.yield
      }) : () -> ()
      "tpu.region"() ({
        %run_scoped3A = tpu.sem_alloc : memref<!tpu.dma_semaphore, #tpu.memory_space<semaphore_mem>>
        %dma_start3A = arith.constant 0 : i32
        %dma_start3A_23 = arith.constant 0 : i32
        %dma_start3A_24 = tpu.memref_slice %arg10[%dma_start3A, %dma_start3A_23] : memref<50000x8xf32, #tpu.memory_space<vmem_shared>> -> memref<50000x8xf32, #tpu.memory_space<vmem_shared>>
        tpu.enqueue_indirect_dma source(%arg7 : memref<128x8xf32, #tpu.memory_space<vmem>>) target(%dma_start3A_24 : memref<50000x8xf32, #tpu.memory_space<vmem_shared>>) offsets(%arg6 : memref<128xi32, #tpu.memory_space<vmem>>) semaphore(%run_scoped3A : memref<!tpu.dma_semaphore, #tpu.memory_space<semaphore_mem>>) {add = true}
        %dma_wait3A = arith.constant 0 : i32
        %dma_wait3A_25 = arith.constant 0 : i32
        %dma_wait3A_26 = tpu.memref_slice %arg10[%dma_wait3A, %dma_wait3A_25] : memref<50000x8xf32, #tpu.memory_space<vmem_shared>> -> memref<50000x8xf32, #tpu.memory_space<vmem_shared>>
        tpu.wait_indirect_dma semaphore(%run_scoped3A : memref<!tpu.dma_semaphore, #tpu.memory_space<semaphore_mem>>) src(%arg7 : memref<128x8xf32, #tpu.memory_space<vmem>>) dst(%dma_wait3A_26 : memref<50000x8xf32, #tpu.memory_space<vmem_shared>>)
        tpu.yield
      }) : () -> ()
    }
    %scan3A_11 = arith.constant 98 : i32
    %add3A_12 = arith.constant 12544 : i32
    %add3A_13 = arith.addi %mul3A_2, %add3A_12 : i32
    "tpu.region"() ({
      %run_scoped3A = tpu.sem_alloc : memref<!tpu.dma_semaphore, #tpu.memory_space<semaphore_mem>>
      %dma_start3A = tpu.memref_slice %arg3[%add3A_13] : memref<403200xi32, #tpu.memory_space<hbm>> -> memref<56xi32, #tpu.memory_space<hbm>>
      %dma_start3A_19 = tpu.memref_slice %arg3[%add3A_13] : memref<403200xi32, #tpu.memory_space<hbm>> -> memref<56xi32, #tpu.memory_space<hbm>>
      tpu.enqueue_dma source(%dma_start3A_19 : memref<56xi32, #tpu.memory_space<hbm>>) target(%arg8 : memref<56xi32, #tpu.memory_space<vmem>>) target_semaphore(%run_scoped3A : memref<!tpu.dma_semaphore, #tpu.memory_space<semaphore_mem>>)
      %dma_wait3A = tpu.memref_slice %arg3[%add3A_13] : memref<403200xi32, #tpu.memory_space<hbm>> -> memref<56xi32, #tpu.memory_space<hbm>>
      %dma_wait3A_20 = tpu.memref_slice %arg3[%add3A_13] : memref<403200xi32, #tpu.memory_space<hbm>> -> memref<56xi32, #tpu.memory_space<hbm>>
      tpu.wait_dma2 semaphore(%run_scoped3A : memref<!tpu.dma_semaphore, #tpu.memory_space<semaphore_mem>>) src(%dma_wait3A_20 : memref<56xi32, #tpu.memory_space<hbm>>) dst(%arg8 : memref<56xi32, #tpu.memory_space<vmem>>)
      tpu.yield
    }) : () -> ()
    "tpu.region"() ({
      %run_scoped3A = tpu.sem_alloc : memref<!tpu.dma_semaphore, #tpu.memory_space<semaphore_mem>>
      %dma_start3A = arith.constant 0 : i32
      %dma_start3A_19 = tpu.memref_slice %arg2[%add3A_13, %dma_start3A] : memref<403200x8xf32, #tpu.memory_space<hbm>> -> memref<56x8xf32, #tpu.memory_space<hbm>>
      %dma_start3A_20 = arith.constant 0 : i32
      %dma_start3A_21 = tpu.memref_slice %arg2[%add3A_13, %dma_start3A_20] : memref<403200x8xf32, #tpu.memory_space<hbm>> -> memref<56x8xf32, #tpu.memory_space<hbm>>
      tpu.enqueue_dma source(%dma_start3A_21 : memref<56x8xf32, #tpu.memory_space<hbm>>) target(%arg9 : memref<56x8xf32, #tpu.memory_space<vmem>>) target_semaphore(%run_scoped3A : memref<!tpu.dma_semaphore, #tpu.memory_space<semaphore_mem>>)
      %dma_wait3A = arith.constant 0 : i32
      %dma_wait3A_22 = tpu.memref_slice %arg2[%add3A_13, %dma_wait3A] : memref<403200x8xf32, #tpu.memory_space<hbm>> -> memref<56x8xf32, #tpu.memory_space<hbm>>
      %dma_wait3A_23 = arith.constant 0 : i32
      %dma_wait3A_24 = tpu.memref_slice %arg2[%add3A_13, %dma_wait3A_23] : memref<403200x8xf32, #tpu.memory_space<hbm>> -> memref<56x8xf32, #tpu.memory_space<hbm>>
      tpu.wait_dma2 semaphore(%run_scoped3A : memref<!tpu.dma_semaphore, #tpu.memory_space<semaphore_mem>>) src(%dma_wait3A_24 : memref<56x8xf32, #tpu.memory_space<hbm>>) dst(%arg9 : memref<56x8xf32, #tpu.memory_space<vmem>>)
      tpu.yield
    }) : () -> ()
    "tpu.region"() ({
      %run_scoped3A = tpu.sem_alloc : memref<!tpu.dma_semaphore, #tpu.memory_space<semaphore_mem>>
      %dma_start3A = arith.constant 0 : i32
      %dma_start3A_19 = arith.constant 0 : i32
      %dma_start3A_20 = tpu.memref_slice %arg10[%dma_start3A, %dma_start3A_19] : memref<50000x8xf32, #tpu.memory_space<vmem_shared>> -> memref<50000x8xf32, #tpu.memory_space<vmem_shared>>
      tpu.enqueue_indirect_dma source(%arg9 : memref<56x8xf32, #tpu.memory_space<vmem>>) target(%dma_start3A_20 : memref<50000x8xf32, #tpu.memory_space<vmem_shared>>) offsets(%arg8 : memref<56xi32, #tpu.memory_space<vmem>>) semaphore(%run_scoped3A : memref<!tpu.dma_semaphore, #tpu.memory_space<semaphore_mem>>) {add = true}
      %dma_wait3A = arith.constant 0 : i32
      %dma_wait3A_21 = arith.constant 0 : i32
      %dma_wait3A_22 = tpu.memref_slice %arg10[%dma_wait3A, %dma_wait3A_21] : memref<50000x8xf32, #tpu.memory_space<vmem_shared>> -> memref<50000x8xf32, #tpu.memory_space<vmem_shared>>
      tpu.wait_indirect_dma semaphore(%run_scoped3A : memref<!tpu.dma_semaphore, #tpu.memory_space<semaphore_mem>>) src(%arg9 : memref<56x8xf32, #tpu.memory_space<vmem>>) dst(%dma_wait3A_22 : memref<50000x8xf32, #tpu.memory_space<vmem_shared>>)
      tpu.yield
    }) : () -> ()
    %barrier3A_14 = arith.constant 0 : index
    tpu.barrier barrier_id(%barrier3A_14)
    %mul3A_15 = arith.constant 3125 : i32
    %mul3A_16 = arith.muli %arg1, %mul3A_15 : i32
    %mul3A_17 = arith.constant 3125 : i32
    %mul3A_18 = arith.muli %arg1, %mul3A_17 : i32
    "tpu.region"() ({
      %run_scoped3A = tpu.sem_alloc : memref<!tpu.dma_semaphore, #tpu.memory_space<semaphore_mem>>
      %dma_start3A = arith.constant 0 : i32
      %dma_start3A_19 = arith.constant 0 : i32
      %dma_start3A_20 = tpu.memref_slice %arg5[%arg0, %dma_start3A, %dma_start3A_19] : memref<2x50000x8xf32, #tpu.memory_space<hbm>> -> memref<1x50000x8xf32, #tpu.memory_space<hbm>>
      %dma_start3A_21 = tpu.memref_squeeze %dma_start3A_20 : memref<1x50000x8xf32, #tpu.memory_space<hbm>> -> memref<50000x8xf32, #tpu.memory_space<hbm>>
      %dma_start3A_22 = arith.constant 0 : i32
      %dma_start3A_23 = tpu.memref_slice %dma_start3A_21[%mul3A_18, %dma_start3A_22] : memref<50000x8xf32, #tpu.memory_space<hbm>> -> memref<3125x8xf32, #tpu.memory_space<hbm>>
      %dma_start3A_24 = arith.constant 0 : i32
      %dma_start3A_25 = tpu.memref_slice %arg10[%mul3A_16, %dma_start3A_24] : memref<50000x8xf32, #tpu.memory_space<vmem_shared>> -> memref<3125x8xf32, #tpu.memory_space<vmem_shared>>
      tpu.enqueue_dma source(%dma_start3A_25 : memref<3125x8xf32, #tpu.memory_space<vmem_shared>>) target(%dma_start3A_23 : memref<3125x8xf32, #tpu.memory_space<hbm>>) target_semaphore(%run_scoped3A : memref<!tpu.dma_semaphore, #tpu.memory_space<semaphore_mem>>)
      %dma_wait3A = arith.constant 0 : i32
      %dma_wait3A_26 = arith.constant 0 : i32
      %dma_wait3A_27 = tpu.memref_slice %arg5[%arg0, %dma_wait3A, %dma_wait3A_26] : memref<2x50000x8xf32, #tpu.memory_space<hbm>> -> memref<1x50000x8xf32, #tpu.memory_space<hbm>>
      %dma_wait3A_28 = tpu.memref_squeeze %dma_wait3A_27 : memref<1x50000x8xf32, #tpu.memory_space<hbm>> -> memref<50000x8xf32, #tpu.memory_space<hbm>>
      %dma_wait3A_29 = arith.constant 0 : i32
      %dma_wait3A_30 = tpu.memref_slice %dma_wait3A_28[%mul3A_18, %dma_wait3A_29] : memref<50000x8xf32, #tpu.memory_space<hbm>> -> memref<3125x8xf32, #tpu.memory_space<hbm>>
      %dma_wait3A_31 = arith.constant 0 : i32
      %dma_wait3A_32 = tpu.memref_slice %arg10[%mul3A_16, %dma_wait3A_31] : memref<50000x8xf32, #tpu.memory_space<vmem_shared>> -> memref<3125x8xf32, #tpu.memory_space<vmem_shared>>
      tpu.wait_dma2 semaphore(%run_scoped3A : memref<!tpu.dma_semaphore, #tpu.memory_space<semaphore_mem>>) src(%dma_wait3A_32 : memref<3125x8xf32, #tpu.memory_space<vmem_shared>>) dst(%dma_wait3A_30 : memref<3125x8xf32, #tpu.memory_space<hbm>>)
      tpu.yield
    }) : () -> ()
    return
  }
}

module attributes {stable_mosaic.version = 14 : i64} {
  func.func @_dense_body(%arg0: i32, %arg1: memref<800x128xf32, #tpu.memory_space<vmem>>, %arg2: memref<800x128xf32, #tpu.memory_space<vmem>>, %arg3: memref<800x128xf32, #tpu.memory_space<vmem>>, %arg4: memref<800x128xf32, #tpu.memory_space<vmem>>, %arg5: memref<800x64xf32, #tpu.memory_space<vmem>>, %arg6: memref<128x128xf32, #tpu.memory_space<vmem>>, %arg7: memref<128x128xf32, #tpu.memory_space<vmem>>, %arg8: memref<64x128xf32, #tpu.memory_space<vmem>>, %arg9: memref<8x128xf32, #tpu.memory_space<vmem>>, %arg10: memref<1x128xf32, #tpu.memory_space<vmem>>, %arg11: memref<1x128xf32, #tpu.memory_space<vmem>>, %arg12: memref<1x128xf32, #tpu.memory_space<vmem>>, %arg13: memref<128x128xf32, #tpu.memory_space<vmem>>, %arg14: memref<1x128xf32, #tpu.memory_space<vmem>>, %arg15: memref<128x128xf32, #tpu.memory_space<vmem>>, %arg16: memref<1x128xf32, #tpu.memory_space<vmem>>, %arg17: memref<1x128xf32, #tpu.memory_space<vmem>>, %arg18: memref<1x128xf32, #tpu.memory_space<vmem>>, %arg19: memref<128x128xf32, #tpu.memory_space<vmem>>, %arg20: memref<1x128xf32, #tpu.memory_space<vmem>>, %arg21: memref<128x128xf32, #tpu.memory_space<vmem>>, %arg22: memref<1x128xf32, #tpu.memory_space<vmem>>, %arg23: memref<1x128xf32, #tpu.memory_space<vmem>>, %arg24: memref<1x128xf32, #tpu.memory_space<vmem>>, %arg25: memref<128x128xf32, #tpu.memory_space<vmem>>, %arg26: memref<1x128xf32, #tpu.memory_space<vmem>>, %arg27: memref<1x128xf32, #tpu.memory_space<vmem>>, %arg28: memref<1x128xf32, #tpu.memory_space<vmem>>, %arg29: memref<128x4xf32, #tpu.memory_space<vmem>>, %arg30: memref<1x4xf32, #tpu.memory_space<vmem>>, %arg31: memref<128x128xf32, #tpu.memory_space<vmem>>, %arg32: memref<128x8xf32, #tpu.memory_space<vmem>>, %arg33: memref<128x8xf32, #tpu.memory_space<vmem>>, %arg34: memref<4x128xf32, #tpu.memory_space<vmem>>, %arg35: memref<128x32xf32, #tpu.memory_space<vmem>>, %arg36: memref<1x8xf32, #tpu.memory_space<vmem>>, %arg37: memref<800x128xf32, #tpu.memory_space<vmem>>, %arg38: memref<800x128xf32, #tpu.memory_space<vmem>>, %arg39: memref<800x32xf32, #tpu.memory_space<vmem>>) attributes {dimension_semantics = [#tpu.dimension_semantics<arbitrary>], iteration_bounds = array<i64: 124>, scalar_prefetch = 0 : i64, scratch_operands = 0 : i64, tpu.core_type = #tpu.core_type<tc>, window_params = [{transform_indices = @transform_0, window_bounds = array<i64: 800, 128>}, {transform_indices = @transform_1, window_bounds = array<i64: 800, 128>}, {transform_indices = @transform_2, window_bounds = array<i64: 800, 128>}, {transform_indices = @transform_3, window_bounds = array<i64: 800, 128>}, {transform_indices = @transform_4, window_bounds = array<i64: 800, 64>}, {pipeline_mode = #tpu.pipeline_mode<synchronous>, transform_indices = @transform_5, window_bounds = array<i64: 128, 128>}, {pipeline_mode = #tpu.pipeline_mode<synchronous>, transform_indices = @transform_6, window_bounds = array<i64: 128, 128>}, {pipeline_mode = #tpu.pipeline_mode<synchronous>, transform_indices = @transform_7, window_bounds = array<i64: 64, 128>}, {pipeline_mode = #tpu.pipeline_mode<synchronous>, transform_indices = @transform_8, window_bounds = array<i64: 8, 128>}, {pipeline_mode = #tpu.pipeline_mode<synchronous>, transform_indices = @transform_9, window_bounds = array<i64: 1, 128>}, {pipeline_mode = #tpu.pipeline_mode<synchronous>, transform_indices = @transform_10, window_bounds = array<i64: 1, 128>}, {pipeline_mode = #tpu.pipeline_mode<synchronous>, transform_indices = @transform_11, window_bounds = array<i64: 1, 128>}, {pipeline_mode = #tpu.pipeline_mode<synchronous>, transform_indices = @transform_12, window_bounds = array<i64: 128, 128>}, {pipeline_mode = #tpu.pipeline_mode<synchronous>, transform_indices = @transform_13, window_bounds = array<i64: 1, 128>}, {pipeline_mode = #tpu.pipeline_mode<synchronous>, transform_indices = @transform_14, window_bounds = array<i64: 128, 128>}, {pipeline_mode = #tpu.pipeline_mode<synchronous>, transform_indices = @transform_15, window_bounds = array<i64: 1, 128>}, {pipeline_mode = #tpu.pipeline_mode<synchronous>, transform_indices = @transform_16, window_bounds = array<i64: 1, 128>}, {pipeline_mode = #tpu.pipeline_mode<synchronous>, transform_indices = @transform_17, window_bounds = array<i64: 1, 128>}, {pipeline_mode = #tpu.pipeline_mode<synchronous>, transform_indices = @transform_18, window_bounds = array<i64: 128, 128>}, {pipeline_mode = #tpu.pipeline_mode<synchronous>, transform_indices = @transform_19, window_bounds = array<i64: 1, 128>}, {pipeline_mode = #tpu.pipeline_mode<synchronous>, transform_indices = @transform_20, window_bounds = array<i64: 128, 128>}, {pipeline_mode = #tpu.pipeline_mode<synchronous>, transform_indices = @transform_21, window_bounds = array<i64: 1, 128>}, {pipeline_mode = #tpu.pipeline_mode<synchronous>, transform_indices = @transform_22, window_bounds = array<i64: 1, 128>}, {pipeline_mode = #tpu.pipeline_mode<synchronous>, transform_indices = @transform_23, window_bounds = array<i64: 1, 128>}, {pipeline_mode = #tpu.pipeline_mode<synchronous>, transform_indices = @transform_24, window_bounds = array<i64: 128, 128>}, {pipeline_mode = #tpu.pipeline_mode<synchronous>, transform_indices = @transform_25, window_bounds = array<i64: 1, 128>}, {pipeline_mode = #tpu.pipeline_mode<synchronous>, transform_indices = @transform_26, window_bounds = array<i64: 1, 128>}, {pipeline_mode = #tpu.pipeline_mode<synchronous>, transform_indices = @transform_27, window_bounds = array<i64: 1, 128>}, {pipeline_mode = #tpu.pipeline_mode<synchronous>, transform_indices = @transform_28, window_bounds = array<i64: 128, 4>}, {pipeline_mode = #tpu.pipeline_mode<synchronous>, transform_indices = @transform_29, window_bounds = array<i64: 1, 4>}, {pipeline_mode = #tpu.pipeline_mode<synchronous>, transform_indices = @transform_30, window_bounds = array<i64: 128, 128>}, {pipeline_mode = #tpu.pipeline_mode<synchronous>, transform_indices = @transform_31, window_bounds = array<i64: 128, 8>}, {pipeline_mode = #tpu.pipeline_mode<synchronous>, transform_indices = @transform_32, window_bounds = array<i64: 128, 8>}, {pipeline_mode = #tpu.pipeline_mode<synchronous>, transform_indices = @transform_33, window_bounds = array<i64: 4, 128>}, {pipeline_mode = #tpu.pipeline_mode<synchronous>, transform_indices = @transform_34, window_bounds = array<i64: 128, 32>}, {pipeline_mode = #tpu.pipeline_mode<synchronous>, transform_indices = @transform_35, window_bounds = array<i64: 1, 8>}, {transform_indices = @transform_36, window_bounds = array<i64: 800, 128>}, {transform_indices = @transform_37, window_bounds = array<i64: 800, 128>}, {transform_indices = @transform_38, window_bounds = array<i64: 800, 32>}]} {
    %get3A = arith.constant 0 : index
    %get3A_0 = arith.constant 0 : index
    %get3A_1 = vector.load %arg3[%get3A, %get3A_0] : memref<800x128xf32, #tpu.memory_space<vmem>>, vector<800x128xf32>
    %get3A_2 = arith.constant 0 : index
    %get3A_3 = arith.constant 0 : index
    %get3A_4 = vector.load %arg4[%get3A_2, %get3A_3] : memref<800x128xf32, #tpu.memory_space<vmem>>, vector<800x128xf32>
    %sub3A = arith.subf %get3A_1, %get3A_4 : vector<800x128xf32>
    %mul3A = arith.mulf %sub3A, %sub3A : vector<800x128xf32>
    %get3A_5 = arith.constant 0 : index
    %get3A_6 = arith.constant 0 : index
    %get3A_7 = vector.load %arg32[%get3A_5, %get3A_6] : memref<128x8xf32, #tpu.memory_space<vmem>>, vector<128x8xf32>
    %dot_general3A = arith.constant dense<0.000000e+00> : vector<800x8xf32>
    %dot_general3A_8 = tpu.matmul %mul3A, %get3A_7, %dot_general3A {dimension_numbers = #tpu.dot_dimension_numbers<[1], [0], [0], [1], [0, 0, 1, 1], [], []>, transpose_lhs_hint = false} : vector<800x128xf32>, vector<128x8xf32>, vector<800x8xf32> -> vector<800x8xf32>
    %get3A_9 = arith.constant 0 : index
    %get3A_10 = arith.constant 0 : index
    %get3A_11 = vector.load %arg36[%get3A_9, %get3A_10] : memref<1x8xf32, #tpu.memory_space<vmem>>, vector<1x8xf32>
    %mul3A_12 = arith.constant 9.99999993E-9 : f32
    %mul3A_13 = vector.broadcast %mul3A_12 : f32 to vector<1x8xf32>
    %mul3A_14 = arith.mulf %mul3A_13, %get3A_11 : vector<1x8xf32>
    %add3A = vector.broadcast %mul3A_14 : vector<1x8xf32> to vector<800x8xf32>
    %add3A_15 = arith.addf %dot_general3A_8, %add3A : vector<800x8xf32>
    %get3A_16 = arith.constant 0 : index
    %get3A_17 = arith.constant 0 : index
    %get3A_18 = vector.load %arg36[%get3A_16, %get3A_17] : memref<1x8xf32, #tpu.memory_space<vmem>>, vector<1x8xf32>
    %sqrt3A = math.sqrt %add3A_15 : vector<800x8xf32>
    %mul3A_19 = vector.broadcast %get3A_18 : vector<1x8xf32> to vector<800x8xf32>
    %mul3A_20 = arith.mulf %mul3A_19, %sqrt3A : vector<800x8xf32>
    %mul3A_21 = arith.mulf %get3A_1, %get3A_4 : vector<800x128xf32>
    %get3A_22 = arith.constant 0 : index
    %get3A_23 = arith.constant 0 : index
    %get3A_24 = vector.load %arg33[%get3A_22, %get3A_23] : memref<128x8xf32, #tpu.memory_space<vmem>>, vector<128x8xf32>
    %dot_general3A_25 = arith.constant dense<0.000000e+00> : vector<800x8xf32>
    %dot_general3A_26 = tpu.matmul %mul3A_21, %get3A_24, %dot_general3A_25 {dimension_numbers = #tpu.dot_dimension_numbers<[1], [0], [0], [1], [0, 0, 1, 1], [], []>, transpose_lhs_hint = false} : vector<800x128xf32>, vector<128x8xf32>, vector<800x8xf32> -> vector<800x8xf32>
    %add3A_27 = arith.addf %mul3A_20, %dot_general3A_26 : vector<800x8xf32>
    %get3A_28 = arith.constant 0 : index
    %get3A_29 = arith.constant 0 : index
    %get3A_30 = vector.load %arg1[%get3A_28, %get3A_29] : memref<800x128xf32, #tpu.memory_space<vmem>>, vector<800x128xf32>
    %get3A_31 = arith.constant 0 : index
    %get3A_32 = arith.constant 0 : index
    %get3A_33 = vector.load %arg6[%get3A_31, %get3A_32] : memref<128x128xf32, #tpu.memory_space<vmem>>, vector<128x128xf32>
    %dot_general3A_34 = arith.constant dense<0.000000e+00> : vector<800x128xf32>
    %dot_general3A_35 = tpu.matmul %get3A_30, %get3A_33, %dot_general3A_34 {dimension_numbers = #tpu.dot_dimension_numbers<[1], [0], [0], [1], [0, 0, 1, 1], [], []>, transpose_lhs_hint = false} : vector<800x128xf32>, vector<128x128xf32>, vector<800x128xf32> -> vector<800x128xf32>
    %get3A_36 = arith.constant 0 : index
    %get3A_37 = arith.constant 0 : index
    %get3A_38 = vector.load %arg2[%get3A_36, %get3A_37] : memref<800x128xf32, #tpu.memory_space<vmem>>, vector<800x128xf32>
    %get3A_39 = arith.constant 0 : index
    %get3A_40 = arith.constant 0 : index
    %get3A_41 = vector.load %arg7[%get3A_39, %get3A_40] : memref<128x128xf32, #tpu.memory_space<vmem>>, vector<128x128xf32>
    %dot_general3A_42 = arith.constant dense<0.000000e+00> : vector<800x128xf32>
    %dot_general3A_43 = tpu.matmul %get3A_38, %get3A_41, %dot_general3A_42 {dimension_numbers = #tpu.dot_dimension_numbers<[1], [0], [0], [1], [0, 0, 1, 1], [], []>, transpose_lhs_hint = false} : vector<800x128xf32>, vector<128x128xf32>, vector<800x128xf32> -> vector<800x128xf32>
    %add3A_44 = arith.addf %dot_general3A_35, %dot_general3A_43 : vector<800x128xf32>
    %get3A_45 = arith.constant 0 : index
    %get3A_46 = arith.constant 0 : index
    %get3A_47 = vector.load %arg5[%get3A_45, %get3A_46] : memref<800x64xf32, #tpu.memory_space<vmem>>, vector<800x64xf32>
    %get3A_48 = arith.constant 0 : index
    %get3A_49 = arith.constant 0 : index
    %get3A_50 = vector.load %arg8[%get3A_48, %get3A_49] : memref<64x128xf32, #tpu.memory_space<vmem>>, vector<64x128xf32>
    %dot_general3A_51 = arith.constant dense<0.000000e+00> : vector<800x128xf32>
    %dot_general3A_52 = tpu.matmul %get3A_47, %get3A_50, %dot_general3A_51 {dimension_numbers = #tpu.dot_dimension_numbers<[1], [0], [0], [1], [0, 0, 1, 1], [], []>, transpose_lhs_hint = false} : vector<800x64xf32>, vector<64x128xf32>, vector<800x128xf32> -> vector<800x128xf32>
    %add3A_53 = arith.addf %add3A_44, %dot_general3A_52 : vector<800x128xf32>
    %get3A_54 = arith.constant 0 : index
    %get3A_55 = arith.constant 0 : index
    %get3A_56 = vector.load %arg9[%get3A_54, %get3A_55] : memref<8x128xf32, #tpu.memory_space<vmem>>, vector<8x128xf32>
    %dot_general3A_57 = arith.constant dense<0.000000e+00> : vector<800x128xf32>
    %dot_general3A_58 = tpu.matmul %add3A_27, %get3A_56, %dot_general3A_57 {dimension_numbers = #tpu.dot_dimension_numbers<[1], [0], [0], [1], [0, 0, 1, 1], [], []>, transpose_lhs_hint = false} : vector<800x8xf32>, vector<8x128xf32>, vector<800x128xf32> -> vector<800x128xf32>
    %add3A_59 = arith.addf %add3A_53, %dot_general3A_58 : vector<800x128xf32>
    %get3A_60 = arith.constant 0 : index
    %get3A_61 = arith.constant 0 : index
    %get3A_62 = vector.load %arg10[%get3A_60, %get3A_61] : memref<1x128xf32, #tpu.memory_space<vmem>>, vector<1x128xf32>
    %add3A_63 = vector.broadcast %get3A_62 : vector<1x128xf32> to vector<800x128xf32>
    %add3A_64 = arith.addf %add3A_59, %add3A_63 : vector<800x128xf32>
    %get3A_65 = arith.constant 0 : index
    %get3A_66 = arith.constant 0 : index
    %get3A_67 = vector.load %arg11[%get3A_65, %get3A_66] : memref<1x128xf32, #tpu.memory_space<vmem>>, vector<1x128xf32>
    %get3A_68 = arith.constant 0 : index
    %get3A_69 = arith.constant 0 : index
    %get3A_70 = vector.load %arg12[%get3A_68, %get3A_69] : memref<1x128xf32, #tpu.memory_space<vmem>>, vector<1x128xf32>
    %get3A_71 = arith.constant 0 : index
    %get3A_72 = arith.constant 0 : index
    %get3A_73 = vector.load %arg31[%get3A_71, %get3A_72] : memref<128x128xf32, #tpu.memory_space<vmem>>, vector<128x128xf32>
    %dot_general3A_74 = arith.constant dense<0.000000e+00> : vector<800x128xf32>
    %dot_general3A_75 = tpu.matmul %add3A_64, %get3A_73, %dot_general3A_74 {dimension_numbers = #tpu.dot_dimension_numbers<[1], [0], [0], [1], [0, 0, 1, 1], [], []>, transpose_lhs_hint = false} : vector<800x128xf32>, vector<128x128xf32>, vector<800x128xf32> -> vector<800x128xf32>
    %mul3A_76 = arith.mulf %add3A_64, %add3A_64 : vector<800x128xf32>
    %dot_general3A_77 = arith.constant dense<0.000000e+00> : vector<800x128xf32>
    %dot_general3A_78 = tpu.matmul %mul3A_76, %get3A_73, %dot_general3A_77 {dimension_numbers = #tpu.dot_dimension_numbers<[1], [0], [0], [1], [0, 0, 1, 1], [], []>, transpose_lhs_hint = false} : vector<800x128xf32>, vector<128x128xf32>, vector<800x128xf32> -> vector<800x128xf32>
    %mul3A_79 = arith.mulf %dot_general3A_75, %dot_general3A_75 : vector<800x128xf32>
    %sub3A_80 = arith.subf %dot_general3A_78, %mul3A_79 : vector<800x128xf32>
    %sub3A_81 = arith.subf %add3A_64, %dot_general3A_75 : vector<800x128xf32>
    %add3A_82 = arith.constant 9.99999974E-6 : f32
    %add3A_83 = vector.broadcast %add3A_82 : f32 to vector<800x128xf32>
    %add3A_84 = arith.addf %sub3A_80, %add3A_83 : vector<800x128xf32>
    %rsqrt3A = math.rsqrt %add3A_84 : vector<800x128xf32>
    %mul3A_85 = arith.mulf %sub3A_81, %rsqrt3A : vector<800x128xf32>
    %mul3A_86 = vector.broadcast %get3A_67 : vector<1x128xf32> to vector<800x128xf32>
    %mul3A_87 = arith.mulf %mul3A_85, %mul3A_86 : vector<800x128xf32>
    %add3A_88 = vector.broadcast %get3A_70 : vector<1x128xf32> to vector<800x128xf32>
    %add3A_89 = arith.addf %mul3A_87, %add3A_88 : vector<800x128xf32>
    %max3A = arith.constant 0.000000e+00 : f32
    %max3A_90 = vector.broadcast %max3A : f32 to vector<800x128xf32>
    %max3A_91 = arith.maximumf %add3A_89, %max3A_90 : vector<800x128xf32>
    %get3A_92 = arith.constant 0 : index
    %get3A_93 = arith.constant 0 : index
    %get3A_94 = vector.load %arg13[%get3A_92, %get3A_93] : memref<128x128xf32, #tpu.memory_space<vmem>>, vector<128x128xf32>
    %dot_general3A_95 = arith.constant dense<0.000000e+00> : vector<800x128xf32>
    %dot_general3A_96 = tpu.matmul %max3A_91, %get3A_94, %dot_general3A_95 {dimension_numbers = #tpu.dot_dimension_numbers<[1], [0], [0], [1], [0, 0, 1, 1], [], []>, transpose_lhs_hint = false} : vector<800x128xf32>, vector<128x128xf32>, vector<800x128xf32> -> vector<800x128xf32>
    %get3A_97 = arith.constant 0 : index
    %get3A_98 = arith.constant 0 : index
    %get3A_99 = vector.load %arg14[%get3A_97, %get3A_98] : memref<1x128xf32, #tpu.memory_space<vmem>>, vector<1x128xf32>
    %add3A_100 = vector.broadcast %get3A_99 : vector<1x128xf32> to vector<800x128xf32>
    %add3A_101 = arith.addf %dot_general3A_96, %add3A_100 : vector<800x128xf32>
    %swap3A = arith.constant 0 : index
    %swap3A_102 = arith.constant 0 : index
    %swap3A_103 = vector.load %arg37[%swap3A, %swap3A_102] : memref<800x128xf32, #tpu.memory_space<vmem>>, vector<800x128xf32>
    tpu.vector_store %arg37[%swap3A, %swap3A_102], %add3A_101 {strides = array<i32>} : memref<800x128xf32, #tpu.memory_space<vmem>>, vector<800x128xf32>,
    %get3A_104 = arith.constant 0 : index
    %get3A_105 = arith.constant 0 : index
    %get3A_106 = vector.load %arg15[%get3A_104, %get3A_105] : memref<128x128xf32, #tpu.memory_space<vmem>>, vector<128x128xf32>
    %dot_general3A_107 = arith.constant dense<0.000000e+00> : vector<800x128xf32>
    %dot_general3A_108 = tpu.matmul %add3A_101, %get3A_106, %dot_general3A_107 {dimension_numbers = #tpu.dot_dimension_numbers<[1], [0], [0], [1], [0, 0, 1, 1], [], []>, transpose_lhs_hint = false} : vector<800x128xf32>, vector<128x128xf32>, vector<800x128xf32> -> vector<800x128xf32>
    %get3A_109 = arith.constant 0 : index
    %get3A_110 = arith.constant 0 : index
    %get3A_111 = vector.load %arg16[%get3A_109, %get3A_110] : memref<1x128xf32, #tpu.memory_space<vmem>>, vector<1x128xf32>
    %add3A_112 = vector.broadcast %get3A_111 : vector<1x128xf32> to vector<800x128xf32>
    %add3A_113 = arith.addf %dot_general3A_108, %add3A_112 : vector<800x128xf32>
    %get3A_114 = arith.constant 0 : index
    %get3A_115 = arith.constant 0 : index
    %get3A_116 = vector.load %arg17[%get3A_114, %get3A_115] : memref<1x128xf32, #tpu.memory_space<vmem>>, vector<1x128xf32>
    %get3A_117 = arith.constant 0 : index
    %get3A_118 = arith.constant 0 : index
    %get3A_119 = vector.load %arg18[%get3A_117, %get3A_118] : memref<1x128xf32, #tpu.memory_space<vmem>>, vector<1x128xf32>
    %get3A_120 = arith.constant 0 : index
    %get3A_121 = arith.constant 0 : index
    %get3A_122 = vector.load %arg31[%get3A_120, %get3A_121] : memref<128x128xf32, #tpu.memory_space<vmem>>, vector<128x128xf32>
    %dot_general3A_123 = arith.constant dense<0.000000e+00> : vector<800x128xf32>
    %dot_general3A_124 = tpu.matmul %add3A_113, %get3A_122, %dot_general3A_123 {dimension_numbers = #tpu.dot_dimension_numbers<[1], [0], [0], [1], [0, 0, 1, 1], [], []>, transpose_lhs_hint = false} : vector<800x128xf32>, vector<128x128xf32>, vector<800x128xf32> -> vector<800x128xf32>
    %mul3A_125 = arith.mulf %add3A_113, %add3A_113 : vector<800x128xf32>
    %dot_general3A_126 = arith.constant dense<0.000000e+00> : vector<800x128xf32>
    %dot_general3A_127 = tpu.matmul %mul3A_125, %get3A_122, %dot_general3A_126 {dimension_numbers = #tpu.dot_dimension_numbers<[1], [0], [0], [1], [0, 0, 1, 1], [], []>, transpose_lhs_hint = false} : vector<800x128xf32>, vector<128x128xf32>, vector<800x128xf32> -> vector<800x128xf32>
    %mul3A_128 = arith.mulf %dot_general3A_124, %dot_general3A_124 : vector<800x128xf32>
    %sub3A_129 = arith.subf %dot_general3A_127, %mul3A_128 : vector<800x128xf32>
    %sub3A_130 = arith.subf %add3A_113, %dot_general3A_124 : vector<800x128xf32>
    %add3A_131 = arith.constant 9.99999974E-6 : f32
    %add3A_132 = vector.broadcast %add3A_131 : f32 to vector<800x128xf32>
    %add3A_133 = arith.addf %sub3A_129, %add3A_132 : vector<800x128xf32>
    %rsqrt3A_134 = math.rsqrt %add3A_133 : vector<800x128xf32>
    %mul3A_135 = arith.mulf %sub3A_130, %rsqrt3A_134 : vector<800x128xf32>
    %mul3A_136 = vector.broadcast %get3A_116 : vector<1x128xf32> to vector<800x128xf32>
    %mul3A_137 = arith.mulf %mul3A_135, %mul3A_136 : vector<800x128xf32>
    %add3A_138 = vector.broadcast %get3A_119 : vector<1x128xf32> to vector<800x128xf32>
    %add3A_139 = arith.addf %mul3A_137, %add3A_138 : vector<800x128xf32>
    %max3A_140 = arith.constant 0.000000e+00 : f32
    %max3A_141 = vector.broadcast %max3A_140 : f32 to vector<800x128xf32>
    %max3A_142 = arith.maximumf %add3A_139, %max3A_141 : vector<800x128xf32>
    %get3A_143 = arith.constant 0 : index
    %get3A_144 = arith.constant 0 : index
    %get3A_145 = vector.load %arg19[%get3A_143, %get3A_144] : memref<128x128xf32, #tpu.memory_space<vmem>>, vector<128x128xf32>
    %dot_general3A_146 = arith.constant dense<0.000000e+00> : vector<800x128xf32>
    %dot_general3A_147 = tpu.matmul %max3A_142, %get3A_145, %dot_general3A_146 {dimension_numbers = #tpu.dot_dimension_numbers<[1], [0], [0], [1], [0, 0, 1, 1], [], []>, transpose_lhs_hint = false} : vector<800x128xf32>, vector<128x128xf32>, vector<800x128xf32> -> vector<800x128xf32>
    %get3A_148 = arith.constant 0 : index
    %get3A_149 = arith.constant 0 : index
    %get3A_150 = vector.load %arg20[%get3A_148, %get3A_149] : memref<1x128xf32, #tpu.memory_space<vmem>>, vector<1x128xf32>
    %add3A_151 = vector.broadcast %get3A_150 : vector<1x128xf32> to vector<800x128xf32>
    %add3A_152 = arith.addf %dot_general3A_147, %add3A_151 : vector<800x128xf32>
    %logistic3A = arith.negf %add3A_152 : vector<800x128xf32>
    %logistic3A_153 = math.exp %logistic3A : vector<800x128xf32>
    %logistic3A_154 = arith.constant 1.000000e+00 : f32
    %logistic3A_155 = vector.broadcast %logistic3A_154 : f32 to vector<800x128xf32>
    %logistic3A_156 = arith.addf %logistic3A_155, %logistic3A_153 : vector<800x128xf32>
    %logistic3A_157 = arith.divf %logistic3A_155, %logistic3A_156 : vector<800x128xf32>
    %swap3A_158 = arith.constant 0 : index
    %swap3A_159 = arith.constant 0 : index
    %swap3A_160 = vector.load %arg38[%swap3A_158, %swap3A_159] : memref<800x128xf32, #tpu.memory_space<vmem>>, vector<800x128xf32>
    tpu.vector_store %arg38[%swap3A_158, %swap3A_159], %logistic3A_157 {strides = array<i32>} : memref<800x128xf32, #tpu.memory_space<vmem>>, vector<800x128xf32>,
    %get3A_161 = arith.constant 0 : index
    %get3A_162 = arith.constant 0 : index
    %get3A_163 = vector.load %arg21[%get3A_161, %get3A_162] : memref<128x128xf32, #tpu.memory_space<vmem>>, vector<128x128xf32>
    %dot_general3A_164 = arith.constant dense<0.000000e+00> : vector<800x128xf32>
    %dot_general3A_165 = tpu.matmul %logistic3A_157, %get3A_163, %dot_general3A_164 {dimension_numbers = #tpu.dot_dimension_numbers<[1], [0], [0], [1], [0, 0, 1, 1], [], []>, transpose_lhs_hint = false} : vector<800x128xf32>, vector<128x128xf32>, vector<800x128xf32> -> vector<800x128xf32>
    %get3A_166 = arith.constant 0 : index
    %get3A_167 = arith.constant 0 : index
    %get3A_168 = vector.load %arg22[%get3A_166, %get3A_167] : memref<1x128xf32, #tpu.memory_space<vmem>>, vector<1x128xf32>
    %add3A_169 = vector.broadcast %get3A_168 : vector<1x128xf32> to vector<800x128xf32>
    %add3A_170 = arith.addf %dot_general3A_165, %add3A_169 : vector<800x128xf32>
    %get3A_171 = arith.constant 0 : index
    %get3A_172 = arith.constant 0 : index
    %get3A_173 = vector.load %arg23[%get3A_171, %get3A_172] : memref<1x128xf32, #tpu.memory_space<vmem>>, vector<1x128xf32>
    %get3A_174 = arith.constant 0 : index
    %get3A_175 = arith.constant 0 : index
    %get3A_176 = vector.load %arg24[%get3A_174, %get3A_175] : memref<1x128xf32, #tpu.memory_space<vmem>>, vector<1x128xf32>
    %get3A_177 = arith.constant 0 : index
    %get3A_178 = arith.constant 0 : index
    %get3A_179 = vector.load %arg31[%get3A_177, %get3A_178] : memref<128x128xf32, #tpu.memory_space<vmem>>, vector<128x128xf32>
    %dot_general3A_180 = arith.constant dense<0.000000e+00> : vector<800x128xf32>
    %dot_general3A_181 = tpu.matmul %add3A_170, %get3A_179, %dot_general3A_180 {dimension_numbers = #tpu.dot_dimension_numbers<[1], [0], [0], [1], [0, 0, 1, 1], [], []>, transpose_lhs_hint = false} : vector<800x128xf32>, vector<128x128xf32>, vector<800x128xf32> -> vector<800x128xf32>
    %mul3A_182 = arith.mulf %add3A_170, %add3A_170 : vector<800x128xf32>
    %dot_general3A_183 = arith.constant dense<0.000000e+00> : vector<800x128xf32>
    %dot_general3A_184 = tpu.matmul %mul3A_182, %get3A_179, %dot_general3A_183 {dimension_numbers = #tpu.dot_dimension_numbers<[1], [0], [0], [1], [0, 0, 1, 1], [], []>, transpose_lhs_hint = false} : vector<800x128xf32>, vector<128x128xf32>, vector<800x128xf32> -> vector<800x128xf32>
    %mul3A_185 = arith.mulf %dot_general3A_181, %dot_general3A_181 : vector<800x128xf32>
    %sub3A_186 = arith.subf %dot_general3A_184, %mul3A_185 : vector<800x128xf32>
    %sub3A_187 = arith.subf %add3A_170, %dot_general3A_181 : vector<800x128xf32>
    %add3A_188 = arith.constant 9.99999974E-6 : f32
    %add3A_189 = vector.broadcast %add3A_188 : f32 to vector<800x128xf32>
    %add3A_190 = arith.addf %sub3A_186, %add3A_189 : vector<800x128xf32>
    %rsqrt3A_191 = math.rsqrt %add3A_190 : vector<800x128xf32>
    %mul3A_192 = arith.mulf %sub3A_187, %rsqrt3A_191 : vector<800x128xf32>
    %mul3A_193 = vector.broadcast %get3A_173 : vector<1x128xf32> to vector<800x128xf32>
    %mul3A_194 = arith.mulf %mul3A_192, %mul3A_193 : vector<800x128xf32>
    %add3A_195 = vector.broadcast %get3A_176 : vector<1x128xf32> to vector<800x128xf32>
    %add3A_196 = arith.addf %mul3A_194, %add3A_195 : vector<800x128xf32>
    %max3A_197 = arith.constant 0.000000e+00 : f32
    %max3A_198 = vector.broadcast %max3A_197 : f32 to vector<800x128xf32>
    %max3A_199 = arith.maximumf %add3A_196, %max3A_198 : vector<800x128xf32>
    %get3A_200 = arith.constant 0 : index
    %get3A_201 = arith.constant 0 : index
    %get3A_202 = vector.load %arg25[%get3A_200, %get3A_201] : memref<128x128xf32, #tpu.memory_space<vmem>>, vector<128x128xf32>
    %dot_general3A_203 = arith.constant dense<0.000000e+00> : vector<800x128xf32>
    %dot_general3A_204 = tpu.matmul %max3A_199, %get3A_202, %dot_general3A_203 {dimension_numbers = #tpu.dot_dimension_numbers<[1], [0], [0], [1], [0, 0, 1, 1], [], []>, transpose_lhs_hint = false} : vector<800x128xf32>, vector<128x128xf32>, vector<800x128xf32> -> vector<800x128xf32>
    %get3A_205 = arith.constant 0 : index
    %get3A_206 = arith.constant 0 : index
    %get3A_207 = vector.load %arg26[%get3A_205, %get3A_206] : memref<1x128xf32, #tpu.memory_space<vmem>>, vector<1x128xf32>
    %add3A_208 = vector.broadcast %get3A_207 : vector<1x128xf32> to vector<800x128xf32>
    %add3A_209 = arith.addf %dot_general3A_204, %add3A_208 : vector<800x128xf32>
    %get3A_210 = arith.constant 0 : index
    %get3A_211 = arith.constant 0 : index
    %get3A_212 = vector.load %arg27[%get3A_210, %get3A_211] : memref<1x128xf32, #tpu.memory_space<vmem>>, vector<1x128xf32>
    %get3A_213 = arith.constant 0 : index
    %get3A_214 = arith.constant 0 : index
    %get3A_215 = vector.load %arg28[%get3A_213, %get3A_214] : memref<1x128xf32, #tpu.memory_space<vmem>>, vector<1x128xf32>
    %get3A_216 = arith.constant 0 : index
    %get3A_217 = arith.constant 0 : index
    %get3A_218 = vector.load %arg31[%get3A_216, %get3A_217] : memref<128x128xf32, #tpu.memory_space<vmem>>, vector<128x128xf32>
    %dot_general3A_219 = arith.constant dense<0.000000e+00> : vector<800x128xf32>
    %dot_general3A_220 = tpu.matmul %add3A_209, %get3A_218, %dot_general3A_219 {dimension_numbers = #tpu.dot_dimension_numbers<[1], [0], [0], [1], [0, 0, 1, 1], [], []>, transpose_lhs_hint = false} : vector<800x128xf32>, vector<128x128xf32>, vector<800x128xf32> -> vector<800x128xf32>
    %mul3A_221 = arith.mulf %add3A_209, %add3A_209 : vector<800x128xf32>
    %dot_general3A_222 = arith.constant dense<0.000000e+00> : vector<800x128xf32>
    %dot_general3A_223 = tpu.matmul %mul3A_221, %get3A_218, %dot_general3A_222 {dimension_numbers = #tpu.dot_dimension_numbers<[1], [0], [0], [1], [0, 0, 1, 1], [], []>, transpose_lhs_hint = false} : vector<800x128xf32>, vector<128x128xf32>, vector<800x128xf32> -> vector<800x128xf32>
    %mul3A_224 = arith.mulf %dot_general3A_220, %dot_general3A_220 : vector<800x128xf32>
    %sub3A_225 = arith.subf %dot_general3A_223, %mul3A_224 : vector<800x128xf32>
    %sub3A_226 = arith.subf %add3A_209, %dot_general3A_220 : vector<800x128xf32>
    %add3A_227 = arith.constant 9.99999974E-6 : f32
    %add3A_228 = vector.broadcast %add3A_227 : f32 to vector<800x128xf32>
    %add3A_229 = arith.addf %sub3A_225, %add3A_228 : vector<800x128xf32>
    %rsqrt3A_230 = math.rsqrt %add3A_229 : vector<800x128xf32>
    %mul3A_231 = arith.mulf %sub3A_226, %rsqrt3A_230 : vector<800x128xf32>
    %mul3A_232 = vector.broadcast %get3A_212 : vector<1x128xf32> to vector<800x128xf32>
    %mul3A_233 = arith.mulf %mul3A_231, %mul3A_232 : vector<800x128xf32>
    %add3A_234 = vector.broadcast %get3A_215 : vector<1x128xf32> to vector<800x128xf32>
    %add3A_235 = arith.addf %mul3A_233, %add3A_234 : vector<800x128xf32>
    %max3A_236 = arith.constant 0.000000e+00 : f32
    %max3A_237 = vector.broadcast %max3A_236 : f32 to vector<800x128xf32>
    %max3A_238 = arith.maximumf %add3A_235, %max3A_237 : vector<800x128xf32>
    %get3A_239 = arith.constant 0 : index
    %get3A_240 = arith.constant 0 : index
    %get3A_241 = vector.load %arg29[%get3A_239, %get3A_240] : memref<128x4xf32, #tpu.memory_space<vmem>>, vector<128x4xf32>
    %dot_general3A_242 = arith.constant dense<0.000000e+00> : vector<800x4xf32>
    %dot_general3A_243 = tpu.matmul %max3A_238, %get3A_241, %dot_general3A_242 {dimension_numbers = #tpu.dot_dimension_numbers<[1], [0], [0], [1], [0, 0, 1, 1], [], []>, transpose_lhs_hint = false} : vector<800x128xf32>, vector<128x4xf32>, vector<800x4xf32> -> vector<800x4xf32>
    %get3A_244 = arith.constant 0 : index
    %get3A_245 = arith.constant 0 : index
    %get3A_246 = vector.load %arg30[%get3A_244, %get3A_245] : memref<1x4xf32, #tpu.memory_space<vmem>>, vector<1x4xf32>
    %add3A_247 = vector.broadcast %get3A_246 : vector<1x4xf32> to vector<800x4xf32>
    %add3A_248 = arith.addf %dot_general3A_243, %add3A_247 : vector<800x4xf32>
    %get3A_249 = arith.constant 0 : index
    %get3A_250 = arith.constant 0 : index
    %get3A_251 = vector.load %arg34[%get3A_249, %get3A_250] : memref<4x128xf32, #tpu.memory_space<vmem>>, vector<4x128xf32>
    %dot_general3A_252 = arith.constant dense<0.000000e+00> : vector<800x128xf32>
    %dot_general3A_253 = tpu.matmul %add3A_248, %get3A_251, %dot_general3A_252 {dimension_numbers = #tpu.dot_dimension_numbers<[1], [0], [0], [1], [0, 0, 1, 1], [], []>, transpose_lhs_hint = false} : vector<800x4xf32>, vector<4x128xf32>, vector<800x128xf32> -> vector<800x128xf32>
    %mul3A_254 = arith.mulf %sub3A, %dot_general3A_253 : vector<800x128xf32>
    %jit3A = arith.constant -1.000000e+02 : f32
    %jit3A_255 = arith.constant 1.000000e+02 : f32
    %max3A_256 = vector.broadcast %jit3A : f32 to vector<800x128xf32>
    %max3A_257 = arith.maximumf %max3A_256, %mul3A_254 : vector<800x128xf32>
    %min3A = vector.broadcast %jit3A_255 : f32 to vector<800x128xf32>
    %min3A_258 = arith.minimumf %min3A, %max3A_257 : vector<800x128xf32>
    %get3A_259 = arith.constant 0 : index
    %get3A_260 = arith.constant 0 : index
    %get3A_261 = vector.load %arg35[%get3A_259, %get3A_260] : memref<128x32xf32, #tpu.memory_space<vmem>>, vector<128x32xf32>
    %dot_general3A_262 = arith.constant dense<0.000000e+00> : vector<800x32xf32>
    %dot_general3A_263 = tpu.matmul %min3A_258, %get3A_261, %dot_general3A_262 {dimension_numbers = #tpu.dot_dimension_numbers<[1], [0], [0], [1], [0, 0, 1, 1], [], []>, transpose_lhs_hint = false} : vector<800x128xf32>, vector<128x32xf32>, vector<800x32xf32> -> vector<800x32xf32>
    %swap3A_264 = arith.constant 0 : index
    %swap3A_265 = arith.constant 0 : index
    %swap3A_266 = vector.load %arg39[%swap3A_264, %swap3A_265] : memref<800x32xf32, #tpu.memory_space<vmem>>, vector<800x32xf32>
    tpu.vector_store %arg39[%swap3A_264, %swap3A_265], %dot_general3A_263 {strides = array<i32>} : memref<800x32xf32, #tpu.memory_space<vmem>>, vector<800x32xf32>,
    return
  }
  func.func @transform_0(%arg0: i32) -> (i32, i32) {
    %c0_i32 = arith.constant 0 : i32
    %c0_i32_0 = arith.constant 0 : i32
    return %arg0, %c0_i32 : i32, i32
  }
  func.func @transform_1(%arg0: i32) -> (i32, i32) {
    %c0_i32 = arith.constant 0 : i32
    %c0_i32_0 = arith.constant 0 : i32
    return %arg0, %c0_i32 : i32, i32
  }
  func.func @transform_2(%arg0: i32) -> (i32, i32) {
    %c0_i32 = arith.constant 0 : i32
    %c0_i32_0 = arith.constant 0 : i32
    return %arg0, %c0_i32 : i32, i32
  }
  func.func @transform_3(%arg0: i32) -> (i32, i32) {
    %c0_i32 = arith.constant 0 : i32
    %c0_i32_0 = arith.constant 0 : i32
    return %arg0, %c0_i32 : i32, i32
  }
  func.func @transform_4(%arg0: i32) -> (i32, i32) {
    %c0_i32 = arith.constant 0 : i32
    %c0_i32_0 = arith.constant 0 : i32
    return %arg0, %c0_i32 : i32, i32
  }
  func.func @transform_5(%arg0: i32) -> (i32, i32) {
    %c0_i32 = arith.constant 0 : i32
    %c0_i32_0 = arith.constant 0 : i32
    %c0_i32_1 = arith.constant 0 : i32
    return %c0_i32, %c0_i32_0 : i32, i32
  }
  func.func @transform_6(%arg0: i32) -> (i32, i32) {
    %c0_i32 = arith.constant 0 : i32
    %c0_i32_0 = arith.constant 0 : i32
    %c0_i32_1 = arith.constant 0 : i32
    return %c0_i32, %c0_i32_0 : i32, i32
  }
  func.func @transform_7(%arg0: i32) -> (i32, i32) {
    %c0_i32 = arith.constant 0 : i32
    %c0_i32_0 = arith.constant 0 : i32
    %c0_i32_1 = arith.constant 0 : i32
    return %c0_i32, %c0_i32_0 : i32, i32
  }
  func.func @transform_8(%arg0: i32) -> (i32, i32) {
    %c0_i32 = arith.constant 0 : i32
    %c0_i32_0 = arith.constant 0 : i32
    %c0_i32_1 = arith.constant 0 : i32
    return %c0_i32, %c0_i32_0 : i32, i32
  }
  func.func @transform_9(%arg0: i32) -> (i32, i32) {
    %c0_i32 = arith.constant 0 : i32
    %c0_i32_0 = arith.constant 0 : i32
    %c0_i32_1 = arith.constant 0 : i32
    return %c0_i32, %c0_i32_0 : i32, i32
  }
  func.func @transform_10(%arg0: i32) -> (i32, i32) {
    %c0_i32 = arith.constant 0 : i32
    %c0_i32_0 = arith.constant 0 : i32
    %c0_i32_1 = arith.constant 0 : i32
    return %c0_i32, %c0_i32_0 : i32, i32
  }
  func.func @transform_11(%arg0: i32) -> (i32, i32) {
    %c0_i32 = arith.constant 0 : i32
    %c0_i32_0 = arith.constant 0 : i32
    %c0_i32_1 = arith.constant 0 : i32
    return %c0_i32, %c0_i32_0 : i32, i32
  }
  func.func @transform_12(%arg0: i32) -> (i32, i32) {
    %c0_i32 = arith.constant 0 : i32
    %c0_i32_0 = arith.constant 0 : i32
    %c0_i32_1 = arith.constant 0 : i32
    return %c0_i32, %c0_i32_0 : i32, i32
  }
  func.func @transform_13(%arg0: i32) -> (i32, i32) {
    %c0_i32 = arith.constant 0 : i32
    %c0_i32_0 = arith.constant 0 : i32
    %c0_i32_1 = arith.constant 0 : i32
    return %c0_i32, %c0_i32_0 : i32, i32
  }
  func.func @transform_14(%arg0: i32) -> (i32, i32) {
    %c0_i32 = arith.constant 0 : i32
    %c0_i32_0 = arith.constant 0 : i32
    %c0_i32_1 = arith.constant 0 : i32
    return %c0_i32, %c0_i32_0 : i32, i32
  }
  func.func @transform_15(%arg0: i32) -> (i32, i32) {
    %c0_i32 = arith.constant 0 : i32
    %c0_i32_0 = arith.constant 0 : i32
    %c0_i32_1 = arith.constant 0 : i32
    return %c0_i32, %c0_i32_0 : i32, i32
  }
  func.func @transform_16(%arg0: i32) -> (i32, i32) {
    %c0_i32 = arith.constant 0 : i32
    %c0_i32_0 = arith.constant 0 : i32
    %c0_i32_1 = arith.constant 0 : i32
    return %c0_i32, %c0_i32_0 : i32, i32
  }
  func.func @transform_17(%arg0: i32) -> (i32, i32) {
    %c0_i32 = arith.constant 0 : i32
    %c0_i32_0 = arith.constant 0 : i32
    %c0_i32_1 = arith.constant 0 : i32
    return %c0_i32, %c0_i32_0 : i32, i32
  }
  func.func @transform_18(%arg0: i32) -> (i32, i32) {
    %c0_i32 = arith.constant 0 : i32
    %c0_i32_0 = arith.constant 0 : i32
    %c0_i32_1 = arith.constant 0 : i32
    return %c0_i32, %c0_i32_0 : i32, i32
  }
  func.func @transform_19(%arg0: i32) -> (i32, i32) {
    %c0_i32 = arith.constant 0 : i32
    %c0_i32_0 = arith.constant 0 : i32
    %c0_i32_1 = arith.constant 0 : i32
    return %c0_i32, %c0_i32_0 : i32, i32
  }
  func.func @transform_20(%arg0: i32) -> (i32, i32) {
    %c0_i32 = arith.constant 0 : i32
    %c0_i32_0 = arith.constant 0 : i32
    %c0_i32_1 = arith.constant 0 : i32
    return %c0_i32, %c0_i32_0 : i32, i32
  }
  func.func @transform_21(%arg0: i32) -> (i32, i32) {
    %c0_i32 = arith.constant 0 : i32
    %c0_i32_0 = arith.constant 0 : i32
    %c0_i32_1 = arith.constant 0 : i32
    return %c0_i32, %c0_i32_0 : i32, i32
  }
  func.func @transform_22(%arg0: i32) -> (i32, i32) {
    %c0_i32 = arith.constant 0 : i32
    %c0_i32_0 = arith.constant 0 : i32
    %c0_i32_1 = arith.constant 0 : i32
    return %c0_i32, %c0_i32_0 : i32, i32
  }
  func.func @transform_23(%arg0: i32) -> (i32, i32) {
    %c0_i32 = arith.constant 0 : i32
    %c0_i32_0 = arith.constant 0 : i32
    %c0_i32_1 = arith.constant 0 : i32
    return %c0_i32, %c0_i32_0 : i32, i32
  }
  func.func @transform_24(%arg0: i32) -> (i32, i32) {
    %c0_i32 = arith.constant 0 : i32
    %c0_i32_0 = arith.constant 0 : i32
    %c0_i32_1 = arith.constant 0 : i32
    return %c0_i32, %c0_i32_0 : i32, i32
  }
  func.func @transform_25(%arg0: i32) -> (i32, i32) {
    %c0_i32 = arith.constant 0 : i32
    %c0_i32_0 = arith.constant 0 : i32
    %c0_i32_1 = arith.constant 0 : i32
    return %c0_i32, %c0_i32_0 : i32, i32
  }
  func.func @transform_26(%arg0: i32) -> (i32, i32) {
    %c0_i32 = arith.constant 0 : i32
    %c0_i32_0 = arith.constant 0 : i32
    %c0_i32_1 = arith.constant 0 : i32
    return %c0_i32, %c0_i32_0 : i32, i32
  }
  func.func @transform_27(%arg0: i32) -> (i32, i32) {
    %c0_i32 = arith.constant 0 : i32
    %c0_i32_0 = arith.constant 0 : i32
    %c0_i32_1 = arith.constant 0 : i32
    return %c0_i32, %c0_i32_0 : i32, i32
  }
  func.func @transform_28(%arg0: i32) -> (i32, i32) {
    %c0_i32 = arith.constant 0 : i32
    %c0_i32_0 = arith.constant 0 : i32
    %c0_i32_1 = arith.constant 0 : i32
    return %c0_i32, %c0_i32_0 : i32, i32
  }
  func.func @transform_29(%arg0: i32) -> (i32, i32) {
    %c0_i32 = arith.constant 0 : i32
    %c0_i32_0 = arith.constant 0 : i32
    %c0_i32_1 = arith.constant 0 : i32
    return %c0_i32, %c0_i32_0 : i32, i32
  }
  func.func @transform_30(%arg0: i32) -> (i32, i32) {
    %c0_i32 = arith.constant 0 : i32
    %c0_i32_0 = arith.constant 0 : i32
    %c0_i32_1 = arith.constant 0 : i32
    return %c0_i32, %c0_i32_0 : i32, i32
  }
  func.func @transform_31(%arg0: i32) -> (i32, i32) {
    %c0_i32 = arith.constant 0 : i32
    %c0_i32_0 = arith.constant 0 : i32
    %c0_i32_1 = arith.constant 0 : i32
    return %c0_i32, %c0_i32_0 : i32, i32
  }
  func.func @transform_32(%arg0: i32) -> (i32, i32) {
    %c0_i32 = arith.constant 0 : i32
    %c0_i32_0 = arith.constant 0 : i32
    %c0_i32_1 = arith.constant 0 : i32
    return %c0_i32, %c0_i32_0 : i32, i32
  }
  func.func @transform_33(%arg0: i32) -> (i32, i32) {
    %c0_i32 = arith.constant 0 : i32
    %c0_i32_0 = arith.constant 0 : i32
    %c0_i32_1 = arith.constant 0 : i32
    return %c0_i32, %c0_i32_0 : i32, i32
  }
  func.func @transform_34(%arg0: i32) -> (i32, i32) {
    %c0_i32 = arith.constant 0 : i32
    %c0_i32_0 = arith.constant 0 : i32
    %c0_i32_1 = arith.constant 0 : i32
    return %c0_i32, %c0_i32_0 : i32, i32
  }
  func.func @transform_35(%arg0: i32) -> (i32, i32) {
    %c0_i32 = arith.constant 0 : i32
    %c0_i32_0 = arith.constant 0 : i32
    %c0_i32_1 = arith.constant 0 : i32
    return %c0_i32, %c0_i32_0 : i32, i32
  }
  func.func @transform_36(%arg0: i32) -> (i32, i32) {
    %c0_i32 = arith.constant 0 : i32
    %c0_i32_0 = arith.constant 0 : i32
    return %arg0, %c0_i32 : i32, i32
  }
  func.func @transform_37(%arg0: i32) -> (i32, i32) {
    %c0_i32 = arith.constant 0 : i32
    %c0_i32_0 = arith.constant 0 : i32
    return %arg0, %c0_i32 : i32, i32
  }
  func.func @transform_38(%arg0: i32) -> (i32, i32) {
    %c0_i32 = arith.constant 0 : i32
    %c0_i32_0 = arith.constant 0 : i32
    return %arg0, %c0_i32 : i32, i32
  }
}

module attributes {stable_mosaic.version = 14 : i64} {
  func.func @_dense_body(%arg0: i32, %arg1: memref<800x128xf32, #tpu.memory_space<vmem>>, %arg2: memref<800x128xf32, #tpu.memory_space<vmem>>, %arg3: memref<800x128xf32, #tpu.memory_space<vmem>>, %arg4: memref<800x128xf32, #tpu.memory_space<vmem>>, %arg5: memref<800x64xf32, #tpu.memory_space<vmem>>, %arg6: memref<128x128xf32, #tpu.memory_space<vmem>>, %arg7: memref<128x128xf32, #tpu.memory_space<vmem>>, %arg8: memref<64x128xf32, #tpu.memory_space<vmem>>, %arg9: memref<8x128xf32, #tpu.memory_space<vmem>>, %arg10: memref<1x128xf32, #tpu.memory_space<vmem>>, %arg11: memref<1x128xf32, #tpu.memory_space<vmem>>, %arg12: memref<1x128xf32, #tpu.memory_space<vmem>>, %arg13: memref<128x128xf32, #tpu.memory_space<vmem>>, %arg14: memref<1x128xf32, #tpu.memory_space<vmem>>, %arg15: memref<128x128xf32, #tpu.memory_space<vmem>>, %arg16: memref<1x128xf32, #tpu.memory_space<vmem>>, %arg17: memref<1x128xf32, #tpu.memory_space<vmem>>, %arg18: memref<1x128xf32, #tpu.memory_space<vmem>>, %arg19: memref<128x128xf32, #tpu.memory_space<vmem>>, %arg20: memref<1x128xf32, #tpu.memory_space<vmem>>, %arg21: memref<128x128xf32, #tpu.memory_space<vmem>>, %arg22: memref<1x128xf32, #tpu.memory_space<vmem>>, %arg23: memref<1x128xf32, #tpu.memory_space<vmem>>, %arg24: memref<1x128xf32, #tpu.memory_space<vmem>>, %arg25: memref<128x128xf32, #tpu.memory_space<vmem>>, %arg26: memref<1x128xf32, #tpu.memory_space<vmem>>, %arg27: memref<1x128xf32, #tpu.memory_space<vmem>>, %arg28: memref<1x128xf32, #tpu.memory_space<vmem>>, %arg29: memref<128x4xf32, #tpu.memory_space<vmem>>, %arg30: memref<1x4xf32, #tpu.memory_space<vmem>>, %arg31: memref<128x128xf32, #tpu.memory_space<vmem>>, %arg32: memref<128x8xf32, #tpu.memory_space<vmem>>, %arg33: memref<128x8xf32, #tpu.memory_space<vmem>>, %arg34: memref<4x128xf32, #tpu.memory_space<vmem>>, %arg35: memref<128x32xf32, #tpu.memory_space<vmem>>, %arg36: memref<1x8xf32, #tpu.memory_space<vmem>>, %arg37: memref<800x128xf32, #tpu.memory_space<vmem>>, %arg38: memref<800x128xf32, #tpu.memory_space<vmem>>, %arg39: memref<800x32xf32, #tpu.memory_space<vmem>>) attributes {dimension_semantics = [#tpu.dimension_semantics<arbitrary>], iteration_bounds = array<i64: 126>, scalar_prefetch = 0 : i64, scratch_operands = 0 : i64, tpu.core_type = #tpu.core_type<tc>, window_params = [{transform_indices = @transform_0, window_bounds = array<i64: 800, 128>}, {transform_indices = @transform_1, window_bounds = array<i64: 800, 128>}, {transform_indices = @transform_2, window_bounds = array<i64: 800, 128>}, {transform_indices = @transform_3, window_bounds = array<i64: 800, 128>}, {transform_indices = @transform_4, window_bounds = array<i64: 800, 64>}, {pipeline_mode = #tpu.pipeline_mode<synchronous>, transform_indices = @transform_5, window_bounds = array<i64: 128, 128>}, {pipeline_mode = #tpu.pipeline_mode<synchronous>, transform_indices = @transform_6, window_bounds = array<i64: 128, 128>}, {pipeline_mode = #tpu.pipeline_mode<synchronous>, transform_indices = @transform_7, window_bounds = array<i64: 64, 128>}, {pipeline_mode = #tpu.pipeline_mode<synchronous>, transform_indices = @transform_8, window_bounds = array<i64: 8, 128>}, {pipeline_mode = #tpu.pipeline_mode<synchronous>, transform_indices = @transform_9, window_bounds = array<i64: 1, 128>}, {pipeline_mode = #tpu.pipeline_mode<synchronous>, transform_indices = @transform_10, window_bounds = array<i64: 1, 128>}, {pipeline_mode = #tpu.pipeline_mode<synchronous>, transform_indices = @transform_11, window_bounds = array<i64: 1, 128>}, {pipeline_mode = #tpu.pipeline_mode<synchronous>, transform_indices = @transform_12, window_bounds = array<i64: 128, 128>}, {pipeline_mode = #tpu.pipeline_mode<synchronous>, transform_indices = @transform_13, window_bounds = array<i64: 1, 128>}, {pipeline_mode = #tpu.pipeline_mode<synchronous>, transform_indices = @transform_14, window_bounds = array<i64: 128, 128>}, {pipeline_mode = #tpu.pipeline_mode<synchronous>, transform_indices = @transform_15, window_bounds = array<i64: 1, 128>}, {pipeline_mode = #tpu.pipeline_mode<synchronous>, transform_indices = @transform_16, window_bounds = array<i64: 1, 128>}, {pipeline_mode = #tpu.pipeline_mode<synchronous>, transform_indices = @transform_17, window_bounds = array<i64: 1, 128>}, {pipeline_mode = #tpu.pipeline_mode<synchronous>, transform_indices = @transform_18, window_bounds = array<i64: 128, 128>}, {pipeline_mode = #tpu.pipeline_mode<synchronous>, transform_indices = @transform_19, window_bounds = array<i64: 1, 128>}, {pipeline_mode = #tpu.pipeline_mode<synchronous>, transform_indices = @transform_20, window_bounds = array<i64: 128, 128>}, {pipeline_mode = #tpu.pipeline_mode<synchronous>, transform_indices = @transform_21, window_bounds = array<i64: 1, 128>}, {pipeline_mode = #tpu.pipeline_mode<synchronous>, transform_indices = @transform_22, window_bounds = array<i64: 1, 128>}, {pipeline_mode = #tpu.pipeline_mode<synchronous>, transform_indices = @transform_23, window_bounds = array<i64: 1, 128>}, {pipeline_mode = #tpu.pipeline_mode<synchronous>, transform_indices = @transform_24, window_bounds = array<i64: 128, 128>}, {pipeline_mode = #tpu.pipeline_mode<synchronous>, transform_indices = @transform_25, window_bounds = array<i64: 1, 128>}, {pipeline_mode = #tpu.pipeline_mode<synchronous>, transform_indices = @transform_26, window_bounds = array<i64: 1, 128>}, {pipeline_mode = #tpu.pipeline_mode<synchronous>, transform_indices = @transform_27, window_bounds = array<i64: 1, 128>}, {pipeline_mode = #tpu.pipeline_mode<synchronous>, transform_indices = @transform_28, window_bounds = array<i64: 128, 4>}, {pipeline_mode = #tpu.pipeline_mode<synchronous>, transform_indices = @transform_29, window_bounds = array<i64: 1, 4>}, {pipeline_mode = #tpu.pipeline_mode<synchronous>, transform_indices = @transform_30, window_bounds = array<i64: 128, 128>}, {pipeline_mode = #tpu.pipeline_mode<synchronous>, transform_indices = @transform_31, window_bounds = array<i64: 128, 8>}, {pipeline_mode = #tpu.pipeline_mode<synchronous>, transform_indices = @transform_32, window_bounds = array<i64: 128, 8>}, {pipeline_mode = #tpu.pipeline_mode<synchronous>, transform_indices = @transform_33, window_bounds = array<i64: 4, 128>}, {pipeline_mode = #tpu.pipeline_mode<synchronous>, transform_indices = @transform_34, window_bounds = array<i64: 128, 32>}, {pipeline_mode = #tpu.pipeline_mode<synchronous>, transform_indices = @transform_35, window_bounds = array<i64: 1, 8>}, {transform_indices = @transform_36, window_bounds = array<i64: 800, 128>}, {transform_indices = @transform_37, window_bounds = array<i64: 800, 128>}, {transform_indices = @transform_38, window_bounds = array<i64: 800, 32>}]} {
    %get3A = arith.constant 0 : index
    %get3A_0 = arith.constant 0 : index
    %get3A_1 = vector.load %arg3[%get3A, %get3A_0] : memref<800x128xf32, #tpu.memory_space<vmem>>, vector<800x128xf32>
    %get3A_2 = arith.constant 0 : index
    %get3A_3 = arith.constant 0 : index
    %get3A_4 = vector.load %arg4[%get3A_2, %get3A_3] : memref<800x128xf32, #tpu.memory_space<vmem>>, vector<800x128xf32>
    %sub3A = arith.subf %get3A_1, %get3A_4 : vector<800x128xf32>
    %mul3A = arith.mulf %sub3A, %sub3A : vector<800x128xf32>
    %get3A_5 = arith.constant 0 : index
    %get3A_6 = arith.constant 0 : index
    %get3A_7 = vector.load %arg32[%get3A_5, %get3A_6] : memref<128x8xf32, #tpu.memory_space<vmem>>, vector<128x8xf32>
    %dot_general3A = arith.constant dense<0.000000e+00> : vector<800x8xf32>
    %dot_general3A_8 = tpu.matmul %mul3A, %get3A_7, %dot_general3A {dimension_numbers = #tpu.dot_dimension_numbers<[1], [0], [0], [1], [0, 0, 1, 1], [], []>, transpose_lhs_hint = false} : vector<800x128xf32>, vector<128x8xf32>, vector<800x8xf32> -> vector<800x8xf32>
    %get3A_9 = arith.constant 0 : index
    %get3A_10 = arith.constant 0 : index
    %get3A_11 = vector.load %arg36[%get3A_9, %get3A_10] : memref<1x8xf32, #tpu.memory_space<vmem>>, vector<1x8xf32>
    %mul3A_12 = arith.constant 9.99999993E-9 : f32
    %mul3A_13 = vector.broadcast %mul3A_12 : f32 to vector<1x8xf32>
    %mul3A_14 = arith.mulf %mul3A_13, %get3A_11 : vector<1x8xf32>
    %add3A = vector.broadcast %mul3A_14 : vector<1x8xf32> to vector<800x8xf32>
    %add3A_15 = arith.addf %dot_general3A_8, %add3A : vector<800x8xf32>
    %get3A_16 = arith.constant 0 : index
    %get3A_17 = arith.constant 0 : index
    %get3A_18 = vector.load %arg36[%get3A_16, %get3A_17] : memref<1x8xf32, #tpu.memory_space<vmem>>, vector<1x8xf32>
    %sqrt3A = math.sqrt %add3A_15 : vector<800x8xf32>
    %mul3A_19 = vector.broadcast %get3A_18 : vector<1x8xf32> to vector<800x8xf32>
    %mul3A_20 = arith.mulf %mul3A_19, %sqrt3A : vector<800x8xf32>
    %mul3A_21 = arith.mulf %get3A_1, %get3A_4 : vector<800x128xf32>
    %get3A_22 = arith.constant 0 : index
    %get3A_23 = arith.constant 0 : index
    %get3A_24 = vector.load %arg33[%get3A_22, %get3A_23] : memref<128x8xf32, #tpu.memory_space<vmem>>, vector<128x8xf32>
    %dot_general3A_25 = arith.constant dense<0.000000e+00> : vector<800x8xf32>
    %dot_general3A_26 = tpu.matmul %mul3A_21, %get3A_24, %dot_general3A_25 {dimension_numbers = #tpu.dot_dimension_numbers<[1], [0], [0], [1], [0, 0, 1, 1], [], []>, transpose_lhs_hint = false} : vector<800x128xf32>, vector<128x8xf32>, vector<800x8xf32> -> vector<800x8xf32>
    %add3A_27 = arith.addf %mul3A_20, %dot_general3A_26 : vector<800x8xf32>
    %get3A_28 = arith.constant 0 : index
    %get3A_29 = arith.constant 0 : index
    %get3A_30 = vector.load %arg1[%get3A_28, %get3A_29] : memref<800x128xf32, #tpu.memory_space<vmem>>, vector<800x128xf32>
    %get3A_31 = arith.constant 0 : index
    %get3A_32 = arith.constant 0 : index
    %get3A_33 = vector.load %arg6[%get3A_31, %get3A_32] : memref<128x128xf32, #tpu.memory_space<vmem>>, vector<128x128xf32>
    %dot_general3A_34 = arith.constant dense<0.000000e+00> : vector<800x128xf32>
    %dot_general3A_35 = tpu.matmul %get3A_30, %get3A_33, %dot_general3A_34 {dimension_numbers = #tpu.dot_dimension_numbers<[1], [0], [0], [1], [0, 0, 1, 1], [], []>, transpose_lhs_hint = false} : vector<800x128xf32>, vector<128x128xf32>, vector<800x128xf32> -> vector<800x128xf32>
    %get3A_36 = arith.constant 0 : index
    %get3A_37 = arith.constant 0 : index
    %get3A_38 = vector.load %arg2[%get3A_36, %get3A_37] : memref<800x128xf32, #tpu.memory_space<vmem>>, vector<800x128xf32>
    %get3A_39 = arith.constant 0 : index
    %get3A_40 = arith.constant 0 : index
    %get3A_41 = vector.load %arg7[%get3A_39, %get3A_40] : memref<128x128xf32, #tpu.memory_space<vmem>>, vector<128x128xf32>
    %dot_general3A_42 = arith.constant dense<0.000000e+00> : vector<800x128xf32>
    %dot_general3A_43 = tpu.matmul %get3A_38, %get3A_41, %dot_general3A_42 {dimension_numbers = #tpu.dot_dimension_numbers<[1], [0], [0], [1], [0, 0, 1, 1], [], []>, transpose_lhs_hint = false} : vector<800x128xf32>, vector<128x128xf32>, vector<800x128xf32> -> vector<800x128xf32>
    %add3A_44 = arith.addf %dot_general3A_35, %dot_general3A_43 : vector<800x128xf32>
    %get3A_45 = arith.constant 0 : index
    %get3A_46 = arith.constant 0 : index
    %get3A_47 = vector.load %arg5[%get3A_45, %get3A_46] : memref<800x64xf32, #tpu.memory_space<vmem>>, vector<800x64xf32>
    %get3A_48 = arith.constant 0 : index
    %get3A_49 = arith.constant 0 : index
    %get3A_50 = vector.load %arg8[%get3A_48, %get3A_49] : memref<64x128xf32, #tpu.memory_space<vmem>>, vector<64x128xf32>
    %dot_general3A_51 = arith.constant dense<0.000000e+00> : vector<800x128xf32>
    %dot_general3A_52 = tpu.matmul %get3A_47, %get3A_50, %dot_general3A_51 {dimension_numbers = #tpu.dot_dimension_numbers<[1], [0], [0], [1], [0, 0, 1, 1], [], []>, transpose_lhs_hint = false} : vector<800x64xf32>, vector<64x128xf32>, vector<800x128xf32> -> vector<800x128xf32>
    %add3A_53 = arith.addf %add3A_44, %dot_general3A_52 : vector<800x128xf32>
    %get3A_54 = arith.constant 0 : index
    %get3A_55 = arith.constant 0 : index
    %get3A_56 = vector.load %arg9[%get3A_54, %get3A_55] : memref<8x128xf32, #tpu.memory_space<vmem>>, vector<8x128xf32>
    %dot_general3A_57 = arith.constant dense<0.000000e+00> : vector<800x128xf32>
    %dot_general3A_58 = tpu.matmul %add3A_27, %get3A_56, %dot_general3A_57 {dimension_numbers = #tpu.dot_dimension_numbers<[1], [0], [0], [1], [0, 0, 1, 1], [], []>, transpose_lhs_hint = false} : vector<800x8xf32>, vector<8x128xf32>, vector<800x128xf32> -> vector<800x128xf32>
    %add3A_59 = arith.addf %add3A_53, %dot_general3A_58 : vector<800x128xf32>
    %get3A_60 = arith.constant 0 : index
    %get3A_61 = arith.constant 0 : index
    %get3A_62 = vector.load %arg10[%get3A_60, %get3A_61] : memref<1x128xf32, #tpu.memory_space<vmem>>, vector<1x128xf32>
    %add3A_63 = vector.broadcast %get3A_62 : vector<1x128xf32> to vector<800x128xf32>
    %add3A_64 = arith.addf %add3A_59, %add3A_63 : vector<800x128xf32>
    %get3A_65 = arith.constant 0 : index
    %get3A_66 = arith.constant 0 : index
    %get3A_67 = vector.load %arg11[%get3A_65, %get3A_66] : memref<1x128xf32, #tpu.memory_space<vmem>>, vector<1x128xf32>
    %get3A_68 = arith.constant 0 : index
    %get3A_69 = arith.constant 0 : index
    %get3A_70 = vector.load %arg12[%get3A_68, %get3A_69] : memref<1x128xf32, #tpu.memory_space<vmem>>, vector<1x128xf32>
    %get3A_71 = arith.constant 0 : index
    %get3A_72 = arith.constant 0 : index
    %get3A_73 = vector.load %arg31[%get3A_71, %get3A_72] : memref<128x128xf32, #tpu.memory_space<vmem>>, vector<128x128xf32>
    %dot_general3A_74 = arith.constant dense<0.000000e+00> : vector<800x128xf32>
    %dot_general3A_75 = tpu.matmul %add3A_64, %get3A_73, %dot_general3A_74 {dimension_numbers = #tpu.dot_dimension_numbers<[1], [0], [0], [1], [0, 0, 1, 1], [], []>, transpose_lhs_hint = false} : vector<800x128xf32>, vector<128x128xf32>, vector<800x128xf32> -> vector<800x128xf32>
    %mul3A_76 = arith.mulf %add3A_64, %add3A_64 : vector<800x128xf32>
    %dot_general3A_77 = arith.constant dense<0.000000e+00> : vector<800x128xf32>
    %dot_general3A_78 = tpu.matmul %mul3A_76, %get3A_73, %dot_general3A_77 {dimension_numbers = #tpu.dot_dimension_numbers<[1], [0], [0], [1], [0, 0, 1, 1], [], []>, transpose_lhs_hint = false} : vector<800x128xf32>, vector<128x128xf32>, vector<800x128xf32> -> vector<800x128xf32>
    %mul3A_79 = arith.mulf %dot_general3A_75, %dot_general3A_75 : vector<800x128xf32>
    %sub3A_80 = arith.subf %dot_general3A_78, %mul3A_79 : vector<800x128xf32>
    %sub3A_81 = arith.subf %add3A_64, %dot_general3A_75 : vector<800x128xf32>
    %add3A_82 = arith.constant 9.99999974E-6 : f32
    %add3A_83 = vector.broadcast %add3A_82 : f32 to vector<800x128xf32>
    %add3A_84 = arith.addf %sub3A_80, %add3A_83 : vector<800x128xf32>
    %rsqrt3A = math.rsqrt %add3A_84 : vector<800x128xf32>
    %mul3A_85 = arith.mulf %sub3A_81, %rsqrt3A : vector<800x128xf32>
    %mul3A_86 = vector.broadcast %get3A_67 : vector<1x128xf32> to vector<800x128xf32>
    %mul3A_87 = arith.mulf %mul3A_85, %mul3A_86 : vector<800x128xf32>
    %add3A_88 = vector.broadcast %get3A_70 : vector<1x128xf32> to vector<800x128xf32>
    %add3A_89 = arith.addf %mul3A_87, %add3A_88 : vector<800x128xf32>
    %max3A = arith.constant 0.000000e+00 : f32
    %max3A_90 = vector.broadcast %max3A : f32 to vector<800x128xf32>
    %max3A_91 = arith.maximumf %add3A_89, %max3A_90 : vector<800x128xf32>
    %get3A_92 = arith.constant 0 : index
    %get3A_93 = arith.constant 0 : index
    %get3A_94 = vector.load %arg13[%get3A_92, %get3A_93] : memref<128x128xf32, #tpu.memory_space<vmem>>, vector<128x128xf32>
    %dot_general3A_95 = arith.constant dense<0.000000e+00> : vector<800x128xf32>
    %dot_general3A_96 = tpu.matmul %max3A_91, %get3A_94, %dot_general3A_95 {dimension_numbers = #tpu.dot_dimension_numbers<[1], [0], [0], [1], [0, 0, 1, 1], [], []>, transpose_lhs_hint = false} : vector<800x128xf32>, vector<128x128xf32>, vector<800x128xf32> -> vector<800x128xf32>
    %get3A_97 = arith.constant 0 : index
    %get3A_98 = arith.constant 0 : index
    %get3A_99 = vector.load %arg14[%get3A_97, %get3A_98] : memref<1x128xf32, #tpu.memory_space<vmem>>, vector<1x128xf32>
    %add3A_100 = vector.broadcast %get3A_99 : vector<1x128xf32> to vector<800x128xf32>
    %add3A_101 = arith.addf %dot_general3A_96, %add3A_100 : vector<800x128xf32>
    %swap3A = arith.constant 0 : index
    %swap3A_102 = arith.constant 0 : index
    %swap3A_103 = vector.load %arg37[%swap3A, %swap3A_102] : memref<800x128xf32, #tpu.memory_space<vmem>>, vector<800x128xf32>
    tpu.vector_store %arg37[%swap3A, %swap3A_102], %add3A_101 {strides = array<i32>} : memref<800x128xf32, #tpu.memory_space<vmem>>, vector<800x128xf32>,
    %get3A_104 = arith.constant 0 : index
    %get3A_105 = arith.constant 0 : index
    %get3A_106 = vector.load %arg15[%get3A_104, %get3A_105] : memref<128x128xf32, #tpu.memory_space<vmem>>, vector<128x128xf32>
    %dot_general3A_107 = arith.constant dense<0.000000e+00> : vector<800x128xf32>
    %dot_general3A_108 = tpu.matmul %add3A_101, %get3A_106, %dot_general3A_107 {dimension_numbers = #tpu.dot_dimension_numbers<[1], [0], [0], [1], [0, 0, 1, 1], [], []>, transpose_lhs_hint = false} : vector<800x128xf32>, vector<128x128xf32>, vector<800x128xf32> -> vector<800x128xf32>
    %get3A_109 = arith.constant 0 : index
    %get3A_110 = arith.constant 0 : index
    %get3A_111 = vector.load %arg16[%get3A_109, %get3A_110] : memref<1x128xf32, #tpu.memory_space<vmem>>, vector<1x128xf32>
    %add3A_112 = vector.broadcast %get3A_111 : vector<1x128xf32> to vector<800x128xf32>
    %add3A_113 = arith.addf %dot_general3A_108, %add3A_112 : vector<800x128xf32>
    %get3A_114 = arith.constant 0 : index
    %get3A_115 = arith.constant 0 : index
    %get3A_116 = vector.load %arg17[%get3A_114, %get3A_115] : memref<1x128xf32, #tpu.memory_space<vmem>>, vector<1x128xf32>
    %get3A_117 = arith.constant 0 : index
    %get3A_118 = arith.constant 0 : index
    %get3A_119 = vector.load %arg18[%get3A_117, %get3A_118] : memref<1x128xf32, #tpu.memory_space<vmem>>, vector<1x128xf32>
    %get3A_120 = arith.constant 0 : index
    %get3A_121 = arith.constant 0 : index
    %get3A_122 = vector.load %arg31[%get3A_120, %get3A_121] : memref<128x128xf32, #tpu.memory_space<vmem>>, vector<128x128xf32>
    %dot_general3A_123 = arith.constant dense<0.000000e+00> : vector<800x128xf32>
    %dot_general3A_124 = tpu.matmul %add3A_113, %get3A_122, %dot_general3A_123 {dimension_numbers = #tpu.dot_dimension_numbers<[1], [0], [0], [1], [0, 0, 1, 1], [], []>, transpose_lhs_hint = false} : vector<800x128xf32>, vector<128x128xf32>, vector<800x128xf32> -> vector<800x128xf32>
    %mul3A_125 = arith.mulf %add3A_113, %add3A_113 : vector<800x128xf32>
    %dot_general3A_126 = arith.constant dense<0.000000e+00> : vector<800x128xf32>
    %dot_general3A_127 = tpu.matmul %mul3A_125, %get3A_122, %dot_general3A_126 {dimension_numbers = #tpu.dot_dimension_numbers<[1], [0], [0], [1], [0, 0, 1, 1], [], []>, transpose_lhs_hint = false} : vector<800x128xf32>, vector<128x128xf32>, vector<800x128xf32> -> vector<800x128xf32>
    %mul3A_128 = arith.mulf %dot_general3A_124, %dot_general3A_124 : vector<800x128xf32>
    %sub3A_129 = arith.subf %dot_general3A_127, %mul3A_128 : vector<800x128xf32>
    %sub3A_130 = arith.subf %add3A_113, %dot_general3A_124 : vector<800x128xf32>
    %add3A_131 = arith.constant 9.99999974E-6 : f32
    %add3A_132 = vector.broadcast %add3A_131 : f32 to vector<800x128xf32>
    %add3A_133 = arith.addf %sub3A_129, %add3A_132 : vector<800x128xf32>
    %rsqrt3A_134 = math.rsqrt %add3A_133 : vector<800x128xf32>
    %mul3A_135 = arith.mulf %sub3A_130, %rsqrt3A_134 : vector<800x128xf32>
    %mul3A_136 = vector.broadcast %get3A_116 : vector<1x128xf32> to vector<800x128xf32>
    %mul3A_137 = arith.mulf %mul3A_135, %mul3A_136 : vector<800x128xf32>
    %add3A_138 = vector.broadcast %get3A_119 : vector<1x128xf32> to vector<800x128xf32>
    %add3A_139 = arith.addf %mul3A_137, %add3A_138 : vector<800x128xf32>
    %max3A_140 = arith.constant 0.000000e+00 : f32
    %max3A_141 = vector.broadcast %max3A_140 : f32 to vector<800x128xf32>
    %max3A_142 = arith.maximumf %add3A_139, %max3A_141 : vector<800x128xf32>
    %get3A_143 = arith.constant 0 : index
    %get3A_144 = arith.constant 0 : index
    %get3A_145 = vector.load %arg19[%get3A_143, %get3A_144] : memref<128x128xf32, #tpu.memory_space<vmem>>, vector<128x128xf32>
    %dot_general3A_146 = arith.constant dense<0.000000e+00> : vector<800x128xf32>
    %dot_general3A_147 = tpu.matmul %max3A_142, %get3A_145, %dot_general3A_146 {dimension_numbers = #tpu.dot_dimension_numbers<[1], [0], [0], [1], [0, 0, 1, 1], [], []>, transpose_lhs_hint = false} : vector<800x128xf32>, vector<128x128xf32>, vector<800x128xf32> -> vector<800x128xf32>
    %get3A_148 = arith.constant 0 : index
    %get3A_149 = arith.constant 0 : index
    %get3A_150 = vector.load %arg20[%get3A_148, %get3A_149] : memref<1x128xf32, #tpu.memory_space<vmem>>, vector<1x128xf32>
    %add3A_151 = vector.broadcast %get3A_150 : vector<1x128xf32> to vector<800x128xf32>
    %add3A_152 = arith.addf %dot_general3A_147, %add3A_151 : vector<800x128xf32>
    %logistic3A = arith.negf %add3A_152 : vector<800x128xf32>
    %logistic3A_153 = math.exp %logistic3A : vector<800x128xf32>
    %logistic3A_154 = arith.constant 1.000000e+00 : f32
    %logistic3A_155 = vector.broadcast %logistic3A_154 : f32 to vector<800x128xf32>
    %logistic3A_156 = arith.addf %logistic3A_155, %logistic3A_153 : vector<800x128xf32>
    %logistic3A_157 = arith.divf %logistic3A_155, %logistic3A_156 : vector<800x128xf32>
    %swap3A_158 = arith.constant 0 : index
    %swap3A_159 = arith.constant 0 : index
    %swap3A_160 = vector.load %arg38[%swap3A_158, %swap3A_159] : memref<800x128xf32, #tpu.memory_space<vmem>>, vector<800x128xf32>
    tpu.vector_store %arg38[%swap3A_158, %swap3A_159], %logistic3A_157 {strides = array<i32>} : memref<800x128xf32, #tpu.memory_space<vmem>>, vector<800x128xf32>,
    %get3A_161 = arith.constant 0 : index
    %get3A_162 = arith.constant 0 : index
    %get3A_163 = vector.load %arg21[%get3A_161, %get3A_162] : memref<128x128xf32, #tpu.memory_space<vmem>>, vector<128x128xf32>
    %dot_general3A_164 = arith.constant dense<0.000000e+00> : vector<800x128xf32>
    %dot_general3A_165 = tpu.matmul %logistic3A_157, %get3A_163, %dot_general3A_164 {dimension_numbers = #tpu.dot_dimension_numbers<[1], [0], [0], [1], [0, 0, 1, 1], [], []>, transpose_lhs_hint = false} : vector<800x128xf32>, vector<128x128xf32>, vector<800x128xf32> -> vector<800x128xf32>
    %get3A_166 = arith.constant 0 : index
    %get3A_167 = arith.constant 0 : index
    %get3A_168 = vector.load %arg22[%get3A_166, %get3A_167] : memref<1x128xf32, #tpu.memory_space<vmem>>, vector<1x128xf32>
    %add3A_169 = vector.broadcast %get3A_168 : vector<1x128xf32> to vector<800x128xf32>
    %add3A_170 = arith.addf %dot_general3A_165, %add3A_169 : vector<800x128xf32>
    %get3A_171 = arith.constant 0 : index
    %get3A_172 = arith.constant 0 : index
    %get3A_173 = vector.load %arg23[%get3A_171, %get3A_172] : memref<1x128xf32, #tpu.memory_space<vmem>>, vector<1x128xf32>
    %get3A_174 = arith.constant 0 : index
    %get3A_175 = arith.constant 0 : index
    %get3A_176 = vector.load %arg24[%get3A_174, %get3A_175] : memref<1x128xf32, #tpu.memory_space<vmem>>, vector<1x128xf32>
    %get3A_177 = arith.constant 0 : index
    %get3A_178 = arith.constant 0 : index
    %get3A_179 = vector.load %arg31[%get3A_177, %get3A_178] : memref<128x128xf32, #tpu.memory_space<vmem>>, vector<128x128xf32>
    %dot_general3A_180 = arith.constant dense<0.000000e+00> : vector<800x128xf32>
    %dot_general3A_181 = tpu.matmul %add3A_170, %get3A_179, %dot_general3A_180 {dimension_numbers = #tpu.dot_dimension_numbers<[1], [0], [0], [1], [0, 0, 1, 1], [], []>, transpose_lhs_hint = false} : vector<800x128xf32>, vector<128x128xf32>, vector<800x128xf32> -> vector<800x128xf32>
    %mul3A_182 = arith.mulf %add3A_170, %add3A_170 : vector<800x128xf32>
    %dot_general3A_183 = arith.constant dense<0.000000e+00> : vector<800x128xf32>
    %dot_general3A_184 = tpu.matmul %mul3A_182, %get3A_179, %dot_general3A_183 {dimension_numbers = #tpu.dot_dimension_numbers<[1], [0], [0], [1], [0, 0, 1, 1], [], []>, transpose_lhs_hint = false} : vector<800x128xf32>, vector<128x128xf32>, vector<800x128xf32> -> vector<800x128xf32>
    %mul3A_185 = arith.mulf %dot_general3A_181, %dot_general3A_181 : vector<800x128xf32>
    %sub3A_186 = arith.subf %dot_general3A_184, %mul3A_185 : vector<800x128xf32>
    %sub3A_187 = arith.subf %add3A_170, %dot_general3A_181 : vector<800x128xf32>
    %add3A_188 = arith.constant 9.99999974E-6 : f32
    %add3A_189 = vector.broadcast %add3A_188 : f32 to vector<800x128xf32>
    %add3A_190 = arith.addf %sub3A_186, %add3A_189 : vector<800x128xf32>
    %rsqrt3A_191 = math.rsqrt %add3A_190 : vector<800x128xf32>
    %mul3A_192 = arith.mulf %sub3A_187, %rsqrt3A_191 : vector<800x128xf32>
    %mul3A_193 = vector.broadcast %get3A_173 : vector<1x128xf32> to vector<800x128xf32>
    %mul3A_194 = arith.mulf %mul3A_192, %mul3A_193 : vector<800x128xf32>
    %add3A_195 = vector.broadcast %get3A_176 : vector<1x128xf32> to vector<800x128xf32>
    %add3A_196 = arith.addf %mul3A_194, %add3A_195 : vector<800x128xf32>
    %max3A_197 = arith.constant 0.000000e+00 : f32
    %max3A_198 = vector.broadcast %max3A_197 : f32 to vector<800x128xf32>
    %max3A_199 = arith.maximumf %add3A_196, %max3A_198 : vector<800x128xf32>
    %get3A_200 = arith.constant 0 : index
    %get3A_201 = arith.constant 0 : index
    %get3A_202 = vector.load %arg25[%get3A_200, %get3A_201] : memref<128x128xf32, #tpu.memory_space<vmem>>, vector<128x128xf32>
    %dot_general3A_203 = arith.constant dense<0.000000e+00> : vector<800x128xf32>
    %dot_general3A_204 = tpu.matmul %max3A_199, %get3A_202, %dot_general3A_203 {dimension_numbers = #tpu.dot_dimension_numbers<[1], [0], [0], [1], [0, 0, 1, 1], [], []>, transpose_lhs_hint = false} : vector<800x128xf32>, vector<128x128xf32>, vector<800x128xf32> -> vector<800x128xf32>
    %get3A_205 = arith.constant 0 : index
    %get3A_206 = arith.constant 0 : index
    %get3A_207 = vector.load %arg26[%get3A_205, %get3A_206] : memref<1x128xf32, #tpu.memory_space<vmem>>, vector<1x128xf32>
    %add3A_208 = vector.broadcast %get3A_207 : vector<1x128xf32> to vector<800x128xf32>
    %add3A_209 = arith.addf %dot_general3A_204, %add3A_208 : vector<800x128xf32>
    %get3A_210 = arith.constant 0 : index
    %get3A_211 = arith.constant 0 : index
    %get3A_212 = vector.load %arg27[%get3A_210, %get3A_211] : memref<1x128xf32, #tpu.memory_space<vmem>>, vector<1x128xf32>
    %get3A_213 = arith.constant 0 : index
    %get3A_214 = arith.constant 0 : index
    %get3A_215 = vector.load %arg28[%get3A_213, %get3A_214] : memref<1x128xf32, #tpu.memory_space<vmem>>, vector<1x128xf32>
    %get3A_216 = arith.constant 0 : index
    %get3A_217 = arith.constant 0 : index
    %get3A_218 = vector.load %arg31[%get3A_216, %get3A_217] : memref<128x128xf32, #tpu.memory_space<vmem>>, vector<128x128xf32>
    %dot_general3A_219 = arith.constant dense<0.000000e+00> : vector<800x128xf32>
    %dot_general3A_220 = tpu.matmul %add3A_209, %get3A_218, %dot_general3A_219 {dimension_numbers = #tpu.dot_dimension_numbers<[1], [0], [0], [1], [0, 0, 1, 1], [], []>, transpose_lhs_hint = false} : vector<800x128xf32>, vector<128x128xf32>, vector<800x128xf32> -> vector<800x128xf32>
    %mul3A_221 = arith.mulf %add3A_209, %add3A_209 : vector<800x128xf32>
    %dot_general3A_222 = arith.constant dense<0.000000e+00> : vector<800x128xf32>
    %dot_general3A_223 = tpu.matmul %mul3A_221, %get3A_218, %dot_general3A_222 {dimension_numbers = #tpu.dot_dimension_numbers<[1], [0], [0], [1], [0, 0, 1, 1], [], []>, transpose_lhs_hint = false} : vector<800x128xf32>, vector<128x128xf32>, vector<800x128xf32> -> vector<800x128xf32>
    %mul3A_224 = arith.mulf %dot_general3A_220, %dot_general3A_220 : vector<800x128xf32>
    %sub3A_225 = arith.subf %dot_general3A_223, %mul3A_224 : vector<800x128xf32>
    %sub3A_226 = arith.subf %add3A_209, %dot_general3A_220 : vector<800x128xf32>
    %add3A_227 = arith.constant 9.99999974E-6 : f32
    %add3A_228 = vector.broadcast %add3A_227 : f32 to vector<800x128xf32>
    %add3A_229 = arith.addf %sub3A_225, %add3A_228 : vector<800x128xf32>
    %rsqrt3A_230 = math.rsqrt %add3A_229 : vector<800x128xf32>
    %mul3A_231 = arith.mulf %sub3A_226, %rsqrt3A_230 : vector<800x128xf32>
    %mul3A_232 = vector.broadcast %get3A_212 : vector<1x128xf32> to vector<800x128xf32>
    %mul3A_233 = arith.mulf %mul3A_231, %mul3A_232 : vector<800x128xf32>
    %add3A_234 = vector.broadcast %get3A_215 : vector<1x128xf32> to vector<800x128xf32>
    %add3A_235 = arith.addf %mul3A_233, %add3A_234 : vector<800x128xf32>
    %max3A_236 = arith.constant 0.000000e+00 : f32
    %max3A_237 = vector.broadcast %max3A_236 : f32 to vector<800x128xf32>
    %max3A_238 = arith.maximumf %add3A_235, %max3A_237 : vector<800x128xf32>
    %get3A_239 = arith.constant 0 : index
    %get3A_240 = arith.constant 0 : index
    %get3A_241 = vector.load %arg29[%get3A_239, %get3A_240] : memref<128x4xf32, #tpu.memory_space<vmem>>, vector<128x4xf32>
    %dot_general3A_242 = arith.constant dense<0.000000e+00> : vector<800x4xf32>
    %dot_general3A_243 = tpu.matmul %max3A_238, %get3A_241, %dot_general3A_242 {dimension_numbers = #tpu.dot_dimension_numbers<[1], [0], [0], [1], [0, 0, 1, 1], [], []>, transpose_lhs_hint = false} : vector<800x128xf32>, vector<128x4xf32>, vector<800x4xf32> -> vector<800x4xf32>
    %get3A_244 = arith.constant 0 : index
    %get3A_245 = arith.constant 0 : index
    %get3A_246 = vector.load %arg30[%get3A_244, %get3A_245] : memref<1x4xf32, #tpu.memory_space<vmem>>, vector<1x4xf32>
    %add3A_247 = vector.broadcast %get3A_246 : vector<1x4xf32> to vector<800x4xf32>
    %add3A_248 = arith.addf %dot_general3A_243, %add3A_247 : vector<800x4xf32>
    %get3A_249 = arith.constant 0 : index
    %get3A_250 = arith.constant 0 : index
    %get3A_251 = vector.load %arg34[%get3A_249, %get3A_250] : memref<4x128xf32, #tpu.memory_space<vmem>>, vector<4x128xf32>
    %dot_general3A_252 = arith.constant dense<0.000000e+00> : vector<800x128xf32>
    %dot_general3A_253 = tpu.matmul %add3A_248, %get3A_251, %dot_general3A_252 {dimension_numbers = #tpu.dot_dimension_numbers<[1], [0], [0], [1], [0, 0, 1, 1], [], []>, transpose_lhs_hint = false} : vector<800x4xf32>, vector<4x128xf32>, vector<800x128xf32> -> vector<800x128xf32>
    %mul3A_254 = arith.mulf %sub3A, %dot_general3A_253 : vector<800x128xf32>
    %jit3A = arith.constant -1.000000e+02 : f32
    %jit3A_255 = arith.constant 1.000000e+02 : f32
    %max3A_256 = vector.broadcast %jit3A : f32 to vector<800x128xf32>
    %max3A_257 = arith.maximumf %max3A_256, %mul3A_254 : vector<800x128xf32>
    %min3A = vector.broadcast %jit3A_255 : f32 to vector<800x128xf32>
    %min3A_258 = arith.minimumf %min3A, %max3A_257 : vector<800x128xf32>
    %get3A_259 = arith.constant 0 : index
    %get3A_260 = arith.constant 0 : index
    %get3A_261 = vector.load %arg35[%get3A_259, %get3A_260] : memref<128x32xf32, #tpu.memory_space<vmem>>, vector<128x32xf32>
    %dot_general3A_262 = arith.constant dense<0.000000e+00> : vector<800x32xf32>
    %dot_general3A_263 = tpu.matmul %min3A_258, %get3A_261, %dot_general3A_262 {dimension_numbers = #tpu.dot_dimension_numbers<[1], [0], [0], [1], [0, 0, 1, 1], [], []>, transpose_lhs_hint = false} : vector<800x128xf32>, vector<128x32xf32>, vector<800x32xf32> -> vector<800x32xf32>
    %swap3A_264 = arith.constant 0 : index
    %swap3A_265 = arith.constant 0 : index
    %swap3A_266 = vector.load %arg39[%swap3A_264, %swap3A_265] : memref<800x32xf32, #tpu.memory_space<vmem>>, vector<800x32xf32>
    tpu.vector_store %arg39[%swap3A_264, %swap3A_265], %dot_general3A_263 {strides = array<i32>} : memref<800x32xf32, #tpu.memory_space<vmem>>, vector<800x32xf32>,
    return
  }
  func.func @transform_0(%arg0: i32) -> (i32, i32) {
    %c0_i32 = arith.constant 0 : i32
    %c0_i32_0 = arith.constant 0 : i32
    return %arg0, %c0_i32 : i32, i32
  }
  func.func @transform_1(%arg0: i32) -> (i32, i32) {
    %c0_i32 = arith.constant 0 : i32
    %c0_i32_0 = arith.constant 0 : i32
    return %arg0, %c0_i32 : i32, i32
  }
  func.func @transform_2(%arg0: i32) -> (i32, i32) {
    %c0_i32 = arith.constant 0 : i32
    %c0_i32_0 = arith.constant 0 : i32
    return %arg0, %c0_i32 : i32, i32
  }
  func.func @transform_3(%arg0: i32) -> (i32, i32) {
    %c0_i32 = arith.constant 0 : i32
    %c0_i32_0 = arith.constant 0 : i32
    return %arg0, %c0_i32 : i32, i32
  }
  func.func @transform_4(%arg0: i32) -> (i32, i32) {
    %c0_i32 = arith.constant 0 : i32
    %c0_i32_0 = arith.constant 0 : i32
    return %arg0, %c0_i32 : i32, i32
  }
  func.func @transform_5(%arg0: i32) -> (i32, i32) {
    %c0_i32 = arith.constant 0 : i32
    %c0_i32_0 = arith.constant 0 : i32
    %c0_i32_1 = arith.constant 0 : i32
    return %c0_i32, %c0_i32_0 : i32, i32
  }
  func.func @transform_6(%arg0: i32) -> (i32, i32) {
    %c0_i32 = arith.constant 0 : i32
    %c0_i32_0 = arith.constant 0 : i32
    %c0_i32_1 = arith.constant 0 : i32
    return %c0_i32, %c0_i32_0 : i32, i32
  }
  func.func @transform_7(%arg0: i32) -> (i32, i32) {
    %c0_i32 = arith.constant 0 : i32
    %c0_i32_0 = arith.constant 0 : i32
    %c0_i32_1 = arith.constant 0 : i32
    return %c0_i32, %c0_i32_0 : i32, i32
  }
  func.func @transform_8(%arg0: i32) -> (i32, i32) {
    %c0_i32 = arith.constant 0 : i32
    %c0_i32_0 = arith.constant 0 : i32
    %c0_i32_1 = arith.constant 0 : i32
    return %c0_i32, %c0_i32_0 : i32, i32
  }
  func.func @transform_9(%arg0: i32) -> (i32, i32) {
    %c0_i32 = arith.constant 0 : i32
    %c0_i32_0 = arith.constant 0 : i32
    %c0_i32_1 = arith.constant 0 : i32
    return %c0_i32, %c0_i32_0 : i32, i32
  }
  func.func @transform_10(%arg0: i32) -> (i32, i32) {
    %c0_i32 = arith.constant 0 : i32
    %c0_i32_0 = arith.constant 0 : i32
    %c0_i32_1 = arith.constant 0 : i32
    return %c0_i32, %c0_i32_0 : i32, i32
  }
  func.func @transform_11(%arg0: i32) -> (i32, i32) {
    %c0_i32 = arith.constant 0 : i32
    %c0_i32_0 = arith.constant 0 : i32
    %c0_i32_1 = arith.constant 0 : i32
    return %c0_i32, %c0_i32_0 : i32, i32
  }
  func.func @transform_12(%arg0: i32) -> (i32, i32) {
    %c0_i32 = arith.constant 0 : i32
    %c0_i32_0 = arith.constant 0 : i32
    %c0_i32_1 = arith.constant 0 : i32
    return %c0_i32, %c0_i32_0 : i32, i32
  }
  func.func @transform_13(%arg0: i32) -> (i32, i32) {
    %c0_i32 = arith.constant 0 : i32
    %c0_i32_0 = arith.constant 0 : i32
    %c0_i32_1 = arith.constant 0 : i32
    return %c0_i32, %c0_i32_0 : i32, i32
  }
  func.func @transform_14(%arg0: i32) -> (i32, i32) {
    %c0_i32 = arith.constant 0 : i32
    %c0_i32_0 = arith.constant 0 : i32
    %c0_i32_1 = arith.constant 0 : i32
    return %c0_i32, %c0_i32_0 : i32, i32
  }
  func.func @transform_15(%arg0: i32) -> (i32, i32) {
    %c0_i32 = arith.constant 0 : i32
    %c0_i32_0 = arith.constant 0 : i32
    %c0_i32_1 = arith.constant 0 : i32
    return %c0_i32, %c0_i32_0 : i32, i32
  }
  func.func @transform_16(%arg0: i32) -> (i32, i32) {
    %c0_i32 = arith.constant 0 : i32
    %c0_i32_0 = arith.constant 0 : i32
    %c0_i32_1 = arith.constant 0 : i32
    return %c0_i32, %c0_i32_0 : i32, i32
  }
  func.func @transform_17(%arg0: i32) -> (i32, i32) {
    %c0_i32 = arith.constant 0 : i32
    %c0_i32_0 = arith.constant 0 : i32
    %c0_i32_1 = arith.constant 0 : i32
    return %c0_i32, %c0_i32_0 : i32, i32
  }
  func.func @transform_18(%arg0: i32) -> (i32, i32) {
    %c0_i32 = arith.constant 0 : i32
    %c0_i32_0 = arith.constant 0 : i32
    %c0_i32_1 = arith.constant 0 : i32
    return %c0_i32, %c0_i32_0 : i32, i32
  }
  func.func @transform_19(%arg0: i32) -> (i32, i32) {
    %c0_i32 = arith.constant 0 : i32
    %c0_i32_0 = arith.constant 0 : i32
    %c0_i32_1 = arith.constant 0 : i32
    return %c0_i32, %c0_i32_0 : i32, i32
  }
  func.func @transform_20(%arg0: i32) -> (i32, i32) {
    %c0_i32 = arith.constant 0 : i32
    %c0_i32_0 = arith.constant 0 : i32
    %c0_i32_1 = arith.constant 0 : i32
    return %c0_i32, %c0_i32_0 : i32, i32
  }
  func.func @transform_21(%arg0: i32) -> (i32, i32) {
    %c0_i32 = arith.constant 0 : i32
    %c0_i32_0 = arith.constant 0 : i32
    %c0_i32_1 = arith.constant 0 : i32
    return %c0_i32, %c0_i32_0 : i32, i32
  }
  func.func @transform_22(%arg0: i32) -> (i32, i32) {
    %c0_i32 = arith.constant 0 : i32
    %c0_i32_0 = arith.constant 0 : i32
    %c0_i32_1 = arith.constant 0 : i32
    return %c0_i32, %c0_i32_0 : i32, i32
  }
  func.func @transform_23(%arg0: i32) -> (i32, i32) {
    %c0_i32 = arith.constant 0 : i32
    %c0_i32_0 = arith.constant 0 : i32
    %c0_i32_1 = arith.constant 0 : i32
    return %c0_i32, %c0_i32_0 : i32, i32
  }
  func.func @transform_24(%arg0: i32) -> (i32, i32) {
    %c0_i32 = arith.constant 0 : i32
    %c0_i32_0 = arith.constant 0 : i32
    %c0_i32_1 = arith.constant 0 : i32
    return %c0_i32, %c0_i32_0 : i32, i32
  }
  func.func @transform_25(%arg0: i32) -> (i32, i32) {
    %c0_i32 = arith.constant 0 : i32
    %c0_i32_0 = arith.constant 0 : i32
    %c0_i32_1 = arith.constant 0 : i32
    return %c0_i32, %c0_i32_0 : i32, i32
  }
  func.func @transform_26(%arg0: i32) -> (i32, i32) {
    %c0_i32 = arith.constant 0 : i32
    %c0_i32_0 = arith.constant 0 : i32
    %c0_i32_1 = arith.constant 0 : i32
    return %c0_i32, %c0_i32_0 : i32, i32
  }
  func.func @transform_27(%arg0: i32) -> (i32, i32) {
    %c0_i32 = arith.constant 0 : i32
    %c0_i32_0 = arith.constant 0 : i32
    %c0_i32_1 = arith.constant 0 : i32
    return %c0_i32, %c0_i32_0 : i32, i32
  }
  func.func @transform_28(%arg0: i32) -> (i32, i32) {
    %c0_i32 = arith.constant 0 : i32
    %c0_i32_0 = arith.constant 0 : i32
    %c0_i32_1 = arith.constant 0 : i32
    return %c0_i32, %c0_i32_0 : i32, i32
  }
  func.func @transform_29(%arg0: i32) -> (i32, i32) {
    %c0_i32 = arith.constant 0 : i32
    %c0_i32_0 = arith.constant 0 : i32
    %c0_i32_1 = arith.constant 0 : i32
    return %c0_i32, %c0_i32_0 : i32, i32
  }
  func.func @transform_30(%arg0: i32) -> (i32, i32) {
    %c0_i32 = arith.constant 0 : i32
    %c0_i32_0 = arith.constant 0 : i32
    %c0_i32_1 = arith.constant 0 : i32
    return %c0_i32, %c0_i32_0 : i32, i32
  }
  func.func @transform_31(%arg0: i32) -> (i32, i32) {
    %c0_i32 = arith.constant 0 : i32
    %c0_i32_0 = arith.constant 0 : i32
    %c0_i32_1 = arith.constant 0 : i32
    return %c0_i32, %c0_i32_0 : i32, i32
  }
  func.func @transform_32(%arg0: i32) -> (i32, i32) {
    %c0_i32 = arith.constant 0 : i32
    %c0_i32_0 = arith.constant 0 : i32
    %c0_i32_1 = arith.constant 0 : i32
    return %c0_i32, %c0_i32_0 : i32, i32
  }
  func.func @transform_33(%arg0: i32) -> (i32, i32) {
    %c0_i32 = arith.constant 0 : i32
    %c0_i32_0 = arith.constant 0 : i32
    %c0_i32_1 = arith.constant 0 : i32
    return %c0_i32, %c0_i32_0 : i32, i32
  }
  func.func @transform_34(%arg0: i32) -> (i32, i32) {
    %c0_i32 = arith.constant 0 : i32
    %c0_i32_0 = arith.constant 0 : i32
    %c0_i32_1 = arith.constant 0 : i32
    return %c0_i32, %c0_i32_0 : i32, i32
  }
  func.func @transform_35(%arg0: i32) -> (i32, i32) {
    %c0_i32 = arith.constant 0 : i32
    %c0_i32_0 = arith.constant 0 : i32
    %c0_i32_1 = arith.constant 0 : i32
    return %c0_i32, %c0_i32_0 : i32, i32
  }
  func.func @transform_36(%arg0: i32) -> (i32, i32) {
    %c0_i32 = arith.constant 0 : i32
    %c0_i32_0 = arith.constant 0 : i32
    return %arg0, %c0_i32 : i32, i32
  }
  func.func @transform_37(%arg0: i32) -> (i32, i32) {
    %c0_i32 = arith.constant 0 : i32
    %c0_i32_0 = arith.constant 0 : i32
    return %arg0, %c0_i32 : i32, i32
  }
  func.func @transform_38(%arg0: i32) -> (i32, i32) {
    %c0_i32 = arith.constant 0 : i32
    %c0_i32_0 = arith.constant 0 : i32
    return %arg0, %c0_i32 : i32, i32
  }
}

module attributes {stable_mosaic.version = 14 : i64} {
  func.func @_node_body(%arg0: i32, %arg1: memref<2000x3xf32, #tpu.memory_space<vmem>>, %arg2: memref<2000x32xf32, #tpu.memory_space<vmem>>, %arg3: memref<2x2000x32xf32, #tpu.memory_space<vmem>>, %arg4: memref<2x2000x32xf32, #tpu.memory_space<vmem>>, %arg5: memref<2x2000x8xf32, #tpu.memory_space<vmem>>, %arg6: memref<2x2000x8xf32, #tpu.memory_space<vmem>>, %arg7: memref<32x32xf32, #tpu.memory_space<vmem>>, %arg8: memref<32x32xf32, #tpu.memory_space<vmem>>, %arg9: memref<1x32xf32, #tpu.memory_space<vmem>>, %arg10: memref<1x32xf32, #tpu.memory_space<vmem>>, %arg11: memref<1x32xf32, #tpu.memory_space<vmem>>, %arg12: memref<32x32xf32, #tpu.memory_space<vmem>>, %arg13: memref<1x32xf32, #tpu.memory_space<vmem>>, %arg14: memref<2000x3xf32, #tpu.memory_space<vmem>>, %arg15: memref<2000x32xf32, #tpu.memory_space<vmem>>) attributes {dimension_semantics = [#tpu.dimension_semantics<arbitrary>], iteration_bounds = array<i64: 25>, scalar_prefetch = 0 : i64, scratch_operands = 0 : i64, tpu.core_type = #tpu.core_type<tc>, window_params = [{transform_indices = @transform_0, window_bounds = array<i64: 2000, 3>}, {transform_indices = @transform_1, window_bounds = array<i64: 2000, 32>}, {transform_indices = @transform_2, window_bounds = array<i64: 2, 2000, 32>}, {transform_indices = @transform_3, window_bounds = array<i64: 2, 2000, 32>}, {transform_indices = @transform_4, window_bounds = array<i64: 2, 2000, 8>}, {transform_indices = @transform_5, window_bounds = array<i64: 2, 2000, 8>}, {pipeline_mode = #tpu.pipeline_mode<synchronous>, transform_indices = @transform_6, window_bounds = array<i64: 32, 32>}, {pipeline_mode = #tpu.pipeline_mode<synchronous>, transform_indices = @transform_7, window_bounds = array<i64: 32, 32>}, {pipeline_mode = #tpu.pipeline_mode<synchronous>, transform_indices = @transform_8, window_bounds = array<i64: 1, 32>}, {pipeline_mode = #tpu.pipeline_mode<synchronous>, transform_indices = @transform_9, window_bounds = array<i64: 1, 32>}, {pipeline_mode = #tpu.pipeline_mode<synchronous>, transform_indices = @transform_10, window_bounds = array<i64: 1, 32>}, {pipeline_mode = #tpu.pipeline_mode<synchronous>, transform_indices = @transform_11, window_bounds = array<i64: 32, 32>}, {pipeline_mode = #tpu.pipeline_mode<synchronous>, transform_indices = @transform_12, window_bounds = array<i64: 1, 32>}, {transform_indices = @transform_13, window_bounds = array<i64: 2000, 3>}, {transform_indices = @transform_14, window_bounds = array<i64: 2000, 32>}]} {
    %get3A = arith.constant 0 : index
    %get3A_0 = arith.constant 0 : index
    %get3A_1 = arith.constant 0 : index
    %get3A_2 = vector.load %arg3[%get3A, %get3A_0, %get3A_1] : memref<2x2000x32xf32, #tpu.memory_space<vmem>>, vector<1x2000x32xf32>
    %get3A_3 = vector.shape_cast %get3A_2 : vector<1x2000x32xf32> to vector<2000x32xf32>
    %get3A_4 = arith.constant 1 : index
    %get3A_5 = arith.constant 0 : index
    %get3A_6 = arith.constant 0 : index
    %get3A_7 = vector.load %arg3[%get3A_4, %get3A_5, %get3A_6] : memref<2x2000x32xf32, #tpu.memory_space<vmem>>, vector<1x2000x32xf32>
    %get3A_8 = vector.shape_cast %get3A_7 : vector<1x2000x32xf32> to vector<2000x32xf32>
    %add3A = arith.addf %get3A_3, %get3A_8 : vector<2000x32xf32>
    %get3A_9 = arith.constant 0 : index
    %get3A_10 = arith.constant 0 : index
    %get3A_11 = arith.constant 0 : index
    %get3A_12 = vector.load %arg4[%get3A_9, %get3A_10, %get3A_11] : memref<2x2000x32xf32, #tpu.memory_space<vmem>>, vector<1x2000x32xf32>
    %get3A_13 = vector.shape_cast %get3A_12 : vector<1x2000x32xf32> to vector<2000x32xf32>
    %add3A_14 = arith.addf %add3A, %get3A_13 : vector<2000x32xf32>
    %get3A_15 = arith.constant 1 : index
    %get3A_16 = arith.constant 0 : index
    %get3A_17 = arith.constant 0 : index
    %get3A_18 = vector.load %arg4[%get3A_15, %get3A_16, %get3A_17] : memref<2x2000x32xf32, #tpu.memory_space<vmem>>, vector<1x2000x32xf32>
    %get3A_19 = vector.shape_cast %get3A_18 : vector<1x2000x32xf32> to vector<2000x32xf32>
    %add3A_20 = arith.addf %add3A_14, %get3A_19 : vector<2000x32xf32>
    %get3A_21 = arith.constant 0 : index
    %get3A_22 = arith.constant 0 : index
    %get3A_23 = arith.constant 0 : index
    %get3A_24 = vector.load %arg5[%get3A_21, %get3A_22, %get3A_23] : memref<2x2000x8xf32, #tpu.memory_space<vmem>>, vector<1x2000x8xf32>
    %get3A_25 = vector.shape_cast %get3A_24 : vector<1x2000x8xf32> to vector<2000x8xf32>
    %get3A_26 = arith.constant 1 : index
    %get3A_27 = arith.constant 0 : index
    %get3A_28 = arith.constant 0 : index
    %get3A_29 = vector.load %arg5[%get3A_26, %get3A_27, %get3A_28] : memref<2x2000x8xf32, #tpu.memory_space<vmem>>, vector<1x2000x8xf32>
    %get3A_30 = vector.shape_cast %get3A_29 : vector<1x2000x8xf32> to vector<2000x8xf32>
    %add3A_31 = arith.addf %get3A_25, %get3A_30 : vector<2000x8xf32>
    %get3A_32 = arith.constant 0 : index
    %get3A_33 = arith.constant 0 : index
    %get3A_34 = arith.constant 0 : index
    %get3A_35 = vector.load %arg6[%get3A_32, %get3A_33, %get3A_34] : memref<2x2000x8xf32, #tpu.memory_space<vmem>>, vector<1x2000x8xf32>
    %get3A_36 = vector.shape_cast %get3A_35 : vector<1x2000x8xf32> to vector<2000x8xf32>
    %add3A_37 = arith.addf %add3A_31, %get3A_36 : vector<2000x8xf32>
    %get3A_38 = arith.constant 1 : index
    %get3A_39 = arith.constant 0 : index
    %get3A_40 = arith.constant 0 : index
    %get3A_41 = vector.load %arg6[%get3A_38, %get3A_39, %get3A_40] : memref<2x2000x8xf32, #tpu.memory_space<vmem>>, vector<1x2000x8xf32>
    %get3A_42 = vector.shape_cast %get3A_41 : vector<1x2000x8xf32> to vector<2000x8xf32>
    %add3A_43 = arith.addf %add3A_37, %get3A_42 : vector<2000x8xf32>
    %slice3A = vector.extract_strided_slice %add3A_43 {offsets = [0, 0], sizes = [2000, 3], strides = [1, 1]} : vector<2000x8xf32> to vector<2000x3xf32>
    %get3A_44 = arith.constant 0 : index
    %get3A_45 = arith.constant 0 : index
    %get3A_46 = vector.load %arg2[%get3A_44, %get3A_45] : memref<2000x32xf32, #tpu.memory_space<vmem>>, vector<2000x32xf32>
    %get3A_47 = arith.constant 0 : index
    %get3A_48 = arith.constant 0 : index
    %get3A_49 = vector.load %arg7[%get3A_47, %get3A_48] : memref<32x32xf32, #tpu.memory_space<vmem>>, vector<32x32xf32>
    %dot_general3A = arith.constant dense<0.000000e+00> : vector<2000x32xf32>
    %dot_general3A_50 = tpu.matmul %get3A_46, %get3A_49, %dot_general3A {dimension_numbers = #tpu.dot_dimension_numbers<[1], [0], [0], [1], [0, 0, 1, 1], [], []>, transpose_lhs_hint = false} : vector<2000x32xf32>, vector<32x32xf32>, vector<2000x32xf32> -> vector<2000x32xf32>
    %get3A_51 = arith.constant 0 : index
    %get3A_52 = arith.constant 0 : index
    %get3A_53 = vector.load %arg8[%get3A_51, %get3A_52] : memref<32x32xf32, #tpu.memory_space<vmem>>, vector<32x32xf32>
    %dot_general3A_54 = arith.constant dense<0.000000e+00> : vector<2000x32xf32>
    %dot_general3A_55 = tpu.matmul %add3A_20, %get3A_53, %dot_general3A_54 {dimension_numbers = #tpu.dot_dimension_numbers<[1], [0], [0], [1], [0, 0, 1, 1], [], []>, transpose_lhs_hint = false} : vector<2000x32xf32>, vector<32x32xf32>, vector<2000x32xf32> -> vector<2000x32xf32>
    %add3A_56 = arith.addf %dot_general3A_50, %dot_general3A_55 : vector<2000x32xf32>
    %get3A_57 = arith.constant 0 : index
    %get3A_58 = arith.constant 0 : index
    %get3A_59 = vector.load %arg9[%get3A_57, %get3A_58] : memref<1x32xf32, #tpu.memory_space<vmem>>, vector<1x32xf32>
    %add3A_60 = vector.broadcast %get3A_59 : vector<1x32xf32> to vector<2000x32xf32>
    %add3A_61 = arith.addf %add3A_56, %add3A_60 : vector<2000x32xf32>
    %get3A_62 = arith.constant 0 : index
    %get3A_63 = arith.constant 0 : index
    %get3A_64 = vector.load %arg10[%get3A_62, %get3A_63] : memref<1x32xf32, #tpu.memory_space<vmem>>, vector<1x32xf32>
    %get3A_65 = arith.constant 0 : index
    %get3A_66 = arith.constant 0 : index
    %get3A_67 = vector.load %arg11[%get3A_65, %get3A_66] : memref<1x32xf32, #tpu.memory_space<vmem>>, vector<1x32xf32>
    %reduce_sum3A = arith.constant dense<0.000000e+00> : vector<2000xf32>
    %reduce_sum3A_68 = vector.multi_reduction <add>, %add3A_61, %reduce_sum3A [1] : vector<2000x32xf32> to vector<2000xf32>
    %broadcast_in_dim3A = vector.shape_cast %reduce_sum3A_68 : vector<2000xf32> to vector<2000x1xf32>
    %div3A = arith.constant 3.200000e+01 : f32
    %div3A_69 = vector.broadcast %div3A : f32 to vector<2000x1xf32>
    %div3A_70 = arith.divf %broadcast_in_dim3A, %div3A_69 : vector<2000x1xf32>
    %mul3A = arith.mulf %add3A_61, %add3A_61 : vector<2000x32xf32>
    %reduce_sum3A_71 = arith.constant dense<0.000000e+00> : vector<2000xf32>
    %reduce_sum3A_72 = vector.multi_reduction <add>, %mul3A, %reduce_sum3A_71 [1] : vector<2000x32xf32> to vector<2000xf32>
    %broadcast_in_dim3A_73 = vector.shape_cast %reduce_sum3A_72 : vector<2000xf32> to vector<2000x1xf32>
    %div3A_74 = arith.constant 3.200000e+01 : f32
    %div3A_75 = vector.broadcast %div3A_74 : f32 to vector<2000x1xf32>
    %div3A_76 = arith.divf %broadcast_in_dim3A_73, %div3A_75 : vector<2000x1xf32>
    %mul3A_77 = arith.mulf %div3A_70, %div3A_70 : vector<2000x1xf32>
    %sub3A = arith.subf %div3A_76, %mul3A_77 : vector<2000x1xf32>
    %sub3A_78 = vector.broadcast %div3A_70 : vector<2000x1xf32> to vector<2000x32xf32>
    %sub3A_79 = arith.subf %add3A_61, %sub3A_78 : vector<2000x32xf32>
    %add3A_80 = arith.constant 9.99999974E-6 : f32
    %add3A_81 = vector.broadcast %add3A_80 : f32 to vector<2000x1xf32>
    %add3A_82 = arith.addf %sub3A, %add3A_81 : vector<2000x1xf32>
    %sqrt3A = math.sqrt %add3A_82 : vector<2000x1xf32>
    %div3A_83 = vector.broadcast %sqrt3A : vector<2000x1xf32> to vector<2000x32xf32>
    %div3A_84 = arith.divf %sub3A_79, %div3A_83 : vector<2000x32xf32>
    %mul3A_85 = vector.broadcast %get3A_64 : vector<1x32xf32> to vector<2000x32xf32>
    %mul3A_86 = arith.mulf %div3A_84, %mul3A_85 : vector<2000x32xf32>
    %add3A_87 = vector.broadcast %get3A_67 : vector<1x32xf32> to vector<2000x32xf32>
    %add3A_88 = arith.addf %mul3A_86, %add3A_87 : vector<2000x32xf32>
    %max3A = arith.constant 0.000000e+00 : f32
    %max3A_89 = vector.broadcast %max3A : f32 to vector<2000x32xf32>
    %max3A_90 = arith.maximumf %add3A_88, %max3A_89 : vector<2000x32xf32>
    %get3A_91 = arith.constant 0 : index
    %get3A_92 = arith.constant 0 : index
    %get3A_93 = vector.load %arg12[%get3A_91, %get3A_92] : memref<32x32xf32, #tpu.memory_space<vmem>>, vector<32x32xf32>
    %dot_general3A_94 = arith.constant dense<0.000000e+00> : vector<2000x32xf32>
    %dot_general3A_95 = tpu.matmul %max3A_90, %get3A_93, %dot_general3A_94 {dimension_numbers = #tpu.dot_dimension_numbers<[1], [0], [0], [1], [0, 0, 1, 1], [], []>, transpose_lhs_hint = false} : vector<2000x32xf32>, vector<32x32xf32>, vector<2000x32xf32> -> vector<2000x32xf32>
    %add3A_96 = arith.addf %get3A_46, %dot_general3A_95 : vector<2000x32xf32>
    %get3A_97 = arith.constant 0 : index
    %get3A_98 = arith.constant 0 : index
    %get3A_99 = vector.load %arg13[%get3A_97, %get3A_98] : memref<1x32xf32, #tpu.memory_space<vmem>>, vector<1x32xf32>
    %add3A_100 = vector.broadcast %get3A_99 : vector<1x32xf32> to vector<2000x32xf32>
    %add3A_101 = arith.addf %add3A_96, %add3A_100 : vector<2000x32xf32>
    %swap3A = arith.constant 0 : index
    %swap3A_102 = arith.constant 0 : index
    %swap3A_103 = vector.load %arg15[%swap3A, %swap3A_102] : memref<2000x32xf32, #tpu.memory_space<vmem>>, vector<2000x32xf32>
    tpu.vector_store %arg15[%swap3A, %swap3A_102], %add3A_101 {strides = array<i32>} : memref<2000x32xf32, #tpu.memory_space<vmem>>, vector<2000x32xf32>,
    %get3A_104 = arith.constant 0 : index
    %get3A_105 = arith.constant 0 : index
    %get3A_106 = vector.load %arg1[%get3A_104, %get3A_105] : memref<2000x3xf32, #tpu.memory_space<vmem>>, vector<2000x3xf32>
    %add3A_107 = arith.addf %get3A_106, %slice3A : vector<2000x3xf32>
    %swap3A_108 = arith.constant 0 : index
    %swap3A_109 = arith.constant 0 : index
    %swap3A_110 = vector.load %arg14[%swap3A_108, %swap3A_109] : memref<2000x3xf32, #tpu.memory_space<vmem>>, vector<2000x3xf32>
    tpu.vector_store %arg14[%swap3A_108, %swap3A_109], %add3A_107 {strides = array<i32>} : memref<2000x3xf32, #tpu.memory_space<vmem>>, vector<2000x3xf32>,
    return
  }
  func.func @transform_0(%arg0: i32) -> (i32, i32) {
    %c0_i32 = arith.constant 0 : i32
    %c0_i32_0 = arith.constant 0 : i32
    return %arg0, %c0_i32 : i32, i32
  }
  func.func @transform_1(%arg0: i32) -> (i32, i32) {
    %c0_i32 = arith.constant 0 : i32
    %c0_i32_0 = arith.constant 0 : i32
    return %arg0, %c0_i32 : i32, i32
  }
  func.func @transform_2(%arg0: i32) -> (i32, i32, i32) {
    %c0_i32 = arith.constant 0 : i32
    %c0_i32_0 = arith.constant 0 : i32
    %c0_i32_1 = arith.constant 0 : i32
    return %c0_i32, %arg0, %c0_i32_0 : i32, i32, i32
  }
  func.func @transform_3(%arg0: i32) -> (i32, i32, i32) {
    %c0_i32 = arith.constant 0 : i32
    %c0_i32_0 = arith.constant 0 : i32
    %c0_i32_1 = arith.constant 0 : i32
    return %c0_i32, %arg0, %c0_i32_0 : i32, i32, i32
  }
  func.func @transform_4(%arg0: i32) -> (i32, i32, i32) {
    %c0_i32 = arith.constant 0 : i32
    %c0_i32_0 = arith.constant 0 : i32
    %c0_i32_1 = arith.constant 0 : i32
    return %c0_i32, %arg0, %c0_i32_0 : i32, i32, i32
  }
  func.func @transform_5(%arg0: i32) -> (i32, i32, i32) {
    %c0_i32 = arith.constant 0 : i32
    %c0_i32_0 = arith.constant 0 : i32
    %c0_i32_1 = arith.constant 0 : i32
    return %c0_i32, %arg0, %c0_i32_0 : i32, i32, i32
  }
  func.func @transform_6(%arg0: i32) -> (i32, i32) {
    %c0_i32 = arith.constant 0 : i32
    %c0_i32_0 = arith.constant 0 : i32
    %c0_i32_1 = arith.constant 0 : i32
    return %c0_i32, %c0_i32_0 : i32, i32
  }
  func.func @transform_7(%arg0: i32) -> (i32, i32) {
    %c0_i32 = arith.constant 0 : i32
    %c0_i32_0 = arith.constant 0 : i32
    %c0_i32_1 = arith.constant 0 : i32
    return %c0_i32, %c0_i32_0 : i32, i32
  }
  func.func @transform_8(%arg0: i32) -> (i32, i32) {
    %c0_i32 = arith.constant 0 : i32
    %c0_i32_0 = arith.constant 0 : i32
    %c0_i32_1 = arith.constant 0 : i32
    return %c0_i32, %c0_i32_0 : i32, i32
  }
  func.func @transform_9(%arg0: i32) -> (i32, i32) {
    %c0_i32 = arith.constant 0 : i32
    %c0_i32_0 = arith.constant 0 : i32
    %c0_i32_1 = arith.constant 0 : i32
    return %c0_i32, %c0_i32_0 : i32, i32
  }
  func.func @transform_10(%arg0: i32) -> (i32, i32) {
    %c0_i32 = arith.constant 0 : i32
    %c0_i32_0 = arith.constant 0 : i32
    %c0_i32_1 = arith.constant 0 : i32
    return %c0_i32, %c0_i32_0 : i32, i32
  }
  func.func @transform_11(%arg0: i32) -> (i32, i32) {
    %c0_i32 = arith.constant 0 : i32
    %c0_i32_0 = arith.constant 0 : i32
    %c0_i32_1 = arith.constant 0 : i32
    return %c0_i32, %c0_i32_0 : i32, i32
  }
  func.func @transform_12(%arg0: i32) -> (i32, i32) {
    %c0_i32 = arith.constant 0 : i32
    %c0_i32_0 = arith.constant 0 : i32
    %c0_i32_1 = arith.constant 0 : i32
    return %c0_i32, %c0_i32_0 : i32, i32
  }
  func.func @transform_13(%arg0: i32) -> (i32, i32) {
    %c0_i32 = arith.constant 0 : i32
    %c0_i32_0 = arith.constant 0 : i32
    return %arg0, %c0_i32 : i32, i32
  }
  func.func @transform_14(%arg0: i32) -> (i32, i32) {
    %c0_i32 = arith.constant 0 : i32
    %c0_i32_0 = arith.constant 0 : i32
    return %arg0, %c0_i32 : i32, i32
  }
}

</mosaic_0001>

<sc_bundles>
// kernel: kernel.11.cloned.1.call-start
scs
__scs_entry_jumppad:
0x0: {  	(pc) =	sbr.rel $0x88, $3  }
0x1: {  	(tag) =	ssettag $0x0;
	lr =	simm.s32 $0x1  }
0x2: {  	[smem:$0x3F81] =	sst lr;
	_ =	strace $0xD0000000  }
0x3: {  	_ = 	snop  }
0x4: {  	_ = 	snop  }
0x5: {  	_ = 	snop  }
0x6: {  	_ = 	snop  }
0x7: {  	_ = 	snop  }
__scs_overlays_trampoline_lowered:
0x8: {  	[smem:$0x3F90] =	sst s0  }
0x9: {  	[smem:$0x3F91] =	sst s1  }
0xa: {  	[smem:$0x3F92] =	sst s2  }
0xb: {  	[smem:$0x3F93] =	sst s3  }
0xc: {  	[smem:$0x3F94] =	sst s4  }
0xd: {  	[smem:$0x3F95] =	sst s5  }
0xe: {  	[smem:$0x3F96] =	sst s6  }
0xf: {  	[smem:$0x3F97] =	sst s7  }
0x10: {  	[smem:$0x3F98] =	sst s8  }
0x11: {  	[smem:$0x3F99] =	sst s9;
	s0 =	simm.s32 @!p0 $0x0  }
0x12: {  	s1 =	sld [smem:$0x3F7F];
	s0 =	simm.s32 @p0 $0x1  }
0x13: {  	[smem:$0x3F9A] =	sst s0;
	s0 =	simm.s32 @!p1 $0x0  }
0x14: {  	s2 =	sld [smem:$0x3F7E];
	s0 =	simm.s32 @p1 $0x1  }
0x15: {  	[smem:$0x3F9B] =	sst s0;
	s0 =	simm.s32 @!p2 $0x0  }
0x16: {  	s3 =	sld [smem:$0x3FDB];
	s0 =	simm.s32 @p2 $0x1  }
0x17: {  	s4 =	simm.s32 $0x1BF5;
	[smem:$0x3F9D] =	sst s0  }
0x18: {  	s0 =	sld [smem:$0x3F80];
	_ =	swait.ge [sflag:s4], $0x0  }
0x19: {  	s7 =	sld [smem:$0x3F81]  }
0x1a: {  	s8 =	sadd.s32 $0xFFFFE003, lr  }
0x1b: {  	s9 =	sadd.s32 $0xFFFFFEF7, lr;
	s5 =	simm.s32 $0xFFFFFFFF;
	p2 =	slt.u32 s8, $0xFFFFF086  }
0x1c: {  	p1 =	slt.u32 s9, $0xF7A;
	s5 =	simm.s32 @!p2 $0x0  }
0x1d: {  	s5 =	simm.s32 @p1 $0x1;
	p0 =	seq.s32 s7, s2  }
0x1e: {  	s7 =	smul.u32 @!p0 $0xF7A, s2;
	p2 =	seq.s32 @!p0 s5, $0x0  }
0x1f: {  	s9 =	smul.u32 $0xF7A, s1;
	s8 =	simm.s32 @!p0 $0x1BF5;
	p2 =	por !p2, p0  }
0x20: {  	[sflag:s8] =	ssyncset.s32 @!p0 $0xFFFFF086;
	s6 =	sadd.s32 @!p0 s3, s7;
	s7 =	simm.s32 @!p0 $0x108  }
0x21: {  	s3 =	sadd.s32 s3, s9;
	s6 =	sadd.s32 @!p0 $0x88, s6;
	s7 =	simm.s32 @p2 $0x1082  }
0x22: {  	[simem:s7], [sflag:s8] =	dma.local @!p0 [hbm:s6], $0xF7A  }
0x23: {  	s9 =	sor.u32 $0xD0000000, s2;
	s6 =	simm.s32 $0x108;
	_ =	swait.ge @!p0 [sflag:s8], $0x0  }
0x24: {  	s3 =	sadd.s32 $0x88, s3;
	s6 =	simm.s32 @!p1 $0x1082;
	[sflag:s4] =	ssyncset.s32 $0xFFFFF086  }
0x25: {  	[simem:s6], [sflag:s4] =	dma.local [hbm:s3], $0xF7A  }
0x26: {  	[smem:$0x3F81] =	sst s1;
	(tag) =	ssettag s2;
	_ =	strace s9  }
0x27: {  	s1 =	sld [smem:$0x3F91]  }
0x28: {  	s2 =	sld [smem:$0x3F92]  }
0x29: {  	s4 =	sld [smem:$0x3F94]  }
0x2a: {  	p0 =	seq.s32 s5, $0x0;
	s5 =	sld [smem:$0x3F95]  }
0x2b: {  	s6 =	sld [smem:$0x3F96]  }
0x2c: {  	s7 =	sld [smem:$0x3F97]  }
0x2d: {  	s3 =	simm.s32 $0x108;
	s8 =	sld [smem:$0x3F98]  }
0x2e: {  	s3 =	simm.s32 @!p0 $0x1082;
	s9 =	sld [smem:$0x3F99]  }
0x2f: {  	lr =	sadd.s32 s0, s3;
	s0 =	sld [smem:$0x3F90]  }
0x30: {  	s3 =	sld [smem:$0x3F93]  }
0x31: {  	[smem:$0x3F9C] =	sst s10  }
0x32: {  	s10 =	sld [smem:$0x3F9A];
	_ =	sdelay $0x3  }
0x33: {  	p0 =	seq.s32 s10, $0x1;
	s10 =	sld [smem:$0x3F9C];
	_ =	sdelay $0x3  }
0x34: {  	[smem:$0x3F9C] =	sst s10  }
0x35: {  	s10 =	sld [smem:$0x3F9B];
	_ =	sdelay $0x3  }
0x36: {  	p1 =	seq.s32 s10, $0x1;
	s10 =	sld [smem:$0x3F9C];
	_ =	sdelay $0x3  }
0x37: {  	[smem:$0x3F9C] =	sst s10  }
0x38: {  	s10 =	sld [smem:$0x3F9D]  }
0x39: {  	_ = 	snop;
	(pc) =	sbr.ind lr, $3  }
0x3a: {  	_ = 	snop  }
0x3b: {  	_ = 	snop  }
0x3c: {  	p2 =	seq.s32 s10, $0x1;
	s10 =	sld [smem:$0x3F9C]  }
0x3d: {  	_ =	shalt  }
0x3e: {  	_ =	shalt  }
0x3f: {  	_ =	shalt  }
0x40: {  	_ =	shalt  }
0x41: {  	_ =	shalt  }
0x42: {  	_ =	shalt  }
0x43: {  	_ =	shalt  }
0x44: {  	_ =	shalt  }
0x45: {  	_ =	shalt  }
0x46: {  	_ =	shalt  }
0x47: {  	_ =	shalt  }
0x48: {  	_ =	shalt  }
0x49: {  	_ =	shalt  }
0x4a: {  	_ =	shalt  }
0x4b: {  	_ =	shalt  }
0x4c: {  	_ =	shalt  }
0x4d: {  	_ =	shalt  }
0x4e: {  	_ =	shalt  }
0x4f: {  	_ =	shalt  }
0x50: {  	_ =	shalt  }
0x51: {  	_ =	shalt  }
0x52: {  	_ =	shalt  }
0x53: {  	_ =	shalt  }
0x54: {  	_ =	shalt  }
0x55: {  	_ =	shalt  }
0x56: {  	_ =	shalt  }
0x57: {  	_ =	shalt  }
0x58: {  	_ =	shalt  }
0x59: {  	_ =	shalt  }
0x5a: {  	_ =	shalt  }
0x5b: {  	_ =	shalt  }
0x5c: {  	_ =	shalt  }
0x5d: {  	_ =	shalt  }
0x5e: {  	_ =	shalt  }
0x5f: {  	_ =	shalt  }
0x60: {  	_ =	shalt  }
0x61: {  	_ =	shalt  }
0x62: {  	_ =	shalt  }
0x63: {  	_ =	shalt  }
0x64: {  	_ =	shalt  }
0x65: {  	_ =	shalt  }
0x66: {  	_ =	shalt  }
0x67: {  	_ =	shalt  }
0x68: {  	_ =	shalt  }
0x69: {  	_ =	shalt  }
0x6a: {  	_ =	shalt  }
0x6b: {  	_ =	shalt  }
0x6c: {  	_ =	shalt  }
0x6d: {  	_ =	shalt  }
0x6e: {  	_ =	shalt  }
0x6f: {  	_ =	shalt  }
0x70: {  	_ =	shalt  }
0x71: {  	_ =	shalt  }
0x72: {  	_ =	shalt  }
0x73: {  	_ =	shalt  }
0x74: {  	_ =	shalt  }
0x75: {  	_ =	shalt  }
0x76: {  	_ =	shalt  }
0x77: {  	_ =	shalt  }
0x78: {  	_ =	shalt  }
0x79: {  	_ =	shalt  }
0x7a: {  	_ =	shalt  }
0x7b: {  	_ =	shalt  }
0x7c: {  	_ =	shalt  }
0x7d: {  	_ =	shalt  }
0x7e: {  	_ =	shalt  }
0x7f: {  	_ =	shalt  }
0x80: {  	_ =	shalt  }
0x81: {  	_ =	shalt  }
0x82: {  	_ =	shalt  }
0x83: {  	_ =	shalt  }
0x84: {  	_ =	shalt  }
0x85: {  	_ =	shalt  }
0x86: {  	_ =	shalt  }
0x87: {  	_ =	shalt  }
.Lfunc_end0:
.L_simem_size_0:
called_computation.2_lowered:
.L_overlay_start_0:
0x88: {  	s2 =	sld [smem:$0x3FD9]  }
0x89: {  	s3 =	sld [smem:$0x3FFE];
	_ =	sdelay $0x1  }
0x8a: {  	s1 =	srdreg.scid  }
0x8b: {  	s0 =	sand.u32 $0x1, s1  }
0x8c: {  	s15 =	sshll.u32 s0, $0xA;
	s2 =	sadd.s32 s3, s2  }
0x8d: {  	s2 =	sadd.s32 s2, s15  }
0x8e: {  	[smem:$0x3FA8] =	sst s2  }
0x8f: {  	_ = 	snop  }
0x90: {  	s2 =	sld [smem:$0x3FD0];
	_ =	sdelay $0x2  }
0x91: {  	s16 =	simm.s32 $0xF;
	s4 =	simm.s32 $0x10  }
0x92: {  	[smem:s4], [sflag:s16] =	dma.local [hbm:s2], $0x1  }
0x93: {  	_ =	swait.eq [sflag:s16], $0x1  }
0x94: {  	[sflag:s16] =	ssyncset.done $0x0  }
0x95: {  	[sflag:s16] =	ssyncadd.s32 $0xFFFFFFFF  }
0x96: {  	s17 =	sld [smem:$0x11];
	(tm) =	ssettm $0x1  }
0x97: {  	s18 =	sld [smem:$0x3FFB];
	_ =	sdelay $0x3  }
0x98: {  	_ =	strace s18  }
0x99: {  	s2 =	sld [smem:$0x3FFC];
	_ =	sdelay $0x3  }
0x9a: {  	_ =	strace s2  }
0x9b: {  	s2 =	sld [smem:$0x3FFD];
	_ =	sdelay $0x3  }
0x9c: {  	_ =	strace s2  }
0x9d: {  	_ =	strace $0x8FFFFFFF  }
0x9e: {  	s19 =	sld [smem:$0x3FDB];
	_ =	sdelay $0x1  }
0x9f: {  	s20 =	simm.s32 $_scs_section_size  }
0xa0: {  	s5 =	simm.s32 $_size__tile_overlayer_lowered;
	s6 =	simm.s32 $_tile_overlayer_lowered  }
0xa1: {  	s7 =	simm.s32 $0x1BFF;
	s21 =	sshll.u32 s6, $0x1;
	s4 =	sadd.s32 s20, s19  }
0xa2: {  	s22 =	simm.s32 $0x0;
	s5 =	sshll.u32 s5, $0x1;
	s6 =	sadd.s32 s21, s4  }
0xa3: {  	[timem:s22], [sflag:s7] =	dma.local [hbm:s6], s5  }
0xa4: {  	_ =	swait.ge [sflag:s7], s5  }
0xa5: {  	s5 =	ssub.s32 $0x0, s5;
	[sflag:s7] =	ssyncset.done $0x0  }
0xa6: {  	[sflag:s7] =	ssyncadd.s32 s5;
	_ =	sdelay $0x1  }
0xa7: {  	s23 =	simm.s32 $0x1B8B  }
0xa8: {  	_ =	swait.ge [sflag:s23], $0x1  }
0xa9: {  	[sflag:s23] =	ssyncset.done $0x0  }
0xaa: {  	[sflag:s23] =	ssyncadd.s32 $0xFFFFFFFF  }
0xab: {  	s5 =	sld [smem:$0x0]  }
0xac: {  	s6 =	sand.u32 $0xFFFFFFFE, s1  }
0xad: {  	p0 =	sne.s32 s1, s6  }
0xae: {  	s6 =	sshll.u32 @p0 s6, $0xE  }
0xaf: {  	s6 =	sadd.s32 @p0 $0x11B8D, s6;
	s7 =	sshll.u32 @p0 s5, $0x11  }
0xb0: {  	s6 =	sor.u32 @p0 s7, s6  }
0xb1: {  	[sflag:s6] =	ssyncadd.remote.s32 @p0 $0x1;
	_ =	sdelay $0x1  }
0xb2: {  	s6 =	simm.s32 @p0 $0x1B8D  }
0xb3: {  	_ =	swait.eq @p0 [sflag:s6], $0x1  }
0xb4: {  	[sflag:s6] =	ssyncadd.s32 @p0 $0xFFFFFFFF  }
0xb5: {  	s7 =	sshll.u32 @!p0 s1, $0xE  }
0xb6: {  	s7 =	sor.u32 @!p0 $0x4000, s7;
	s6 =	simm.s32 @!p0 $0x1B8D  }
0xb7: {  	s5 =	sshll.u32 @!p0 s5, $0x11;
	s7 =	sadd.s32 @!p0 $0x11B8D, s7;
	_ =	swait.eq @!p0 [sflag:s6], $0x1  }
0xb8: {  	s5 =	sor.u32 @!p0 s5, s7;
	[sflag:s6] =	ssyncadd.s32 @!p0 $0xFFFFFFFF  }
0xb9: {  	s25 =	simm.s32 $0x1B8E;
	s24 =	sld [smem:$0x3FFE];
	[sflag:s5] =	ssyncadd.remote.s32 @!p0 $0x1  }
0xba: {  	s26 =	simm.s32 $execute0_lowered;
	[smem:$0x3FD2] =	sst s25  }
0xbb: {  	s6 =	sshll.u32 s26, $0x1;
	_ =	strace $0x80000049;
	[dreg:$0x1] =	wrdreg $0xFFFFFFFF  }
0xbc: {  	s28 =	simm.s32 $_size_execute0_lowered;
	s4 =	sadd.s32 s4, s6;
	[dreg:$0x0] =	wrdreg $0x0  }
0xbd: {  	s6 =	sshll.u32 s28, $0x1;
	[dreg:$0x2] =	wrdreg s4  }
0xbe: {  	[dreg:$0x3] =	wrdreg s6  }
0xbf: {  	[dreg:$0x4] =	wrdreg $0xC0  }
0xc0: {  	_ =	task [dreg:s22], $0x5FFFF  }
0xc1: {  	[dreg:$0x1] =	wrdreg $0xFFFFFFFF  }
0xc2: {  	[dreg:$0x0] =	wrdreg $0x60  }
0xc3: {  	[dreg:$0x2] =	wrdreg s17  }
0xc4: {  	[dreg:$0x3] =	wrdreg s24  }
0xc5: {  	[dreg:$0x4] =	wrdreg $0xA  }
0xc6: {  	_ =	task.clear_ibuf [dreg:s22], $0x5FFFF;
	_ =	strace $0x90000049  }
0xc7: {  	s29 =	simm.s32 $0xA;
	_ =	strace $0x8000004B  }
0xc8: {  	_ =	swait.ge [sflag:s29], $0x1  }
0xc9: {  	[sflag:s29] =	ssyncadd.s32 $0xFFFFFFFF  }
0xca: {  	_ =	strace $0x9000004B  }
0xcb: {  	_ =	sfence  }
0xcc: {  	s30 =	sld [smem:$0x0];
	_ =	sdelay $0x2  }
0xcd: {  	s31 =	sshll.u32 s1, $0xD;
	s1 =	sshrl.u32 s1, $0x2  }
0xce: {  	s4 =	sand.u32 $0x4000, s31;
	s1 =	sadd.s32 s1, s30  }
0xcf: {  	s0 =	sor.u32 s4, s0;
	s1 =	sshll.u32 s1, $0x11  }
0xd0: {  	s0 =	sor.u32 s1, s0  }
0xd1: {  	s0 =	sadd.s32 $0x8F2B, s0  }
0xd2: {  	[sflag:s0] =	ssyncadd.remote.s32 $0x1  }
0xd3: {  	_ =	sfence.sel $0xFFFF  }
0xd4: {  	[dreg:$0x0] =	wrdreg $0xFFFFFFFF;
	(pc) =	sbr.abs _section_cstart, $3  }
0xd5: {  	[dreg:$0x1] =	wrdreg $0xFFFFFFFF  }
0xd6: {  	_ =	task.clear_ibuf [dreg:s22], $0x2FFFF;
	_ =	strace $0x9FFFFFFF  }
0xd7: {  	(tm) =	ssettm $0x7FFFFFFF  }
tec
execute0_lowered:
.L_overlay_start_1:
0x0: {  	(tag) =	ssettag $0x1  }
0x1: {  	s1 =	rddreg [dreg:$0x0]  }
0x2: {  	s0 =	rddreg [dreg:$0x1]  }
0x3: {  	s3 =	simm.s32 $0x0;
	s2 =	srdreg.scid;
	s29 =	simm.s32 $0x4100  }
0x4: {  	s30 =	simm.s32 $0x4138;
	s31 =	simm.s32 $0x38;
	[smem:$0x7FF] =	sst s3  }
0x5: {  	s13 =	stileid.u32;
	s4 =	sadd.s32 $0x1AEA00, s0;
	s6 =	sadd.s32 $0x7F9E00, s0  }
0x6: {  	s28 =	simm.s32 $0x4;
	s7 =	sadd.s32 $0x7ED800, s0;
	s8 =	sadd.s32 $0x806400, s0  }
0x7: {  	s2 =	sand.u32 $0x1, s2;
	s11 =	sadd.s32 $0xB19C00, s0;
	s15 =	smul.u32 $0x189C0, s13  }
0x8: {  	s9 =	sadd.s32 $0x990000, s0;
	s0 =	sadd.s32 $0xCA3800, s0;
	s22 =	smul.u32 $0x6270, s13  }
0x9: {  	s5 =	sshll.u32 s13, $0x1;
	_ =	strace $0x8000004A;
	s16 =	smul.u32 $0xC4E0, s2  }
0xa: {  	s5 =	sor.u32 s2, s5;
	s10 =	ssub.s32 $0x2, s2;
	s2 =	smul.u32 $0x3138, s2  }
0xb: {  	s5 =	smul.u32 $0x3138, s5;
	s12 =	sshrl.u32 s10, $0x1;
	s24 =	sadd.s32 s15, s11  }
0xc: {  	s25 =	sadd.s32 s15, s9;
	s26 =	sadd.s32 s15, s8;
	s10 =	ssub.s32 s10, s12  }
0xd: {  	s13 =	sadd.s32 s16, s24;
	s2 =	sadd.s32 s2, s22;
	s22 =	simm.s32 $0x2100  }
0xe: {  	s24 =	simm.s32 $0x1;
	s5 =	sadd.s32 $0x3100, s5;
	s23 =	smax.u32 s10, $0x1  }
0xf: {  	s2 =	sshrl.u32 s2, $0x3;
	s18 =	sshrl.u32 s5, $0x3;
	s5 =	sshll.u32 s5, $0x2  }
0x10: {  	[dreg:$0x9] =	wrdreg s23;
	s10 =	sadd.s32 s2, s6;
	s23 =	simm.s32 $0x3100  }
0x11: {  	s14 =	sadd.s32 s6, s18;
	s12 =	sadd.s32 s7, s18;
	s19 =	sadd.s32 s8, s5  }
0x12: {  	s20 =	sadd.s32 s9, s5;
	s21 =	sadd.s32 s11, s5;
	[dreg:$0x3] =	wrdreg s14  }
0x13: {  	s5 =	sadd.s32 s0, s5;
	s0 =	sadd.s32 s15, s0;
	[dreg:$0x4] =	wrdreg s12  }
0x14: {  	s15 =	sadd.s32 s16, s26;
	s9 =	sadd.s32 s2, s7;
	[dreg:$0x5] =	wrdreg s19  }
0x15: {  	s18 =	simm.s32 $0x5;
	s26 =	simm.s32 $0x3;
	[dreg:$0x6] =	wrdreg s20  }
0x16: {  	s2 =	simm.s32 $0x4870;
	s6 =	simm.s32 $0x5670;
	[dreg:$0x7] =	wrdreg s21  }
0x17: {  	s7 =	simm.s32 $0x0;
	[dreg:$0x8] =	wrdreg s5;
	s12 =	sadd.s32 s16, s0  }
0x18: {  	s14 =	sadd.s32 s16, s25;
	s19 =	simm.s32 $0x80;
	s20 =	simm.s32 $0x100  }
0x19: {  	s21 =	simm.s32 $0x1100;
	s25 =	simm.s32 $0x2;
	s5 =	simm.s32 $0x4F70  }
.LBB2_1:
0x1a: {  	[tilespmem:s3], [sflag:$0x5] =	stream.linear.gather [hbm4b:s10+s3], $0x80, $0x38;
	[tilespmem:$0x5D70] =	vst v63  }
0x1b: {  	_ =	swait.ge [sflag:s18], $0x80  }
0x1c: {  	[sflag:s18] =	ssyncset.done $0x0  }
0x1d: {  	[sflag:s18] =	ssyncadd.s32 $0xFFFFFF80  }
0x1e: {  	[tilespmem:s19], [sflag:$0x5] =	stream.linear.gather [hbm4b:s9+s3], $0x80, $0x38;
	[tilespmem:$0x5D70] =	vst v63  }
0x1f: {  	_ =	swait.ge [sflag:s18], $0x80  }
0x20: {  	[sflag:s18] =	ssyncset.done $0x0  }
0x21: {  	[sflag:s18] =	ssyncadd.s32 $0xFFFFFF80  }
0x22: {  	[tilespmem:s20], [sflag:$0x1] =	stream.indirect.gather [hbm4b:s1+s19], $0x20, s3, s19, $0xb8;
	[tilespmem:$0x5D70] =	vst v63  }
0x23: {  	_ = 	snop  }
0x24: {  	[tilespmem:s21], [sflag:$0x2] =	stream.indirect.gather [hbm4b:s1+s19], $0x20, s19, s19, $0xb8;
	[tilespmem:$0x5D70] =	vst v63  }
0x25: {  	_ = 	snop  }
0x26: {  	[tilespmem:s22], [sflag:$0x3] =	stream.indirect.gather [hbm4b:s4+s19], $0x20, s3, s19, $0xb8;
	[tilespmem:$0x5D70] =	vst v63  }
0x27: {  	_ = 	snop  }
0x28: {  	[tilespmem:s23], [sflag:$0x4] =	stream.indirect.gather [hbm4b:s4+s19], $0x20, s19, s19, $0xb8;
	[tilespmem:$0x5D70] =	vst v63  }
0x29: {  	_ =	swait.ge [sflag:s24], $0x1000  }
0x2a: {  	[sflag:s24] =	ssyncset.done $0x0  }
0x2b: {  	[sflag:s24] =	ssyncadd.s32 $0xFFFFF000  }
0x2c: {  	_ =	swait.ge [sflag:s25], $0x1000  }
0x2d: {  	[sflag:s25] =	ssyncset.done $0x0  }
0x2e: {  	[sflag:s25] =	ssyncadd.s32 $0xFFFFF000  }
0x2f: {  	_ =	swait.ge [sflag:s26], $0x1000  }
0x30: {  	[sflag:s26] =	ssyncset.done $0x0  }
0x31: {  	[sflag:s26] =	ssyncadd.s32 $0xFFFFF000  }
0x32: {  	_ =	swait.ge [sflag:s28], $0x1000  }
0x33: {  	[sflag:s28] =	ssyncset.done $0x0  }
0x34: {  	s8 =	sadd.s32 $0x0, s15;
	[sflag:s28] =	ssyncadd.s32 $0xFFFFF000  }
0x35: {  	[hbm4b:s8+s3] =	stream.linear.scatter [tilespmem:s20], [sflag:$0x5], $0x1000, $0x38;
	[tilespmem:$0x5D70] =	vst v63  }
0x36: {  	_ =	swait.ge [sflag:s18], $0x1000  }
0x37: {  	[sflag:s18] =	ssyncset.done $0x0  }
0x38: {  	s11 =	sadd.s32 $0x0, s14;
	[sflag:s18] =	ssyncadd.s32 $0xFFFFF000  }
0x39: {  	[hbm4b:s11+s3] =	stream.linear.scatter [tilespmem:s21], [sflag:$0x5], $0x1000, $0x38;
	[tilespmem:$0x5D70] =	vst v63  }
0x3a: {  	_ =	swait.ge [sflag:s18], $0x1000  }
0x3b: {  	[sflag:s18] =	ssyncset.done $0x0  }
0x3c: {  	s16 =	sadd.s32 $0x0, s13;
	[sflag:s18] =	ssyncadd.s32 $0xFFFFF000  }
0x3d: {  	[hbm4b:s16+s3] =	stream.linear.scatter [tilespmem:s22], [sflag:$0x5], $0x1000, $0x38;
	[tilespmem:$0x5D70] =	vst v63  }
0x3e: {  	_ =	swait.ge [sflag:s18], $0x1000  }
0x3f: {  	[sflag:s18] =	ssyncset.done $0x0  }
0x40: {  	s17 =	sadd.s32 $0x0, s12;
	[sflag:s18] =	ssyncadd.s32 $0xFFFFF000  }
0x41: {  	[hbm4b:s17+s3] =	stream.linear.scatter [tilespmem:s23], [sflag:$0x5], $0x1000, $0x38;
	[tilespmem:$0x5D70] =	vst v63  }
0x42: {  	s8 =	simm.s32 $0x200;
	_ =	swait.ge [sflag:s18], $0x1000  }
0x43: {  	s16 =	smov.u32 s9;
	s17 =	smov.u32 s10;
	[sflag:s18] =	ssyncset.done $0x0  }
.LBB2_2:
0x44: {  	[sflag:s18] =	ssyncadd.s32 $0xFFFFF000  }
0x45: {  	s16 =	sadd.s32 $0x10, s16;
	s17 =	sadd.s32 $0x10, s17;
	s11 =	smov.u32 s8  }
0x46: {  	[tilespmem:s3], [sflag:$0x5] =	stream.linear.gather [hbm4b:s17+s3], $0x80, $0x38;
	[tilespmem:$0x5D70] =	vst v63  }
0x47: {  	p0 =	sne.s32 s8, $0xC200;
	s8 =	sadd.s32 $0x200, s8;
	_ =	swait.ge [sflag:s18], $0x80  }
0x48: {  	[sflag:s18] =	ssyncset.done $0x0  }
0x49: {  	[sflag:s18] =	ssyncadd.s32 $0xFFFFFF80  }
0x4a: {  	[tilespmem:s19], [sflag:$0x5] =	stream.linear.gather [hbm4b:s16+s3], $0x80, $0x38;
	[tilespmem:$0x5D70] =	vst v63  }
0x4b: {  	_ =	swait.ge [sflag:s18], $0x80  }
0x4c: {  	[sflag:s18] =	ssyncset.done $0x0  }
0x4d: {  	[sflag:s18] =	ssyncadd.s32 $0xFFFFFF80  }
0x4e: {  	[tilespmem:s20], [sflag:$0x1] =	stream.indirect.gather [hbm4b:s1+s19], $0x20, s3, s19, $0xb8;
	[tilespmem:$0x5D70] =	vst v63  }
0x4f: {  	_ = 	snop  }
0x50: {  	[tilespmem:s21], [sflag:$0x2] =	stream.indirect.gather [hbm4b:s1+s19], $0x20, s19, s19, $0xb8;
	[tilespmem:$0x5D70] =	vst v63  }
0x51: {  	_ = 	snop  }
0x52: {  	[tilespmem:s22], [sflag:$0x3] =	stream.indirect.gather [hbm4b:s4+s19], $0x20, s3, s19, $0xb8;
	[tilespmem:$0x5D70] =	vst v63  }
0x53: {  	_ = 	snop  }
0x54: {  	[tilespmem:s23], [sflag:$0x4] =	stream.indirect.gather [hbm4b:s4+s19], $0x20, s19, s19, $0xb8;
	[tilespmem:$0x5D70] =	vst v63  }
0x55: {  	_ =	swait.ge [sflag:s24], $0x1000  }
0x56: {  	[sflag:s24] =	ssyncset.done $0x0  }
0x57: {  	[sflag:s24] =	ssyncadd.s32 $0xFFFFF000  }
0x58: {  	_ =	swait.ge [sflag:s25], $0x1000  }
0x59: {  	[sflag:s25] =	ssyncset.done $0x0  }
0x5a: {  	[sflag:s25] =	ssyncadd.s32 $0xFFFFF000  }
0x5b: {  	_ =	swait.ge [sflag:s26], $0x1000  }
0x5c: {  	[sflag:s26] =	ssyncset.done $0x0  }
0x5d: {  	[sflag:s26] =	ssyncadd.s32 $0xFFFFF000  }
0x5e: {  	_ =	swait.ge [sflag:s28], $0x1000  }
0x5f: {  	[sflag:s28] =	ssyncset.done $0x0  }
0x60: {  	s0 =	sadd.s32 s11, s15;
	[sflag:s28] =	ssyncadd.s32 $0xFFFFF000  }
0x61: {  	[hbm4b:s0+s3] =	stream.linear.scatter [tilespmem:s20], [sflag:$0x5], $0x1000, $0x38;
	[tilespmem:$0x5D70] =	vst v63  }
0x62: {  	_ =	swait.ge [sflag:s18], $0x1000  }
0x63: {  	[sflag:s18] =	ssyncset.done $0x0  }
0x64: {  	s0 =	sadd.s32 s11, s14;
	[sflag:s18] =	ssyncadd.s32 $0xFFFFF000  }
0x65: {  	[hbm4b:s0+s3] =	stream.linear.scatter [tilespmem:s21], [sflag:$0x5], $0x1000, $0x38;
	[tilespmem:$0x5D70] =	vst v63  }
0x66: {  	_ =	swait.ge [sflag:s18], $0x1000  }
0x67: {  	[sflag:s18] =	ssyncset.done $0x0  }
0x68: {  	s0 =	sadd.s32 s11, s13;
	[sflag:s18] =	ssyncadd.s32 $0xFFFFF000  }
0x69: {  	[hbm4b:s0+s3] =	stream.linear.scatter [tilespmem:s22], [sflag:$0x5], $0x1000, $0x38;
	[tilespmem:$0x5D70] =	vst v63  }
0x6a: {  	_ =	swait.ge [sflag:s18], $0x1000  }
.Ltmp0:
0x6b: {  	[sflag:s18] =	ssyncset.done $0x0;
	(pc) =	sbr.rel @p0 .LBB2_2-.Ltmp0, $4  }
0x6c: {  	s0 =	sadd.s32 s11, s12;
	[sflag:s18] =	ssyncadd.s32 $0xFFFFF000  }
0x6d: {  	[hbm4b:s0+s3] =	stream.linear.scatter [tilespmem:s23], [sflag:$0x5], $0x1000, $0x38;
	[tilespmem:$0x5D70] =	vst v63  }
0x6e: {  	_ =	swait.ge [sflag:s18], $0x1000  }
0x6f: {  	[sflag:s18] =	ssyncset.done $0x0  }
0x70: {  	[sflag:s18] =	ssyncadd.s32 $0xFFFFF000;
	s0 =	rddreg [dreg:$0x3]  }
0x71: {  	[tilespmem:s29], [sflag:$0x5] =	stream.linear.gather [hbm4b:s0+s3], $0x38, $0x38;
	[tilespmem:$0x5D70] =	vst v63  }
0x72: {  	_ =	swait.ge [sflag:s18], $0x38  }
0x73: {  	[sflag:s18] =	ssyncset.done $0x0  }
0x74: {  	s16 =	rddreg [dreg:$0x4];
	[sflag:s18] =	ssyncadd.s32 $0xFFFFFFC8  }
0x75: {  	[tilespmem:s30], [sflag:$0x5] =	stream.linear.gather [hbm4b:s16+s3], $0x38, $0x38;
	[tilespmem:$0x5D70] =	vst v63  }
0x76: {  	_ =	swait.ge [sflag:s18], $0x38  }
0x77: {  	[sflag:s18] =	ssyncset.done $0x0  }
0x78: {  	s8 =	simm.s32 $0x4170;
	[sflag:s18] =	ssyncadd.s32 $0xFFFFFFC8  }
0x79: {  	[tilespmem:s8], [sflag:$0x1] =	stream.indirect.gather [hbm4b:s1+s31], $0x20, s29, s31, $0xb8;
	[tilespmem:$0x5D70] =	vst v63  }
0x7a: {  	_ = 	snop  }
0x7b: {  	[tilespmem:s2], [sflag:$0x2] =	stream.indirect.gather [hbm4b:s1+s31], $0x20, s30, s31, $0xb8;
	[tilespmem:$0x5D70] =	vst v63  }
0x7c: {  	_ = 	snop  }
0x7d: {  	[tilespmem:s5], [sflag:$0x3] =	stream.indirect.gather [hbm4b:s4+s31], $0x20, s29, s31, $0xb8;
	[tilespmem:$0x5D70] =	vst v63  }
0x7e: {  	_ = 	snop  }
0x7f: {  	[tilespmem:s6], [sflag:$0x4] =	stream.indirect.gather [hbm4b:s4+s31], $0x20, s30, s31, $0xb8;
	[tilespmem:$0x5D70] =	vst v63  }
0x80: {  	_ =	swait.ge [sflag:s24], $0x700  }
0x81: {  	[sflag:s24] =	ssyncset.done $0x0  }
0x82: {  	[sflag:s24] =	ssyncadd.s32 $0xFFFFF900  }
0x83: {  	_ =	swait.ge [sflag:s25], $0x700  }
0x84: {  	[sflag:s25] =	ssyncset.done $0x0  }
0x85: {  	[sflag:s25] =	ssyncadd.s32 $0xFFFFF900  }
0x86: {  	_ =	swait.ge [sflag:s26], $0x700  }
0x87: {  	[sflag:s26] =	ssyncset.done $0x0  }
0x88: {  	[sflag:s26] =	ssyncadd.s32 $0xFFFFF900  }
0x89: {  	_ =	swait.ge [sflag:s28], $0x700  }
0x8a: {  	[sflag:s28] =	ssyncset.done $0x0  }
0x8b: {  	s17 =	rddreg [dreg:$0x5];
	[sflag:s28] =	ssyncadd.s32 $0xFFFFF900  }
0x8c: {  	[hbm4b:s17+s3] =	stream.linear.scatter [tilespmem:s8], [sflag:$0x5], $0x700, $0x38;
	[tilespmem:$0x5D70] =	vst v63  }
0x8d: {  	_ =	swait.ge [sflag:s18], $0x700  }
0x8e: {  	[sflag:s18] =	ssyncset.done $0x0  }
0x8f: {  	s8 =	rddreg [dreg:$0x6];
	[sflag:s18] =	ssyncadd.s32 $0xFFFFF900  }
0x90: {  	[hbm4b:s8+s3] =	stream.linear.scatter [tilespmem:s2], [sflag:$0x5], $0x700, $0x38;
	[tilespmem:$0x5D70] =	vst v63  }
0x91: {  	_ =	swait.ge [sflag:s18], $0x700  }
0x92: {  	[sflag:s18] =	ssyncset.done $0x0  }
0x93: {  	s11 =	rddreg [dreg:$0x7];
	[sflag:s18] =	ssyncadd.s32 $0xFFFFF900  }
0x94: {  	[hbm4b:s11+s3] =	stream.linear.scatter [tilespmem:s5], [sflag:$0x5], $0x700, $0x38;
	[tilespmem:$0x5D70] =	vst v63  }
0x95: {  	_ =	swait.ge [sflag:s18], $0x700  }
0x96: {  	[sflag:s18] =	ssyncset.done $0x0  }
0x97: {  	s16 =	rddreg [dreg:$0x8];
	[sflag:s18] =	ssyncadd.s32 $0xFFFFF900  }
0x98: {  	[hbm4b:s16+s3] =	stream.linear.scatter [tilespmem:s6], [sflag:$0x5], $0x700, $0x38;
	[tilespmem:$0x5D70] =	vst v63  }
0x99: {  	_ =	swait.ge [sflag:s18], $0x700  }
0x9a: {  	s7 =	sadd.s32 $0x1, s7;
	s17 =	rddreg [dreg:$0x9]  }
0x9b: {  	p0 =	sne.s32 s7, s17  }
.Ltmp1:
0x9c: {  	_ = 	snop;
	(pc) =	sbr.rel @p0 .LBB2_1-.Ltmp1, $3  }
0x9d: {  	_ =	sdelay $0x1  }
0x9e: {  	[sflag:s18] =	ssyncset.done $0x0  }
0x9f: {  	[sflag:s18] =	ssyncadd.s32 $0xFFFFF900  }
0xa0: {  	_ =	sfence.sel $0x180000  }
0xa1: {  	[bflag:$0x0] =	sbarrier.arrive $0xFFFF  }
0xa2: {  	_ =	strace $0x9000004A  }
0xa3: {  	s0 =	stileid.u32;
	[bflag:$0x2] =	sbarrier.arrive $0xFFFF  }
0xa4: {  	p0 =	sne.s32 s0, $0x0;
	s0 =	rddreg [dreg:$0x2]  }
0xa5: {  	s0 =	sadd.s32 @!p0 $0x100000, s0  }
0xa6: {  	[sflag:s0] =	ssyncadd.tile.s32 @!p0 $0x1;
	_ =	shalt  }
.Lfunc_end2:
_tile_overlayer_lowered:
.L_overlay_start_2:
0xa7: {  	(tag) =	ssettag $0x2  }
0xa8: {  	s0 =	rddreg [dreg:$0x0];
	s2 =	stileid.u32  }
0xa9: {  	s1 =	rddreg [dreg:$0x1];
	p0 =	sne.s32 s2, $0x0  }
0xaa: {  	s3 =	rddreg [dreg:$0x2];
	[bflag:$0x3] =	sbarrier.arrive $0xFFFF;
	s2 =	simm.s32 @!p0 $0x1C05  }
0xab: {  	[timem:s3], [sflag:s2] =	dma.local @!p0 [hbm:s0], s1  }
0xac: {  	s0 =	simm.s32 @!p0 $0x5  }
0xad: {  	_ =	swait.ge @!p0 [sflag:s0], s1  }
0xae: {  	s1 =	ssub.s32 @!p0 $0x0, s1;
	[sflag:s0] =	ssyncset.done @!p0 $0x0  }
0xaf: {  	[sflag:s0] =	ssyncadd.s32 @!p0 s1  }
0xb0: {  	[bflag:$0x3] =	sbarrier.arrive $0xFFFF  }
0xb1: {  	_ =	shalt  }

// kernel: kernel.14.cloned.1.call-start
scs
__scs_entry_jumppad:
0x0: {  	(pc) =	sbr.rel $0x88, $3  }
0x1: {  	(tag) =	ssettag $0x0;
	lr =	simm.s32 $0x1  }
0x2: {  	[smem:$0x3F81] =	sst lr;
	_ =	strace $0xD0000000  }
0x3: {  	_ = 	snop  }
0x4: {  	_ = 	snop  }
0x5: {  	_ = 	snop  }
0x6: {  	_ = 	snop  }
0x7: {  	_ = 	snop  }
__scs_overlays_trampoline_lowered:
0x8: {  	[smem:$0x3F90] =	sst s0  }
0x9: {  	[smem:$0x3F91] =	sst s1  }
0xa: {  	[smem:$0x3F92] =	sst s2  }
0xb: {  	[smem:$0x3F93] =	sst s3  }
0xc: {  	[smem:$0x3F94] =	sst s4  }
0xd: {  	[smem:$0x3F95] =	sst s5  }
0xe: {  	[smem:$0x3F96] =	sst s6  }
0xf: {  	[smem:$0x3F97] =	sst s7  }
0x10: {  	[smem:$0x3F98] =	sst s8  }
0x11: {  	[smem:$0x3F99] =	sst s9;
	s0 =	simm.s32 @!p0 $0x0  }
0x12: {  	s1 =	sld [smem:$0x3F7F];
	s0 =	simm.s32 @p0 $0x1  }
0x13: {  	[smem:$0x3F9A] =	sst s0;
	s0 =	simm.s32 @!p1 $0x0  }
0x14: {  	s2 =	sld [smem:$0x3F7E];
	s0 =	simm.s32 @p1 $0x1  }
0x15: {  	[smem:$0x3F9B] =	sst s0;
	s0 =	simm.s32 @!p2 $0x0  }
0x16: {  	s3 =	sld [smem:$0x3FDB];
	s0 =	simm.s32 @p2 $0x1  }
0x17: {  	s4 =	simm.s32 $0x1BF5;
	[smem:$0x3F9D] =	sst s0  }
0x18: {  	s0 =	sld [smem:$0x3F80];
	_ =	swait.ge [sflag:s4], $0x0  }
0x19: {  	s7 =	sld [smem:$0x3F81]  }
0x1a: {  	s8 =	sadd.s32 $0xFFFFE003, lr  }
0x1b: {  	s9 =	sadd.s32 $0xFFFFFEF7, lr;
	s5 =	simm.s32 $0xFFFFFFFF;
	p2 =	slt.u32 s8, $0xFFFFF086  }
0x1c: {  	p1 =	slt.u32 s9, $0xF7A;
	s5 =	simm.s32 @!p2 $0x0  }
0x1d: {  	s5 =	simm.s32 @p1 $0x1;
	p0 =	seq.s32 s7, s2  }
0x1e: {  	s7 =	smul.u32 @!p0 $0xF7A, s2;
	p2 =	seq.s32 @!p0 s5, $0x0  }
0x1f: {  	s9 =	smul.u32 $0xF7A, s1;
	s8 =	simm.s32 @!p0 $0x1BF5;
	p2 =	por !p2, p0  }
0x20: {  	[sflag:s8] =	ssyncset.s32 @!p0 $0xFFFFF086;
	s6 =	sadd.s32 @!p0 s3, s7;
	s7 =	simm.s32 @!p0 $0x108  }
0x21: {  	s3 =	sadd.s32 s3, s9;
	s6 =	sadd.s32 @!p0 $0x88, s6;
	s7 =	simm.s32 @p2 $0x1082  }
0x22: {  	[simem:s7], [sflag:s8] =	dma.local @!p0 [hbm:s6], $0xF7A  }
0x23: {  	s9 =	sor.u32 $0xD0000000, s2;
	s6 =	simm.s32 $0x108;
	_ =	swait.ge @!p0 [sflag:s8], $0x0  }
0x24: {  	s3 =	sadd.s32 $0x88, s3;
	s6 =	simm.s32 @!p1 $0x1082;
	[sflag:s4] =	ssyncset.s32 $0xFFFFF086  }
0x25: {  	[simem:s6], [sflag:s4] =	dma.local [hbm:s3], $0xF7A  }
0x26: {  	[smem:$0x3F81] =	sst s1;
	(tag) =	ssettag s2;
	_ =	strace s9  }
0x27: {  	s1 =	sld [smem:$0x3F91]  }
0x28: {  	s2 =	sld [smem:$0x3F92]  }
0x29: {  	s4 =	sld [smem:$0x3F94]  }
0x2a: {  	p0 =	seq.s32 s5, $0x0;
	s5 =	sld [smem:$0x3F95]  }
0x2b: {  	s6 =	sld [smem:$0x3F96]  }
0x2c: {  	s7 =	sld [smem:$0x3F97]  }
0x2d: {  	s3 =	simm.s32 $0x108;
	s8 =	sld [smem:$0x3F98]  }
0x2e: {  	s3 =	simm.s32 @!p0 $0x1082;
	s9 =	sld [smem:$0x3F99]  }
0x2f: {  	lr =	sadd.s32 s0, s3;
	s0 =	sld [smem:$0x3F90]  }
0x30: {  	s3 =	sld [smem:$0x3F93]  }
0x31: {  	[smem:$0x3F9C] =	sst s10  }
0x32: {  	s10 =	sld [smem:$0x3F9A];
	_ =	sdelay $0x3  }
0x33: {  	p0 =	seq.s32 s10, $0x1;
	s10 =	sld [smem:$0x3F9C];
	_ =	sdelay $0x3  }
0x34: {  	[smem:$0x3F9C] =	sst s10  }
0x35: {  	s10 =	sld [smem:$0x3F9B];
	_ =	sdelay $0x3  }
0x36: {  	p1 =	seq.s32 s10, $0x1;
	s10 =	sld [smem:$0x3F9C];
	_ =	sdelay $0x3  }
0x37: {  	[smem:$0x3F9C] =	sst s10  }
0x38: {  	s10 =	sld [smem:$0x3F9D]  }
0x39: {  	_ = 	snop;
	(pc) =	sbr.ind lr, $3  }
0x3a: {  	_ = 	snop  }
0x3b: {  	_ = 	snop  }
0x3c: {  	p2 =	seq.s32 s10, $0x1;
	s10 =	sld [smem:$0x3F9C]  }
0x3d: {  	_ =	shalt  }
0x3e: {  	_ =	shalt  }
0x3f: {  	_ =	shalt  }
0x40: {  	_ =	shalt  }
0x41: {  	_ =	shalt  }
0x42: {  	_ =	shalt  }
0x43: {  	_ =	shalt  }
0x44: {  	_ =	shalt  }
0x45: {  	_ =	shalt  }
0x46: {  	_ =	shalt  }
0x47: {  	_ =	shalt  }
0x48: {  	_ =	shalt  }
0x49: {  	_ =	shalt  }
0x4a: {  	_ =	shalt  }
0x4b: {  	_ =	shalt  }
0x4c: {  	_ =	shalt  }
0x4d: {  	_ =	shalt  }
0x4e: {  	_ =	shalt  }
0x4f: {  	_ =	shalt  }
0x50: {  	_ =	shalt  }
0x51: {  	_ =	shalt  }
0x52: {  	_ =	shalt  }
0x53: {  	_ =	shalt  }
0x54: {  	_ =	shalt  }
0x55: {  	_ =	shalt  }
0x56: {  	_ =	shalt  }
0x57: {  	_ =	shalt  }
0x58: {  	_ =	shalt  }
0x59: {  	_ =	shalt  }
0x5a: {  	_ =	shalt  }
0x5b: {  	_ =	shalt  }
0x5c: {  	_ =	shalt  }
0x5d: {  	_ =	shalt  }
0x5e: {  	_ =	shalt  }
0x5f: {  	_ =	shalt  }
0x60: {  	_ =	shalt  }
0x61: {  	_ =	shalt  }
0x62: {  	_ =	shalt  }
0x63: {  	_ =	shalt  }
0x64: {  	_ =	shalt  }
0x65: {  	_ =	shalt  }
0x66: {  	_ =	shalt  }
0x67: {  	_ =	shalt  }
0x68: {  	_ =	shalt  }
0x69: {  	_ =	shalt  }
0x6a: {  	_ =	shalt  }
0x6b: {  	_ =	shalt  }
0x6c: {  	_ =	shalt  }
0x6d: {  	_ =	shalt  }
0x6e: {  	_ =	shalt  }
0x6f: {  	_ =	shalt  }
0x70: {  	_ =	shalt  }
0x71: {  	_ =	shalt  }
0x72: {  	_ =	shalt  }
0x73: {  	_ =	shalt  }
0x74: {  	_ =	shalt  }
0x75: {  	_ =	shalt  }
0x76: {  	_ =	shalt  }
0x77: {  	_ =	shalt  }
0x78: {  	_ =	shalt  }
0x79: {  	_ =	shalt  }
0x7a: {  	_ =	shalt  }
0x7b: {  	_ =	shalt  }
0x7c: {  	_ =	shalt  }
0x7d: {  	_ =	shalt  }
0x7e: {  	_ =	shalt  }
0x7f: {  	_ =	shalt  }
0x80: {  	_ =	shalt  }
0x81: {  	_ =	shalt  }
0x82: {  	_ =	shalt  }
0x83: {  	_ =	shalt  }
0x84: {  	_ =	shalt  }
0x85: {  	_ =	shalt  }
0x86: {  	_ =	shalt  }
0x87: {  	_ =	shalt  }
.Lfunc_end0:
.L_simem_size_0:
called_computation.3_lowered:
.L_overlay_start_0:
0x88: {  	s2 =	sld [smem:$0x3FD9]  }
0x89: {  	s3 =	sld [smem:$0x3FFE];
	_ =	sdelay $0x1  }
0x8a: {  	s1 =	srdreg.scid  }
0x8b: {  	s0 =	sand.u32 $0x1, s1  }
0x8c: {  	s14 =	sshll.u32 s0, $0xA;
	s2 =	sadd.s32 s3, s2  }
0x8d: {  	s2 =	sadd.s32 s2, s14  }
0x8e: {  	[smem:$0x3FA8] =	sst s2  }
0x8f: {  	_ = 	snop  }
0x90: {  	s2 =	sld [smem:$0x3FD0];
	_ =	sdelay $0x2  }
0x91: {  	s15 =	simm.s32 $0xF;
	s4 =	simm.s32 $0x10  }
0x92: {  	[smem:s4], [sflag:s15] =	dma.local [hbm:s2], $0x1  }
0x93: {  	_ =	swait.eq [sflag:s15], $0x1  }
0x94: {  	[sflag:s15] =	ssyncset.done $0x0  }
0x95: {  	[sflag:s15] =	ssyncadd.s32 $0xFFFFFFFF  }
0x96: {  	s16 =	sld [smem:$0x11];
	(tm) =	ssettm $0x1  }
0x97: {  	s17 =	sld [smem:$0x3FFB];
	_ =	sdelay $0x3  }
0x98: {  	_ =	strace s17  }
0x99: {  	s3 =	sld [smem:$0x3FFC];
	_ =	sdelay $0x3  }
0x9a: {  	_ =	strace s3  }
0x9b: {  	s3 =	sld [smem:$0x3FFD];
	_ =	sdelay $0x3  }
0x9c: {  	_ =	strace s3  }
0x9d: {  	_ =	strace $0x8FFFFFFF  }
0x9e: {  	s18 =	sld [smem:$0x3FDB];
	_ =	sdelay $0x1  }
0x9f: {  	s19 =	simm.s32 $_scs_section_size  }
0xa0: {  	s5 =	simm.s32 $_size__tile_overlayer_lowered;
	s6 =	simm.s32 $_tile_overlayer_lowered  }
0xa1: {  	s22 =	simm.s32 $0x1BFF;
	s21 =	sshll.u32 s6, $0x1;
	s3 =	sadd.s32 s19, s18  }
0xa2: {  	s7 =	simm.s32 $0x0;
	s20 =	sshll.u32 s5, $0x1;
	s5 =	sadd.s32 s21, s3  }
0xa3: {  	[timem:s7], [sflag:s22] =	dma.local [hbm:s5], s20  }
0xa4: {  	_ =	swait.ge [sflag:s22], s20  }
0xa5: {  	s4 =	ssub.s32 $0x0, s20;
	[sflag:s22] =	ssyncset.done $0x0  }
0xa6: {  	[sflag:s22] =	ssyncadd.s32 s4;
	_ =	sdelay $0x1  }
0xa7: {  	s23 =	simm.s32 $0x1B8B  }
0xa8: {  	_ =	swait.ge [sflag:s23], $0x1  }
0xa9: {  	[sflag:s23] =	ssyncset.done $0x0  }
0xaa: {  	s25 =	simm.s32 $0x1B8E;
	s24 =	sld [smem:$0x3FFE];
	[sflag:s23] =	ssyncadd.s32 $0xFFFFFFFF  }
0xab: {  	s26 =	simm.s32 $execute0_lowered;
	[smem:$0x3FD2] =	sst s25  }
0xac: {  	s5 =	sshll.u32 s26, $0x1;
	_ =	strace $0x80000046;
	[dreg:$0x1] =	wrdreg $0xFFFFFFFF  }
0xad: {  	s28 =	simm.s32 $_size_execute0_lowered;
	s3 =	sadd.s32 s3, s5;
	[dreg:$0x0] =	wrdreg $0x0  }
0xae: {  	s5 =	sshll.u32 s28, $0x1;
	[dreg:$0x2] =	wrdreg s3  }
0xaf: {  	[dreg:$0x3] =	wrdreg s5  }
0xb0: {  	[dreg:$0x4] =	wrdreg $0xC0  }
0xb1: {  	_ =	task [dreg:s7], $0x5FFFF  }
0xb2: {  	[dreg:$0x1] =	wrdreg $0xFFFFFFFF  }
0xb3: {  	[dreg:$0x0] =	wrdreg $0x60  }
0xb4: {  	[dreg:$0x2] =	wrdreg s16  }
0xb5: {  	[dreg:$0x3] =	wrdreg s24  }
0xb6: {  	[dreg:$0x4] =	wrdreg $0x9  }
0xb7: {  	_ =	task.clear_ibuf [dreg:s7], $0x5FFFF;
	_ =	strace $0x90000046  }
0xb8: {  	s29 =	simm.s32 $0x9;
	_ =	strace $0x80000048  }
0xb9: {  	_ =	swait.ge [sflag:s29], $0x1  }
0xba: {  	[sflag:s29] =	ssyncadd.s32 $0xFFFFFFFF  }
0xbb: {  	_ =	strace $0x90000048  }
0xbc: {  	_ =	sfence  }
0xbd: {  	s30 =	sld [smem:$0x0];
	_ =	sdelay $0x2  }
0xbe: {  	s31 =	sshll.u32 s1, $0xD;
	s1 =	sshrl.u32 s1, $0x2  }
0xbf: {  	s3 =	sand.u32 $0x4000, s31;
	s1 =	sadd.s32 s1, s30  }
0xc0: {  	s0 =	sor.u32 s3, s0;
	s1 =	sshll.u32 s1, $0x11  }
0xc1: {  	s0 =	sor.u32 s1, s0  }
0xc2: {  	s0 =	sadd.s32 $0x8F2B, s0  }
0xc3: {  	[sflag:s0] =	ssyncadd.remote.s32 $0x1  }
0xc4: {  	_ =	sfence.sel $0xFFFF  }
0xc5: {  	[dreg:$0x0] =	wrdreg $0xFFFFFFFF;
	(pc) =	sbr.abs _section_cstart, $3  }
0xc6: {  	[dreg:$0x1] =	wrdreg $0xFFFFFFFF  }
0xc7: {  	_ =	task.clear_ibuf [dreg:s7], $0x2FFFF;
	_ =	strace $0x9FFFFFFF  }
0xc8: {  	(tm) =	ssettm $0x7FFFFFFF  }
0xc9: {  	_ =	shalt  }
tec
execute0_lowered:
.L_overlay_start_1:
0x0: {  	(tag) =	ssettag $0x1  }
0x1: {  	s1 =	rddreg [dreg:$0x0]  }
0x2: {  	s0 =	rddreg [dreg:$0x1]  }
0x3: {  	s3 =	simm.s32 $0x0;
	s2 =	srdreg.scid;
	s13 =	stileid.u32  }
0x4: {  	s28 =	simm.s32 $0x4;
	s29 =	simm.s32 $0x4100;
	s30 =	simm.s32 $0x4170  }
0x5: {  	s31 =	simm.s32 $0x70;
	[smem:$0x7FF] =	sst s3;
	s2 =	sand.u32 $0x1, s2  }
0x6: {  	s5 =	sshll.u32 s13, $0x1;
	s4 =	sadd.s32 $0x1AEA00, s0;
	s6 =	sadd.s32 $0x1BC00, s0  }
0x7: {  	s7 =	sadd.s32 $0xFA00, s0;
	s8 =	sadd.s32 $0x1DF800, s0;
	s15 =	smul.u32 $0x18380, s13  }
0x8: {  	s9 =	sadd.s32 $0x363000, s0;
	s11 =	sadd.s32 $0x4E6800, s0;
	s22 =	smul.u32 $0x60E0, s13  }
0x9: {  	s0 =	sadd.s32 $0x66A000, s0;
	_ =	strace $0x80000047;
	s16 =	smul.u32 $0xC1C0, s2  }
0xa: {  	s5 =	sor.u32 s2, s5;
	s10 =	ssub.s32 $0x2, s2;
	s2 =	smul.u32 $0x3070, s2  }
0xb: {  	s5 =	smul.u32 $0x3070, s5;
	s12 =	sshrl.u32 s10, $0x1;
	s24 =	sadd.s32 s15, s11  }
0xc: {  	s25 =	sadd.s32 s15, s9;
	s26 =	sadd.s32 s15, s8;
	s10 =	ssub.s32 s10, s12  }
0xd: {  	s13 =	sadd.s32 s16, s24;
	s2 =	sadd.s32 s2, s22;
	s22 =	simm.s32 $0x2100  }
0xe: {  	s24 =	simm.s32 $0x1;
	s5 =	sadd.s32 $0x3000, s5;
	s23 =	smax.u32 s10, $0x1  }
0xf: {  	s2 =	sshrl.u32 s2, $0x3;
	s18 =	sshrl.u32 s5, $0x3;
	s5 =	sshll.u32 s5, $0x2  }
0x10: {  	[dreg:$0x9] =	wrdreg s23;
	s10 =	sadd.s32 s2, s6;
	s23 =	simm.s32 $0x3100  }
0x11: {  	s14 =	sadd.s32 s6, s18;
	s12 =	sadd.s32 s7, s18;
	s19 =	sadd.s32 s8, s5  }
0x12: {  	s20 =	sadd.s32 s9, s5;
	s21 =	sadd.s32 s11, s5;
	[dreg:$0x3] =	wrdreg s14  }
0x13: {  	s5 =	sadd.s32 s0, s5;
	s0 =	sadd.s32 s15, s0;
	[dreg:$0x4] =	wrdreg s12  }
0x14: {  	s15 =	sadd.s32 s16, s26;
	s9 =	sadd.s32 s2, s7;
	[dreg:$0x5] =	wrdreg s19  }
0x15: {  	s18 =	simm.s32 $0x5;
	s26 =	simm.s32 $0x3;
	[dreg:$0x6] =	wrdreg s20  }
0x16: {  	s2 =	simm.s32 $0x4FE0;
	s6 =	simm.s32 $0x6BE0;
	[dreg:$0x7] =	wrdreg s21  }
0x17: {  	s7 =	simm.s32 $0x0;
	[dreg:$0x8] =	wrdreg s5;
	s12 =	sadd.s32 s16, s0  }
0x18: {  	s14 =	sadd.s32 s16, s25;
	s19 =	simm.s32 $0x80;
	s20 =	simm.s32 $0x100  }
0x19: {  	s21 =	simm.s32 $0x1100;
	s25 =	simm.s32 $0x2;
	s5 =	simm.s32 $0x5DE0  }
.LBB2_1:
0x1a: {  	[tilespmem:s3], [sflag:$0x5] =	stream.linear.gather [hbm4b:s10+s3], $0x80, $0x38;
	[tilespmem:$0x79E0] =	vst v63  }
0x1b: {  	_ =	swait.ge [sflag:s18], $0x80  }
0x1c: {  	[sflag:s18] =	ssyncset.done $0x0  }
0x1d: {  	[sflag:s18] =	ssyncadd.s32 $0xFFFFFF80  }
0x1e: {  	[tilespmem:s19], [sflag:$0x5] =	stream.linear.gather [hbm4b:s9+s3], $0x80, $0x38;
	[tilespmem:$0x79E0] =	vst v63  }
0x1f: {  	_ =	swait.ge [sflag:s18], $0x80  }
0x20: {  	[sflag:s18] =	ssyncset.done $0x0  }
0x21: {  	[sflag:s18] =	ssyncadd.s32 $0xFFFFFF80  }
0x22: {  	[tilespmem:s20], [sflag:$0x1] =	stream.indirect.gather [hbm4b:s1+s19], $0x20, s3, s19, $0xb8;
	[tilespmem:$0x79E0] =	vst v63  }
0x23: {  	_ = 	snop  }
0x24: {  	[tilespmem:s21], [sflag:$0x2] =	stream.indirect.gather [hbm4b:s1+s19], $0x20, s19, s19, $0xb8;
	[tilespmem:$0x79E0] =	vst v63  }
0x25: {  	_ = 	snop  }
0x26: {  	[tilespmem:s22], [sflag:$0x3] =	stream.indirect.gather [hbm4b:s4+s19], $0x20, s3, s19, $0xb8;
	[tilespmem:$0x79E0] =	vst v63  }
0x27: {  	_ = 	snop  }
0x28: {  	[tilespmem:s23], [sflag:$0x4] =	stream.indirect.gather [hbm4b:s4+s19], $0x20, s19, s19, $0xb8;
	[tilespmem:$0x79E0] =	vst v63  }
0x29: {  	_ =	swait.ge [sflag:s24], $0x1000  }
0x2a: {  	[sflag:s24] =	ssyncset.done $0x0  }
0x2b: {  	[sflag:s24] =	ssyncadd.s32 $0xFFFFF000  }
0x2c: {  	_ =	swait.ge [sflag:s25], $0x1000  }
0x2d: {  	[sflag:s25] =	ssyncset.done $0x0  }
0x2e: {  	[sflag:s25] =	ssyncadd.s32 $0xFFFFF000  }
0x2f: {  	_ =	swait.ge [sflag:s26], $0x1000  }
0x30: {  	[sflag:s26] =	ssyncset.done $0x0  }
0x31: {  	[sflag:s26] =	ssyncadd.s32 $0xFFFFF000  }
0x32: {  	_ =	swait.ge [sflag:s28], $0x1000  }
0x33: {  	[sflag:s28] =	ssyncset.done $0x0  }
0x34: {  	s8 =	sadd.s32 $0x0, s15;
	[sflag:s28] =	ssyncadd.s32 $0xFFFFF000  }
0x35: {  	[hbm4b:s8+s3] =	stream.linear.scatter [tilespmem:s20], [sflag:$0x5], $0x1000, $0x38;
	[tilespmem:$0x79E0] =	vst v63  }
0x36: {  	_ =	swait.ge [sflag:s18], $0x1000  }
0x37: {  	[sflag:s18] =	ssyncset.done $0x0  }
0x38: {  	s11 =	sadd.s32 $0x0, s14;
	[sflag:s18] =	ssyncadd.s32 $0xFFFFF000  }
0x39: {  	[hbm4b:s11+s3] =	stream.linear.scatter [tilespmem:s21], [sflag:$0x5], $0x1000, $0x38;
	[tilespmem:$0x79E0] =	vst v63  }
0x3a: {  	_ =	swait.ge [sflag:s18], $0x1000  }
0x3b: {  	[sflag:s18] =	ssyncset.done $0x0  }
0x3c: {  	s16 =	sadd.s32 $0x0, s13;
	[sflag:s18] =	ssyncadd.s32 $0xFFFFF000  }
0x3d: {  	[hbm4b:s16+s3] =	stream.linear.scatter [tilespmem:s22], [sflag:$0x5], $0x1000, $0x38;
	[tilespmem:$0x79E0] =	vst v63  }
0x3e: {  	_ =	swait.ge [sflag:s18], $0x1000  }
0x3f: {  	[sflag:s18] =	ssyncset.done $0x0  }
0x40: {  	s17 =	sadd.s32 $0x0, s12;
	[sflag:s18] =	ssyncadd.s32 $0xFFFFF000  }
0x41: {  	[hbm4b:s17+s3] =	stream.linear.scatter [tilespmem:s23], [sflag:$0x5], $0x1000, $0x38;
	[tilespmem:$0x79E0] =	vst v63  }
0x42: {  	s8 =	simm.s32 $0x200;
	_ =	swait.ge [sflag:s18], $0x1000  }
0x43: {  	s16 =	smov.u32 s9;
	s17 =	smov.u32 s10;
	[sflag:s18] =	ssyncset.done $0x0  }
.LBB2_2:
0x44: {  	[sflag:s18] =	ssyncadd.s32 $0xFFFFF000  }
0x45: {  	s16 =	sadd.s32 $0x10, s16;
	s17 =	sadd.s32 $0x10, s17;
	s11 =	smov.u32 s8  }
0x46: {  	[tilespmem:s3], [sflag:$0x5] =	stream.linear.gather [hbm4b:s17+s3], $0x80, $0x38;
	[tilespmem:$0x79E0] =	vst v63  }
0x47: {  	p0 =	sne.s32 s8, $0xBE00;
	s8 =	sadd.s32 $0x200, s8;
	_ =	swait.ge [sflag:s18], $0x80  }
0x48: {  	[sflag:s18] =	ssyncset.done $0x0  }
0x49: {  	[sflag:s18] =	ssyncadd.s32 $0xFFFFFF80  }
0x4a: {  	[tilespmem:s19], [sflag:$0x5] =	stream.linear.gather [hbm4b:s16+s3], $0x80, $0x38;
	[tilespmem:$0x79E0] =	vst v63  }
0x4b: {  	_ =	swait.ge [sflag:s18], $0x80  }
0x4c: {  	[sflag:s18] =	ssyncset.done $0x0  }
0x4d: {  	[sflag:s18] =	ssyncadd.s32 $0xFFFFFF80  }
0x4e: {  	[tilespmem:s20], [sflag:$0x1] =	stream.indirect.gather [hbm4b:s1+s19], $0x20, s3, s19, $0xb8;
	[tilespmem:$0x79E0] =	vst v63  }
0x4f: {  	_ = 	snop  }
0x50: {  	[tilespmem:s21], [sflag:$0x2] =	stream.indirect.gather [hbm4b:s1+s19], $0x20, s19, s19, $0xb8;
	[tilespmem:$0x79E0] =	vst v63  }
0x51: {  	_ = 	snop  }
0x52: {  	[tilespmem:s22], [sflag:$0x3] =	stream.indirect.gather [hbm4b:s4+s19], $0x20, s3, s19, $0xb8;
	[tilespmem:$0x79E0] =	vst v63  }
0x53: {  	_ = 	snop  }
0x54: {  	[tilespmem:s23], [sflag:$0x4] =	stream.indirect.gather [hbm4b:s4+s19], $0x20, s19, s19, $0xb8;
	[tilespmem:$0x79E0] =	vst v63  }
0x55: {  	_ =	swait.ge [sflag:s24], $0x1000  }
0x56: {  	[sflag:s24] =	ssyncset.done $0x0  }
0x57: {  	[sflag:s24] =	ssyncadd.s32 $0xFFFFF000  }
0x58: {  	_ =	swait.ge [sflag:s25], $0x1000  }
0x59: {  	[sflag:s25] =	ssyncset.done $0x0  }
0x5a: {  	[sflag:s25] =	ssyncadd.s32 $0xFFFFF000  }
0x5b: {  	_ =	swait.ge [sflag:s26], $0x1000  }
0x5c: {  	[sflag:s26] =	ssyncset.done $0x0  }
0x5d: {  	[sflag:s26] =	ssyncadd.s32 $0xFFFFF000  }
0x5e: {  	_ =	swait.ge [sflag:s28], $0x1000  }
0x5f: {  	[sflag:s28] =	ssyncset.done $0x0  }
0x60: {  	s0 =	sadd.s32 s11, s15;
	[sflag:s28] =	ssyncadd.s32 $0xFFFFF000  }
0x61: {  	[hbm4b:s0+s3] =	stream.linear.scatter [tilespmem:s20], [sflag:$0x5], $0x1000, $0x38;
	[tilespmem:$0x79E0] =	vst v63  }
0x62: {  	_ =	swait.ge [sflag:s18], $0x1000  }
0x63: {  	[sflag:s18] =	ssyncset.done $0x0  }
0x64: {  	s0 =	sadd.s32 s11, s14;
	[sflag:s18] =	ssyncadd.s32 $0xFFFFF000  }
0x65: {  	[hbm4b:s0+s3] =	stream.linear.scatter [tilespmem:s21], [sflag:$0x5], $0x1000, $0x38;
	[tilespmem:$0x79E0] =	vst v63  }
0x66: {  	_ =	swait.ge [sflag:s18], $0x1000  }
0x67: {  	[sflag:s18] =	ssyncset.done $0x0  }
0x68: {  	s0 =	sadd.s32 s11, s13;
	[sflag:s18] =	ssyncadd.s32 $0xFFFFF000  }
0x69: {  	[hbm4b:s0+s3] =	stream.linear.scatter [tilespmem:s22], [sflag:$0x5], $0x1000, $0x38;
	[tilespmem:$0x79E0] =	vst v63  }
0x6a: {  	_ =	swait.ge [sflag:s18], $0x1000  }
.Ltmp0:
0x6b: {  	[sflag:s18] =	ssyncset.done $0x0;
	(pc) =	sbr.rel @p0 .LBB2_2-.Ltmp0, $4  }
0x6c: {  	s0 =	sadd.s32 s11, s12;
	[sflag:s18] =	ssyncadd.s32 $0xFFFFF000  }
0x6d: {  	[hbm4b:s0+s3] =	stream.linear.scatter [tilespmem:s23], [sflag:$0x5], $0x1000, $0x38;
	[tilespmem:$0x79E0] =	vst v63  }
0x6e: {  	_ =	swait.ge [sflag:s18], $0x1000  }
0x6f: {  	[sflag:s18] =	ssyncset.done $0x0  }
0x70: {  	[sflag:s18] =	ssyncadd.s32 $0xFFFFF000;
	s0 =	rddreg [dreg:$0x3]  }
0x71: {  	[tilespmem:s29], [sflag:$0x5] =	stream.linear.gather [hbm4b:s0+s3], $0x70, $0x38;
	[tilespmem:$0x79E0] =	vst v63  }
0x72: {  	_ =	swait.ge [sflag:s18], $0x70  }
0x73: {  	[sflag:s18] =	ssyncset.done $0x0  }
0x74: {  	s16 =	rddreg [dreg:$0x4];
	[sflag:s18] =	ssyncadd.s32 $0xFFFFFF90  }
0x75: {  	[tilespmem:s30], [sflag:$0x5] =	stream.linear.gather [hbm4b:s16+s3], $0x70, $0x38;
	[tilespmem:$0x79E0] =	vst v63  }
0x76: {  	_ =	swait.ge [sflag:s18], $0x70  }
0x77: {  	[sflag:s18] =	ssyncset.done $0x0  }
0x78: {  	s8 =	simm.s32 $0x41E0;
	[sflag:s18] =	ssyncadd.s32 $0xFFFFFF90  }
0x79: {  	[tilespmem:s8], [sflag:$0x1] =	stream.indirect.gather [hbm4b:s1+s31], $0x20, s29, s31, $0xb8;
	[tilespmem:$0x79E0] =	vst v63  }
0x7a: {  	_ = 	snop  }
0x7b: {  	[tilespmem:s2], [sflag:$0x2] =	stream.indirect.gather [hbm4b:s1+s31], $0x20, s30, s31, $0xb8;
	[tilespmem:$0x79E0] =	vst v63  }
0x7c: {  	_ = 	snop  }
0x7d: {  	[tilespmem:s5], [sflag:$0x3] =	stream.indirect.gather [hbm4b:s4+s31], $0x20, s29, s31, $0xb8;
	[tilespmem:$0x79E0] =	vst v63  }
0x7e: {  	_ = 	snop  }
0x7f: {  	[tilespmem:s6], [sflag:$0x4] =	stream.indirect.gather [hbm4b:s4+s31], $0x20, s30, s31, $0xb8;
	[tilespmem:$0x79E0] =	vst v63  }
0x80: {  	_ =	swait.ge [sflag:s24], $0xE00  }
0x81: {  	[sflag:s24] =	ssyncset.done $0x0  }
0x82: {  	[sflag:s24] =	ssyncadd.s32 $0xFFFFF200  }
0x83: {  	_ =	swait.ge [sflag:s25], $0xE00  }
0x84: {  	[sflag:s25] =	ssyncset.done $0x0  }
0x85: {  	[sflag:s25] =	ssyncadd.s32 $0xFFFFF200  }
0x86: {  	_ =	swait.ge [sflag:s26], $0xE00  }
0x87: {  	[sflag:s26] =	ssyncset.done $0x0  }
0x88: {  	[sflag:s26] =	ssyncadd.s32 $0xFFFFF200  }
0x89: {  	_ =	swait.ge [sflag:s28], $0xE00  }
0x8a: {  	[sflag:s28] =	ssyncset.done $0x0  }
0x8b: {  	s17 =	rddreg [dreg:$0x5];
	[sflag:s28] =	ssyncadd.s32 $0xFFFFF200  }
0x8c: {  	[hbm4b:s17+s3] =	stream.linear.scatter [tilespmem:s8], [sflag:$0x5], $0xE00, $0x38;
	[tilespmem:$0x79E0] =	vst v63  }
0x8d: {  	_ =	swait.ge [sflag:s18], $0xE00  }
0x8e: {  	[sflag:s18] =	ssyncset.done $0x0  }
0x8f: {  	s8 =	rddreg [dreg:$0x6];
	[sflag:s18] =	ssyncadd.s32 $0xFFFFF200  }
0x90: {  	[hbm4b:s8+s3] =	stream.linear.scatter [tilespmem:s2], [sflag:$0x5], $0xE00, $0x38;
	[tilespmem:$0x79E0] =	vst v63  }
0x91: {  	_ =	swait.ge [sflag:s18], $0xE00  }
0x92: {  	[sflag:s18] =	ssyncset.done $0x0  }
0x93: {  	s11 =	rddreg [dreg:$0x7];
	[sflag:s18] =	ssyncadd.s32 $0xFFFFF200  }
0x94: {  	[hbm4b:s11+s3] =	stream.linear.scatter [tilespmem:s5], [sflag:$0x5], $0xE00, $0x38;
	[tilespmem:$0x79E0] =	vst v63  }
0x95: {  	_ =	swait.ge [sflag:s18], $0xE00  }
0x96: {  	[sflag:s18] =	ssyncset.done $0x0  }
0x97: {  	s16 =	rddreg [dreg:$0x8];
	[sflag:s18] =	ssyncadd.s32 $0xFFFFF200  }
0x98: {  	[hbm4b:s16+s3] =	stream.linear.scatter [tilespmem:s6], [sflag:$0x5], $0xE00, $0x38;
	[tilespmem:$0x79E0] =	vst v63  }
0x99: {  	_ =	swait.ge [sflag:s18], $0xE00  }
0x9a: {  	s7 =	sadd.s32 $0x1, s7;
	s17 =	rddreg [dreg:$0x9]  }
0x9b: {  	p0 =	sne.s32 s7, s17  }
.Ltmp1:
0x9c: {  	_ = 	snop;
	(pc) =	sbr.rel @p0 .LBB2_1-.Ltmp1, $3  }
0x9d: {  	_ =	sdelay $0x1  }
0x9e: {  	[sflag:s18] =	ssyncset.done $0x0  }
0x9f: {  	[sflag:s18] =	ssyncadd.s32 $0xFFFFF200  }
0xa0: {  	_ =	sfence.sel $0x180000  }
0xa1: {  	[bflag:$0x0] =	sbarrier.arrive $0xFFFF  }
0xa2: {  	_ =	strace $0x90000047  }
0xa3: {  	s0 =	stileid.u32;
	[bflag:$0x2] =	sbarrier.arrive $0xFFFF  }
0xa4: {  	p0 =	sne.s32 s0, $0x0;
	s0 =	rddreg [dreg:$0x2]  }
0xa5: {  	s0 =	sadd.s32 @!p0 $0x100000, s0  }
0xa6: {  	[sflag:s0] =	ssyncadd.tile.s32 @!p0 $0x1;
	_ =	shalt  }
.Lfunc_end2:
_tile_overlayer_lowered:
.L_overlay_start_2:
0xa7: {  	(tag) =	ssettag $0x2  }
0xa8: {  	s0 =	rddreg [dreg:$0x0];
	s2 =	stileid.u32  }
0xa9: {  	s1 =	rddreg [dreg:$0x1];
	p0 =	sne.s32 s2, $0x0  }
0xaa: {  	s3 =	rddreg [dreg:$0x2];
	[bflag:$0x3] =	sbarrier.arrive $0xFFFF;
	s2 =	simm.s32 @!p0 $0x1C05  }
0xab: {  	[timem:s3], [sflag:s2] =	dma.local @!p0 [hbm:s0], s1  }
0xac: {  	s0 =	simm.s32 @!p0 $0x5  }
0xad: {  	_ =	swait.ge @!p0 [sflag:s0], s1  }
0xae: {  	s1 =	ssub.s32 @!p0 $0x0, s1;
	[sflag:s0] =	ssyncset.done @!p0 $0x0  }
0xaf: {  	[sflag:s0] =	ssyncadd.s32 @!p0 s1  }
0xb0: {  	[bflag:$0x3] =	sbarrier.arrive $0xFFFF  }
0xb1: {  	_ =	shalt  }

// kernel: kernel.17.cloned.1.call-start
scs
__scs_entry_jumppad:
0x0: {  	(pc) =	sbr.rel $0x88, $3  }
0x1: {  	(tag) =	ssettag $0x0;
	lr =	simm.s32 $0x1  }
0x2: {  	[smem:$0x3F81] =	sst lr;
	_ =	strace $0xD0000000  }
0x3: {  	_ = 	snop  }
0x4: {  	_ = 	snop  }
0x5: {  	_ = 	snop  }
0x6: {  	_ = 	snop  }
0x7: {  	_ = 	snop  }
__scs_overlays_trampoline_lowered:
0x8: {  	[smem:$0x3F90] =	sst s0  }
0x9: {  	[smem:$0x3F91] =	sst s1  }
0xa: {  	[smem:$0x3F92] =	sst s2  }
0xb: {  	[smem:$0x3F93] =	sst s3  }
0xc: {  	[smem:$0x3F94] =	sst s4  }
0xd: {  	[smem:$0x3F95] =	sst s5  }
0xe: {  	[smem:$0x3F96] =	sst s6  }
0xf: {  	[smem:$0x3F97] =	sst s7  }
0x10: {  	[smem:$0x3F98] =	sst s8  }
0x11: {  	[smem:$0x3F99] =	sst s9;
	s0 =	simm.s32 @!p0 $0x0  }
0x12: {  	s1 =	sld [smem:$0x3F7F];
	s0 =	simm.s32 @p0 $0x1  }
0x13: {  	[smem:$0x3F9A] =	sst s0;
	s0 =	simm.s32 @!p1 $0x0  }
0x14: {  	s2 =	sld [smem:$0x3F7E];
	s0 =	simm.s32 @p1 $0x1  }
0x15: {  	[smem:$0x3F9B] =	sst s0;
	s0 =	simm.s32 @!p2 $0x0  }
0x16: {  	s3 =	sld [smem:$0x3FDB];
	s0 =	simm.s32 @p2 $0x1  }
0x17: {  	s4 =	simm.s32 $0x1BF5;
	[smem:$0x3F9D] =	sst s0  }
0x18: {  	s0 =	sld [smem:$0x3F80];
	_ =	swait.ge [sflag:s4], $0x0  }
0x19: {  	s7 =	sld [smem:$0x3F81]  }
0x1a: {  	s8 =	sadd.s32 $0xFFFFE003, lr  }
0x1b: {  	s9 =	sadd.s32 $0xFFFFFEF7, lr;
	s5 =	simm.s32 $0xFFFFFFFF;
	p2 =	slt.u32 s8, $0xFFFFF086  }
0x1c: {  	p1 =	slt.u32 s9, $0xF7A;
	s5 =	simm.s32 @!p2 $0x0  }
0x1d: {  	s5 =	simm.s32 @p1 $0x1;
	p0 =	seq.s32 s7, s2  }
0x1e: {  	s7 =	smul.u32 @!p0 $0xF7A, s2;
	p2 =	seq.s32 @!p0 s5, $0x0  }
0x1f: {  	s9 =	smul.u32 $0xF7A, s1;
	s8 =	simm.s32 @!p0 $0x1BF5;
	p2 =	por !p2, p0  }
0x20: {  	[sflag:s8] =	ssyncset.s32 @!p0 $0xFFFFF086;
	s6 =	sadd.s32 @!p0 s3, s7;
	s7 =	simm.s32 @!p0 $0x108  }
0x21: {  	s3 =	sadd.s32 s3, s9;
	s6 =	sadd.s32 @!p0 $0x88, s6;
	s7 =	simm.s32 @p2 $0x1082  }
0x22: {  	[simem:s7], [sflag:s8] =	dma.local @!p0 [hbm:s6], $0xF7A  }
0x23: {  	s9 =	sor.u32 $0xD0000000, s2;
	s6 =	simm.s32 $0x108;
	_ =	swait.ge @!p0 [sflag:s8], $0x0  }
0x24: {  	s3 =	sadd.s32 $0x88, s3;
	s6 =	simm.s32 @!p1 $0x1082;
	[sflag:s4] =	ssyncset.s32 $0xFFFFF086  }
0x25: {  	[simem:s6], [sflag:s4] =	dma.local [hbm:s3], $0xF7A  }
0x26: {  	[smem:$0x3F81] =	sst s1;
	(tag) =	ssettag s2;
	_ =	strace s9  }
0x27: {  	s1 =	sld [smem:$0x3F91]  }
0x28: {  	s2 =	sld [smem:$0x3F92]  }
0x29: {  	s4 =	sld [smem:$0x3F94]  }
0x2a: {  	p0 =	seq.s32 s5, $0x0;
	s5 =	sld [smem:$0x3F95]  }
0x2b: {  	s6 =	sld [smem:$0x3F96]  }
0x2c: {  	s7 =	sld [smem:$0x3F97]  }
0x2d: {  	s3 =	simm.s32 $0x108;
	s8 =	sld [smem:$0x3F98]  }
0x2e: {  	s3 =	simm.s32 @!p0 $0x1082;
	s9 =	sld [smem:$0x3F99]  }
0x2f: {  	lr =	sadd.s32 s0, s3;
	s0 =	sld [smem:$0x3F90]  }
0x30: {  	s3 =	sld [smem:$0x3F93]  }
0x31: {  	[smem:$0x3F9C] =	sst s10  }
0x32: {  	s10 =	sld [smem:$0x3F9A];
	_ =	sdelay $0x3  }
0x33: {  	p0 =	seq.s32 s10, $0x1;
	s10 =	sld [smem:$0x3F9C];
	_ =	sdelay $0x3  }
0x34: {  	[smem:$0x3F9C] =	sst s10  }
0x35: {  	s10 =	sld [smem:$0x3F9B];
	_ =	sdelay $0x3  }
0x36: {  	p1 =	seq.s32 s10, $0x1;
	s10 =	sld [smem:$0x3F9C];
	_ =	sdelay $0x3  }
0x37: {  	[smem:$0x3F9C] =	sst s10  }
0x38: {  	s10 =	sld [smem:$0x3F9D]  }
0x39: {  	_ = 	snop;
	(pc) =	sbr.ind lr, $3  }
0x3a: {  	_ = 	snop  }
0x3b: {  	_ = 	snop  }
0x3c: {  	p2 =	seq.s32 s10, $0x1;
	s10 =	sld [smem:$0x3F9C]  }
0x3d: {  	_ =	shalt  }
0x3e: {  	_ =	shalt  }
0x3f: {  	_ =	shalt  }
0x40: {  	_ =	shalt  }
0x41: {  	_ =	shalt  }
0x42: {  	_ =	shalt  }
0x43: {  	_ =	shalt  }
0x44: {  	_ =	shalt  }
0x45: {  	_ =	shalt  }
0x46: {  	_ =	shalt  }
0x47: {  	_ =	shalt  }
0x48: {  	_ =	shalt  }
0x49: {  	_ =	shalt  }
0x4a: {  	_ =	shalt  }
0x4b: {  	_ =	shalt  }
0x4c: {  	_ =	shalt  }
0x4d: {  	_ =	shalt  }
0x4e: {  	_ =	shalt  }
0x4f: {  	_ =	shalt  }
0x50: {  	_ =	shalt  }
0x51: {  	_ =	shalt  }
0x52: {  	_ =	shalt  }
0x53: {  	_ =	shalt  }
0x54: {  	_ =	shalt  }
0x55: {  	_ =	shalt  }
0x56: {  	_ =	shalt  }
0x57: {  	_ =	shalt  }
0x58: {  	_ =	shalt  }
0x59: {  	_ =	shalt  }
0x5a: {  	_ =	shalt  }
0x5b: {  	_ =	shalt  }
0x5c: {  	_ =	shalt  }
0x5d: {  	_ =	shalt  }
0x5e: {  	_ =	shalt  }
0x5f: {  	_ =	shalt  }
0x60: {  	_ =	shalt  }
0x61: {  	_ =	shalt  }
0x62: {  	_ =	shalt  }
0x63: {  	_ =	shalt  }
0x64: {  	_ =	shalt  }
0x65: {  	_ =	shalt  }
0x66: {  	_ =	shalt  }
0x67: {  	_ =	shalt  }
0x68: {  	_ =	shalt  }
0x69: {  	_ =	shalt  }
0x6a: {  	_ =	shalt  }
0x6b: {  	_ =	shalt  }
0x6c: {  	_ =	shalt  }
0x6d: {  	_ =	shalt  }
0x6e: {  	_ =	shalt  }
0x6f: {  	_ =	shalt  }
0x70: {  	_ =	shalt  }
0x71: {  	_ =	shalt  }
0x72: {  	_ =	shalt  }
0x73: {  	_ =	shalt  }
0x74: {  	_ =	shalt  }
0x75: {  	_ =	shalt  }
0x76: {  	_ =	shalt  }
0x77: {  	_ =	shalt  }
0x78: {  	_ =	shalt  }
0x79: {  	_ =	shalt  }
0x7a: {  	_ =	shalt  }
0x7b: {  	_ =	shalt  }
0x7c: {  	_ =	shalt  }
0x7d: {  	_ =	shalt  }
0x7e: {  	_ =	shalt  }
0x7f: {  	_ =	shalt  }
0x80: {  	_ =	shalt  }
0x81: {  	_ =	shalt  }
0x82: {  	_ =	shalt  }
0x83: {  	_ =	shalt  }
0x84: {  	_ =	shalt  }
0x85: {  	_ =	shalt  }
0x86: {  	_ =	shalt  }
0x87: {  	_ =	shalt  }
.Lfunc_end0:
.L_simem_size_0:
called_computation.4_lowered:
.L_overlay_start_0:
0x88: {  	s2 =	sld [smem:$0x3FD9]  }
0x89: {  	s3 =	sld [smem:$0x3FFE];
	_ =	sdelay $0x1  }
0x8a: {  	s1 =	srdreg.scid  }
0x8b: {  	s0 =	sand.u32 $0x1, s1  }
0x8c: {  	s15 =	sshll.u32 s0, $0xA;
	s2 =	sadd.s32 s3, s2  }
0x8d: {  	s2 =	sadd.s32 s2, s15  }
0x8e: {  	[smem:$0x3FA8] =	sst s2  }
0x8f: {  	_ = 	snop  }
0x90: {  	s2 =	sld [smem:$0x3FD0];
	_ =	sdelay $0x2  }
0x91: {  	s16 =	simm.s32 $0xF;
	s4 =	simm.s32 $0x10  }
0x92: {  	[smem:s4], [sflag:s16] =	dma.local [hbm:s2], $0x1  }
0x93: {  	_ =	swait.eq [sflag:s16], $0x1  }
0x94: {  	[sflag:s16] =	ssyncset.done $0x0  }
0x95: {  	[sflag:s16] =	ssyncadd.s32 $0xFFFFFFFF  }
0x96: {  	s17 =	sld [smem:$0x11];
	(tm) =	ssettm $0x1  }
0x97: {  	s18 =	sld [smem:$0x3FFB];
	_ =	sdelay $0x3  }
0x98: {  	_ =	strace s18  }
0x99: {  	s2 =	sld [smem:$0x3FFC];
	_ =	sdelay $0x3  }
0x9a: {  	_ =	strace s2  }
0x9b: {  	s2 =	sld [smem:$0x3FFD];
	_ =	sdelay $0x3  }
0x9c: {  	_ =	strace s2  }
0x9d: {  	_ =	strace $0x8FFFFFFF  }
0x9e: {  	s19 =	sld [smem:$0x3FDB];
	_ =	sdelay $0x1  }
0x9f: {  	s20 =	simm.s32 $_scs_section_size  }
0xa0: {  	s5 =	simm.s32 $_size__tile_overlayer_lowered;
	s6 =	simm.s32 $_tile_overlayer_lowered  }
0xa1: {  	s7 =	simm.s32 $0x1BFF;
	s21 =	sshll.u32 s6, $0x1;
	s4 =	sadd.s32 s20, s19  }
0xa2: {  	s22 =	simm.s32 $0x0;
	s5 =	sshll.u32 s5, $0x1;
	s6 =	sadd.s32 s21, s4  }
0xa3: {  	[timem:s22], [sflag:s7] =	dma.local [hbm:s6], s5  }
0xa4: {  	_ =	swait.ge [sflag:s7], s5  }
0xa5: {  	s5 =	ssub.s32 $0x0, s5;
	[sflag:s7] =	ssyncset.done $0x0  }
0xa6: {  	[sflag:s7] =	ssyncadd.s32 s5;
	_ =	sdelay $0x1  }
0xa7: {  	s23 =	simm.s32 $0x1B8B  }
0xa8: {  	_ =	swait.ge [sflag:s23], $0x1  }
0xa9: {  	[sflag:s23] =	ssyncset.done $0x0  }
0xaa: {  	[sflag:s23] =	ssyncadd.s32 $0xFFFFFFFF  }
0xab: {  	s5 =	sld [smem:$0x0]  }
0xac: {  	s6 =	sand.u32 $0xFFFFFFFE, s1  }
0xad: {  	p0 =	sne.s32 s1, s6  }
0xae: {  	s6 =	sshll.u32 @p0 s6, $0xE  }
0xaf: {  	s6 =	sadd.s32 @p0 $0x11B8D, s6;
	s7 =	sshll.u32 @p0 s5, $0x11  }
0xb0: {  	s6 =	sor.u32 @p0 s7, s6  }
0xb1: {  	[sflag:s6] =	ssyncadd.remote.s32 @p0 $0x1;
	_ =	sdelay $0x1  }
0xb2: {  	s6 =	simm.s32 @p0 $0x1B8D  }
0xb3: {  	_ =	swait.eq @p0 [sflag:s6], $0x1  }
0xb4: {  	[sflag:s6] =	ssyncadd.s32 @p0 $0xFFFFFFFF  }
0xb5: {  	s7 =	sshll.u32 @!p0 s1, $0xE  }
0xb6: {  	s7 =	sor.u32 @!p0 $0x4000, s7;
	s6 =	simm.s32 @!p0 $0x1B8D  }
0xb7: {  	s5 =	sshll.u32 @!p0 s5, $0x11;
	s7 =	sadd.s32 @!p0 $0x11B8D, s7;
	_ =	swait.eq @!p0 [sflag:s6], $0x1  }
0xb8: {  	s5 =	sor.u32 @!p0 s5, s7;
	[sflag:s6] =	ssyncadd.s32 @!p0 $0xFFFFFFFF  }
0xb9: {  	s25 =	simm.s32 $0x1B8E;
	s24 =	sld [smem:$0x3FFE];
	[sflag:s5] =	ssyncadd.remote.s32 @!p0 $0x1  }
0xba: {  	s26 =	simm.s32 $execute0_lowered;
	[smem:$0x3FD2] =	sst s25  }
0xbb: {  	s6 =	sshll.u32 s26, $0x1;
	_ =	strace $0x80000058;
	[dreg:$0x1] =	wrdreg $0xFFFFFFFF  }
0xbc: {  	s28 =	simm.s32 $_size_execute0_lowered;
	s4 =	sadd.s32 s4, s6;
	[dreg:$0x0] =	wrdreg $0x0  }
0xbd: {  	s6 =	sshll.u32 s28, $0x1;
	[dreg:$0x2] =	wrdreg s4  }
0xbe: {  	[dreg:$0x3] =	wrdreg s6  }
0xbf: {  	[dreg:$0x4] =	wrdreg $0xC0  }
0xc0: {  	_ =	task [dreg:s22], $0x5FFFF  }
0xc1: {  	[dreg:$0x1] =	wrdreg $0xFFFFFFFF  }
0xc2: {  	[dreg:$0x0] =	wrdreg $0x60  }
0xc3: {  	[dreg:$0x2] =	wrdreg s24  }
0xc4: {  	[dreg:$0x3] =	wrdreg s17  }
0xc5: {  	[dreg:$0x4] =	wrdreg $0x17B80  }
0xc6: {  	[dreg:$0x5] =	wrdreg $0xB  }
0xc7: {  	_ =	task.clear_ibuf [dreg:s22], $0x6FFFF;
	_ =	strace $0x90000058  }
0xc8: {  	s29 =	simm.s32 $0xB;
	_ =	strace $0x8000005A  }
0xc9: {  	_ =	swait.ge [sflag:s29], $0x1  }
0xca: {  	[sflag:s29] =	ssyncadd.s32 $0xFFFFFFFF  }
0xcb: {  	_ =	strace $0x9000005A  }
0xcc: {  	_ =	sfence  }
0xcd: {  	s30 =	sld [smem:$0x0];
	_ =	sdelay $0x2  }
0xce: {  	s31 =	sshll.u32 s1, $0xD;
	s1 =	sshrl.u32 s1, $0x2  }
0xcf: {  	s4 =	sand.u32 $0x4000, s31;
	s1 =	sadd.s32 s1, s30  }
0xd0: {  	s0 =	sor.u32 s4, s0;
	s1 =	sshll.u32 s1, $0x11  }
0xd1: {  	s0 =	sor.u32 s1, s0  }
0xd2: {  	s0 =	sadd.s32 $0x8F2B, s0  }
0xd3: {  	[sflag:s0] =	ssyncadd.remote.s32 $0x1  }
0xd4: {  	_ =	sfence.sel $0xFFFF  }
0xd5: {  	[dreg:$0x0] =	wrdreg $0xFFFFFFFF;
	(pc) =	sbr.abs _section_cstart, $3  }
0xd6: {  	[dreg:$0x1] =	wrdreg $0xFFFFFFFF  }
0xd7: {  	_ =	task.clear_ibuf [dreg:s22], $0x2FFFF;
	_ =	strace $0x9FFFFFFF  }
0xd8: {  	(tm) =	ssettm $0x7FFFFFFF  }
0xd9: {  	_ =	shalt  }
tec
execute0_lowered:
.L_overlay_start_1:
0x0: {  	(tag) =	ssettag $0x1  }
0x1: {  	s4 =	rddreg [dreg:$0x0]  }
0x2: {  	s5 =	rddreg [dreg:$0x1]  }
0x3: {  	s1 =	rddreg [dreg:$0x2];
	s3 =	srdreg.scid  }
0x4: {  	s0 =	rddreg [dreg:$0x3];
	s9 =	sand.u32 $0x1, s3  }
0x5: {  	s3 =	stileid.u32;
	s6 =	smul.u32 $0x30D40, s9  }
0x6: {  	s2 =	simm.s32 $0x0;
	s8 =	sadd.s32 $0x15D3600, s4;
	s13 =	smul.u32 $0x186A0, s3  }
0x7: {  	[smem:$0x7FF] =	sst s2;
	s10 =	sadd.s32 $0x7F9E00, s4;
	s28 =	smul.u32 $0x189C0, s3  }
0x8: {  	_ =	strace $0x80000059;
	s7 =	ssub.s32 $0x2, s9;
	s15 =	smul.u32 $0x6270, s3  }
0x9: {  	s12 =	sshll.u32 s3, $0x1;
	s26 =	sshll.u32 s3, $0x6;
	s18 =	smul.u32 $0x3138, s9  }
0xa: {  	s11 =	sshrl.u32 s7, $0x1;
	s23 =	sor.u32 s9, s12;
	s9 =	smul.u32 $0xC4E0, s9  }
0xb: {  	s12 =	simm.s32 $0x1;
	s14 =	sadd.s32 s6, s4;
	s11 =	ssub.s32 s7, s11  }
0xc: {  	s24 =	smul.u32 $0x3138, s23;
	s25 =	sadd.s32 s13, s1;
	s17 =	sshrl.u32 s13, $0x3  }
0xd: {  	s13 =	sadd.s32 s28, s8;
	s30 =	sadd.s32 s18, s15;
	s15 =	simm.s32 $0x10B8  }
0xe: {  	s18 =	simm.s32 $0x0;
	s4 =	sadd.s32 s5, s17;
	s5 =	sor.u32 $0x1C01, s26  }
0xf: {  	s19 =	sadd.s32 $0xFB8E00, s14;
	s9 =	sadd.s32 s9, s13;
	s31 =	sshrl.u32 s30, $0x3  }
0x10: {  	s13 =	simm.s32 $0x80;
	s14 =	simm.s32 $0x1080;
	s6 =	sadd.s32 $0x3100, s24  }
0x11: {  	s17 =	sadd.s32 s17, s19;
	s29 =	sshrl.u32 s6, $0x3;
	s16 =	sshll.u32 s6, $0x2  }
0x12: {  	s6 =	sadd.s32 s10, s29;
	s7 =	sadd.s32 s8, s16;
	s8 =	smax.u32 s11, $0x1  }
0x13: {  	s10 =	sadd.s32 s31, s10;
	s11 =	sshrl.u32 s25, $0x3;
	s16 =	simm.s32 $0x38  }
.LBB2_1:
0x14: {  	[spmem:s11], [sflag:s5] =	dma.local [hbm:s4], $0x30D4  }
0x15: {  	_ =	swait.ge [sflag:s12], $0x30D4  }
0x16: {  	[sflag:s12] =	ssyncset.done $0x0  }
0x17: {  	[sflag:s12] =	ssyncadd.s32 $0xFFFFCF2C  }
0x18: {  	s19 =	sadd.s32 $0x0, s10;
	[bflag:$0x0] =	sbarrier.arrive $0xFFFF  }
0x19: {  	[tilespmem:s2], [sflag:$0x1] =	stream.linear.gather [hbm4b:s19+s2], $0x80, $0x38;
	[tilespmem:$0x19E58] =	vst v63  }
0x1a: {  	_ =	swait.ge [sflag:s12], $0x80  }
0x1b: {  	[sflag:s12] =	ssyncset.done $0x0  }
0x1c: {  	[sflag:s12] =	ssyncadd.s32 $0xFFFFFF80  }
0x1d: {  	[tilespmem:s13], [sflag:$0x1] =	stream.linear.gather [hbm4b:s9+s2], $0x1000, $0x38;
	[tilespmem:$0x19E58] =	vst v63  }
0x1e: {  	_ =	swait.ge [sflag:s12], $0x1000  }
0x1f: {  	[sflag:s12] =	ssyncset.done $0x0  }
0x20: {  	[sflag:s12] =	ssyncadd.s32 $0xFFFFF000  }
0x21: {  	[spmem:s1] =	stream.indirect.scatter.add.f32 [tilespmem:s13], [sflag:$0x1], $0x20, s2, s13, $0xb8;
	[tilespmem:$0x19E58] =	vst v63  }
0x22: {  	s20 =	simm.s32 $0x10;
	_ =	swait.ge [sflag:s12], $0x1000  }
0x23: {  	s21 =	simm.s32 $0x20;
	s19 =	sadd.s32 $0x200, s9;
	[sflag:s12] =	ssyncset.done $0x0  }
.LBB2_2:
0x24: {  	s22 =	sadd.s32 s20, s10  }
0x25: {  	[sflag:s12] =	ssyncadd.s32 $0xFFFFF000;
	s20 =	smov.u32 s21;
	s23 =	sadd.s32 $0x10, s21  }
0x26: {  	[tilespmem:s2], [sflag:$0x1] =	stream.linear.gather [hbm4b:s22+s2], $0x80, $0x38;
	[tilespmem:$0x19E58] =	vst v63  }
0x27: {  	p0 =	sne.s32 s21, $0x610;
	_ =	swait.ge [sflag:s12], $0x80  }
0x28: {  	[sflag:s12] =	ssyncset.done $0x0  }
0x29: {  	[sflag:s12] =	ssyncadd.s32 $0xFFFFFF80  }
0x2a: {  	[tilespmem:s13], [sflag:$0x1] =	stream.linear.gather [hbm4b:s19+s2], $0x1000, $0x38;
	[tilespmem:$0x19E58] =	vst v63  }
0x2b: {  	_ =	swait.ge [sflag:s12], $0x1000  }
.Ltmp0:
0x2c: {  	[sflag:s12] =	ssyncset.done $0x0;
	(pc) =	sbr.rel @p0 .LBB2_2-.Ltmp0, $4  }
0x2d: {  	[sflag:s12] =	ssyncadd.s32 $0xFFFFF000  }
0x2e: {  	[spmem:s1] =	stream.indirect.scatter.add.f32 [tilespmem:s13], [sflag:$0x1], $0x20, s2, s13, $0xb8;
	[tilespmem:$0x19E58] =	vst v63  }
0x2f: {  	_ =	swait.ge [sflag:s12], $0x1000  }
0x30: {  	s21 =	smov.u32 s23;
	s19 =	sadd.s32 $0x200, s19;
	[sflag:s12] =	ssyncset.done $0x0  }
0x31: {  	s20 =	sadd.s32 s20, s10;
	[sflag:s12] =	ssyncadd.s32 $0xFFFFF000  }
0x32: {  	[tilespmem:s2], [sflag:$0x1] =	stream.linear.gather [hbm4b:s20+s2], $0x80, $0x38;
	[tilespmem:$0x19E58] =	vst v63  }
0x33: {  	_ =	swait.ge [sflag:s12], $0x80  }
0x34: {  	[sflag:s12] =	ssyncset.done $0x0  }
0x35: {  	[sflag:s12] =	ssyncadd.s32 $0xFFFFFF80  }
0x36: {  	[tilespmem:s13], [sflag:$0x1] =	stream.linear.gather [hbm4b:s19+s2], $0x1000, $0x38;
	[tilespmem:$0x19E58] =	vst v63  }
0x37: {  	_ =	swait.ge [sflag:s12], $0x1000  }
0x38: {  	[sflag:s12] =	ssyncset.done $0x0  }
0x39: {  	[sflag:s12] =	ssyncadd.s32 $0xFFFFF000  }
0x3a: {  	[spmem:s1] =	stream.indirect.scatter.add.f32 [tilespmem:s13], [sflag:$0x1], $0x20, s2, s13, $0xb8;
	[tilespmem:$0x19E58] =	vst v63  }
0x3b: {  	_ =	swait.ge [sflag:s12], $0x1000  }
0x3c: {  	[sflag:s12] =	ssyncset.done $0x0  }
0x3d: {  	[sflag:s12] =	ssyncadd.s32 $0xFFFFF000  }
0x3e: {  	[tilespmem:s14], [sflag:$0x1] =	stream.linear.gather [hbm4b:s6+s2], $0x38, $0x38;
	[tilespmem:$0x19E58] =	vst v63  }
0x3f: {  	_ =	swait.ge [sflag:s12], $0x38  }
0x40: {  	[sflag:s12] =	ssyncset.done $0x0  }
0x41: {  	[sflag:s12] =	ssyncadd.s32 $0xFFFFFFC8  }
0x42: {  	[tilespmem:s15], [sflag:$0x1] =	stream.linear.gather [hbm4b:s7+s2], $0x700, $0x38;
	[tilespmem:$0x19E58] =	vst v63  }
0x43: {  	_ =	swait.ge [sflag:s12], $0x700  }
0x44: {  	[sflag:s12] =	ssyncset.done $0x0  }
0x45: {  	[sflag:s12] =	ssyncadd.s32 $0xFFFFF900  }
0x46: {  	[spmem:s1] =	stream.indirect.scatter.add.f32 [tilespmem:s15], [sflag:$0x1], $0x20, s14, s16, $0xb8;
	[tilespmem:$0x19E58] =	vst v63  }
0x47: {  	_ =	swait.ge [sflag:s12], $0x700  }
0x48: {  	s18 =	sadd.s32 $0x1, s18;
	[sflag:s12] =	ssyncset.done $0x0  }
0x49: {  	p0 =	sne.s32 s18, s8;
	[sflag:s12] =	ssyncadd.s32 $0xFFFFF900  }
.Ltmp1:
0x4a: {  	[bflag:$0x0] =	sbarrier.arrive $0xFFFF;
	(pc) =	sbr.rel @p0 .LBB2_1-.Ltmp1, $4  }
0x4b: {  	[hbm:s17], [sflag:s5] =	dma.local [spmem:s11], $0x30D4  }
0x4c: {  	_ =	swait.ge [sflag:s12], $0x30D4  }
0x4d: {  	[sflag:s12] =	ssyncset.done $0x0  }
0x4e: {  	[sflag:s12] =	ssyncadd.s32 $0xFFFFCF2C  }
0x4f: {  	_ =	sfence.sel $0x180000  }
0x50: {  	[bflag:$0x0] =	sbarrier.arrive $0xFFFF  }
0x51: {  	p0 =	sne.s32 s3, $0x0;
	_ =	strace $0x90000059  }
0x52: {  	s0 =	sadd.s32 @!p0 $0x100000, s0;
	[bflag:$0x2] =	sbarrier.arrive $0xFFFF  }
0x53: {  	[sflag:s0] =	ssyncadd.tile.s32 @!p0 $0x1;
	_ =	shalt  }
.Lfunc_end2:
_tile_overlayer_lowered:
.L_overlay_start_2:
0x54: {  	(tag) =	ssettag $0x2  }
0x55: {  	s0 =	rddreg [dreg:$0x0];
	s2 =	stileid.u32  }
0x56: {  	s1 =	rddreg [dreg:$0x1];
	p0 =	sne.s32 s2, $0x0  }
0x57: {  	s3 =	rddreg [dreg:$0x2];
	[bflag:$0x3] =	sbarrier.arrive $0xFFFF;
	s2 =	simm.s32 @!p0 $0x1C01  }
0x58: {  	[timem:s3], [sflag:s2] =	dma.local @!p0 [hbm:s0], s1  }
0x59: {  	s0 =	simm.s32 @!p0 $0x1  }
0x5a: {  	_ =	swait.ge @!p0 [sflag:s0], s1  }
0x5b: {  	s1 =	ssub.s32 @!p0 $0x0, s1;
	[sflag:s0] =	ssyncset.done @!p0 $0x0  }
0x5c: {  	[sflag:s0] =	ssyncadd.s32 @!p0 s1  }
0x5d: {  	[bflag:$0x3] =	sbarrier.arrive $0xFFFF  }
0x5e: {  	_ =	shalt  }

// kernel: kernel.20.cloned.1.call-start
scs
__scs_entry_jumppad:
0x0: {  	(pc) =	sbr.rel $0x88, $3  }
0x1: {  	(tag) =	ssettag $0x0;
	lr =	simm.s32 $0x1  }
0x2: {  	[smem:$0x3F81] =	sst lr;
	_ =	strace $0xD0000000  }
0x3: {  	_ = 	snop  }
0x4: {  	_ = 	snop  }
0x5: {  	_ = 	snop  }
0x6: {  	_ = 	snop  }
0x7: {  	_ = 	snop  }
__scs_overlays_trampoline_lowered:
0x8: {  	[smem:$0x3F90] =	sst s0  }
0x9: {  	[smem:$0x3F91] =	sst s1  }
0xa: {  	[smem:$0x3F92] =	sst s2  }
0xb: {  	[smem:$0x3F93] =	sst s3  }
0xc: {  	[smem:$0x3F94] =	sst s4  }
0xd: {  	[smem:$0x3F95] =	sst s5  }
0xe: {  	[smem:$0x3F96] =	sst s6  }
0xf: {  	[smem:$0x3F97] =	sst s7  }
0x10: {  	[smem:$0x3F98] =	sst s8  }
0x11: {  	[smem:$0x3F99] =	sst s9;
	s0 =	simm.s32 @!p0 $0x0  }
0x12: {  	s1 =	sld [smem:$0x3F7F];
	s0 =	simm.s32 @p0 $0x1  }
0x13: {  	[smem:$0x3F9A] =	sst s0;
	s0 =	simm.s32 @!p1 $0x0  }
0x14: {  	s2 =	sld [smem:$0x3F7E];
	s0 =	simm.s32 @p1 $0x1  }
0x15: {  	[smem:$0x3F9B] =	sst s0;
	s0 =	simm.s32 @!p2 $0x0  }
0x16: {  	s3 =	sld [smem:$0x3FDB];
	s0 =	simm.s32 @p2 $0x1  }
0x17: {  	s4 =	simm.s32 $0x1BF5;
	[smem:$0x3F9D] =	sst s0  }
0x18: {  	s0 =	sld [smem:$0x3F80];
	_ =	swait.ge [sflag:s4], $0x0  }
0x19: {  	s7 =	sld [smem:$0x3F81]  }
0x1a: {  	s8 =	sadd.s32 $0xFFFFE003, lr  }
0x1b: {  	s9 =	sadd.s32 $0xFFFFFEF7, lr;
	s5 =	simm.s32 $0xFFFFFFFF;
	p2 =	slt.u32 s8, $0xFFFFF086  }
0x1c: {  	p1 =	slt.u32 s9, $0xF7A;
	s5 =	simm.s32 @!p2 $0x0  }
0x1d: {  	s5 =	simm.s32 @p1 $0x1;
	p0 =	seq.s32 s7, s2  }
0x1e: {  	s7 =	smul.u32 @!p0 $0xF7A, s2;
	p2 =	seq.s32 @!p0 s5, $0x0  }
0x1f: {  	s9 =	smul.u32 $0xF7A, s1;
	s8 =	simm.s32 @!p0 $0x1BF5;
	p2 =	por !p2, p0  }
0x20: {  	[sflag:s8] =	ssyncset.s32 @!p0 $0xFFFFF086;
	s6 =	sadd.s32 @!p0 s3, s7;
	s7 =	simm.s32 @!p0 $0x108  }
0x21: {  	s3 =	sadd.s32 s3, s9;
	s6 =	sadd.s32 @!p0 $0x88, s6;
	s7 =	simm.s32 @p2 $0x1082  }
0x22: {  	[simem:s7], [sflag:s8] =	dma.local @!p0 [hbm:s6], $0xF7A  }
0x23: {  	s9 =	sor.u32 $0xD0000000, s2;
	s6 =	simm.s32 $0x108;
	_ =	swait.ge @!p0 [sflag:s8], $0x0  }
0x24: {  	s3 =	sadd.s32 $0x88, s3;
	s6 =	simm.s32 @!p1 $0x1082;
	[sflag:s4] =	ssyncset.s32 $0xFFFFF086  }
0x25: {  	[simem:s6], [sflag:s4] =	dma.local [hbm:s3], $0xF7A  }
0x26: {  	[smem:$0x3F81] =	sst s1;
	(tag) =	ssettag s2;
	_ =	strace s9  }
0x27: {  	s1 =	sld [smem:$0x3F91]  }
0x28: {  	s2 =	sld [smem:$0x3F92]  }
0x29: {  	s4 =	sld [smem:$0x3F94]  }
0x2a: {  	p0 =	seq.s32 s5, $0x0;
	s5 =	sld [smem:$0x3F95]  }
0x2b: {  	s6 =	sld [smem:$0x3F96]  }
0x2c: {  	s7 =	sld [smem:$0x3F97]  }
0x2d: {  	s3 =	simm.s32 $0x108;
	s8 =	sld [smem:$0x3F98]  }
0x2e: {  	s3 =	simm.s32 @!p0 $0x1082;
	s9 =	sld [smem:$0x3F99]  }
0x2f: {  	lr =	sadd.s32 s0, s3;
	s0 =	sld [smem:$0x3F90]  }
0x30: {  	s3 =	sld [smem:$0x3F93]  }
0x31: {  	[smem:$0x3F9C] =	sst s10  }
0x32: {  	s10 =	sld [smem:$0x3F9A];
	_ =	sdelay $0x3  }
0x33: {  	p0 =	seq.s32 s10, $0x1;
	s10 =	sld [smem:$0x3F9C];
	_ =	sdelay $0x3  }
0x34: {  	[smem:$0x3F9C] =	sst s10  }
0x35: {  	s10 =	sld [smem:$0x3F9B];
	_ =	sdelay $0x3  }
0x36: {  	p1 =	seq.s32 s10, $0x1;
	s10 =	sld [smem:$0x3F9C];
	_ =	sdelay $0x3  }
0x37: {  	[smem:$0x3F9C] =	sst s10  }
0x38: {  	s10 =	sld [smem:$0x3F9D]  }
0x39: {  	_ = 	snop;
	(pc) =	sbr.ind lr, $3  }
0x3a: {  	_ = 	snop  }
0x3b: {  	_ = 	snop  }
0x3c: {  	p2 =	seq.s32 s10, $0x1;
	s10 =	sld [smem:$0x3F9C]  }
0x3d: {  	_ =	shalt  }
0x3e: {  	_ =	shalt  }
0x3f: {  	_ =	shalt  }
0x40: {  	_ =	shalt  }
0x41: {  	_ =	shalt  }
0x42: {  	_ =	shalt  }
0x43: {  	_ =	shalt  }
0x44: {  	_ =	shalt  }
0x45: {  	_ =	shalt  }
0x46: {  	_ =	shalt  }
0x47: {  	_ =	shalt  }
0x48: {  	_ =	shalt  }
0x49: {  	_ =	shalt  }
0x4a: {  	_ =	shalt  }
0x4b: {  	_ =	shalt  }
0x4c: {  	_ =	shalt  }
0x4d: {  	_ =	shalt  }
0x4e: {  	_ =	shalt  }
0x4f: {  	_ =	shalt  }
0x50: {  	_ =	shalt  }
0x51: {  	_ =	shalt  }
0x52: {  	_ =	shalt  }
0x53: {  	_ =	shalt  }
0x54: {  	_ =	shalt  }
0x55: {  	_ =	shalt  }
0x56: {  	_ =	shalt  }
0x57: {  	_ =	shalt  }
0x58: {  	_ =	shalt  }
0x59: {  	_ =	shalt  }
0x5a: {  	_ =	shalt  }
0x5b: {  	_ =	shalt  }
0x5c: {  	_ =	shalt  }
0x5d: {  	_ =	shalt  }
0x5e: {  	_ =	shalt  }
0x5f: {  	_ =	shalt  }
0x60: {  	_ =	shalt  }
0x61: {  	_ =	shalt  }
0x62: {  	_ =	shalt  }
0x63: {  	_ =	shalt  }
0x64: {  	_ =	shalt  }
0x65: {  	_ =	shalt  }
0x66: {  	_ =	shalt  }
0x67: {  	_ =	shalt  }
0x68: {  	_ =	shalt  }
0x69: {  	_ =	shalt  }
0x6a: {  	_ =	shalt  }
0x6b: {  	_ =	shalt  }
0x6c: {  	_ =	shalt  }
0x6d: {  	_ =	shalt  }
0x6e: {  	_ =	shalt  }
0x6f: {  	_ =	shalt  }
0x70: {  	_ =	shalt  }
0x71: {  	_ =	shalt  }
0x72: {  	_ =	shalt  }
0x73: {  	_ =	shalt  }
0x74: {  	_ =	shalt  }
0x75: {  	_ =	shalt  }
0x76: {  	_ =	shalt  }
0x77: {  	_ =	shalt  }
0x78: {  	_ =	shalt  }
0x79: {  	_ =	shalt  }
0x7a: {  	_ =	shalt  }
0x7b: {  	_ =	shalt  }
0x7c: {  	_ =	shalt  }
0x7d: {  	_ =	shalt  }
0x7e: {  	_ =	shalt  }
0x7f: {  	_ =	shalt  }
0x80: {  	_ =	shalt  }
0x81: {  	_ =	shalt  }
0x82: {  	_ =	shalt  }
0x83: {  	_ =	shalt  }
0x84: {  	_ =	shalt  }
0x85: {  	_ =	shalt  }
0x86: {  	_ =	shalt  }
0x87: {  	_ =	shalt  }
.Lfunc_end0:
.L_simem_size_0:
called_computation.5_lowered:
.L_overlay_start_0:
0x88: {  	s2 =	sld [smem:$0x3FD9]  }
0x89: {  	s3 =	sld [smem:$0x3FFE];
	_ =	sdelay $0x1  }
0x8a: {  	s1 =	srdreg.scid  }
0x8b: {  	s0 =	sand.u32 $0x1, s1  }
0x8c: {  	s17 =	sshll.u32 s0, $0xA;
	s2 =	sadd.s32 s3, s2  }
0x8d: {  	s2 =	sadd.s32 s2, s17  }
0x8e: {  	[smem:$0x3FA8] =	sst s2  }
0x8f: {  	_ = 	snop  }
0x90: {  	(tm) =	ssettm $0x1  }
0x91: {  	s18 =	sld [smem:$0x3FFB];
	_ =	sdelay $0x3  }
0x92: {  	_ =	strace s18  }
0x93: {  	s2 =	sld [smem:$0x3FFC];
	_ =	sdelay $0x3  }
0x94: {  	_ =	strace s2  }
0x95: {  	s2 =	sld [smem:$0x3FFD];
	_ =	sdelay $0x3  }
0x96: {  	_ =	strace s2  }
0x97: {  	_ =	strace $0x8FFFFFFF  }
0x98: {  	s19 =	sld [smem:$0x3FDB];
	_ =	sdelay $0x1  }
0x99: {  	s20 =	simm.s32 $_scs_section_size  }
0x9a: {  	s4 =	simm.s32 $_size__tile_overlayer_lowered;
	s5 =	simm.s32 $_tile_overlayer_lowered  }
0x9b: {  	s6 =	simm.s32 $0x1BFF;
	s21 =	sshll.u32 s5, $0x1;
	s3 =	sadd.s32 s20, s19  }
0x9c: {  	s22 =	simm.s32 $0x0;
	s4 =	sshll.u32 s4, $0x1;
	s5 =	sadd.s32 s21, s3  }
0x9d: {  	[timem:s22], [sflag:s6] =	dma.local [hbm:s5], s4  }
0x9e: {  	_ =	swait.ge [sflag:s6], s4  }
0x9f: {  	s4 =	ssub.s32 $0x0, s4;
	[sflag:s6] =	ssyncset.done $0x0  }
0xa0: {  	[sflag:s6] =	ssyncadd.s32 s4;
	_ =	sdelay $0x1  }
0xa1: {  	s23 =	simm.s32 $0x1B8B  }
0xa2: {  	_ =	swait.ge [sflag:s23], $0x1  }
0xa3: {  	[sflag:s23] =	ssyncset.done $0x0  }
0xa4: {  	[sflag:s23] =	ssyncadd.s32 $0xFFFFFFFF  }
0xa5: {  	s4 =	sld [smem:$0x0]  }
0xa6: {  	s5 =	sand.u32 $0xFFFFFFFE, s1  }
0xa7: {  	p0 =	sne.s32 s1, s5  }
0xa8: {  	s5 =	sshll.u32 @p0 s5, $0xE  }
0xa9: {  	s5 =	sadd.s32 @p0 $0x11B8D, s5;
	s6 =	sshll.u32 @p0 s4, $0x11  }
0xaa: {  	s5 =	sor.u32 @p0 s6, s5  }
0xab: {  	[sflag:s5] =	ssyncadd.remote.s32 @p0 $0x1;
	_ =	sdelay $0x1  }
0xac: {  	s5 =	simm.s32 @p0 $0x1B8D  }
0xad: {  	_ =	swait.eq @p0 [sflag:s5], $0x1  }
0xae: {  	[sflag:s5] =	ssyncadd.s32 @p0 $0xFFFFFFFF  }
0xaf: {  	s6 =	sshll.u32 @!p0 s1, $0xE  }
0xb0: {  	s6 =	sor.u32 @!p0 $0x4000, s6;
	s5 =	simm.s32 @!p0 $0x1B8D  }
0xb1: {  	s4 =	sshll.u32 @!p0 s4, $0x11;
	s6 =	sadd.s32 @!p0 $0x11B8D, s6;
	_ =	swait.eq @!p0 [sflag:s5], $0x1  }
0xb2: {  	s4 =	sor.u32 @!p0 s4, s6;
	[sflag:s5] =	ssyncadd.s32 @!p0 $0xFFFFFFFF  }
0xb3: {  	s25 =	simm.s32 $0x1B8E;
	s24 =	sld [smem:$0x3FFE];
	[sflag:s4] =	ssyncadd.remote.s32 @!p0 $0x1  }
0xb4: {  	s26 =	simm.s32 $execute0_lowered;
	[smem:$0x3FD2] =	sst s25  }
0xb5: {  	s5 =	sshll.u32 s26, $0x1;
	_ =	strace $0x8000005B;
	[dreg:$0x1] =	wrdreg $0xFFFFFFFF  }
0xb6: {  	s28 =	simm.s32 $_size_execute0_lowered;
	s3 =	sadd.s32 s3, s5;
	[dreg:$0x0] =	wrdreg $0x0  }
0xb7: {  	s5 =	sshll.u32 s28, $0x1;
	[dreg:$0x2] =	wrdreg s3  }
0xb8: {  	[dreg:$0x3] =	wrdreg s5  }
0xb9: {  	[dreg:$0x4] =	wrdreg $0xC0  }
0xba: {  	_ =	task [dreg:s22], $0x5FFFF  }
0xbb: {  	[dreg:$0x1] =	wrdreg $0xFFFFFFFF  }
0xbc: {  	[dreg:$0x0] =	wrdreg $0x60  }
0xbd: {  	[dreg:$0x2] =	wrdreg s24  }
0xbe: {  	[dreg:$0x3] =	wrdreg $0x6780  }
0xbf: {  	[dreg:$0x4] =	wrdreg $0xC  }
0xc0: {  	_ =	task.clear_ibuf [dreg:s22], $0x5FFFF;
	_ =	strace $0x9000005B  }
0xc1: {  	s29 =	simm.s32 $0xC;
	_ =	strace $0x8000005D  }
0xc2: {  	_ =	swait.ge [sflag:s29], $0x1  }
0xc3: {  	[sflag:s29] =	ssyncadd.s32 $0xFFFFFFFF  }
0xc4: {  	_ =	strace $0x9000005D  }
0xc5: {  	_ =	sfence  }
0xc6: {  	s30 =	sld [smem:$0x0];
	_ =	sdelay $0x2  }
0xc7: {  	s31 =	sshll.u32 s1, $0xD;
	s1 =	sshrl.u32 s1, $0x2  }
0xc8: {  	s4 =	sand.u32 $0x4000, s31;
	s1 =	sadd.s32 s1, s30  }
0xc9: {  	s0 =	sor.u32 s4, s0;
	s1 =	sshll.u32 s1, $0x11  }
0xca: {  	s0 =	sor.u32 s1, s0  }
0xcb: {  	s0 =	sadd.s32 $0x8F2B, s0  }
0xcc: {  	[sflag:s0] =	ssyncadd.remote.s32 $0x1  }
0xcd: {  	_ =	sfence.sel $0xFFFF  }
0xce: {  	[dreg:$0x0] =	wrdreg $0xFFFFFFFF;
	(pc) =	sbr.abs _section_cstart, $3  }
0xcf: {  	[dreg:$0x1] =	wrdreg $0xFFFFFFFF  }
0xd0: {  	_ =	task.clear_ibuf [dreg:s22], $0x2FFFF;
	_ =	strace $0x9FFFFFFF  }
0xd1: {  	(tm) =	ssettm $0x7FFFFFFF  }
tec
execute0_lowered:
.L_overlay_start_1:
0x0: {  	(tag) =	ssettag $0x1  }
0x1: {  	s4 =	rddreg [dreg:$0x0]  }
0x2: {  	s1 =	rddreg [dreg:$0x1]  }
0x3: {  	s0 =	rddreg [dreg:$0x2];
	s2 =	simm.s32 $0x0  }
0x4: {  	s3 =	stileid.u32;
	s5 =	srdreg.scid;
	s9 =	sadd.s32 $0x101AA00, s4  }
0x5: {  	[smem:$0x7FF] =	sst s2;
	s10 =	sadd.s32 $0x7F9E00, s4;
	s6 =	smul.u32 $0x61A8, s3  }
0x6: {  	s5 =	sand.u32 $0x1, s5;
	s7 =	sshll.u32 s3, $0x1;
	s14 =	smul.u32 $0x6270, s3  }
0x7: {  	s29 =	sshll.u32 s3, $0x6;
	_ =	strace $0x8000005C;
	s8 =	smul.u32 $0xC350, s5  }
0x8: {  	s11 =	ssub.s32 $0x2, s5;
	s7 =	sor.u32 s5, s7;
	s16 =	smul.u32 $0x3138, s5  }
0x9: {  	s5 =	sor.u32 $0x1C01, s29;
	s17 =	sshrl.u32 s6, $0x3;
	s12 =	sshrl.u32 s11, $0x1  }
0xa: {  	s7 =	smul.u32 $0x3138, s7;
	s28 =	sadd.s32 s6, s1;
	s13 =	sadd.s32 s17, s4  }
0xb: {  	s8 =	sadd.s32 s8, s4;
	s11 =	ssub.s32 s11, s12;
	s30 =	sadd.s32 s16, s14  }
0xc: {  	s14 =	simm.s32 $0x480;
	s16 =	simm.s32 $0x38;
	s7 =	sadd.s32 $0x3100, s7  }
0xd: {  	s12 =	simm.s32 $0x1;
	s4 =	sadd.s32 $0x7ED800, s13;
	s18 =	sadd.s32 $0x107D200, s8  }
0xe: {  	s8 =	smax.u32 s11, $0x1;
	s31 =	sshrl.u32 s30, $0x3;
	s11 =	sshrl.u32 s28, $0x3  }
0xf: {  	s13 =	simm.s32 $0x80;
	s15 =	sshrl.u32 s7, $0x3;
	s7 =	sadd.s32 s9, s7  }
0x10: {  	s9 =	sadd.s32 s9, s30;
	s17 =	sadd.s32 s17, s18;
	s18 =	simm.s32 $0x0  }
0x11: {  	s6 =	sadd.s32 s10, s15;
	s10 =	sadd.s32 s31, s10;
	s15 =	simm.s32 $0x4B8  }
.LBB2_1:
0x12: {  	[spmem:s11], [sflag:s5] =	dma.local [hbm:s4], $0xC35  }
0x13: {  	_ =	swait.ge [sflag:s12], $0xC35  }
0x14: {  	[sflag:s12] =	ssyncset.done $0x0  }
0x15: {  	[sflag:s12] =	ssyncadd.s32 $0xFFFFF3CB  }
0x16: {  	s19 =	sadd.s32 $0x0, s10;
	[bflag:$0x0] =	sbarrier.arrive $0xFFFF  }
0x17: {  	[tilespmem:s2], [sflag:$0x1] =	stream.linear.gather [hbm4b:s19+s2], $0x80, $0x38;
	[tilespmem:$0x6820] =	vst v63  }
0x18: {  	_ =	swait.ge [sflag:s12], $0x80  }
0x19: {  	[sflag:s12] =	ssyncset.done $0x0  }
0x1a: {  	[sflag:s12] =	ssyncadd.s32 $0xFFFFFF80  }
0x1b: {  	[tilespmem:s13], [sflag:$0x1] =	stream.linear.gather [hbm4b:s9+s2], $0x400, $0x38;
	[tilespmem:$0x6820] =	vst v63  }
0x1c: {  	_ =	swait.ge [sflag:s12], $0x400  }
0x1d: {  	[sflag:s12] =	ssyncset.done $0x0  }
0x1e: {  	[sflag:s12] =	ssyncadd.s32 $0xFFFFFC00  }
0x1f: {  	[spmem:s1] =	stream.indirect.scatter.add.f32 [tilespmem:s13], [sflag:$0x1], $0x8, s2, s13, $0xb8;
	[tilespmem:$0x6820] =	vst v63  }
0x20: {  	s20 =	simm.s32 $0x10;
	_ =	swait.ge [sflag:s12], $0x400  }
0x21: {  	s21 =	simm.s32 $0x20;
	s19 =	sadd.s32 $0x80, s9;
	[sflag:s12] =	ssyncset.done $0x0  }
.LBB2_2:
0x22: {  	s22 =	sadd.s32 s20, s10  }
0x23: {  	[sflag:s12] =	ssyncadd.s32 $0xFFFFFC00;
	s20 =	smov.u32 s21;
	s23 =	sadd.s32 $0x10, s21  }
0x24: {  	[tilespmem:s2], [sflag:$0x1] =	stream.linear.gather [hbm4b:s22+s2], $0x80, $0x38;
	[tilespmem:$0x6820] =	vst v63  }
0x25: {  	p0 =	sne.s32 s21, $0x610;
	_ =	swait.ge [sflag:s12], $0x80  }
0x26: {  	[sflag:s12] =	ssyncset.done $0x0  }
0x27: {  	[sflag:s12] =	ssyncadd.s32 $0xFFFFFF80  }
0x28: {  	[tilespmem:s13], [sflag:$0x1] =	stream.linear.gather [hbm4b:s19+s2], $0x400, $0x38;
	[tilespmem:$0x6820] =	vst v63  }
0x29: {  	_ =	swait.ge [sflag:s12], $0x400  }
.Ltmp0:
0x2a: {  	[sflag:s12] =	ssyncset.done $0x0;
	(pc) =	sbr.rel @p0 .LBB2_2-.Ltmp0, $4  }
0x2b: {  	[sflag:s12] =	ssyncadd.s32 $0xFFFFFC00  }
0x2c: {  	[spmem:s1] =	stream.indirect.scatter.add.f32 [tilespmem:s13], [sflag:$0x1], $0x8, s2, s13, $0xb8;
	[tilespmem:$0x6820] =	vst v63  }
0x2d: {  	_ =	swait.ge [sflag:s12], $0x400  }
0x2e: {  	s21 =	smov.u32 s23;
	s19 =	sadd.s32 $0x80, s19;
	[sflag:s12] =	ssyncset.done $0x0  }
0x2f: {  	s20 =	sadd.s32 s20, s10;
	[sflag:s12] =	ssyncadd.s32 $0xFFFFFC00  }
0x30: {  	[tilespmem:s2], [sflag:$0x1] =	stream.linear.gather [hbm4b:s20+s2], $0x80, $0x38;
	[tilespmem:$0x6820] =	vst v63  }
0x31: {  	_ =	swait.ge [sflag:s12], $0x80  }
0x32: {  	[sflag:s12] =	ssyncset.done $0x0  }
0x33: {  	[sflag:s12] =	ssyncadd.s32 $0xFFFFFF80  }
0x34: {  	[tilespmem:s13], [sflag:$0x1] =	stream.linear.gather [hbm4b:s19+s2], $0x400, $0x38;
	[tilespmem:$0x6820] =	vst v63  }
0x35: {  	_ =	swait.ge [sflag:s12], $0x400  }
0x36: {  	[sflag:s12] =	ssyncset.done $0x0  }
0x37: {  	[sflag:s12] =	ssyncadd.s32 $0xFFFFFC00  }
0x38: {  	[spmem:s1] =	stream.indirect.scatter.add.f32 [tilespmem:s13], [sflag:$0x1], $0x8, s2, s13, $0xb8;
	[tilespmem:$0x6820] =	vst v63  }
0x39: {  	_ =	swait.ge [sflag:s12], $0x400  }
0x3a: {  	[sflag:s12] =	ssyncset.done $0x0  }
0x3b: {  	[sflag:s12] =	ssyncadd.s32 $0xFFFFFC00  }
0x3c: {  	[tilespmem:s14], [sflag:$0x1] =	stream.linear.gather [hbm4b:s6+s2], $0x38, $0x38;
	[tilespmem:$0x6820] =	vst v63  }
0x3d: {  	_ =	swait.ge [sflag:s12], $0x38  }
0x3e: {  	[sflag:s12] =	ssyncset.done $0x0  }
0x3f: {  	[sflag:s12] =	ssyncadd.s32 $0xFFFFFFC8  }
0x40: {  	[tilespmem:s15], [sflag:$0x1] =	stream.linear.gather [hbm4b:s7+s2], $0x1C0, $0x38;
	[tilespmem:$0x6820] =	vst v63  }
0x41: {  	_ =	swait.ge [sflag:s12], $0x1C0  }
0x42: {  	[sflag:s12] =	ssyncset.done $0x0  }
0x43: {  	[sflag:s12] =	ssyncadd.s32 $0xFFFFFE40  }
0x44: {  	[spmem:s1] =	stream.indirect.scatter.add.f32 [tilespmem:s15], [sflag:$0x1], $0x8, s14, s16, $0xb8;
	[tilespmem:$0x6820] =	vst v63  }
0x45: {  	_ =	swait.ge [sflag:s12], $0x1C0  }
0x46: {  	s18 =	sadd.s32 $0x1, s18;
	[sflag:s12] =	ssyncset.done $0x0  }
0x47: {  	p0 =	sne.s32 s18, s8;
	[sflag:s12] =	ssyncadd.s32 $0xFFFFFE40  }
.Ltmp1:
0x48: {  	[bflag:$0x0] =	sbarrier.arrive $0xFFFF;
	(pc) =	sbr.rel @p0 .LBB2_1-.Ltmp1, $4  }
0x49: {  	[hbm:s17], [sflag:s5] =	dma.local [spmem:s11], $0xC35  }
0x4a: {  	_ =	swait.ge [sflag:s12], $0xC35  }
0x4b: {  	[sflag:s12] =	ssyncset.done $0x0  }
0x4c: {  	[sflag:s12] =	ssyncadd.s32 $0xFFFFF3CB  }
0x4d: {  	_ =	sfence.sel $0x180000  }
0x4e: {  	[bflag:$0x0] =	sbarrier.arrive $0xFFFF  }
0x4f: {  	p0 =	sne.s32 s3, $0x0;
	_ =	strace $0x9000005C  }
0x50: {  	s0 =	sadd.s32 @!p0 $0x100000, s0;
	[bflag:$0x2] =	sbarrier.arrive $0xFFFF  }
0x51: {  	[sflag:s0] =	ssyncadd.tile.s32 @!p0 $0x1;
	_ =	shalt  }
.Lfunc_end2:
_tile_overlayer_lowered:
.L_overlay_start_2:
0x52: {  	(tag) =	ssettag $0x2  }
0x53: {  	s0 =	rddreg [dreg:$0x0];
	s2 =	stileid.u32  }
0x54: {  	s1 =	rddreg [dreg:$0x1];
	p0 =	sne.s32 s2, $0x0  }
0x55: {  	s3 =	rddreg [dreg:$0x2];
	[bflag:$0x3] =	sbarrier.arrive $0xFFFF;
	s2 =	simm.s32 @!p0 $0x1C01  }
0x56: {  	[timem:s3], [sflag:s2] =	dma.local @!p0 [hbm:s0], s1  }
0x57: {  	s0 =	simm.s32 @!p0 $0x1  }
0x58: {  	_ =	swait.ge @!p0 [sflag:s0], s1  }
0x59: {  	s1 =	ssub.s32 @!p0 $0x0, s1;
	[sflag:s0] =	ssyncset.done @!p0 $0x0  }
0x5a: {  	[sflag:s0] =	ssyncadd.s32 @!p0 s1  }
0x5b: {  	[bflag:$0x3] =	sbarrier.arrive $0xFFFF  }
0x5c: {  	_ =	shalt  }

// kernel: kernel.23.cloned.1.call-start
scs
__scs_entry_jumppad:
0x0: {  	(pc) =	sbr.rel $0x88, $3  }
0x1: {  	(tag) =	ssettag $0x0;
	lr =	simm.s32 $0x1  }
0x2: {  	[smem:$0x3F81] =	sst lr;
	_ =	strace $0xD0000000  }
0x3: {  	_ = 	snop  }
0x4: {  	_ = 	snop  }
0x5: {  	_ = 	snop  }
0x6: {  	_ = 	snop  }
0x7: {  	_ = 	snop  }
__scs_overlays_trampoline_lowered:
0x8: {  	[smem:$0x3F90] =	sst s0  }
0x9: {  	[smem:$0x3F91] =	sst s1  }
0xa: {  	[smem:$0x3F92] =	sst s2  }
0xb: {  	[smem:$0x3F93] =	sst s3  }
0xc: {  	[smem:$0x3F94] =	sst s4  }
0xd: {  	[smem:$0x3F95] =	sst s5  }
0xe: {  	[smem:$0x3F96] =	sst s6  }
0xf: {  	[smem:$0x3F97] =	sst s7  }
0x10: {  	[smem:$0x3F98] =	sst s8  }
0x11: {  	[smem:$0x3F99] =	sst s9;
	s0 =	simm.s32 @!p0 $0x0  }
0x12: {  	s1 =	sld [smem:$0x3F7F];
	s0 =	simm.s32 @p0 $0x1  }
0x13: {  	[smem:$0x3F9A] =	sst s0;
	s0 =	simm.s32 @!p1 $0x0  }
0x14: {  	s2 =	sld [smem:$0x3F7E];
	s0 =	simm.s32 @p1 $0x1  }
0x15: {  	[smem:$0x3F9B] =	sst s0;
	s0 =	simm.s32 @!p2 $0x0  }
0x16: {  	s3 =	sld [smem:$0x3FDB];
	s0 =	simm.s32 @p2 $0x1  }
0x17: {  	s4 =	simm.s32 $0x1BF5;
	[smem:$0x3F9D] =	sst s0  }
0x18: {  	s0 =	sld [smem:$0x3F80];
	_ =	swait.ge [sflag:s4], $0x0  }
0x19: {  	s7 =	sld [smem:$0x3F81]  }
0x1a: {  	s8 =	sadd.s32 $0xFFFFE003, lr  }
0x1b: {  	s9 =	sadd.s32 $0xFFFFFEF7, lr;
	s5 =	simm.s32 $0xFFFFFFFF;
	p2 =	slt.u32 s8, $0xFFFFF086  }
0x1c: {  	p1 =	slt.u32 s9, $0xF7A;
	s5 =	simm.s32 @!p2 $0x0  }
0x1d: {  	s5 =	simm.s32 @p1 $0x1;
	p0 =	seq.s32 s7, s2  }
0x1e: {  	s7 =	smul.u32 @!p0 $0xF7A, s2;
	p2 =	seq.s32 @!p0 s5, $0x0  }
0x1f: {  	s9 =	smul.u32 $0xF7A, s1;
	s8 =	simm.s32 @!p0 $0x1BF5;
	p2 =	por !p2, p0  }
0x20: {  	[sflag:s8] =	ssyncset.s32 @!p0 $0xFFFFF086;
	s6 =	sadd.s32 @!p0 s3, s7;
	s7 =	simm.s32 @!p0 $0x108  }
0x21: {  	s3 =	sadd.s32 s3, s9;
	s6 =	sadd.s32 @!p0 $0x88, s6;
	s7 =	simm.s32 @p2 $0x1082  }
0x22: {  	[simem:s7], [sflag:s8] =	dma.local @!p0 [hbm:s6], $0xF7A  }
0x23: {  	s9 =	sor.u32 $0xD0000000, s2;
	s6 =	simm.s32 $0x108;
	_ =	swait.ge @!p0 [sflag:s8], $0x0  }
0x24: {  	s3 =	sadd.s32 $0x88, s3;
	s6 =	simm.s32 @!p1 $0x1082;
	[sflag:s4] =	ssyncset.s32 $0xFFFFF086  }
0x25: {  	[simem:s6], [sflag:s4] =	dma.local [hbm:s3], $0xF7A  }
0x26: {  	[smem:$0x3F81] =	sst s1;
	(tag) =	ssettag s2;
	_ =	strace s9  }
0x27: {  	s1 =	sld [smem:$0x3F91]  }
0x28: {  	s2 =	sld [smem:$0x3F92]  }
0x29: {  	s4 =	sld [smem:$0x3F94]  }
0x2a: {  	p0 =	seq.s32 s5, $0x0;
	s5 =	sld [smem:$0x3F95]  }
0x2b: {  	s6 =	sld [smem:$0x3F96]  }
0x2c: {  	s7 =	sld [smem:$0x3F97]  }
0x2d: {  	s3 =	simm.s32 $0x108;
	s8 =	sld [smem:$0x3F98]  }
0x2e: {  	s3 =	simm.s32 @!p0 $0x1082;
	s9 =	sld [smem:$0x3F99]  }
0x2f: {  	lr =	sadd.s32 s0, s3;
	s0 =	sld [smem:$0x3F90]  }
0x30: {  	s3 =	sld [smem:$0x3F93]  }
0x31: {  	[smem:$0x3F9C] =	sst s10  }
0x32: {  	s10 =	sld [smem:$0x3F9A];
	_ =	sdelay $0x3  }
0x33: {  	p0 =	seq.s32 s10, $0x1;
	s10 =	sld [smem:$0x3F9C];
	_ =	sdelay $0x3  }
0x34: {  	[smem:$0x3F9C] =	sst s10  }
0x35: {  	s10 =	sld [smem:$0x3F9B];
	_ =	sdelay $0x3  }
0x36: {  	p1 =	seq.s32 s10, $0x1;
	s10 =	sld [smem:$0x3F9C];
	_ =	sdelay $0x3  }
0x37: {  	[smem:$0x3F9C] =	sst s10  }
0x38: {  	s10 =	sld [smem:$0x3F9D]  }
0x39: {  	_ = 	snop;
	(pc) =	sbr.ind lr, $3  }
0x3a: {  	_ = 	snop  }
0x3b: {  	_ = 	snop  }
0x3c: {  	p2 =	seq.s32 s10, $0x1;
	s10 =	sld [smem:$0x3F9C]  }
0x3d: {  	_ =	shalt  }
0x3e: {  	_ =	shalt  }
0x3f: {  	_ =	shalt  }
0x40: {  	_ =	shalt  }
0x41: {  	_ =	shalt  }
0x42: {  	_ =	shalt  }
0x43: {  	_ =	shalt  }
0x44: {  	_ =	shalt  }
0x45: {  	_ =	shalt  }
0x46: {  	_ =	shalt  }
0x47: {  	_ =	shalt  }
0x48: {  	_ =	shalt  }
0x49: {  	_ =	shalt  }
0x4a: {  	_ =	shalt  }
0x4b: {  	_ =	shalt  }
0x4c: {  	_ =	shalt  }
0x4d: {  	_ =	shalt  }
0x4e: {  	_ =	shalt  }
0x4f: {  	_ =	shalt  }
0x50: {  	_ =	shalt  }
0x51: {  	_ =	shalt  }
0x52: {  	_ =	shalt  }
0x53: {  	_ =	shalt  }
0x54: {  	_ =	shalt  }
0x55: {  	_ =	shalt  }
0x56: {  	_ =	shalt  }
0x57: {  	_ =	shalt  }
0x58: {  	_ =	shalt  }
0x59: {  	_ =	shalt  }
0x5a: {  	_ =	shalt  }
0x5b: {  	_ =	shalt  }
0x5c: {  	_ =	shalt  }
0x5d: {  	_ =	shalt  }
0x5e: {  	_ =	shalt  }
0x5f: {  	_ =	shalt  }
0x60: {  	_ =	shalt  }
0x61: {  	_ =	shalt  }
0x62: {  	_ =	shalt  }
0x63: {  	_ =	shalt  }
0x64: {  	_ =	shalt  }
0x65: {  	_ =	shalt  }
0x66: {  	_ =	shalt  }
0x67: {  	_ =	shalt  }
0x68: {  	_ =	shalt  }
0x69: {  	_ =	shalt  }
0x6a: {  	_ =	shalt  }
0x6b: {  	_ =	shalt  }
0x6c: {  	_ =	shalt  }
0x6d: {  	_ =	shalt  }
0x6e: {  	_ =	shalt  }
0x6f: {  	_ =	shalt  }
0x70: {  	_ =	shalt  }
0x71: {  	_ =	shalt  }
0x72: {  	_ =	shalt  }
0x73: {  	_ =	shalt  }
0x74: {  	_ =	shalt  }
0x75: {  	_ =	shalt  }
0x76: {  	_ =	shalt  }
0x77: {  	_ =	shalt  }
0x78: {  	_ =	shalt  }
0x79: {  	_ =	shalt  }
0x7a: {  	_ =	shalt  }
0x7b: {  	_ =	shalt  }
0x7c: {  	_ =	shalt  }
0x7d: {  	_ =	shalt  }
0x7e: {  	_ =	shalt  }
0x7f: {  	_ =	shalt  }
0x80: {  	_ =	shalt  }
0x81: {  	_ =	shalt  }
0x82: {  	_ =	shalt  }
0x83: {  	_ =	shalt  }
0x84: {  	_ =	shalt  }
0x85: {  	_ =	shalt  }
0x86: {  	_ =	shalt  }
0x87: {  	_ =	shalt  }
.Lfunc_end0:
.L_simem_size_0:
called_computation.6_lowered:
.L_overlay_start_0:
0x88: {  	s2 =	sld [smem:$0x3FD9]  }
0x89: {  	s3 =	sld [smem:$0x3FFE];
	_ =	sdelay $0x1  }
0x8a: {  	s1 =	srdreg.scid  }
0x8b: {  	s0 =	sand.u32 $0x1, s1  }
0x8c: {  	s15 =	sshll.u32 s0, $0xA;
	s2 =	sadd.s32 s3, s2  }
0x8d: {  	s2 =	sadd.s32 s2, s15  }
0x8e: {  	[smem:$0x3FA8] =	sst s2  }
0x8f: {  	_ = 	snop  }
0x90: {  	s2 =	sld [smem:$0x3FD0];
	_ =	sdelay $0x2  }
0x91: {  	s16 =	simm.s32 $0xF;
	s4 =	simm.s32 $0x10  }
0x92: {  	[smem:s4], [sflag:s16] =	dma.local [hbm:s2], $0x1  }
0x93: {  	_ =	swait.eq [sflag:s16], $0x1  }
0x94: {  	[sflag:s16] =	ssyncset.done $0x0  }
0x95: {  	[sflag:s16] =	ssyncadd.s32 $0xFFFFFFFF  }
0x96: {  	s17 =	sld [smem:$0x11];
	(tm) =	ssettm $0x1  }
0x97: {  	s18 =	sld [smem:$0x3FFB];
	_ =	sdelay $0x3  }
0x98: {  	_ =	strace s18  }
0x99: {  	s2 =	sld [smem:$0x3FFC];
	_ =	sdelay $0x3  }
0x9a: {  	_ =	strace s2  }
0x9b: {  	s2 =	sld [smem:$0x3FFD];
	_ =	sdelay $0x3  }
0x9c: {  	_ =	strace s2  }
0x9d: {  	_ =	strace $0x8FFFFFFF  }
0x9e: {  	s19 =	sld [smem:$0x3FDB];
	_ =	sdelay $0x1  }
0x9f: {  	s20 =	simm.s32 $_scs_section_size  }
0xa0: {  	s5 =	simm.s32 $_size__tile_overlayer_lowered;
	s6 =	simm.s32 $_tile_overlayer_lowered  }
0xa1: {  	s7 =	simm.s32 $0x1BFF;
	s21 =	sshll.u32 s6, $0x1;
	s4 =	sadd.s32 s20, s19  }
0xa2: {  	s22 =	simm.s32 $0x0;
	s5 =	sshll.u32 s5, $0x1;
	s6 =	sadd.s32 s21, s4  }
0xa3: {  	[timem:s22], [sflag:s7] =	dma.local [hbm:s6], s5  }
0xa4: {  	_ =	swait.ge [sflag:s7], s5  }
0xa5: {  	s5 =	ssub.s32 $0x0, s5;
	[sflag:s7] =	ssyncset.done $0x0  }
0xa6: {  	[sflag:s7] =	ssyncadd.s32 s5;
	_ =	sdelay $0x1  }
0xa7: {  	s23 =	simm.s32 $0x1B8B  }
0xa8: {  	_ =	swait.ge [sflag:s23], $0x1  }
0xa9: {  	[sflag:s23] =	ssyncset.done $0x0  }
0xaa: {  	[sflag:s23] =	ssyncadd.s32 $0xFFFFFFFF  }
0xab: {  	s5 =	sld [smem:$0x0]  }
0xac: {  	s6 =	sand.u32 $0xFFFFFFFE, s1  }
0xad: {  	p0 =	sne.s32 s1, s6  }
0xae: {  	s6 =	sshll.u32 @p0 s6, $0xE  }
0xaf: {  	s6 =	sadd.s32 @p0 $0x11B8D, s6;
	s7 =	sshll.u32 @p0 s5, $0x11  }
0xb0: {  	s6 =	sor.u32 @p0 s7, s6  }
0xb1: {  	[sflag:s6] =	ssyncadd.remote.s32 @p0 $0x1;
	_ =	sdelay $0x1  }
0xb2: {  	s6 =	simm.s32 @p0 $0x1B8D  }
0xb3: {  	_ =	swait.eq @p0 [sflag:s6], $0x1  }
0xb4: {  	[sflag:s6] =	ssyncadd.s32 @p0 $0xFFFFFFFF  }
0xb5: {  	s7 =	sshll.u32 @!p0 s1, $0xE  }
0xb6: {  	s7 =	sor.u32 @!p0 $0x4000, s7;
	s6 =	simm.s32 @!p0 $0x1B8D  }
0xb7: {  	s5 =	sshll.u32 @!p0 s5, $0x11;
	s7 =	sadd.s32 @!p0 $0x11B8D, s7;
	_ =	swait.eq @!p0 [sflag:s6], $0x1  }
0xb8: {  	s5 =	sor.u32 @!p0 s5, s7;
	[sflag:s6] =	ssyncadd.s32 @!p0 $0xFFFFFFFF  }
0xb9: {  	s25 =	simm.s32 $0x1B8E;
	s24 =	sld [smem:$0x3FFE];
	[sflag:s5] =	ssyncadd.remote.s32 @!p0 $0x1  }
0xba: {  	s26 =	simm.s32 $execute0_lowered;
	[smem:$0x3FD2] =	sst s25  }
0xbb: {  	s6 =	sshll.u32 s26, $0x1;
	_ =	strace $0x80000052;
	[dreg:$0x1] =	wrdreg $0xFFFFFFFF  }
0xbc: {  	s28 =	simm.s32 $_size_execute0_lowered;
	s4 =	sadd.s32 s4, s6;
	[dreg:$0x0] =	wrdreg $0x0  }
0xbd: {  	s6 =	sshll.u32 s28, $0x1;
	[dreg:$0x2] =	wrdreg s4  }
0xbe: {  	[dreg:$0x3] =	wrdreg s6  }
0xbf: {  	[dreg:$0x4] =	wrdreg $0xC0  }
0xc0: {  	_ =	task [dreg:s22], $0x5FFFF  }
0xc1: {  	[dreg:$0x1] =	wrdreg $0xFFFFFFFF  }
0xc2: {  	[dreg:$0x0] =	wrdreg $0x60  }
0xc3: {  	[dreg:$0x2] =	wrdreg s24  }
0xc4: {  	[dreg:$0x3] =	wrdreg s17  }
0xc5: {  	[dreg:$0x4] =	wrdreg $0x1EF00  }
0xc6: {  	[dreg:$0x5] =	wrdreg $0xD  }
0xc7: {  	_ =	task.clear_ibuf [dreg:s22], $0x6FFFF;
	_ =	strace $0x90000052  }
0xc8: {  	s29 =	simm.s32 $0xD;
	_ =	strace $0x80000054  }
0xc9: {  	_ =	swait.ge [sflag:s29], $0x1  }
0xca: {  	[sflag:s29] =	ssyncadd.s32 $0xFFFFFFFF  }
0xcb: {  	_ =	strace $0x90000054  }
0xcc: {  	_ =	sfence  }
0xcd: {  	s30 =	sld [smem:$0x0];
	_ =	sdelay $0x2  }
0xce: {  	s31 =	sshll.u32 s1, $0xD;
	s1 =	sshrl.u32 s1, $0x2  }
0xcf: {  	s4 =	sand.u32 $0x4000, s31;
	s1 =	sadd.s32 s1, s30  }
0xd0: {  	s0 =	sor.u32 s4, s0;
	s1 =	sshll.u32 s1, $0x11  }
0xd1: {  	s0 =	sor.u32 s1, s0  }
0xd2: {  	s0 =	sadd.s32 $0x8F2B, s0  }
0xd3: {  	[sflag:s0] =	ssyncadd.remote.s32 $0x1  }
0xd4: {  	_ =	sfence.sel $0xFFFF  }
0xd5: {  	[dreg:$0x0] =	wrdreg $0xFFFFFFFF;
	(pc) =	sbr.abs _section_cstart, $3  }
0xd6: {  	[dreg:$0x1] =	wrdreg $0xFFFFFFFF  }
0xd7: {  	_ =	task.clear_ibuf [dreg:s22], $0x2FFFF;
	_ =	strace $0x9FFFFFFF  }
0xd8: {  	(tm) =	ssettm $0x7FFFFFFF  }
0xd9: {  	_ =	shalt  }
tec
execute0_lowered:
.L_overlay_start_1:
0x0: {  	(tag) =	ssettag $0x1  }
0x1: {  	s4 =	rddreg [dreg:$0x0]  }
0x2: {  	s5 =	rddreg [dreg:$0x1]  }
0x3: {  	s1 =	rddreg [dreg:$0x2];
	s3 =	srdreg.scid  }
0x4: {  	s0 =	rddreg [dreg:$0x3];
	s9 =	sand.u32 $0x1, s3  }
0x5: {  	s2 =	simm.s32 $0x0;
	s3 =	stileid.u32;
	s6 =	smul.u32 $0x30D40, s9  }
0x6: {  	[smem:$0x7FF] =	sst s2;
	s13 =	smul.u32 $0x186A0, s3  }
0x7: {  	s8 =	sadd.s32 $0x113C600, s4;
	s10 =	sadd.s32 $0x1BC00, s4;
	s28 =	smul.u32 $0x18380, s3  }
0x8: {  	_ =	strace $0x80000053;
	s7 =	ssub.s32 $0x2, s9;
	s15 =	smul.u32 $0x60E0, s3  }
0x9: {  	s12 =	sshll.u32 s3, $0x1;
	s26 =	sshll.u32 s3, $0x6;
	s18 =	smul.u32 $0x3070, s9  }
0xa: {  	s11 =	sshrl.u32 s7, $0x1;
	s23 =	sor.u32 s9, s12;
	s9 =	smul.u32 $0xC1C0, s9  }
0xb: {  	s12 =	simm.s32 $0x1;
	s14 =	sadd.s32 s6, s4;
	s11 =	ssub.s32 s7, s11  }
0xc: {  	s24 =	smul.u32 $0x3070, s23;
	s25 =	sadd.s32 s13, s1;
	s17 =	sshrl.u32 s13, $0x3  }
0xd: {  	s13 =	sadd.s32 s28, s8;
	s30 =	sadd.s32 s18, s15;
	s15 =	simm.s32 $0x10F0  }
0xe: {  	s18 =	simm.s32 $0x0;
	s4 =	sadd.s32 s5, s17;
	s5 =	sor.u32 $0x1C01, s26  }
0xf: {  	s19 =	sadd.s32 $0x175D200, s14;
	s9 =	sadd.s32 s9, s13;
	s31 =	sshrl.u32 s30, $0x3  }
0x10: {  	s13 =	simm.s32 $0x80;
	s14 =	simm.s32 $0x1080;
	s6 =	sadd.s32 $0x3000, s24  }
0x11: {  	s17 =	sadd.s32 s17, s19;
	s29 =	sshrl.u32 s6, $0x3;
	s16 =	sshll.u32 s6, $0x2  }
0x12: {  	s6 =	sadd.s32 s10, s29;
	s7 =	sadd.s32 s8, s16;
	s8 =	smax.u32 s11, $0x1  }
0x13: {  	s10 =	sadd.s32 s31, s10;
	s11 =	sshrl.u32 s25, $0x3;
	s16 =	simm.s32 $0x70  }
.LBB2_1:
0x14: {  	[spmem:s11], [sflag:s5] =	dma.local [hbm:s4], $0x30D4  }
0x15: {  	_ =	swait.ge [sflag:s12], $0x30D4  }
0x16: {  	[sflag:s12] =	ssyncset.done $0x0  }
0x17: {  	[sflag:s12] =	ssyncadd.s32 $0xFFFFCF2C  }
0x18: {  	s19 =	sadd.s32 $0x0, s10;
	[bflag:$0x0] =	sbarrier.arrive $0xFFFF  }
0x19: {  	[tilespmem:s2], [sflag:$0x1] =	stream.linear.gather [hbm4b:s19+s2], $0x80, $0x38;
	[tilespmem:$0x1A590] =	vst v63  }
0x1a: {  	_ =	swait.ge [sflag:s12], $0x80  }
0x1b: {  	[sflag:s12] =	ssyncset.done $0x0  }
0x1c: {  	[sflag:s12] =	ssyncadd.s32 $0xFFFFFF80  }
0x1d: {  	[tilespmem:s13], [sflag:$0x1] =	stream.linear.gather [hbm4b:s9+s2], $0x1000, $0x38;
	[tilespmem:$0x1A590] =	vst v63  }
0x1e: {  	_ =	swait.ge [sflag:s12], $0x1000  }
0x1f: {  	[sflag:s12] =	ssyncset.done $0x0  }
0x20: {  	[sflag:s12] =	ssyncadd.s32 $0xFFFFF000  }
0x21: {  	[spmem:s1] =	stream.indirect.scatter.add.f32 [tilespmem:s13], [sflag:$0x1], $0x20, s2, s13, $0xb8;
	[tilespmem:$0x1A590] =	vst v63  }
0x22: {  	s20 =	simm.s32 $0x10;
	_ =	swait.ge [sflag:s12], $0x1000  }
0x23: {  	s21 =	simm.s32 $0x20;
	s19 =	sadd.s32 $0x200, s9;
	[sflag:s12] =	ssyncset.done $0x0  }
.LBB2_2:
0x24: {  	s22 =	sadd.s32 s20, s10  }
0x25: {  	[sflag:s12] =	ssyncadd.s32 $0xFFFFF000;
	s20 =	smov.u32 s21;
	s23 =	sadd.s32 $0x10, s21  }
0x26: {  	[tilespmem:s2], [sflag:$0x1] =	stream.linear.gather [hbm4b:s22+s2], $0x80, $0x38;
	[tilespmem:$0x1A590] =	vst v63  }
0x27: {  	p0 =	sne.s32 s21, $0x5F0;
	_ =	swait.ge [sflag:s12], $0x80  }
0x28: {  	[sflag:s12] =	ssyncset.done $0x0  }
0x29: {  	[sflag:s12] =	ssyncadd.s32 $0xFFFFFF80  }
0x2a: {  	[tilespmem:s13], [sflag:$0x1] =	stream.linear.gather [hbm4b:s19+s2], $0x1000, $0x38;
	[tilespmem:$0x1A590] =	vst v63  }
0x2b: {  	_ =	swait.ge [sflag:s12], $0x1000  }
.Ltmp0:
0x2c: {  	[sflag:s12] =	ssyncset.done $0x0;
	(pc) =	sbr.rel @p0 .LBB2_2-.Ltmp0, $4  }
0x2d: {  	[sflag:s12] =	ssyncadd.s32 $0xFFFFF000  }
0x2e: {  	[spmem:s1] =	stream.indirect.scatter.add.f32 [tilespmem:s13], [sflag:$0x1], $0x20, s2, s13, $0xb8;
	[tilespmem:$0x1A590] =	vst v63  }
0x2f: {  	_ =	swait.ge [sflag:s12], $0x1000  }
0x30: {  	s21 =	smov.u32 s23;
	s19 =	sadd.s32 $0x200, s19;
	[sflag:s12] =	ssyncset.done $0x0  }
0x31: {  	s20 =	sadd.s32 s20, s10;
	[sflag:s12] =	ssyncadd.s32 $0xFFFFF000  }
0x32: {  	[tilespmem:s2], [sflag:$0x1] =	stream.linear.gather [hbm4b:s20+s2], $0x80, $0x38;
	[tilespmem:$0x1A590] =	vst v63  }
0x33: {  	_ =	swait.ge [sflag:s12], $0x80  }
0x34: {  	[sflag:s12] =	ssyncset.done $0x0  }
0x35: {  	[sflag:s12] =	ssyncadd.s32 $0xFFFFFF80  }
0x36: {  	[tilespmem:s13], [sflag:$0x1] =	stream.linear.gather [hbm4b:s19+s2], $0x1000, $0x38;
	[tilespmem:$0x1A590] =	vst v63  }
0x37: {  	_ =	swait.ge [sflag:s12], $0x1000  }
0x38: {  	[sflag:s12] =	ssyncset.done $0x0  }
0x39: {  	[sflag:s12] =	ssyncadd.s32 $0xFFFFF000  }
0x3a: {  	[spmem:s1] =	stream.indirect.scatter.add.f32 [tilespmem:s13], [sflag:$0x1], $0x20, s2, s13, $0xb8;
	[tilespmem:$0x1A590] =	vst v63  }
0x3b: {  	_ =	swait.ge [sflag:s12], $0x1000  }
0x3c: {  	[sflag:s12] =	ssyncset.done $0x0  }
0x3d: {  	[sflag:s12] =	ssyncadd.s32 $0xFFFFF000  }
0x3e: {  	[tilespmem:s14], [sflag:$0x1] =	stream.linear.gather [hbm4b:s6+s2], $0x70, $0x38;
	[tilespmem:$0x1A590] =	vst v63  }
0x3f: {  	_ =	swait.ge [sflag:s12], $0x70  }
0x40: {  	[sflag:s12] =	ssyncset.done $0x0  }
0x41: {  	[sflag:s12] =	ssyncadd.s32 $0xFFFFFF90  }
0x42: {  	[tilespmem:s15], [sflag:$0x1] =	stream.linear.gather [hbm4b:s7+s2], $0xE00, $0x38;
	[tilespmem:$0x1A590] =	vst v63  }
0x43: {  	_ =	swait.ge [sflag:s12], $0xE00  }
0x44: {  	[sflag:s12] =	ssyncset.done $0x0  }
0x45: {  	[sflag:s12] =	ssyncadd.s32 $0xFFFFF200  }
0x46: {  	[spmem:s1] =	stream.indirect.scatter.add.f32 [tilespmem:s15], [sflag:$0x1], $0x20, s14, s16, $0xb8;
	[tilespmem:$0x1A590] =	vst v63  }
0x47: {  	_ =	swait.ge [sflag:s12], $0xE00  }
0x48: {  	s18 =	sadd.s32 $0x1, s18;
	[sflag:s12] =	ssyncset.done $0x0  }
0x49: {  	p0 =	sne.s32 s18, s8;
	[sflag:s12] =	ssyncadd.s32 $0xFFFFF200  }
.Ltmp1:
0x4a: {  	[bflag:$0x0] =	sbarrier.arrive $0xFFFF;
	(pc) =	sbr.rel @p0 .LBB2_1-.Ltmp1, $4  }
0x4b: {  	[hbm:s17], [sflag:s5] =	dma.local [spmem:s11], $0x30D4  }
0x4c: {  	_ =	swait.ge [sflag:s12], $0x30D4  }
0x4d: {  	[sflag:s12] =	ssyncset.done $0x0  }
0x4e: {  	[sflag:s12] =	ssyncadd.s32 $0xFFFFCF2C  }
0x4f: {  	_ =	sfence.sel $0x180000  }
0x50: {  	[bflag:$0x0] =	sbarrier.arrive $0xFFFF  }
0x51: {  	p0 =	sne.s32 s3, $0x0;
	_ =	strace $0x90000053  }
0x52: {  	s0 =	sadd.s32 @!p0 $0x100000, s0;
	[bflag:$0x2] =	sbarrier.arrive $0xFFFF  }
0x53: {  	[sflag:s0] =	ssyncadd.tile.s32 @!p0 $0x1;
	_ =	shalt  }
.Lfunc_end2:
_tile_overlayer_lowered:
.L_overlay_start_2:
0x54: {  	(tag) =	ssettag $0x2  }
0x55: {  	s0 =	rddreg [dreg:$0x0];
	s2 =	stileid.u32  }
0x56: {  	s1 =	rddreg [dreg:$0x1];
	p0 =	sne.s32 s2, $0x0  }
0x57: {  	s3 =	rddreg [dreg:$0x2];
	[bflag:$0x3] =	sbarrier.arrive $0xFFFF;
	s2 =	simm.s32 @!p0 $0x1C01  }
0x58: {  	[timem:s3], [sflag:s2] =	dma.local @!p0 [hbm:s0], s1  }
0x59: {  	s0 =	simm.s32 @!p0 $0x1  }
0x5a: {  	_ =	swait.ge @!p0 [sflag:s0], s1  }
0x5b: {  	s1 =	ssub.s32 @!p0 $0x0, s1;
	[sflag:s0] =	ssyncset.done @!p0 $0x0  }
0x5c: {  	[sflag:s0] =	ssyncadd.s32 @!p0 s1  }
0x5d: {  	[bflag:$0x3] =	sbarrier.arrive $0xFFFF  }
0x5e: {  	_ =	shalt  }

// kernel: kernel.26.cloned.1.call-start
scs
__scs_entry_jumppad:
0x0: {  	(pc) =	sbr.rel $0x88, $3  }
0x1: {  	(tag) =	ssettag $0x0;
	lr =	simm.s32 $0x1  }
0x2: {  	[smem:$0x3F81] =	sst lr;
	_ =	strace $0xD0000000  }
0x3: {  	_ = 	snop  }
0x4: {  	_ = 	snop  }
0x5: {  	_ = 	snop  }
0x6: {  	_ = 	snop  }
0x7: {  	_ = 	snop  }
__scs_overlays_trampoline_lowered:
0x8: {  	[smem:$0x3F90] =	sst s0  }
0x9: {  	[smem:$0x3F91] =	sst s1  }
0xa: {  	[smem:$0x3F92] =	sst s2  }
0xb: {  	[smem:$0x3F93] =	sst s3  }
0xc: {  	[smem:$0x3F94] =	sst s4  }
0xd: {  	[smem:$0x3F95] =	sst s5  }
0xe: {  	[smem:$0x3F96] =	sst s6  }
0xf: {  	[smem:$0x3F97] =	sst s7  }
0x10: {  	[smem:$0x3F98] =	sst s8  }
0x11: {  	[smem:$0x3F99] =	sst s9;
	s0 =	simm.s32 @!p0 $0x0  }
0x12: {  	s1 =	sld [smem:$0x3F7F];
	s0 =	simm.s32 @p0 $0x1  }
0x13: {  	[smem:$0x3F9A] =	sst s0;
	s0 =	simm.s32 @!p1 $0x0  }
0x14: {  	s2 =	sld [smem:$0x3F7E];
	s0 =	simm.s32 @p1 $0x1  }
0x15: {  	[smem:$0x3F9B] =	sst s0;
	s0 =	simm.s32 @!p2 $0x0  }
0x16: {  	s3 =	sld [smem:$0x3FDB];
	s0 =	simm.s32 @p2 $0x1  }
0x17: {  	s4 =	simm.s32 $0x1BF5;
	[smem:$0x3F9D] =	sst s0  }
0x18: {  	s0 =	sld [smem:$0x3F80];
	_ =	swait.ge [sflag:s4], $0x0  }
0x19: {  	s7 =	sld [smem:$0x3F81]  }
0x1a: {  	s8 =	sadd.s32 $0xFFFFE003, lr  }
0x1b: {  	s9 =	sadd.s32 $0xFFFFFEF7, lr;
	s5 =	simm.s32 $0xFFFFFFFF;
	p2 =	slt.u32 s8, $0xFFFFF086  }
0x1c: {  	p1 =	slt.u32 s9, $0xF7A;
	s5 =	simm.s32 @!p2 $0x0  }
0x1d: {  	s5 =	simm.s32 @p1 $0x1;
	p0 =	seq.s32 s7, s2  }
0x1e: {  	s7 =	smul.u32 @!p0 $0xF7A, s2;
	p2 =	seq.s32 @!p0 s5, $0x0  }
0x1f: {  	s9 =	smul.u32 $0xF7A, s1;
	s8 =	simm.s32 @!p0 $0x1BF5;
	p2 =	por !p2, p0  }
0x20: {  	[sflag:s8] =	ssyncset.s32 @!p0 $0xFFFFF086;
	s6 =	sadd.s32 @!p0 s3, s7;
	s7 =	simm.s32 @!p0 $0x108  }
0x21: {  	s3 =	sadd.s32 s3, s9;
	s6 =	sadd.s32 @!p0 $0x88, s6;
	s7 =	simm.s32 @p2 $0x1082  }
0x22: {  	[simem:s7], [sflag:s8] =	dma.local @!p0 [hbm:s6], $0xF7A  }
0x23: {  	s9 =	sor.u32 $0xD0000000, s2;
	s6 =	simm.s32 $0x108;
	_ =	swait.ge @!p0 [sflag:s8], $0x0  }
0x24: {  	s3 =	sadd.s32 $0x88, s3;
	s6 =	simm.s32 @!p1 $0x1082;
	[sflag:s4] =	ssyncset.s32 $0xFFFFF086  }
0x25: {  	[simem:s6], [sflag:s4] =	dma.local [hbm:s3], $0xF7A  }
0x26: {  	[smem:$0x3F81] =	sst s1;
	(tag) =	ssettag s2;
	_ =	strace s9  }
0x27: {  	s1 =	sld [smem:$0x3F91]  }
0x28: {  	s2 =	sld [smem:$0x3F92]  }
0x29: {  	s4 =	sld [smem:$0x3F94]  }
0x2a: {  	p0 =	seq.s32 s5, $0x0;
	s5 =	sld [smem:$0x3F95]  }
0x2b: {  	s6 =	sld [smem:$0x3F96]  }
0x2c: {  	s7 =	sld [smem:$0x3F97]  }
0x2d: {  	s3 =	simm.s32 $0x108;
	s8 =	sld [smem:$0x3F98]  }
0x2e: {  	s3 =	simm.s32 @!p0 $0x1082;
	s9 =	sld [smem:$0x3F99]  }
0x2f: {  	lr =	sadd.s32 s0, s3;
	s0 =	sld [smem:$0x3F90]  }
0x30: {  	s3 =	sld [smem:$0x3F93]  }
0x31: {  	[smem:$0x3F9C] =	sst s10  }
0x32: {  	s10 =	sld [smem:$0x3F9A];
	_ =	sdelay $0x3  }
0x33: {  	p0 =	seq.s32 s10, $0x1;
	s10 =	sld [smem:$0x3F9C];
	_ =	sdelay $0x3  }
0x34: {  	[smem:$0x3F9C] =	sst s10  }
0x35: {  	s10 =	sld [smem:$0x3F9B];
	_ =	sdelay $0x3  }
0x36: {  	p1 =	seq.s32 s10, $0x1;
	s10 =	sld [smem:$0x3F9C];
	_ =	sdelay $0x3  }
0x37: {  	[smem:$0x3F9C] =	sst s10  }
0x38: {  	s10 =	sld [smem:$0x3F9D]  }
0x39: {  	_ = 	snop;
	(pc) =	sbr.ind lr, $3  }
0x3a: {  	_ = 	snop  }
0x3b: {  	_ = 	snop  }
0x3c: {  	p2 =	seq.s32 s10, $0x1;
	s10 =	sld [smem:$0x3F9C]  }
0x3d: {  	_ =	shalt  }
0x3e: {  	_ =	shalt  }
0x3f: {  	_ =	shalt  }
0x40: {  	_ =	shalt  }
0x41: {  	_ =	shalt  }
0x42: {  	_ =	shalt  }
0x43: {  	_ =	shalt  }
0x44: {  	_ =	shalt  }
0x45: {  	_ =	shalt  }
0x46: {  	_ =	shalt  }
0x47: {  	_ =	shalt  }
0x48: {  	_ =	shalt  }
0x49: {  	_ =	shalt  }
0x4a: {  	_ =	shalt  }
0x4b: {  	_ =	shalt  }
0x4c: {  	_ =	shalt  }
0x4d: {  	_ =	shalt  }
0x4e: {  	_ =	shalt  }
0x4f: {  	_ =	shalt  }
0x50: {  	_ =	shalt  }
0x51: {  	_ =	shalt  }
0x52: {  	_ =	shalt  }
0x53: {  	_ =	shalt  }
0x54: {  	_ =	shalt  }
0x55: {  	_ =	shalt  }
0x56: {  	_ =	shalt  }
0x57: {  	_ =	shalt  }
0x58: {  	_ =	shalt  }
0x59: {  	_ =	shalt  }
0x5a: {  	_ =	shalt  }
0x5b: {  	_ =	shalt  }
0x5c: {  	_ =	shalt  }
0x5d: {  	_ =	shalt  }
0x5e: {  	_ =	shalt  }
0x5f: {  	_ =	shalt  }
0x60: {  	_ =	shalt  }
0x61: {  	_ =	shalt  }
0x62: {  	_ =	shalt  }
0x63: {  	_ =	shalt  }
0x64: {  	_ =	shalt  }
0x65: {  	_ =	shalt  }
0x66: {  	_ =	shalt  }
0x67: {  	_ =	shalt  }
0x68: {  	_ =	shalt  }
0x69: {  	_ =	shalt  }
0x6a: {  	_ =	shalt  }
0x6b: {  	_ =	shalt  }
0x6c: {  	_ =	shalt  }
0x6d: {  	_ =	shalt  }
0x6e: {  	_ =	shalt  }
0x6f: {  	_ =	shalt  }
0x70: {  	_ =	shalt  }
0x71: {  	_ =	shalt  }
0x72: {  	_ =	shalt  }
0x73: {  	_ =	shalt  }
0x74: {  	_ =	shalt  }
0x75: {  	_ =	shalt  }
0x76: {  	_ =	shalt  }
0x77: {  	_ =	shalt  }
0x78: {  	_ =	shalt  }
0x79: {  	_ =	shalt  }
0x7a: {  	_ =	shalt  }
0x7b: {  	_ =	shalt  }
0x7c: {  	_ =	shalt  }
0x7d: {  	_ =	shalt  }
0x7e: {  	_ =	shalt  }
0x7f: {  	_ =	shalt  }
0x80: {  	_ =	shalt  }
0x81: {  	_ =	shalt  }
0x82: {  	_ =	shalt  }
0x83: {  	_ =	shalt  }
0x84: {  	_ =	shalt  }
0x85: {  	_ =	shalt  }
0x86: {  	_ =	shalt  }
0x87: {  	_ =	shalt  }
.Lfunc_end0:
.L_simem_size_0:
called_computation.7_lowered:
.L_overlay_start_0:
0x88: {  	s2 =	sld [smem:$0x3FD9]  }
0x89: {  	s3 =	sld [smem:$0x3FFE];
	_ =	sdelay $0x1  }
0x8a: {  	s1 =	srdreg.scid  }
0x8b: {  	s0 =	sand.u32 $0x1, s1  }
0x8c: {  	s17 =	sshll.u32 s0, $0xA;
	s2 =	sadd.s32 s3, s2  }
0x8d: {  	s2 =	sadd.s32 s2, s17  }
0x8e: {  	[smem:$0x3FA8] =	sst s2  }
0x8f: {  	_ = 	snop  }
0x90: {  	(tm) =	ssettm $0x1  }
0x91: {  	s18 =	sld [smem:$0x3FFB];
	_ =	sdelay $0x3  }
0x92: {  	_ =	strace s18  }
0x93: {  	s2 =	sld [smem:$0x3FFC];
	_ =	sdelay $0x3  }
0x94: {  	_ =	strace s2  }
0x95: {  	s2 =	sld [smem:$0x3FFD];
	_ =	sdelay $0x3  }
0x96: {  	_ =	strace s2  }
0x97: {  	_ =	strace $0x8FFFFFFF  }
0x98: {  	s19 =	sld [smem:$0x3FDB];
	_ =	sdelay $0x1  }
0x99: {  	s20 =	simm.s32 $_scs_section_size  }
0x9a: {  	s4 =	simm.s32 $_size__tile_overlayer_lowered;
	s5 =	simm.s32 $_tile_overlayer_lowered  }
0x9b: {  	s6 =	simm.s32 $0x1BFF;
	s21 =	sshll.u32 s5, $0x1;
	s3 =	sadd.s32 s20, s19  }
0x9c: {  	s22 =	simm.s32 $0x0;
	s4 =	sshll.u32 s4, $0x1;
	s5 =	sadd.s32 s21, s3  }
0x9d: {  	[timem:s22], [sflag:s6] =	dma.local [hbm:s5], s4  }
0x9e: {  	_ =	swait.ge [sflag:s6], s4  }
0x9f: {  	s4 =	ssub.s32 $0x0, s4;
	[sflag:s6] =	ssyncset.done $0x0  }
0xa0: {  	[sflag:s6] =	ssyncadd.s32 s4;
	_ =	sdelay $0x1  }
0xa1: {  	s23 =	simm.s32 $0x1B8B  }
0xa2: {  	_ =	swait.ge [sflag:s23], $0x1  }
0xa3: {  	[sflag:s23] =	ssyncset.done $0x0  }
0xa4: {  	[sflag:s23] =	ssyncadd.s32 $0xFFFFFFFF  }
0xa5: {  	s4 =	sld [smem:$0x0]  }
0xa6: {  	s5 =	sand.u32 $0xFFFFFFFE, s1  }
0xa7: {  	p0 =	sne.s32 s1, s5  }
0xa8: {  	s5 =	sshll.u32 @p0 s5, $0xE  }
0xa9: {  	s5 =	sadd.s32 @p0 $0x11B8D, s5;
	s6 =	sshll.u32 @p0 s4, $0x11  }
0xaa: {  	s5 =	sor.u32 @p0 s6, s5  }
0xab: {  	[sflag:s5] =	ssyncadd.remote.s32 @p0 $0x1;
	_ =	sdelay $0x1  }
0xac: {  	s5 =	simm.s32 @p0 $0x1B8D  }
0xad: {  	_ =	swait.eq @p0 [sflag:s5], $0x1  }
0xae: {  	[sflag:s5] =	ssyncadd.s32 @p0 $0xFFFFFFFF  }
0xaf: {  	s6 =	sshll.u32 @!p0 s1, $0xE  }
0xb0: {  	s6 =	sor.u32 @!p0 $0x4000, s6;
	s5 =	simm.s32 @!p0 $0x1B8D  }
0xb1: {  	s4 =	sshll.u32 @!p0 s4, $0x11;
	s6 =	sadd.s32 @!p0 $0x11B8D, s6;
	_ =	swait.eq @!p0 [sflag:s5], $0x1  }
0xb2: {  	s4 =	sor.u32 @!p0 s4, s6;
	[sflag:s5] =	ssyncadd.s32 @!p0 $0xFFFFFFFF  }
0xb3: {  	s25 =	simm.s32 $0x1B8E;
	s24 =	sld [smem:$0x3FFE];
	[sflag:s4] =	ssyncadd.remote.s32 @!p0 $0x1  }
0xb4: {  	s26 =	simm.s32 $execute0_lowered;
	[smem:$0x3FD2] =	sst s25  }
0xb5: {  	s5 =	sshll.u32 s26, $0x1;
	_ =	strace $0x80000055;
	[dreg:$0x1] =	wrdreg $0xFFFFFFFF  }
0xb6: {  	s28 =	simm.s32 $_size_execute0_lowered;
	s3 =	sadd.s32 s3, s5;
	[dreg:$0x0] =	wrdreg $0x0  }
0xb7: {  	s5 =	sshll.u32 s28, $0x1;
	[dreg:$0x2] =	wrdreg s3  }
0xb8: {  	[dreg:$0x3] =	wrdreg s5  }
0xb9: {  	[dreg:$0x4] =	wrdreg $0xC0  }
0xba: {  	_ =	task [dreg:s22], $0x5FFFF  }
0xbb: {  	[dreg:$0x1] =	wrdreg $0xFFFFFFFF  }
0xbc: {  	[dreg:$0x0] =	wrdreg $0x60  }
0xbd: {  	[dreg:$0x2] =	wrdreg s24  }
0xbe: {  	[dreg:$0x3] =	wrdreg $0x8700  }
0xbf: {  	[dreg:$0x4] =	wrdreg $0xE  }
0xc0: {  	_ =	task.clear_ibuf [dreg:s22], $0x5FFFF;
	_ =	strace $0x90000055  }
0xc1: {  	s29 =	simm.s32 $0xE;
	_ =	strace $0x80000057  }
0xc2: {  	_ =	swait.ge [sflag:s29], $0x1  }
0xc3: {  	[sflag:s29] =	ssyncadd.s32 $0xFFFFFFFF  }
0xc4: {  	_ =	strace $0x90000057  }
0xc5: {  	_ =	sfence  }
0xc6: {  	s30 =	sld [smem:$0x0];
	_ =	sdelay $0x2  }
0xc7: {  	s31 =	sshll.u32 s1, $0xD;
	s1 =	sshrl.u32 s1, $0x2  }
0xc8: {  	s4 =	sand.u32 $0x4000, s31;
	s1 =	sadd.s32 s1, s30  }
0xc9: {  	s0 =	sor.u32 s4, s0;
	s1 =	sshll.u32 s1, $0x11  }
0xca: {  	s0 =	sor.u32 s1, s0  }
0xcb: {  	s0 =	sadd.s32 $0x8F2B, s0  }
0xcc: {  	[sflag:s0] =	ssyncadd.remote.s32 $0x1  }
0xcd: {  	_ =	sfence.sel $0xFFFF  }
0xce: {  	[dreg:$0x0] =	wrdreg $0xFFFFFFFF;
	(pc) =	sbr.abs _section_cstart, $3  }
0xcf: {  	[dreg:$0x1] =	wrdreg $0xFFFFFFFF  }
0xd0: {  	_ =	task.clear_ibuf [dreg:s22], $0x2FFFF;
	_ =	strace $0x9FFFFFFF  }
0xd1: {  	(tm) =	ssettm $0x7FFFFFFF  }
tec
execute0_lowered:
.L_overlay_start_1:
0x0: {  	(tag) =	ssettag $0x1  }
0x1: {  	s4 =	rddreg [dreg:$0x0]  }
0x2: {  	s1 =	rddreg [dreg:$0x1]  }
0x3: {  	s0 =	rddreg [dreg:$0x2];
	s2 =	simm.s32 $0x0;
	s3 =	stileid.u32  }
0x4: {  	s5 =	srdreg.scid;
	[smem:$0x7FF] =	sst s2  }
0x5: {  	s9 =	sadd.s32 $0x17BEE00, s4;
	s10 =	sadd.s32 $0x1BC00, s4;
	s6 =	smul.u32 $0x61A8, s3  }
0x6: {  	s5 =	sand.u32 $0x1, s5;
	s7 =	sshll.u32 s3, $0x1;
	s14 =	smul.u32 $0x60E0, s3  }
0x7: {  	s29 =	sshll.u32 s3, $0x6;
	_ =	strace $0x80000056;
	s8 =	smul.u32 $0xC350, s5  }
0x8: {  	s11 =	ssub.s32 $0x2, s5;
	s7 =	sor.u32 s5, s7;
	s16 =	smul.u32 $0x3070, s5  }
0x9: {  	s5 =	sor.u32 $0x1C01, s29;
	s17 =	sshrl.u32 s6, $0x3;
	s12 =	sshrl.u32 s11, $0x1  }
0xa: {  	s7 =	smul.u32 $0x3070, s7;
	s28 =	sadd.s32 s6, s1;
	s13 =	sadd.s32 s17, s4  }
0xb: {  	s8 =	sadd.s32 s8, s4;
	s11 =	ssub.s32 s11, s12;
	s30 =	sadd.s32 s16, s14  }
0xc: {  	s14 =	simm.s32 $0x480;
	s16 =	simm.s32 $0x70;
	s7 =	sadd.s32 $0x3000, s7  }
0xd: {  	s12 =	simm.s32 $0x1;
	s4 =	sadd.s32 $0x7ED800, s13;
	s18 =	sadd.s32 $0x1AEA00, s8  }
0xe: {  	s8 =	smax.u32 s11, $0x1;
	s31 =	sshrl.u32 s30, $0x3;
	s11 =	sshrl.u32 s28, $0x3  }
0xf: {  	s13 =	simm.s32 $0x80;
	s15 =	sshrl.u32 s7, $0x3;
	s7 =	sadd.s32 s9, s7  }
0x10: {  	s9 =	sadd.s32 s9, s30;
	s17 =	sadd.s32 s17, s18;
	s18 =	simm.s32 $0x0  }
0x11: {  	s6 =	sadd.s32 s10, s15;
	s10 =	sadd.s32 s31, s10;
	s15 =	simm.s32 $0x4F0  }
.LBB2_1:
0x12: {  	[spmem:s11], [sflag:s5] =	dma.local [hbm:s4], $0xC35  }
0x13: {  	_ =	swait.ge [sflag:s12], $0xC35  }
0x14: {  	[sflag:s12] =	ssyncset.done $0x0  }
0x15: {  	[sflag:s12] =	ssyncadd.s32 $0xFFFFF3CB  }
0x16: {  	s19 =	sadd.s32 $0x0, s10;
	[bflag:$0x0] =	sbarrier.arrive $0xFFFF  }
0x17: {  	[tilespmem:s2], [sflag:$0x1] =	stream.linear.gather [hbm4b:s19+s2], $0x80, $0x38;
	[tilespmem:$0x6A18] =	vst v63  }
0x18: {  	_ =	swait.ge [sflag:s12], $0x80  }
0x19: {  	[sflag:s12] =	ssyncset.done $0x0  }
0x1a: {  	[sflag:s12] =	ssyncadd.s32 $0xFFFFFF80  }
0x1b: {  	[tilespmem:s13], [sflag:$0x1] =	stream.linear.gather [hbm4b:s9+s2], $0x400, $0x38;
	[tilespmem:$0x6A18] =	vst v63  }
0x1c: {  	_ =	swait.ge [sflag:s12], $0x400  }
0x1d: {  	[sflag:s12] =	ssyncset.done $0x0  }
0x1e: {  	[sflag:s12] =	ssyncadd.s32 $0xFFFFFC00  }
0x1f: {  	[spmem:s1] =	stream.indirect.scatter.add.f32 [tilespmem:s13], [sflag:$0x1], $0x8, s2, s13, $0xb8;
	[tilespmem:$0x6A18] =	vst v63  }
0x20: {  	s20 =	simm.s32 $0x10;
	_ =	swait.ge [sflag:s12], $0x400  }
0x21: {  	s21 =	simm.s32 $0x20;
	s19 =	sadd.s32 $0x80, s9;
	[sflag:s12] =	ssyncset.done $0x0  }
.LBB2_2:
0x22: {  	s22 =	sadd.s32 s20, s10  }
0x23: {  	[sflag:s12] =	ssyncadd.s32 $0xFFFFFC00;
	s20 =	smov.u32 s21;
	s23 =	sadd.s32 $0x10, s21  }
0x24: {  	[tilespmem:s2], [sflag:$0x1] =	stream.linear.gather [hbm4b:s22+s2], $0x80, $0x38;
	[tilespmem:$0x6A18] =	vst v63  }
0x25: {  	p0 =	sne.s32 s21, $0x5F0;
	_ =	swait.ge [sflag:s12], $0x80  }
0x26: {  	[sflag:s12] =	ssyncset.done $0x0  }
0x27: {  	[sflag:s12] =	ssyncadd.s32 $0xFFFFFF80  }
0x28: {  	[tilespmem:s13], [sflag:$0x1] =	stream.linear.gather [hbm4b:s19+s2], $0x400, $0x38;
	[tilespmem:$0x6A18] =	vst v63  }
0x29: {  	_ =	swait.ge [sflag:s12], $0x400  }
.Ltmp0:
0x2a: {  	[sflag:s12] =	ssyncset.done $0x0;
	(pc) =	sbr.rel @p0 .LBB2_2-.Ltmp0, $4  }
0x2b: {  	[sflag:s12] =	ssyncadd.s32 $0xFFFFFC00  }
0x2c: {  	[spmem:s1] =	stream.indirect.scatter.add.f32 [tilespmem:s13], [sflag:$0x1], $0x8, s2, s13, $0xb8;
	[tilespmem:$0x6A18] =	vst v63  }
0x2d: {  	_ =	swait.ge [sflag:s12], $0x400  }
0x2e: {  	s21 =	smov.u32 s23;
	s19 =	sadd.s32 $0x80, s19;
	[sflag:s12] =	ssyncset.done $0x0  }
0x2f: {  	s20 =	sadd.s32 s20, s10;
	[sflag:s12] =	ssyncadd.s32 $0xFFFFFC00  }
0x30: {  	[tilespmem:s2], [sflag:$0x1] =	stream.linear.gather [hbm4b:s20+s2], $0x80, $0x38;
	[tilespmem:$0x6A18] =	vst v63  }
0x31: {  	_ =	swait.ge [sflag:s12], $0x80  }
0x32: {  	[sflag:s12] =	ssyncset.done $0x0  }
0x33: {  	[sflag:s12] =	ssyncadd.s32 $0xFFFFFF80  }
0x34: {  	[tilespmem:s13], [sflag:$0x1] =	stream.linear.gather [hbm4b:s19+s2], $0x400, $0x38;
	[tilespmem:$0x6A18] =	vst v63  }
0x35: {  	_ =	swait.ge [sflag:s12], $0x400  }
0x36: {  	[sflag:s12] =	ssyncset.done $0x0  }
0x37: {  	[sflag:s12] =	ssyncadd.s32 $0xFFFFFC00  }
0x38: {  	[spmem:s1] =	stream.indirect.scatter.add.f32 [tilespmem:s13], [sflag:$0x1], $0x8, s2, s13, $0xb8;
	[tilespmem:$0x6A18] =	vst v63  }
0x39: {  	_ =	swait.ge [sflag:s12], $0x400  }
0x3a: {  	[sflag:s12] =	ssyncset.done $0x0  }
0x3b: {  	[sflag:s12] =	ssyncadd.s32 $0xFFFFFC00  }
0x3c: {  	[tilespmem:s14], [sflag:$0x1] =	stream.linear.gather [hbm4b:s6+s2], $0x70, $0x38;
	[tilespmem:$0x6A18] =	vst v63  }
0x3d: {  	_ =	swait.ge [sflag:s12], $0x70  }
0x3e: {  	[sflag:s12] =	ssyncset.done $0x0  }
0x3f: {  	[sflag:s12] =	ssyncadd.s32 $0xFFFFFF90  }
0x40: {  	[tilespmem:s15], [sflag:$0x1] =	stream.linear.gather [hbm4b:s7+s2], $0x380, $0x38;
	[tilespmem:$0x6A18] =	vst v63  }
0x41: {  	_ =	swait.ge [sflag:s12], $0x380  }
0x42: {  	[sflag:s12] =	ssyncset.done $0x0  }
0x43: {  	[sflag:s12] =	ssyncadd.s32 $0xFFFFFC80  }
0x44: {  	[spmem:s1] =	stream.indirect.scatter.add.f32 [tilespmem:s15], [sflag:$0x1], $0x8, s14, s16, $0xb8;
	[tilespmem:$0x6A18] =	vst v63  }
0x45: {  	_ =	swait.ge [sflag:s12], $0x380  }
0x46: {  	s18 =	sadd.s32 $0x1, s18;
	[sflag:s12] =	ssyncset.done $0x0  }
0x47: {  	p0 =	sne.s32 s18, s8;
	[sflag:s12] =	ssyncadd.s32 $0xFFFFFC80  }
.Ltmp1:
0x48: {  	[bflag:$0x0] =	sbarrier.arrive $0xFFFF;
	(pc) =	sbr.rel @p0 .LBB2_1-.Ltmp1, $4  }
0x49: {  	[hbm:s17], [sflag:s5] =	dma.local [spmem:s11], $0xC35  }
0x4a: {  	_ =	swait.ge [sflag:s12], $0xC35  }
0x4b: {  	[sflag:s12] =	ssyncset.done $0x0  }
0x4c: {  	[sflag:s12] =	ssyncadd.s32 $0xFFFFF3CB  }
0x4d: {  	_ =	sfence.sel $0x180000  }
0x4e: {  	[bflag:$0x0] =	sbarrier.arrive $0xFFFF  }
0x4f: {  	p0 =	sne.s32 s3, $0x0;
	_ =	strace $0x90000056  }
0x50: {  	s0 =	sadd.s32 @!p0 $0x100000, s0;
	[bflag:$0x2] =	sbarrier.arrive $0xFFFF  }
0x51: {  	[sflag:s0] =	ssyncadd.tile.s32 @!p0 $0x1;
	_ =	shalt  }
.Lfunc_end2:
_tile_overlayer_lowered:
.L_overlay_start_2:
0x52: {  	(tag) =	ssettag $0x2  }
0x53: {  	s0 =	rddreg [dreg:$0x0];
	s2 =	stileid.u32  }
0x54: {  	s1 =	rddreg [dreg:$0x1];
	p0 =	sne.s32 s2, $0x0  }
0x55: {  	s3 =	rddreg [dreg:$0x2];
	[bflag:$0x3] =	sbarrier.arrive $0xFFFF;
	s2 =	simm.s32 @!p0 $0x1C01  }
0x56: {  	[timem:s3], [sflag:s2] =	dma.local @!p0 [hbm:s0], s1  }
0x57: {  	s0 =	simm.s32 @!p0 $0x1  }
0x58: {  	_ =	swait.ge @!p0 [sflag:s0], s1  }
0x59: {  	s1 =	ssub.s32 @!p0 $0x0, s1;
	[sflag:s0] =	ssyncset.done @!p0 $0x0  }
0x5a: {  	[sflag:s0] =	ssyncadd.s32 @!p0 s1  }
0x5b: {  	[bflag:$0x3] =	sbarrier.arrive $0xFFFF  }
0x5c: {  	_ =	shalt  }

// kernel: sparse-core-data-format-call.1.cloned.1.call-start
scs
called_computation.1_lowered:
.L_overlay_start_0:
0x0: {  	s2 =	sld [smem:$0x3FD9]  }
0x1: {  	s3 =	sld [smem:$0x3FFE];
	_ =	sdelay $0x1  }
0x2: {  	s1 =	srdreg.scid  }
0x3: {  	s0 =	sand.u32 $0x1, s1  }
0x4: {  	s18 =	sshll.u32 s0, $0xA;
	s2 =	sadd.s32 s3, s2  }
0x5: {  	s2 =	sadd.s32 s2, s18  }
0x6: {  	[smem:$0x3FA8] =	sst s2  }
0x7: {  	_ = 	snop  }
0x8: {  	(tm) =	ssettm $0x1  }
0x9: {  	s19 =	sld [smem:$0x3FFB];
	_ =	sdelay $0x3  }
0xa: {  	_ =	strace s19  }
0xb: {  	s2 =	sld [smem:$0x3FFC];
	_ =	sdelay $0x3  }
0xc: {  	_ =	strace s2  }
0xd: {  	s2 =	sld [smem:$0x3FFD];
	_ =	sdelay $0x3  }
0xe: {  	_ =	strace s2  }
0xf: {  	_ =	strace $0x8FFFFFFF  }
0x10: {  	s20 =	sld [smem:$0x3FDB];
	_ =	sdelay $0x1  }
0x11: {  	s21 =	simm.s32 $_scs_section_size  }
0x12: {  	s4 =	simm.s32 $_size__tile_overlayer_lowered;
	s5 =	simm.s32 $_tile_overlayer_lowered  }
0x13: {  	s6 =	simm.s32 $0x1BFF;
	s22 =	sshll.u32 s5, $0x1;
	s3 =	sadd.s32 s21, s20  }
0x14: {  	s23 =	simm.s32 $0x0;
	s4 =	sshll.u32 s4, $0x1;
	s5 =	sadd.s32 s22, s3  }
0x15: {  	[timem:s23], [sflag:s6] =	dma.local [hbm:s5], s4  }
0x16: {  	_ =	swait.ge [sflag:s6], s4  }
0x17: {  	s4 =	ssub.s32 $0x0, s4;
	[sflag:s6] =	ssyncset.done $0x0  }
0x18: {  	[sflag:s6] =	ssyncadd.s32 s4;
	_ =	sdelay $0x1  }
0x19: {  	s24 =	simm.s32 $0x1B8B  }
0x1a: {  	_ =	swait.ge [sflag:s24], $0x1  }
0x1b: {  	[sflag:s24] =	ssyncset.done $0x0  }
0x1c: {  	[sflag:s24] =	ssyncadd.s32 $0xFFFFFFFF  }
0x1d: {  	s4 =	sld [smem:$0x0]  }
0x1e: {  	s5 =	sand.u32 $0xFFFFFFFE, s1  }
0x1f: {  	p0 =	sne.s32 s1, s5  }
0x20: {  	s5 =	sshll.u32 @p0 s5, $0xE  }
0x21: {  	s5 =	sadd.s32 @p0 $0x11B8D, s5;
	s6 =	sshll.u32 @p0 s4, $0x11  }
0x22: {  	s5 =	sor.u32 @p0 s6, s5  }
0x23: {  	[sflag:s5] =	ssyncadd.remote.s32 @p0 $0x1;
	_ =	sdelay $0x1  }
0x24: {  	s5 =	simm.s32 @p0 $0x1B8D  }
0x25: {  	_ =	swait.eq @p0 [sflag:s5], $0x1  }
0x26: {  	[sflag:s5] =	ssyncadd.s32 @p0 $0xFFFFFFFF  }
0x27: {  	s6 =	sshll.u32 @!p0 s1, $0xE  }
0x28: {  	s6 =	sor.u32 @!p0 $0x4000, s6;
	s5 =	simm.s32 @!p0 $0x1B8D  }
0x29: {  	s4 =	sshll.u32 @!p0 s4, $0x11;
	s6 =	sadd.s32 @!p0 $0x11B8D, s6;
	_ =	swait.eq @!p0 [sflag:s5], $0x1  }
0x2a: {  	s4 =	sor.u32 @!p0 s4, s6;
	[sflag:s5] =	ssyncadd.s32 @!p0 $0xFFFFFFFF  }
0x2b: {  	s26 =	simm.s32 $0x1B8E;
	s25 =	sld [smem:$0x3FFE];
	[sflag:s4] =	ssyncadd.remote.s32 @!p0 $0x1  }
0x2c: {  	s27 =	simm.s32 $execute0_lowered;
	[smem:$0x3FD2] =	sst s26  }
0x2d: {  	s5 =	sshll.u32 s27, $0x1;
	_ =	strace $0x8000004C;
	[dreg:$0x1] =	wrdreg $0xFFFFFFFF  }
0x2e: {  	s28 =	simm.s32 $_size_execute0_lowered;
	s3 =	sadd.s32 s3, s5;
	[dreg:$0x0] =	wrdreg $0x0  }
0x2f: {  	s5 =	sshll.u32 s28, $0x1;
	[dreg:$0x2] =	wrdreg s3  }
0x30: {  	[dreg:$0x3] =	wrdreg s5  }
0x31: {  	[dreg:$0x4] =	wrdreg $0xC0  }
0x32: {  	_ =	task [dreg:s23], $0x5FFFF  }
0x33: {  	[dreg:$0x1] =	wrdreg $0xFFFFFFFF  }
0x34: {  	[dreg:$0x0] =	wrdreg $0x60  }
0x35: {  	[dreg:$0x2] =	wrdreg s25  }
0x36: {  	[dreg:$0x3] =	wrdreg $0x9  }
0x37: {  	_ =	task.clear_ibuf [dreg:s23], $0x4FFFF;
	_ =	strace $0x9000004C  }
0x38: {  	s29 =	simm.s32 $0x9;
	_ =	strace $0x8000004E  }
0x39: {  	_ =	swait.ge [sflag:s29], $0x1  }
0x3a: {  	[sflag:s29] =	ssyncadd.s32 $0xFFFFFFFF  }
0x3b: {  	_ =	strace $0x9000004E  }
0x3c: {  	_ =	sfence  }
0x3d: {  	s30 =	sld [smem:$0x0];
	_ =	sdelay $0x2  }
0x3e: {  	s31 =	sshll.u32 s1, $0xD;
	s1 =	sshrl.u32 s1, $0x2  }
0x3f: {  	s4 =	sand.u32 $0x4000, s31;
	s1 =	sadd.s32 s1, s30  }
0x40: {  	s0 =	sor.u32 s4, s0;
	s1 =	sshll.u32 s1, $0x11  }
0x41: {  	s0 =	sor.u32 s1, s0  }
0x42: {  	s0 =	sadd.s32 $0x8F2B, s0  }
0x43: {  	[sflag:s0] =	ssyncadd.remote.s32 $0x1  }
0x44: {  	_ =	sfence.sel $0xFFFF  }
0x45: {  	[dreg:$0x0] =	wrdreg $0xFFFFFFFF;
	(pc) =	sbr.abs _section_cstart, $3  }
0x46: {  	[dreg:$0x1] =	wrdreg $0xFFFFFFFF  }
0x47: {  	_ =	task.clear_ibuf [dreg:s23], $0x2FFFF;
	_ =	strace $0x9FFFFFFF  }
0x48: {  	(tm) =	ssettm $0x7FFFFFFF  }
0x49: {  	_ =	shalt  }
tec
execute0_lowered:
.L_overlay_start_1:
0x0: {  	(tag) =	ssettag $0x1  }
0x1: {  	s0 =	srdreg.scid  }
0x2: {  	s1 =	sshll.u32 s0, $0x4  }
0x3: {  	s4 =	rddreg [dreg:$0x0];
	s0 =	stileid.u32;
	s1 =	sand.u32 $0x10, s1  }
0x4: {  	s7 =	simm.s32 $0x1;
	s8 =	simm.s32 $0x2;
	s2 =	sor.u32 s0, s1  }
0x5: {  	s11 =	simm.s32 $0x0;
	s3 =	sadd.s32 $0x1DF800, s4;
	s2 =	sshll.u32 s2, $0x7  }
0x6: {  	s10 =	simm.s32 $0x0;
	s4 =	sadd.s32 $0xE35600, s4;
	s6 =	ssub.s32 $0x60E00, s2  }
.Ltmp0:
0x7: {  	s1 =	rddreg [dreg:$0x1];
	s5 =	sand.u32 $0xF80, s6;
	(pc) =	sbr.rel .LBB1_1-.Ltmp0, $4  }
0x8: {  	_ =	strace $0x8000004D;
	s9 =	smov.u32 s2;
	p0 =	sne.s32 s5, $0x0  }
0x9: {  	s6 =	sshrl.u32 s6, $0xC;
	s5 =	simm.s32 $0x1;
	s7 =	simm.s32 @!p0 $0x0  }
0xa: {  	[sflag:s5] =	ssyncpa.u1 $0x0;
	p0 =	por $0x0, $0x0;
	s6 =	sadd.s32 s7, s6  }
0xb: {  	[sflag:s8] =	ssyncpa.u1 $0x0;
	s8 =	simm.s32 $0x307000;
	s7 =	sadd.s32 $0x1, s6  }
.LBB1_4:
0xc: {  	s14 =	sshll.u32 s11, $0x3  }
0xd: {  	s14 =	sand.u32 $0xFFFFFC00, s14  }
0xe: {  	s15 =	sshrl.u32 s14, $0x9  }
0xf: {  	s15 =	smulhi.u32 $0xA9200B, s15;
	_ =	sdelay $0x1  }
0x10: {  	s15 =	sshrl.u32 s15, $0x1  }
0x11: {  	s28 =	sand.u32 $0x7F, s11;
	s16 =	smul.u32 $0x60E00, s15  }
0x12: {  	s11 =	sor.u32 s28, s14  }
0x13: {  	s29 =	sand.u32 $0x1F, s15;
	s11 =	ssub.s32 s11, s16  }
0x14: {  	s14 =	smul.u32 $0xC1C0, s29;
	s30 =	sshrl.u32 s11, $0x3;
	s11 =	sand.u32 $0x7, s11  }
0x15: {  	s15 =	sadd.s32 s4, s30;
	s11 =	sshll.u32 s11, $0x12  }
0x16: {  	[tilespmem:s13+$0x0 ss:$0x81] =	vst.msk $0xffff, v0;
	s31 =	sadd.s32 s14, s15;
	s11 =	sor.u32 $0x400, s11  }
0x17: {  	[hbm4b:s31+s11] =	stream.strided.scatter [tilespmem:s12], [sflag:$0x2], $0x1000, s8, s11, $0x20;
	[tilespmem:$0x4040] =	vst v63  }
.LBB1_5:
0x18: {  	s13 =	sadd.s32 $0x1000, s9  }
0x19: {  	p2 =	sgt.s32 s13, $0x60DFF  }
0x1a: {  	s13 =	smov.u32 @p2 s2;
	p2 =	sne.s32 s10, s7  }
.Ltmp1:
0x1b: {  	p1 =	slt.u32 s10, $0x2;
	(pc) =	sbr.rel @!p2 .LBB1_6-.Ltmp1, $4  }
0x1c: {  	s12 =	simm.s32 @!p1 $0x2  }
0x1d: {  	s14 =	sadd.s32 $0x1, s10;
	_ =	swait.ge @!p1 [sflag:s12], $0x1000  }
0x1e: {  	s11 =	smov.u32 s9;
	p0 =	por !p0, !p0;
	[sflag:s12] =	ssyncset.done @!p1 $0x0  }
0x1f: {  	s10 =	smov.u32 s14;
	s9 =	smov.u32 s13;
	[sflag:s12] =	ssyncadd.s32 @!p1 $0xFFFFF000  }
.LBB1_1:
0x20: {  	p1 =	sge.u32 s10, s6  }
0x21: {  	s12 =	sand.u32 @!p1 $0x1FFFFFF, s9  }
0x22: {  	s13 =	smulhi.u32 @!p1 $0x2A4802B, s12;
	_ =	sdelay $0x1  }
0x23: {  	s13 =	sshrl.u32 @!p1 s13, $0xC  }
0x24: {  	s13 =	smul.u32 @!p1 $0x60E00, s13;
	_ =	sdelay $0x1  }
0x25: {  	s31 =	sadd.s32 $0xFFFFFFFF, s10;
	s14 =	sxor.u32 @!p1 $0xFFFFFFFF, s10;
	s12 =	ssub.s32 @!p1 s12, s13  }
0x26: {  	s15 =	simm.s32 @!p1 $0x80;
	s14 =	sshll.u32 @!p1 s14, $0xC;
	s12 =	sshll.u32 @!p1 s12, $0x4  }
0x27: {  	s13 =	sand.u32 @!p1 $0x1000, s14;
	s14 =	simm.s32 @!p1 $0x20;
	s12 =	sadd.s32 @!p1 s3, s12  }
0x28: {  	[tilespmem:s13], [sflag:$0x1] =	stream.strided.gather @!p1 [hbm4b:s12+s14], $0x1000, s15, s14, $0x38;
	[tilespmem:$0x4040] =	vst v63  }
0x29: {  	p1 =	sge.u32 s31, s6  }
.Ltmp2:
0x2a: {  	_ = 	snop;
	(pc) =	sbr.rel @p1 .LBB1_5-.Ltmp2, $1  }
0x2b: {  	_ =	sdelay $0x3  }
0x2c: {  	s12 =	simm.s32 $0x1  }
0x2d: {  	_ =	swait.ge [sflag:s5], $0x1000;
	s12 =	simm.s32 @!p0 $0x0  }
0x2e: {  	[sflag:s5] =	ssyncset.done $0x0;
	s13 =	sshll.u32 s12, $0xC  }
0x2f: {  	[sflag:s5] =	ssyncadd.s32 $0xFFFFF000;
	s16 =	sor.u32 $0x10, s13  }
0x30: {  	s12 =	smul.u32 $0x4080, s12;
	v1 =	vld [tilespmem:s16+$0x0]  }
0x31: {  	s30 =	sand.u32 $0x1, s10;
	v0 =	vld [tilespmem:s16+$0xFFFFFFF0]  }
0x32: {  	s13 =	smul.u32 $0x4080, s30;
	s12 =	sshrl.u32 s12, $0x2  }
0x33: {  	s14 =	sor.u32 $0x2000, s12  }
0x34: {  	s31 =	sshrl.u32 s13, $0x2;
	s13 =	sadd.s32 $0x0, s14  }
0x35: {  	s15 =	simm.s32 $0x4;
	s16 =	sadd.s32 $0x20, s16;
	s12 =	sor.u32 $0x2000, s31;
	[tilespmem:s13+$0x810 ss:$0x81] =	vst.msk $0xffff, v1  }
.LBB1_3:
0x36: {  	v1 =	vld [tilespmem:s16+$0x0];
	p1 =	sne.s32 s15, $0x1FC;
	[tilespmem:s13+$0x0 ss:$0x81] =	vst.msk $0xffff, v0;
	s13 =	smov.u32 s15;
	s15 =	sadd.s32 $0x4, s15  }
.Ltmp3:
0x37: {  	v0 =	vld [tilespmem:s16+$0xFFFFFFF0];
	(pc) =	sbr.rel @p1 .LBB1_3-.Ltmp3, $4  }
0x38: {  	_ = 	snop  }
0x39: {  	s13 =	sshra.s32 s13, $0x2  }
0x3a: {  	s13 =	sadd.s32 s13, s14  }
0x3b: {  	s16 =	sadd.s32 $0x20, s16;
	[tilespmem:s13+$0x810 ss:$0x81] =	vst.msk $0xffff, v1  }
.Ltmp4:
0x3c: {  	_ = 	snop;
	(pc) =	sbr.rel .LBB1_4-.Ltmp4, $1  }
0x3d: {  	_ =	sdelay $0x3  }
.LBB1_6:
0x3e: {  	_ =	sfence.sel $0x180000  }
0x3f: {  	s2 =	simm.s32 $0x1;
	[bflag:$0x0] =	sbarrier.arrive $0xFFFF  }
0x40: {  	s31 =	simm.s32 $0x2;
	[sflag:s2] =	ssyncpa.u1 $0x1  }
0x41: {  	[sflag:s31] =	ssyncpa.u1 $0x1  }
0x42: {  	p0 =	sne.s32 s0, $0x0;
	_ =	strace $0x9000004D  }
0x43: {  	s0 =	sadd.s32 @!p0 $0x100000, s1;
	[bflag:$0x2] =	sbarrier.arrive $0xFFFF  }
0x44: {  	[sflag:s0] =	ssyncadd.tile.s32 @!p0 $0x1;
	_ =	shalt  }
.Lfunc_end1:
_tile_overlayer_lowered:
.L_overlay_start_2:
0x45: {  	(tag) =	ssettag $0x2  }
0x46: {  	s0 =	rddreg [dreg:$0x0];
	s2 =	stileid.u32  }
0x47: {  	s1 =	rddreg [dreg:$0x1];
	p0 =	sne.s32 s2, $0x0  }
0x48: {  	s3 =	rddreg [dreg:$0x2];
	[bflag:$0x3] =	sbarrier.arrive $0xFFFF;
	s2 =	simm.s32 @!p0 $0x1C01  }
0x49: {  	[timem:s3], [sflag:s2] =	dma.local @!p0 [hbm:s0], s1  }
0x4a: {  	s0 =	simm.s32 @!p0 $0x1  }
0x4b: {  	_ =	swait.ge @!p0 [sflag:s0], s1  }
0x4c: {  	s1 =	ssub.s32 @!p0 $0x0, s1;
	[sflag:s0] =	ssyncset.done @!p0 $0x0  }
0x4d: {  	[sflag:s0] =	ssyncadd.s32 @!p0 s1  }
0x4e: {  	[bflag:$0x3] =	sbarrier.arrive $0xFFFF  }
0x4f: {  	_ =	shalt  }

// kernel: sparse-core-data-format-call.cloned.1.call-start
scs
called_computation_lowered:
.L_overlay_start_0:
0x0: {  	s2 =	sld [smem:$0x3FD9]  }
0x1: {  	s3 =	sld [smem:$0x3FFE];
	_ =	sdelay $0x1  }
0x2: {  	s1 =	srdreg.scid  }
0x3: {  	s0 =	sand.u32 $0x1, s1  }
0x4: {  	s18 =	sshll.u32 s0, $0xA;
	s2 =	sadd.s32 s3, s2  }
0x5: {  	s2 =	sadd.s32 s2, s18  }
0x6: {  	[smem:$0x3FA8] =	sst s2  }
0x7: {  	_ = 	snop  }
0x8: {  	(tm) =	ssettm $0x1  }
0x9: {  	s19 =	sld [smem:$0x3FFB];
	_ =	sdelay $0x3  }
0xa: {  	_ =	strace s19  }
0xb: {  	s2 =	sld [smem:$0x3FFC];
	_ =	sdelay $0x3  }
0xc: {  	_ =	strace s2  }
0xd: {  	s2 =	sld [smem:$0x3FFD];
	_ =	sdelay $0x3  }
0xe: {  	_ =	strace s2  }
0xf: {  	_ =	strace $0x8FFFFFFF  }
0x10: {  	s20 =	sld [smem:$0x3FDB];
	_ =	sdelay $0x1  }
0x11: {  	s21 =	simm.s32 $_scs_section_size  }
0x12: {  	s4 =	simm.s32 $_size__tile_overlayer_lowered;
	s5 =	simm.s32 $_tile_overlayer_lowered  }
0x13: {  	s6 =	simm.s32 $0x1BFF;
	s22 =	sshll.u32 s5, $0x1;
	s3 =	sadd.s32 s21, s20  }
0x14: {  	s23 =	simm.s32 $0x0;
	s4 =	sshll.u32 s4, $0x1;
	s5 =	sadd.s32 s22, s3  }
0x15: {  	[timem:s23], [sflag:s6] =	dma.local [hbm:s5], s4  }
0x16: {  	_ =	swait.ge [sflag:s6], s4  }
0x17: {  	s4 =	ssub.s32 $0x0, s4;
	[sflag:s6] =	ssyncset.done $0x0  }
0x18: {  	[sflag:s6] =	ssyncadd.s32 s4;
	_ =	sdelay $0x1  }
0x19: {  	s24 =	simm.s32 $0x1B8B  }
0x1a: {  	_ =	swait.ge [sflag:s24], $0x1  }
0x1b: {  	[sflag:s24] =	ssyncset.done $0x0  }
0x1c: {  	[sflag:s24] =	ssyncadd.s32 $0xFFFFFFFF  }
0x1d: {  	s4 =	sld [smem:$0x0]  }
0x1e: {  	s5 =	sand.u32 $0xFFFFFFFE, s1  }
0x1f: {  	p0 =	sne.s32 s1, s5  }
0x20: {  	s5 =	sshll.u32 @p0 s5, $0xE  }
0x21: {  	s5 =	sadd.s32 @p0 $0x11B8D, s5;
	s6 =	sshll.u32 @p0 s4, $0x11  }
0x22: {  	s5 =	sor.u32 @p0 s6, s5  }
0x23: {  	[sflag:s5] =	ssyncadd.remote.s32 @p0 $0x1;
	_ =	sdelay $0x1  }
0x24: {  	s5 =	simm.s32 @p0 $0x1B8D  }
0x25: {  	_ =	swait.eq @p0 [sflag:s5], $0x1  }
0x26: {  	[sflag:s5] =	ssyncadd.s32 @p0 $0xFFFFFFFF  }
0x27: {  	s6 =	sshll.u32 @!p0 s1, $0xE  }
0x28: {  	s6 =	sor.u32 @!p0 $0x4000, s6;
	s5 =	simm.s32 @!p0 $0x1B8D  }
0x29: {  	s4 =	sshll.u32 @!p0 s4, $0x11;
	s6 =	sadd.s32 @!p0 $0x11B8D, s6;
	_ =	swait.eq @!p0 [sflag:s5], $0x1  }
0x2a: {  	s4 =	sor.u32 @!p0 s4, s6;
	[sflag:s5] =	ssyncadd.s32 @!p0 $0xFFFFFFFF  }
0x2b: {  	s26 =	simm.s32 $0x1B8E;
	s25 =	sld [smem:$0x3FFE];
	[sflag:s4] =	ssyncadd.remote.s32 @!p0 $0x1  }
0x2c: {  	s27 =	simm.s32 $execute0_lowered;
	[smem:$0x3FD2] =	sst s26  }
0x2d: {  	s5 =	sshll.u32 s27, $0x1;
	_ =	strace $0x8000004F;
	[dreg:$0x1] =	wrdreg $0xFFFFFFFF  }
0x2e: {  	s28 =	simm.s32 $_size_execute0_lowered;
	s3 =	sadd.s32 s3, s5;
	[dreg:$0x0] =	wrdreg $0x0  }
0x2f: {  	s5 =	sshll.u32 s28, $0x1;
	[dreg:$0x2] =	wrdreg s3  }
0x30: {  	[dreg:$0x3] =	wrdreg s5  }
0x31: {  	[dreg:$0x4] =	wrdreg $0xC0  }
0x32: {  	_ =	task [dreg:s23], $0x5FFFF  }
0x33: {  	[dreg:$0x1] =	wrdreg $0xFFFFFFFF  }
0x34: {  	[dreg:$0x0] =	wrdreg $0x60  }
0x35: {  	[dreg:$0x2] =	wrdreg s25  }
0x36: {  	[dreg:$0x3] =	wrdreg $0xA  }
0x37: {  	_ =	task.clear_ibuf [dreg:s23], $0x4FFFF;
	_ =	strace $0x9000004F  }
0x38: {  	s29 =	simm.s32 $0xA;
	_ =	strace $0x80000051  }
0x39: {  	_ =	swait.ge [sflag:s29], $0x1  }
0x3a: {  	[sflag:s29] =	ssyncadd.s32 $0xFFFFFFFF  }
0x3b: {  	_ =	strace $0x90000051  }
0x3c: {  	_ =	sfence  }
0x3d: {  	s30 =	sld [smem:$0x0];
	_ =	sdelay $0x2  }
0x3e: {  	s31 =	sshll.u32 s1, $0xD;
	s1 =	sshrl.u32 s1, $0x2  }
0x3f: {  	s4 =	sand.u32 $0x4000, s31;
	s1 =	sadd.s32 s1, s30  }
0x40: {  	s0 =	sor.u32 s4, s0;
	s1 =	sshll.u32 s1, $0x11  }
0x41: {  	s0 =	sor.u32 s1, s0  }
0x42: {  	s0 =	sadd.s32 $0x8F2B, s0  }
0x43: {  	[sflag:s0] =	ssyncadd.remote.s32 $0x1  }
0x44: {  	_ =	sfence.sel $0xFFFF  }
0x45: {  	[dreg:$0x0] =	wrdreg $0xFFFFFFFF;
	(pc) =	sbr.abs _section_cstart, $3  }
0x46: {  	[dreg:$0x1] =	wrdreg $0xFFFFFFFF  }
0x47: {  	_ =	task.clear_ibuf [dreg:s23], $0x2FFFF;
	_ =	strace $0x9FFFFFFF  }
0x48: {  	(tm) =	ssettm $0x7FFFFFFF  }
0x49: {  	_ =	shalt  }
tec
execute0_lowered:
.L_overlay_start_1:
0x0: {  	(tag) =	ssettag $0x1  }
0x1: {  	s0 =	srdreg.scid  }
0x2: {  	s1 =	sshll.u32 s0, $0x4  }
0x3: {  	s4 =	rddreg [dreg:$0x0];
	s0 =	stileid.u32;
	s1 =	sand.u32 $0x10, s1  }
0x4: {  	s7 =	simm.s32 $0x1;
	s8 =	simm.s32 $0x2;
	s2 =	sor.u32 s0, s1  }
0x5: {  	s11 =	simm.s32 $0x0;
	s3 =	sadd.s32 $0x806400, s4;
	s2 =	sshll.u32 s2, $0x7  }
0x6: {  	s10 =	simm.s32 $0x0;
	s4 =	sadd.s32 $0x12BFE00, s4;
	s6 =	ssub.s32 $0x62700, s2  }
.Ltmp0:
0x7: {  	s1 =	rddreg [dreg:$0x1];
	s5 =	sand.u32 $0xF80, s6;
	(pc) =	sbr.rel .LBB1_1-.Ltmp0, $4  }
0x8: {  	_ =	strace $0x80000050;
	s9 =	smov.u32 s2;
	p0 =	sne.s32 s5, $0x0  }
0x9: {  	s6 =	sshrl.u32 s6, $0xC;
	s5 =	simm.s32 $0x1;
	s7 =	simm.s32 @!p0 $0x0  }
0xa: {  	[sflag:s5] =	ssyncpa.u1 $0x0;
	p0 =	por $0x0, $0x0;
	s6 =	sadd.s32 s7, s6  }
0xb: {  	[sflag:s8] =	ssyncpa.u1 $0x0;
	s8 =	simm.s32 $0x313800;
	s7 =	sadd.s32 $0x1, s6  }
.LBB1_4:
0xc: {  	s14 =	sshll.u32 s11, $0x3  }
0xd: {  	s14 =	sand.u32 $0xFFFFFC00, s14  }
0xe: {  	s15 =	sshrl.u32 s14, $0x8  }
0xf: {  	s15 =	smulhi.u32 $0x533867, s15;
	_ =	sdelay $0x1  }
0x10: {  	s15 =	sshrl.u32 s15, $0x1  }
0x11: {  	s28 =	sand.u32 $0x7F, s11;
	s16 =	smul.u32 $0x62700, s15  }
0x12: {  	s11 =	sor.u32 s28, s14  }
0x13: {  	s29 =	sand.u32 $0x1F, s15;
	s11 =	ssub.s32 s11, s16  }
0x14: {  	s14 =	smul.u32 $0xC4E0, s29;
	s30 =	sshrl.u32 s11, $0x3;
	s11 =	sand.u32 $0x7, s11  }
0x15: {  	s15 =	sadd.s32 s4, s30;
	s11 =	sshll.u32 s11, $0x12  }
0x16: {  	[tilespmem:s13+$0x0 ss:$0x81] =	vst.msk $0xffff, v0;
	s31 =	sadd.s32 s14, s15;
	s11 =	sor.u32 $0x400, s11  }
0x17: {  	[hbm4b:s31+s11] =	stream.strided.scatter [tilespmem:s12], [sflag:$0x2], $0x1000, s8, s11, $0x20;
	[tilespmem:$0x4040] =	vst v63  }
.LBB1_5:
0x18: {  	s13 =	sadd.s32 $0x1000, s9  }
0x19: {  	p2 =	sgt.s32 s13, $0x626FF  }
0x1a: {  	s13 =	smov.u32 @p2 s2;
	p2 =	sne.s32 s10, s7  }
.Ltmp1:
0x1b: {  	p1 =	slt.u32 s10, $0x2;
	(pc) =	sbr.rel @!p2 .LBB1_6-.Ltmp1, $4  }
0x1c: {  	s12 =	simm.s32 @!p1 $0x2  }
0x1d: {  	s14 =	sadd.s32 $0x1, s10;
	_ =	swait.ge @!p1 [sflag:s12], $0x1000  }
0x1e: {  	s11 =	smov.u32 s9;
	p0 =	por !p0, !p0;
	[sflag:s12] =	ssyncset.done @!p1 $0x0  }
0x1f: {  	s10 =	smov.u32 s14;
	s9 =	smov.u32 s13;
	[sflag:s12] =	ssyncadd.s32 @!p1 $0xFFFFF000  }
.LBB1_1:
0x20: {  	p1 =	sge.u32 s10, s6  }
0x21: {  	s12 =	sand.u32 @!p1 $0x1FFFFFF, s9  }
0x22: {  	s13 =	smulhi.u32 @!p1 $0x14CE19B, s12;
	_ =	sdelay $0x1  }
0x23: {  	s13 =	sshrl.u32 @!p1 s13, $0xB  }
0x24: {  	s13 =	smul.u32 @!p1 $0x62700, s13;
	_ =	sdelay $0x1  }
0x25: {  	s31 =	sadd.s32 $0xFFFFFFFF, s10;
	s14 =	sxor.u32 @!p1 $0xFFFFFFFF, s10;
	s12 =	ssub.s32 @!p1 s12, s13  }
0x26: {  	s15 =	simm.s32 @!p1 $0x80;
	s14 =	sshll.u32 @!p1 s14, $0xC;
	s12 =	sshll.u32 @!p1 s12, $0x4  }
0x27: {  	s13 =	sand.u32 @!p1 $0x1000, s14;
	s14 =	simm.s32 @!p1 $0x20;
	s12 =	sadd.s32 @!p1 s3, s12  }
0x28: {  	[tilespmem:s13], [sflag:$0x1] =	stream.strided.gather @!p1 [hbm4b:s12+s14], $0x1000, s15, s14, $0x38;
	[tilespmem:$0x4040] =	vst v63  }
0x29: {  	p1 =	sge.u32 s31, s6  }
.Ltmp2:
0x2a: {  	_ = 	snop;
	(pc) =	sbr.rel @p1 .LBB1_5-.Ltmp2, $1  }
0x2b: {  	_ =	sdelay $0x3  }
0x2c: {  	s12 =	simm.s32 $0x1  }
0x2d: {  	_ =	swait.ge [sflag:s5], $0x1000;
	s12 =	simm.s32 @!p0 $0x0  }
0x2e: {  	[sflag:s5] =	ssyncset.done $0x0;
	s13 =	sshll.u32 s12, $0xC  }
0x2f: {  	[sflag:s5] =	ssyncadd.s32 $0xFFFFF000;
	s16 =	sor.u32 $0x10, s13  }
0x30: {  	s12 =	smul.u32 $0x4080, s12;
	v1 =	vld [tilespmem:s16+$0x0]  }
0x31: {  	s30 =	sand.u32 $0x1, s10;
	v0 =	vld [tilespmem:s16+$0xFFFFFFF0]  }
0x32: {  	s13 =	smul.u32 $0x4080, s30;
	s12 =	sshrl.u32 s12, $0x2  }
0x33: {  	s14 =	sor.u32 $0x2000, s12  }
0x34: {  	s31 =	sshrl.u32 s13, $0x2;
	s13 =	sadd.s32 $0x0, s14  }
0x35: {  	s15 =	simm.s32 $0x4;
	s16 =	sadd.s32 $0x20, s16;
	s12 =	sor.u32 $0x2000, s31;
	[tilespmem:s13+$0x810 ss:$0x81] =	vst.msk $0xffff, v1  }
.LBB1_3:
0x36: {  	v1 =	vld [tilespmem:s16+$0x0];
	p1 =	sne.s32 s15, $0x1FC;
	[tilespmem:s13+$0x0 ss:$0x81] =	vst.msk $0xffff, v0;
	s13 =	smov.u32 s15;
	s15 =	sadd.s32 $0x4, s15  }
.Ltmp3:
0x37: {  	v0 =	vld [tilespmem:s16+$0xFFFFFFF0];
	(pc) =	sbr.rel @p1 .LBB1_3-.Ltmp3, $4  }
0x38: {  	_ = 	snop  }
0x39: {  	s13 =	sshra.s32 s13, $0x2  }
0x3a: {  	s13 =	sadd.s32 s13, s14  }
0x3b: {  	s16 =	sadd.s32 $0x20, s16;
	[tilespmem:s13+$0x810 ss:$0x81] =	vst.msk $0xffff, v1  }
.Ltmp4:
0x3c: {  	_ = 	snop;
	(pc) =	sbr.rel .LBB1_4-.Ltmp4, $1  }
0x3d: {  	_ =	sdelay $0x3  }
.LBB1_6:
0x3e: {  	_ =	sfence.sel $0x180000  }
0x3f: {  	s2 =	simm.s32 $0x1;
	[bflag:$0x0] =	sbarrier.arrive $0xFFFF  }
0x40: {  	s31 =	simm.s32 $0x2;
	[sflag:s2] =	ssyncpa.u1 $0x1  }
0x41: {  	[sflag:s31] =	ssyncpa.u1 $0x1  }
0x42: {  	p0 =	sne.s32 s0, $0x0;
	_ =	strace $0x90000050  }
0x43: {  	s0 =	sadd.s32 @!p0 $0x100000, s1;
	[bflag:$0x2] =	sbarrier.arrive $0xFFFF  }
0x44: {  	[sflag:s0] =	ssyncadd.tile.s32 @!p0 $0x1;
	_ =	shalt  }
.Lfunc_end1:
_tile_overlayer_lowered:
.L_overlay_start_2:
0x45: {  	(tag) =	ssettag $0x2  }
0x46: {  	s0 =	rddreg [dreg:$0x0];
	s2 =	stileid.u32  }
0x47: {  	s1 =	rddreg [dreg:$0x1];
	p0 =	sne.s32 s2, $0x0  }
0x48: {  	s3 =	rddreg [dreg:$0x2];
	[bflag:$0x3] =	sbarrier.arrive $0xFFFF;
	s2 =	simm.s32 @!p0 $0x1C01  }
0x49: {  	[timem:s3], [sflag:s2] =	dma.local @!p0 [hbm:s0], s1  }
0x4a: {  	s0 =	simm.s32 @!p0 $0x1  }
0x4b: {  	_ =	swait.ge @!p0 [sflag:s0], s1  }
0x4c: {  	s1 =	ssub.s32 @!p0 $0x0, s1;
	[sflag:s0] =	ssyncset.done @!p0 $0x0  }
0x4d: {  	[sflag:s0] =	ssyncadd.s32 @!p0 s1  }
0x4e: {  	[bflag:$0x3] =	sbarrier.arrive $0xFFFF  }
0x4f: {  	_ =	shalt  }

</sc_bundles>
